<compile_context>
chip_gen: v7x
topology: tpu7x:2x2x1
jax: 0.10.2.dev20260603
libtpu: 0.0.44.dev20260713+nightly
codegen_flags: <defaults>
</compile_context>

<pallas_src>
import functools

import jax
import jax.numpy as jnp
from jax import lax
from jax.experimental import pallas as pl
from jax.experimental.pallas import tpu as pltpu
from jax.experimental.pallas import tpu_sc as plsc

D = 2048
S = 2048
B = 4
NC = 2
NS = 16
NW = NC * NS
CH = 8
NBUF = 5
LANES = 16
PER_W = S // NW
N_CHUNKS = PER_W // CH


def _sc_body(ids_hbm, wte_hbm, wpe_hbm, out_hbm, idx_v, rows0, rows1, rows2,
             rows3, rows4, wpe0, wpe1, gsem0, gsem1, gsem2, gsem3, gsem4,
             ssem0, ssem1, ssem2, ssem3, ssem4, wsem0, wsem1):
    wid = lax.axis_index("s") * NC + lax.axis_index("c")
    pos0 = wid * PER_W

    for b in range(B):
        pltpu.sync_copy(ids_hbm.at[pl.ds(b * S + pos0, PER_W)],
                        idx_v.at[pl.ds(b * PER_W, PER_W)])

    rows = (rows0, rows1, rows2, rows3, rows4)
    gsem = (gsem0, gsem1, gsem2, gsem3, gsem4)
    ssem = (ssem0, ssem1, ssem2, ssem3, ssem4)
    wpe = (wpe0, wpe1)
    wsem = (wsem0, wsem1)
    n_steps = N_CHUNKS * B

    def idx_slice(i):
        c, b = divmod(i, B)
        return idx_v.at[pl.ds(b * PER_W + c * CH, CH)]

    def out_slice(i):
        c, b = divmod(i, B)
        return out_hbm.at[pl.ds(b * S + pos0 + c * CH, CH)]

    def wpe_fetch(c):
        return pltpu.async_copy(wpe_hbm.at[pl.ds(pos0 + c * CH, CH)],
                                wpe[c % 2], wsem[c % 2])

    gat = [None] * NBUF
    sto = [None] * NBUF
    wfet = [None, None]
    wfet[0] = wpe_fetch(0)
    wfet[1] = wpe_fetch(1)
    for j in range(3):
        gat[j] = pltpu.async_copy(wte_hbm.at[idx_slice(j)], rows[j], gsem[j])

    for i in range(n_steps):
        p = i % NBUF
        if i + 3 < n_steps:
            q = (i + 3) % NBUF
            if sto[q] is not None:
                sto[q].wait()
            gat[q] = pltpu.async_copy(wte_hbm.at[idx_slice(i + 3)], rows[q],
                                      gsem[q])
        c = i // B
        if i % B == 0:
            wfet[c % 2].wait()
        gat[p].wait()
        buf = rows[p]
        wbuf = wpe[c % 2]

        @plsc.parallel_loop(0, CH)
        def row(r):
            @plsc.parallel_loop(0, D, LANES, unroll=8)
            def col(j):
                plsc.addupdate(buf.at[r, pl.ds(j, LANES)],
                               wbuf[r, pl.ds(j, LANES)])

        sto[p] = pltpu.async_copy(buf, out_slice(i), ssem[p])
        if i % B == B - 1 and c + 2 < N_CHUNKS:
            wfet[c % 2] = wpe_fetch(c + 2)

    for p in range(NBUF):
        if sto[p] is not None:
            sto[p].wait()


def kernel(input_ids, wte, wpe):
    b, s = input_ids.shape
    ids_flat = input_ids.reshape(-1).astype(jnp.int32)
    n_rows = b * s

    mesh = plsc.VectorSubcoreMesh(core_axis_name="c", subcore_axis_name="s")
    out = pl.kernel(
        _sc_body,
        out_type=jax.ShapeDtypeStruct((n_rows, D), jnp.float32),
        mesh=mesh,
        scratch_types=[
            pltpu.VMEM((B * PER_W,), jnp.int32),
            pltpu.VMEM((CH, D), jnp.float32),
            pltpu.VMEM((CH, D), jnp.float32),
            pltpu.VMEM((CH, D), jnp.float32),
            pltpu.VMEM((CH, D), jnp.float32),
            pltpu.VMEM((CH, D), jnp.float32),
            pltpu.VMEM((CH, D), jnp.float32),
            pltpu.VMEM((CH, D), jnp.float32),
            pltpu.SemaphoreType.DMA,
            pltpu.SemaphoreType.DMA,
            pltpu.SemaphoreType.DMA,
            pltpu.SemaphoreType.DMA,
            pltpu.SemaphoreType.DMA,
            pltpu.SemaphoreType.DMA,
            pltpu.SemaphoreType.DMA,
            pltpu.SemaphoreType.DMA,
            pltpu.SemaphoreType.DMA,
            pltpu.SemaphoreType.DMA,
            pltpu.SemaphoreType.DMA,
            pltpu.SemaphoreType.DMA,
        ],
    )(ids_flat, wte, wpe)
    return out.reshape(b, s, D)

# --- scband reference (transcript-rebuilt; emitter-appended) ---
"""Pipeline reference for scband-gptembeddings-38671885534017 (READ-ONLY COPY).

The authoritative reference and input builder live on the scoring server;
editing this copy changes nothing except your own understanding.
"""

import jax, jax.numpy as jnp
import numpy as np

VOCAB = 50257
MAX_POS = 2048
D = 2048
B = 4
S = 2048

def setup_inputs(seed: int = 0) -> dict:
    key = jax.random.key(seed)
    k1, k2, k3 = jax.random.split(key, 3)
    input_ids = jax.random.randint(k1, (B, S), 0, VOCAB, dtype=jnp.int64 if jax.config.jax_enable_x64 else jnp.int32)
    wte = jax.random.normal(k2, (VOCAB, D), dtype=jnp.float32) * 0.02
    wpe = jax.random.normal(k3, (MAX_POS, D), dtype=jnp.float32) * 0.02
    return {"input_ids": input_ids, "wte": wte, "wpe": wpe}

def reference(input_ids, wte, wpe):
    # mask=None, past_layer=None -> past_length = 0
    input_shape = input_ids.shape
    input_ids2 = input_ids.reshape(-1, input_shape[-1])
    seq_len = input_shape[-1]
    position_ids = jnp.arange(0, seq_len, dtype=jnp.int32)
    position_ids = position_ids[None, :]  # past_length = 0
    position_ids = jnp.where(position_ids < 0, 0, position_ids)
    inputs_embeds = jnp.take(wte, input_ids2, axis=0)
    position_embeds = jnp.take(wpe, position_ids, axis=0)
    hidden_states = inputs_embeds + position_embeds
    return hidden_states

if __name__ == "__main__":
    import jax
    _d = setup_inputs()
    print(jax.jit(kernel)(*tuple(_d.values())))

</pallas_src>

<mosaic_0001>
#map = affine_map<(d0, d1) -> (0)>
#map1 = affine_map<(d0, d1) -> (0, 0)>
module attributes {stable_mosaic.version = 14 : i64} {
  func.func @_sc_body(%arg0: i32, %arg1: i32, %arg2: memref<8192xi32, #tpu.memory_space<hbm>>, %arg3: memref<50257x2048xf32, #tpu.memory_space<hbm>>, %arg4: memref<2048x2048xf32, #tpu.memory_space<hbm>>, %arg5: memref<8192x2048xf32, #tpu.memory_space<hbm>>, %arg6: memref<256xi32, #tpu.memory_space<vmem>>, %arg7: memref<8x2048xf32, #tpu.memory_space<vmem>>, %arg8: memref<8x2048xf32, #tpu.memory_space<vmem>>, %arg9: memref<8x2048xf32, #tpu.memory_space<vmem>>, %arg10: memref<8x2048xf32, #tpu.memory_space<vmem>>, %arg11: memref<8x2048xf32, #tpu.memory_space<vmem>>, %arg12: memref<8x2048xf32, #tpu.memory_space<vmem>>, %arg13: memref<8x2048xf32, #tpu.memory_space<vmem>>, %arg14: memref<!tpu.dma_semaphore, #tpu.memory_space<semaphore_mem>>, %arg15: memref<!tpu.dma_semaphore, #tpu.memory_space<semaphore_mem>>, %arg16: memref<!tpu.dma_semaphore, #tpu.memory_space<semaphore_mem>>, %arg17: memref<!tpu.dma_semaphore, #tpu.memory_space<semaphore_mem>>, %arg18: memref<!tpu.dma_semaphore, #tpu.memory_space<semaphore_mem>>, %arg19: memref<!tpu.dma_semaphore, #tpu.memory_space<semaphore_mem>>, %arg20: memref<!tpu.dma_semaphore, #tpu.memory_space<semaphore_mem>>, %arg21: memref<!tpu.dma_semaphore, #tpu.memory_space<semaphore_mem>>, %arg22: memref<!tpu.dma_semaphore, #tpu.memory_space<semaphore_mem>>, %arg23: memref<!tpu.dma_semaphore, #tpu.memory_space<semaphore_mem>>, %arg24: memref<!tpu.dma_semaphore, #tpu.memory_space<semaphore_mem>>, %arg25: memref<!tpu.dma_semaphore, #tpu.memory_space<semaphore_mem>>) attributes {dimension_semantics = [#tpu.dimension_semantics<core_parallel>, #tpu.dimension_semantics<subcore_parallel>], iteration_bounds = array<i64: 2, 16>, scalar_prefetch = 0 : i64, scratch_operands = 20 : i64, tpu.core_type = #tpu.core_type<sc_vector_subcore>, window_params = [{transform_indices = #map}, {transform_indices = #map1}, {transform_indices = #map1}, {transform_indices = #map1}]} {
    %mul3A = arith.constant 2 : i32
    %mul3A_0 = arith.muli %arg1, %mul3A : i32
    %add3A = arith.addi %mul3A_0, %arg0 : i32
    %mul3A_1 = arith.constant 64 : i32
    %mul3A_2 = arith.muli %add3A, %mul3A_1 : i32
    %add3A_3 = arith.constant 0 : i32
    %add3A_4 = arith.addi %add3A_3, %mul3A_2 : i32
    "tpu.region"() ({
      %run_scoped3A = tpu.sem_alloc : memref<!tpu.dma_semaphore, #tpu.memory_space<semaphore_mem>>
      %dma_start3A_888 = arith.constant 0 : i32
      %dma_start3A_889 = tpu.memref_slice %arg6[%dma_start3A_888] : memref<256xi32, #tpu.memory_space<vmem>> -> memref<64xi32, #tpu.memory_space<vmem>>
      %dma_start3A_890 = tpu.memref_slice %arg2[%add3A_4] : memref<8192xi32, #tpu.memory_space<hbm>> -> memref<64xi32, #tpu.memory_space<hbm>>
      %dma_start3A_891 = arith.constant 0 : i32
      %dma_start3A_892 = tpu.memref_slice %arg6[%dma_start3A_891] : memref<256xi32, #tpu.memory_space<vmem>> -> memref<64xi32, #tpu.memory_space<vmem>>
      %dma_start3A_893 = tpu.memref_slice %arg2[%add3A_4] : memref<8192xi32, #tpu.memory_space<hbm>> -> memref<64xi32, #tpu.memory_space<hbm>>
      tpu.enqueue_dma source(%dma_start3A_893 : memref<64xi32, #tpu.memory_space<hbm>>) target(%dma_start3A_892 : memref<64xi32, #tpu.memory_space<vmem>>) target_semaphore(%run_scoped3A : memref<!tpu.dma_semaphore, #tpu.memory_space<semaphore_mem>>)
      %dma_wait3A_894 = arith.constant 0 : i32
      %dma_wait3A_895 = tpu.memref_slice %arg6[%dma_wait3A_894] : memref<256xi32, #tpu.memory_space<vmem>> -> memref<64xi32, #tpu.memory_space<vmem>>
      %dma_wait3A_896 = tpu.memref_slice %arg2[%add3A_4] : memref<8192xi32, #tpu.memory_space<hbm>> -> memref<64xi32, #tpu.memory_space<hbm>>
      %dma_wait3A_897 = arith.constant 0 : i32
      %dma_wait3A_898 = tpu.memref_slice %arg6[%dma_wait3A_897] : memref<256xi32, #tpu.memory_space<vmem>> -> memref<64xi32, #tpu.memory_space<vmem>>
      %dma_wait3A_899 = tpu.memref_slice %arg2[%add3A_4] : memref<8192xi32, #tpu.memory_space<hbm>> -> memref<64xi32, #tpu.memory_space<hbm>>
      tpu.wait_dma2 semaphore(%run_scoped3A : memref<!tpu.dma_semaphore, #tpu.memory_space<semaphore_mem>>) src(%dma_wait3A_899 : memref<64xi32, #tpu.memory_space<hbm>>) dst(%dma_wait3A_898 : memref<64xi32, #tpu.memory_space<vmem>>)
      tpu.yield
    }) : () -> ()
    %add3A_5 = arith.constant 2048 : i32
    %add3A_6 = arith.addi %add3A_5, %mul3A_2 : i32
    "tpu.region"() ({
      %run_scoped3A = tpu.sem_alloc : memref<!tpu.dma_semaphore, #tpu.memory_space<semaphore_mem>>
      %dma_start3A_888 = arith.constant 64 : i32
      %dma_start3A_889 = tpu.memref_slice %arg6[%dma_start3A_888] : memref<256xi32, #tpu.memory_space<vmem>> -> memref<64xi32, #tpu.memory_space<vmem>>
      %dma_start3A_890 = tpu.memref_slice %arg2[%add3A_6] : memref<8192xi32, #tpu.memory_space<hbm>> -> memref<64xi32, #tpu.memory_space<hbm>>
      %dma_start3A_891 = arith.constant 64 : i32
      %dma_start3A_892 = tpu.memref_slice %arg6[%dma_start3A_891] : memref<256xi32, #tpu.memory_space<vmem>> -> memref<64xi32, #tpu.memory_space<vmem>>
      %dma_start3A_893 = tpu.memref_slice %arg2[%add3A_6] : memref<8192xi32, #tpu.memory_space<hbm>> -> memref<64xi32, #tpu.memory_space<hbm>>
      tpu.enqueue_dma source(%dma_start3A_893 : memref<64xi32, #tpu.memory_space<hbm>>) target(%dma_start3A_892 : memref<64xi32, #tpu.memory_space<vmem>>) target_semaphore(%run_scoped3A : memref<!tpu.dma_semaphore, #tpu.memory_space<semaphore_mem>>)
      %dma_wait3A_894 = arith.constant 64 : i32
      %dma_wait3A_895 = tpu.memref_slice %arg6[%dma_wait3A_894] : memref<256xi32, #tpu.memory_space<vmem>> -> memref<64xi32, #tpu.memory_space<vmem>>
      %dma_wait3A_896 = tpu.memref_slice %arg2[%add3A_6] : memref<8192xi32, #tpu.memory_space<hbm>> -> memref<64xi32, #tpu.memory_space<hbm>>
      %dma_wait3A_897 = arith.constant 64 : i32
      %dma_wait3A_898 = tpu.memref_slice %arg6[%dma_wait3A_897] : memref<256xi32, #tpu.memory_space<vmem>> -> memref<64xi32, #tpu.memory_space<vmem>>
      %dma_wait3A_899 = tpu.memref_slice %arg2[%add3A_6] : memref<8192xi32, #tpu.memory_space<hbm>> -> memref<64xi32, #tpu.memory_space<hbm>>
      tpu.wait_dma2 semaphore(%run_scoped3A : memref<!tpu.dma_semaphore, #tpu.memory_space<semaphore_mem>>) src(%dma_wait3A_899 : memref<64xi32, #tpu.memory_space<hbm>>) dst(%dma_wait3A_898 : memref<64xi32, #tpu.memory_space<vmem>>)
      tpu.yield
    }) : () -> ()
    %add3A_7 = arith.constant 4096 : i32
    %add3A_8 = arith.addi %add3A_7, %mul3A_2 : i32
    "tpu.region"() ({
      %run_scoped3A = tpu.sem_alloc : memref<!tpu.dma_semaphore, #tpu.memory_space<semaphore_mem>>
      %dma_start3A_888 = arith.constant 128 : i32
      %dma_start3A_889 = tpu.memref_slice %arg6[%dma_start3A_888] : memref<256xi32, #tpu.memory_space<vmem>> -> memref<64xi32, #tpu.memory_space<vmem>>
      %dma_start3A_890 = tpu.memref_slice %arg2[%add3A_8] : memref<8192xi32, #tpu.memory_space<hbm>> -> memref<64xi32, #tpu.memory_space<hbm>>
      %dma_start3A_891 = arith.constant 128 : i32
      %dma_start3A_892 = tpu.memref_slice %arg6[%dma_start3A_891] : memref<256xi32, #tpu.memory_space<vmem>> -> memref<64xi32, #tpu.memory_space<vmem>>
      %dma_start3A_893 = tpu.memref_slice %arg2[%add3A_8] : memref<8192xi32, #tpu.memory_space<hbm>> -> memref<64xi32, #tpu.memory_space<hbm>>
      tpu.enqueue_dma source(%dma_start3A_893 : memref<64xi32, #tpu.memory_space<hbm>>) target(%dma_start3A_892 : memref<64xi32, #tpu.memory_space<vmem>>) target_semaphore(%run_scoped3A : memref<!tpu.dma_semaphore, #tpu.memory_space<semaphore_mem>>)
      %dma_wait3A_894 = arith.constant 128 : i32
      %dma_wait3A_895 = tpu.memref_slice %arg6[%dma_wait3A_894] : memref<256xi32, #tpu.memory_space<vmem>> -> memref<64xi32, #tpu.memory_space<vmem>>
      %dma_wait3A_896 = tpu.memref_slice %arg2[%add3A_8] : memref<8192xi32, #tpu.memory_space<hbm>> -> memref<64xi32, #tpu.memory_space<hbm>>
      %dma_wait3A_897 = arith.constant 128 : i32
      %dma_wait3A_898 = tpu.memref_slice %arg6[%dma_wait3A_897] : memref<256xi32, #tpu.memory_space<vmem>> -> memref<64xi32, #tpu.memory_space<vmem>>
      %dma_wait3A_899 = tpu.memref_slice %arg2[%add3A_8] : memref<8192xi32, #tpu.memory_space<hbm>> -> memref<64xi32, #tpu.memory_space<hbm>>
      tpu.wait_dma2 semaphore(%run_scoped3A : memref<!tpu.dma_semaphore, #tpu.memory_space<semaphore_mem>>) src(%dma_wait3A_899 : memref<64xi32, #tpu.memory_space<hbm>>) dst(%dma_wait3A_898 : memref<64xi32, #tpu.memory_space<vmem>>)
      tpu.yield
    }) : () -> ()
    %add3A_9 = arith.constant 6144 : i32
    %add3A_10 = arith.addi %add3A_9, %mul3A_2 : i32
    "tpu.region"() ({
      %run_scoped3A = tpu.sem_alloc : memref<!tpu.dma_semaphore, #tpu.memory_space<semaphore_mem>>
      %dma_start3A_888 = arith.constant 192 : i32
      %dma_start3A_889 = tpu.memref_slice %arg6[%dma_start3A_888] : memref<256xi32, #tpu.memory_space<vmem>> -> memref<64xi32, #tpu.memory_space<vmem>>
      %dma_start3A_890 = tpu.memref_slice %arg2[%add3A_10] : memref<8192xi32, #tpu.memory_space<hbm>> -> memref<64xi32, #tpu.memory_space<hbm>>
      %dma_start3A_891 = arith.constant 192 : i32
      %dma_start3A_892 = tpu.memref_slice %arg6[%dma_start3A_891] : memref<256xi32, #tpu.memory_space<vmem>> -> memref<64xi32, #tpu.memory_space<vmem>>
      %dma_start3A_893 = tpu.memref_slice %arg2[%add3A_10] : memref<8192xi32, #tpu.memory_space<hbm>> -> memref<64xi32, #tpu.memory_space<hbm>>
      tpu.enqueue_dma source(%dma_start3A_893 : memref<64xi32, #tpu.memory_space<hbm>>) target(%dma_start3A_892 : memref<64xi32, #tpu.memory_space<vmem>>) target_semaphore(%run_scoped3A : memref<!tpu.dma_semaphore, #tpu.memory_space<semaphore_mem>>)
      %dma_wait3A_894 = arith.constant 192 : i32
      %dma_wait3A_895 = tpu.memref_slice %arg6[%dma_wait3A_894] : memref<256xi32, #tpu.memory_space<vmem>> -> memref<64xi32, #tpu.memory_space<vmem>>
      %dma_wait3A_896 = tpu.memref_slice %arg2[%add3A_10] : memref<8192xi32, #tpu.memory_space<hbm>> -> memref<64xi32, #tpu.memory_space<hbm>>
      %dma_wait3A_897 = arith.constant 192 : i32
      %dma_wait3A_898 = tpu.memref_slice %arg6[%dma_wait3A_897] : memref<256xi32, #tpu.memory_space<vmem>> -> memref<64xi32, #tpu.memory_space<vmem>>
      %dma_wait3A_899 = tpu.memref_slice %arg2[%add3A_10] : memref<8192xi32, #tpu.memory_space<hbm>> -> memref<64xi32, #tpu.memory_space<hbm>>
      tpu.wait_dma2 semaphore(%run_scoped3A : memref<!tpu.dma_semaphore, #tpu.memory_space<semaphore_mem>>) src(%dma_wait3A_899 : memref<64xi32, #tpu.memory_space<hbm>>) dst(%dma_wait3A_898 : memref<64xi32, #tpu.memory_space<vmem>>)
      tpu.yield
    }) : () -> ()
    %add3A_11 = arith.constant 0 : i32
    %add3A_12 = arith.addi %mul3A_2, %add3A_11 : i32
    %dma_start3A = arith.constant 0 : i32
    %dma_start3A_13 = tpu.memref_slice %arg4[%add3A_12, %dma_start3A] : memref<2048x2048xf32, #tpu.memory_space<hbm>> -> memref<8x2048xf32, #tpu.memory_space<hbm>>
    %dma_start3A_14 = arith.constant 0 : i32
    %dma_start3A_15 = tpu.memref_slice %arg4[%add3A_12, %dma_start3A_14] : memref<2048x2048xf32, #tpu.memory_space<hbm>> -> memref<8x2048xf32, #tpu.memory_space<hbm>>
    tpu.enqueue_dma source(%dma_start3A_15 : memref<8x2048xf32, #tpu.memory_space<hbm>>) target(%arg12 : memref<8x2048xf32, #tpu.memory_space<vmem>>) target_semaphore(%arg24 : memref<!tpu.dma_semaphore, #tpu.memory_space<semaphore_mem>>)
    %add3A_16 = arith.constant 8 : i32
    %add3A_17 = arith.addi %mul3A_2, %add3A_16 : i32
    %dma_start3A_18 = arith.constant 0 : i32
    %dma_start3A_19 = tpu.memref_slice %arg4[%add3A_17, %dma_start3A_18] : memref<2048x2048xf32, #tpu.memory_space<hbm>> -> memref<8x2048xf32, #tpu.memory_space<hbm>>
    %dma_start3A_20 = arith.constant 0 : i32
    %dma_start3A_21 = tpu.memref_slice %arg4[%add3A_17, %dma_start3A_20] : memref<2048x2048xf32, #tpu.memory_space<hbm>> -> memref<8x2048xf32, #tpu.memory_space<hbm>>
    tpu.enqueue_dma source(%dma_start3A_21 : memref<8x2048xf32, #tpu.memory_space<hbm>>) target(%arg13 : memref<8x2048xf32, #tpu.memory_space<vmem>>) target_semaphore(%arg25 : memref<!tpu.dma_semaphore, #tpu.memory_space<semaphore_mem>>)
    %dma_start3A_22 = arith.constant 0 : i32
    %dma_start3A_23 = tpu.memref_slice %arg6[%dma_start3A_22] : memref<256xi32, #tpu.memory_space<vmem>> -> memref<8xi32, #tpu.memory_space<vmem>>
    %dma_start3A_24 = arith.constant 0 : i32
    %dma_start3A_25 = arith.constant 0 : i32
    %dma_start3A_26 = tpu.memref_slice %arg3[%dma_start3A_24, %dma_start3A_25] : memref<50257x2048xf32, #tpu.memory_space<hbm>> -> memref<50257x2048xf32, #tpu.memory_space<hbm>>
    tpu.enqueue_indirect_dma source(%dma_start3A_26 : memref<50257x2048xf32, #tpu.memory_space<hbm>>) target(%arg7 : memref<8x2048xf32, #tpu.memory_space<vmem>>) offsets(%dma_start3A_23 : memref<8xi32, #tpu.memory_space<vmem>>) semaphore(%arg14 : memref<!tpu.dma_semaphore, #tpu.memory_space<semaphore_mem>>)
    %dma_start3A_27 = arith.constant 64 : i32
    %dma_start3A_28 = tpu.memref_slice %arg6[%dma_start3A_27] : memref<256xi32, #tpu.memory_space<vmem>> -> memref<8xi32, #tpu.memory_space<vmem>>
    %dma_start3A_29 = arith.constant 0 : i32
    %dma_start3A_30 = arith.constant 0 : i32
    %dma_start3A_31 = tpu.memref_slice %arg3[%dma_start3A_29, %dma_start3A_30] : memref<50257x2048xf32, #tpu.memory_space<hbm>> -> memref<50257x2048xf32, #tpu.memory_space<hbm>>
    tpu.enqueue_indirect_dma source(%dma_start3A_31 : memref<50257x2048xf32, #tpu.memory_space<hbm>>) target(%arg8 : memref<8x2048xf32, #tpu.memory_space<vmem>>) offsets(%dma_start3A_28 : memref<8xi32, #tpu.memory_space<vmem>>) semaphore(%arg15 : memref<!tpu.dma_semaphore, #tpu.memory_space<semaphore_mem>>)
    %dma_start3A_32 = arith.constant 128 : i32
    %dma_start3A_33 = tpu.memref_slice %arg6[%dma_start3A_32] : memref<256xi32, #tpu.memory_space<vmem>> -> memref<8xi32, #tpu.memory_space<vmem>>
    %dma_start3A_34 = arith.constant 0 : i32
    %dma_start3A_35 = arith.constant 0 : i32
    %dma_start3A_36 = tpu.memref_slice %arg3[%dma_start3A_34, %dma_start3A_35] : memref<50257x2048xf32, #tpu.memory_space<hbm>> -> memref<50257x2048xf32, #tpu.memory_space<hbm>>
    tpu.enqueue_indirect_dma source(%dma_start3A_36 : memref<50257x2048xf32, #tpu.memory_space<hbm>>) target(%arg9 : memref<8x2048xf32, #tpu.memory_space<vmem>>) offsets(%dma_start3A_33 : memref<8xi32, #tpu.memory_space<vmem>>) semaphore(%arg16 : memref<!tpu.dma_semaphore, #tpu.memory_space<semaphore_mem>>)
    %dma_start3A_37 = arith.constant 192 : i32
    %dma_start3A_38 = tpu.memref_slice %arg6[%dma_start3A_37] : memref<256xi32, #tpu.memory_space<vmem>> -> memref<8xi32, #tpu.memory_space<vmem>>
    %dma_start3A_39 = arith.constant 0 : i32
    %dma_start3A_40 = arith.constant 0 : i32
    %dma_start3A_41 = tpu.memref_slice %arg3[%dma_start3A_39, %dma_start3A_40] : memref<50257x2048xf32, #tpu.memory_space<hbm>> -> memref<50257x2048xf32, #tpu.memory_space<hbm>>
    tpu.enqueue_indirect_dma source(%dma_start3A_41 : memref<50257x2048xf32, #tpu.memory_space<hbm>>) target(%arg10 : memref<8x2048xf32, #tpu.memory_space<vmem>>) offsets(%dma_start3A_38 : memref<8xi32, #tpu.memory_space<vmem>>) semaphore(%arg17 : memref<!tpu.dma_semaphore, #tpu.memory_space<semaphore_mem>>)
    %dma_wait3A = arith.constant 0 : i32
    %dma_wait3A_42 = tpu.memref_slice %arg4[%add3A_12, %dma_wait3A] : memref<2048x2048xf32, #tpu.memory_space<hbm>> -> memref<8x2048xf32, #tpu.memory_space<hbm>>
    %dma_wait3A_43 = arith.constant 0 : i32
    %dma_wait3A_44 = tpu.memref_slice %arg4[%add3A_12, %dma_wait3A_43] : memref<2048x2048xf32, #tpu.memory_space<hbm>> -> memref<8x2048xf32, #tpu.memory_space<hbm>>
    tpu.wait_dma2 semaphore(%arg24 : memref<!tpu.dma_semaphore, #tpu.memory_space<semaphore_mem>>) src(%dma_wait3A_44 : memref<8x2048xf32, #tpu.memory_space<hbm>>) dst(%arg12 : memref<8x2048xf32, #tpu.memory_space<vmem>>)
    %dma_wait3A_45 = arith.constant 0 : i32
    %dma_wait3A_46 = tpu.memref_slice %arg6[%dma_wait3A_45] : memref<256xi32, #tpu.memory_space<vmem>> -> memref<8xi32, #tpu.memory_space<vmem>>
    %dma_wait3A_47 = arith.constant 0 : i32
    %dma_wait3A_48 = arith.constant 0 : i32
    %dma_wait3A_49 = tpu.memref_slice %arg3[%dma_wait3A_47, %dma_wait3A_48] : memref<50257x2048xf32, #tpu.memory_space<hbm>> -> memref<50257x2048xf32, #tpu.memory_space<hbm>>
    tpu.wait_indirect_dma semaphore(%arg14 : memref<!tpu.dma_semaphore, #tpu.memory_space<semaphore_mem>>) src(%dma_wait3A_49 : memref<50257x2048xf32, #tpu.memory_space<hbm>>) dst(%arg7 : memref<8x2048xf32, #tpu.memory_space<vmem>>)
    %parallel_loop3A = arith.constant 0 : i32
    %parallel_loop3A_50 = arith.constant 8 : i32
    %parallel_loop3A_51 = arith.constant 1 : i32
    scf.for %parallel_loop3A_888 = %parallel_loop3A to %parallel_loop3A_50 step %parallel_loop3A_51  : i32 {
      %parallel_loop3A_889 = arith.constant 0 : i32
      %parallel_loop3A_890 = arith.constant 2048 : i32
      %parallel_loop3A_891 = arith.constant 16 : i32
      scf.for %parallel_loop3A_892 = %parallel_loop3A_889 to %parallel_loop3A_890 step %parallel_loop3A_891  : i32 {
        %parallel_loop3A_893 = arith.index_cast %parallel_loop3A_888 : i32 to index
        %parallel_loop3A_894 = arith.index_cast %parallel_loop3A_892 : i32 to index
        %parallel_loop3A_895 = tpu.vector_load %arg12[%parallel_loop3A_893, %parallel_loop3A_894] {strides = array<i32>} : memref<8x2048xf32, #tpu.memory_space<vmem>>, vector<1x16xf32>,
        %parallel_loop3A_896 = vector.shape_cast %parallel_loop3A_895 : vector<1x16xf32> to vector<16xf32>
        %parallel_loop3A_897 = arith.index_cast %parallel_loop3A_888 : i32 to index
        %parallel_loop3A_898 = arith.index_cast %parallel_loop3A_892 : i32 to index
        %parallel_loop3A_899 = tpu.vector_load %arg7[%parallel_loop3A_897, %parallel_loop3A_898] {strides = array<i32>} : memref<8x2048xf32, #tpu.memory_space<vmem>>, vector<1x16xf32>,
        %parallel_loop3A_900 = vector.shape_cast %parallel_loop3A_899 : vector<1x16xf32> to vector<16xf32>
        %parallel_loop3A_901 = vector.shape_cast %parallel_loop3A_896 : vector<16xf32> to vector<1x16xf32>
        tpu.vector_store %arg7[%parallel_loop3A_897, %parallel_loop3A_898], %parallel_loop3A_901 {add = true, strides = array<i32>} : memref<8x2048xf32, #tpu.memory_space<vmem>>, vector<1x16xf32>,
      } {sc.loop_unroll_factor = 8 : i64, sc.parallel_access}
    } {sc.loop_unroll_factor = 1 : i64, sc.parallel_access}
    %add3A_52 = arith.constant 0 : i32
    %add3A_53 = arith.addi %add3A_52, %mul3A_2 : i32
    %add3A_54 = arith.constant 0 : i32
    %add3A_55 = arith.addi %add3A_53, %add3A_54 : i32
    %dma_start3A_56 = arith.constant 0 : i32
    %dma_start3A_57 = tpu.memref_slice %arg5[%add3A_55, %dma_start3A_56] : memref<8192x2048xf32, #tpu.memory_space<hbm>> -> memref<8x2048xf32, #tpu.memory_space<hbm>>
    %dma_start3A_58 = arith.constant 0 : i32
    %dma_start3A_59 = tpu.memref_slice %arg5[%add3A_55, %dma_start3A_58] : memref<8192x2048xf32, #tpu.memory_space<hbm>> -> memref<8x2048xf32, #tpu.memory_space<hbm>>
    tpu.enqueue_dma source(%arg7 : memref<8x2048xf32, #tpu.memory_space<vmem>>) target(%dma_start3A_59 : memref<8x2048xf32, #tpu.memory_space<hbm>>) target_semaphore(%arg19 : memref<!tpu.dma_semaphore, #tpu.memory_space<semaphore_mem>>)
    %dma_start3A_60 = arith.constant 8 : i32
    %dma_start3A_61 = tpu.memref_slice %arg6[%dma_start3A_60] : memref<256xi32, #tpu.memory_space<vmem>> -> memref<8xi32, #tpu.memory_space<vmem>>
    %dma_start3A_62 = arith.constant 0 : i32
    %dma_start3A_63 = arith.constant 0 : i32
    %dma_start3A_64 = tpu.memref_slice %arg3[%dma_start3A_62, %dma_start3A_63] : memref<50257x2048xf32, #tpu.memory_space<hbm>> -> memref<50257x2048xf32, #tpu.memory_space<hbm>>
    tpu.enqueue_indirect_dma source(%dma_start3A_64 : memref<50257x2048xf32, #tpu.memory_space<hbm>>) target(%arg11 : memref<8x2048xf32, #tpu.memory_space<vmem>>) offsets(%dma_start3A_61 : memref<8xi32, #tpu.memory_space<vmem>>) semaphore(%arg18 : memref<!tpu.dma_semaphore, #tpu.memory_space<semaphore_mem>>)
    %dma_wait3A_65 = arith.constant 64 : i32
    %dma_wait3A_66 = tpu.memref_slice %arg6[%dma_wait3A_65] : memref<256xi32, #tpu.memory_space<vmem>> -> memref<8xi32, #tpu.memory_space<vmem>>
    %dma_wait3A_67 = arith.constant 0 : i32
    %dma_wait3A_68 = arith.constant 0 : i32
    %dma_wait3A_69 = tpu.memref_slice %arg3[%dma_wait3A_67, %dma_wait3A_68] : memref<50257x2048xf32, #tpu.memory_space<hbm>> -> memref<50257x2048xf32, #tpu.memory_space<hbm>>
    tpu.wait_indirect_dma semaphore(%arg15 : memref<!tpu.dma_semaphore, #tpu.memory_space<semaphore_mem>>) src(%dma_wait3A_69 : memref<50257x2048xf32, #tpu.memory_space<hbm>>) dst(%arg8 : memref<8x2048xf32, #tpu.memory_space<vmem>>)
    %parallel_loop3A_70 = arith.constant 0 : i32
    %parallel_loop3A_71 = arith.constant 8 : i32
    %parallel_loop3A_72 = arith.constant 1 : i32
    scf.for %parallel_loop3A_888 = %parallel_loop3A_70 to %parallel_loop3A_71 step %parallel_loop3A_72  : i32 {
      %parallel_loop3A_889 = arith.constant 0 : i32
      %parallel_loop3A_890 = arith.constant 2048 : i32
      %parallel_loop3A_891 = arith.constant 16 : i32
      scf.for %parallel_loop3A_892 = %parallel_loop3A_889 to %parallel_loop3A_890 step %parallel_loop3A_891  : i32 {
        %parallel_loop3A_893 = arith.index_cast %parallel_loop3A_888 : i32 to index
        %parallel_loop3A_894 = arith.index_cast %parallel_loop3A_892 : i32 to index
        %parallel_loop3A_895 = tpu.vector_load %arg12[%parallel_loop3A_893, %parallel_loop3A_894] {strides = array<i32>} : memref<8x2048xf32, #tpu.memory_space<vmem>>, vector<1x16xf32>,
        %parallel_loop3A_896 = vector.shape_cast %parallel_loop3A_895 : vector<1x16xf32> to vector<16xf32>
        %parallel_loop3A_897 = arith.index_cast %parallel_loop3A_888 : i32 to index
        %parallel_loop3A_898 = arith.index_cast %parallel_loop3A_892 : i32 to index
        %parallel_loop3A_899 = tpu.vector_load %arg8[%parallel_loop3A_897, %parallel_loop3A_898] {strides = array<i32>} : memref<8x2048xf32, #tpu.memory_space<vmem>>, vector<1x16xf32>,
        %parallel_loop3A_900 = vector.shape_cast %parallel_loop3A_899 : vector<1x16xf32> to vector<16xf32>
        %parallel_loop3A_901 = vector.shape_cast %parallel_loop3A_896 : vector<16xf32> to vector<1x16xf32>
        tpu.vector_store %arg8[%parallel_loop3A_897, %parallel_loop3A_898], %parallel_loop3A_901 {add = true, strides = array<i32>} : memref<8x2048xf32, #tpu.memory_space<vmem>>, vector<1x16xf32>,
      } {sc.loop_unroll_factor = 8 : i64, sc.parallel_access}
    } {sc.loop_unroll_factor = 1 : i64, sc.parallel_access}
    %add3A_73 = arith.constant 2048 : i32
    %add3A_74 = arith.addi %add3A_73, %mul3A_2 : i32
    %add3A_75 = arith.constant 0 : i32
    %add3A_76 = arith.addi %add3A_74, %add3A_75 : i32
    %dma_start3A_77 = arith.constant 0 : i32
    %dma_start3A_78 = tpu.memref_slice %arg5[%add3A_76, %dma_start3A_77] : memref<8192x2048xf32, #tpu.memory_space<hbm>> -> memref<8x2048xf32, #tpu.memory_space<hbm>>
    %dma_start3A_79 = arith.constant 0 : i32
    %dma_start3A_80 = tpu.memref_slice %arg5[%add3A_76, %dma_start3A_79] : memref<8192x2048xf32, #tpu.memory_space<hbm>> -> memref<8x2048xf32, #tpu.memory_space<hbm>>
    tpu.enqueue_dma source(%arg8 : memref<8x2048xf32, #tpu.memory_space<vmem>>) target(%dma_start3A_80 : memref<8x2048xf32, #tpu.memory_space<hbm>>) target_semaphore(%arg20 : memref<!tpu.dma_semaphore, #tpu.memory_space<semaphore_mem>>)
    %dma_wait3A_81 = arith.constant 0 : i32
    %dma_wait3A_82 = tpu.memref_slice %arg5[%add3A_55, %dma_wait3A_81] : memref<8192x2048xf32, #tpu.memory_space<hbm>> -> memref<8x2048xf32, #tpu.memory_space<hbm>>
    %dma_wait3A_83 = arith.constant 0 : i32
    %dma_wait3A_84 = tpu.memref_slice %arg5[%add3A_55, %dma_wait3A_83] : memref<8192x2048xf32, #tpu.memory_space<hbm>> -> memref<8x2048xf32, #tpu.memory_space<hbm>>
    tpu.wait_dma2 semaphore(%arg19 : memref<!tpu.dma_semaphore, #tpu.memory_space<semaphore_mem>>) src(%arg7 : memref<8x2048xf32, #tpu.memory_space<vmem>>) dst(%dma_wait3A_84 : memref<8x2048xf32, #tpu.memory_space<hbm>>)
    %dma_start3A_85 = arith.constant 72 : i32
    %dma_start3A_86 = tpu.memref_slice %arg6[%dma_start3A_85] : memref<256xi32, #tpu.memory_space<vmem>> -> memref<8xi32, #tpu.memory_space<vmem>>
    %dma_start3A_87 = arith.constant 0 : i32
    %dma_start3A_88 = arith.constant 0 : i32
    %dma_start3A_89 = tpu.memref_slice %arg3[%dma_start3A_87, %dma_start3A_88] : memref<50257x2048xf32, #tpu.memory_space<hbm>> -> memref<50257x2048xf32, #tpu.memory_space<hbm>>
    tpu.enqueue_indirect_dma source(%dma_start3A_89 : memref<50257x2048xf32, #tpu.memory_space<hbm>>) target(%arg7 : memref<8x2048xf32, #tpu.memory_space<vmem>>) offsets(%dma_start3A_86 : memref<8xi32, #tpu.memory_space<vmem>>) semaphore(%arg14 : memref<!tpu.dma_semaphore, #tpu.memory_space<semaphore_mem>>)
    %dma_wait3A_90 = arith.constant 128 : i32
    %dma_wait3A_91 = tpu.memref_slice %arg6[%dma_wait3A_90] : memref<256xi32, #tpu.memory_space<vmem>> -> memref<8xi32, #tpu.memory_space<vmem>>
    %dma_wait3A_92 = arith.constant 0 : i32
    %dma_wait3A_93 = arith.constant 0 : i32
    %dma_wait3A_94 = tpu.memref_slice %arg3[%dma_wait3A_92, %dma_wait3A_93] : memref<50257x2048xf32, #tpu.memory_space<hbm>> -> memref<50257x2048xf32, #tpu.memory_space<hbm>>
    tpu.wait_indirect_dma semaphore(%arg16 : memref<!tpu.dma_semaphore, #tpu.memory_space<semaphore_mem>>) src(%dma_wait3A_94 : memref<50257x2048xf32, #tpu.memory_space<hbm>>) dst(%arg9 : memref<8x2048xf32, #tpu.memory_space<vmem>>)
    %parallel_loop3A_95 = arith.constant 0 : i32
    %parallel_loop3A_96 = arith.constant 8 : i32
    %parallel_loop3A_97 = arith.constant 1 : i32
    scf.for %parallel_loop3A_888 = %parallel_loop3A_95 to %parallel_loop3A_96 step %parallel_loop3A_97  : i32 {
      %parallel_loop3A_889 = arith.constant 0 : i32
      %parallel_loop3A_890 = arith.constant 2048 : i32
      %parallel_loop3A_891 = arith.constant 16 : i32
      scf.for %parallel_loop3A_892 = %parallel_loop3A_889 to %parallel_loop3A_890 step %parallel_loop3A_891  : i32 {
        %parallel_loop3A_893 = arith.index_cast %parallel_loop3A_888 : i32 to index
        %parallel_loop3A_894 = arith.index_cast %parallel_loop3A_892 : i32 to index
        %parallel_loop3A_895 = tpu.vector_load %arg12[%parallel_loop3A_893, %parallel_loop3A_894] {strides = array<i32>} : memref<8x2048xf32, #tpu.memory_space<vmem>>, vector<1x16xf32>,
        %parallel_loop3A_896 = vector.shape_cast %parallel_loop3A_895 : vector<1x16xf32> to vector<16xf32>
        %parallel_loop3A_897 = arith.index_cast %parallel_loop3A_888 : i32 to index
        %parallel_loop3A_898 = arith.index_cast %parallel_loop3A_892 : i32 to index
        %parallel_loop3A_899 = tpu.vector_load %arg9[%parallel_loop3A_897, %parallel_loop3A_898] {strides = array<i32>} : memref<8x2048xf32, #tpu.memory_space<vmem>>, vector<1x16xf32>,
        %parallel_loop3A_900 = vector.shape_cast %parallel_loop3A_899 : vector<1x16xf32> to vector<16xf32>
        %parallel_loop3A_901 = vector.shape_cast %parallel_loop3A_896 : vector<16xf32> to vector<1x16xf32>
        tpu.vector_store %arg9[%parallel_loop3A_897, %parallel_loop3A_898], %parallel_loop3A_901 {add = true, strides = array<i32>} : memref<8x2048xf32, #tpu.memory_space<vmem>>, vector<1x16xf32>,
      } {sc.loop_unroll_factor = 8 : i64, sc.parallel_access}
    } {sc.loop_unroll_factor = 1 : i64, sc.parallel_access}
    %add3A_98 = arith.constant 4096 : i32
    %add3A_99 = arith.addi %add3A_98, %mul3A_2 : i32
    %add3A_100 = arith.constant 0 : i32
    %add3A_101 = arith.addi %add3A_99, %add3A_100 : i32
    %dma_start3A_102 = arith.constant 0 : i32
    %dma_start3A_103 = tpu.memref_slice %arg5[%add3A_101, %dma_start3A_102] : memref<8192x2048xf32, #tpu.memory_space<hbm>> -> memref<8x2048xf32, #tpu.memory_space<hbm>>
    %dma_start3A_104 = arith.constant 0 : i32
    %dma_start3A_105 = tpu.memref_slice %arg5[%add3A_101, %dma_start3A_104] : memref<8192x2048xf32, #tpu.memory_space<hbm>> -> memref<8x2048xf32, #tpu.memory_space<hbm>>
    tpu.enqueue_dma source(%arg9 : memref<8x2048xf32, #tpu.memory_space<vmem>>) target(%dma_start3A_105 : memref<8x2048xf32, #tpu.memory_space<hbm>>) target_semaphore(%arg21 : memref<!tpu.dma_semaphore, #tpu.memory_space<semaphore_mem>>)
    %dma_wait3A_106 = arith.constant 0 : i32
    %dma_wait3A_107 = tpu.memref_slice %arg5[%add3A_76, %dma_wait3A_106] : memref<8192x2048xf32, #tpu.memory_space<hbm>> -> memref<8x2048xf32, #tpu.memory_space<hbm>>
    %dma_wait3A_108 = arith.constant 0 : i32
    %dma_wait3A_109 = tpu.memref_slice %arg5[%add3A_76, %dma_wait3A_108] : memref<8192x2048xf32, #tpu.memory_space<hbm>> -> memref<8x2048xf32, #tpu.memory_space<hbm>>
    tpu.wait_dma2 semaphore(%arg20 : memref<!tpu.dma_semaphore, #tpu.memory_space<semaphore_mem>>) src(%arg8 : memref<8x2048xf32, #tpu.memory_space<vmem>>) dst(%dma_wait3A_109 : memref<8x2048xf32, #tpu.memory_space<hbm>>)
    %dma_start3A_110 = arith.constant 136 : i32
    %dma_start3A_111 = tpu.memref_slice %arg6[%dma_start3A_110] : memref<256xi32, #tpu.memory_space<vmem>> -> memref<8xi32, #tpu.memory_space<vmem>>
    %dma_start3A_112 = arith.constant 0 : i32
    %dma_start3A_113 = arith.constant 0 : i32
    %dma_start3A_114 = tpu.memref_slice %arg3[%dma_start3A_112, %dma_start3A_113] : memref<50257x2048xf32, #tpu.memory_space<hbm>> -> memref<50257x2048xf32, #tpu.memory_space<hbm>>
    tpu.enqueue_indirect_dma source(%dma_start3A_114 : memref<50257x2048xf32, #tpu.memory_space<hbm>>) target(%arg8 : memref<8x2048xf32, #tpu.memory_space<vmem>>) offsets(%dma_start3A_111 : memref<8xi32, #tpu.memory_space<vmem>>) semaphore(%arg15 : memref<!tpu.dma_semaphore, #tpu.memory_space<semaphore_mem>>)
    %dma_wait3A_115 = arith.constant 192 : i32
    %dma_wait3A_116 = tpu.memref_slice %arg6[%dma_wait3A_115] : memref<256xi32, #tpu.memory_space<vmem>> -> memref<8xi32, #tpu.memory_space<vmem>>
    %dma_wait3A_117 = arith.constant 0 : i32
    %dma_wait3A_118 = arith.constant 0 : i32
    %dma_wait3A_119 = tpu.memref_slice %arg3[%dma_wait3A_117, %dma_wait3A_118] : memref<50257x2048xf32, #tpu.memory_space<hbm>> -> memref<50257x2048xf32, #tpu.memory_space<hbm>>
    tpu.wait_indirect_dma semaphore(%arg17 : memref<!tpu.dma_semaphore, #tpu.memory_space<semaphore_mem>>) src(%dma_wait3A_119 : memref<50257x2048xf32, #tpu.memory_space<hbm>>) dst(%arg10 : memref<8x2048xf32, #tpu.memory_space<vmem>>)
    %parallel_loop3A_120 = arith.constant 0 : i32
    %parallel_loop3A_121 = arith.constant 8 : i32
    %parallel_loop3A_122 = arith.constant 1 : i32
    scf.for %parallel_loop3A_888 = %parallel_loop3A_120 to %parallel_loop3A_121 step %parallel_loop3A_122  : i32 {
      %parallel_loop3A_889 = arith.constant 0 : i32
      %parallel_loop3A_890 = arith.constant 2048 : i32
      %parallel_loop3A_891 = arith.constant 16 : i32
      scf.for %parallel_loop3A_892 = %parallel_loop3A_889 to %parallel_loop3A_890 step %parallel_loop3A_891  : i32 {
        %parallel_loop3A_893 = arith.index_cast %parallel_loop3A_888 : i32 to index
        %parallel_loop3A_894 = arith.index_cast %parallel_loop3A_892 : i32 to index
        %parallel_loop3A_895 = tpu.vector_load %arg12[%parallel_loop3A_893, %parallel_loop3A_894] {strides = array<i32>} : memref<8x2048xf32, #tpu.memory_space<vmem>>, vector<1x16xf32>,
        %parallel_loop3A_896 = vector.shape_cast %parallel_loop3A_895 : vector<1x16xf32> to vector<16xf32>
        %parallel_loop3A_897 = arith.index_cast %parallel_loop3A_888 : i32 to index
        %parallel_loop3A_898 = arith.index_cast %parallel_loop3A_892 : i32 to index
        %parallel_loop3A_899 = tpu.vector_load %arg10[%parallel_loop3A_897, %parallel_loop3A_898] {strides = array<i32>} : memref<8x2048xf32, #tpu.memory_space<vmem>>, vector<1x16xf32>,
        %parallel_loop3A_900 = vector.shape_cast %parallel_loop3A_899 : vector<1x16xf32> to vector<16xf32>
        %parallel_loop3A_901 = vector.shape_cast %parallel_loop3A_896 : vector<16xf32> to vector<1x16xf32>
        tpu.vector_store %arg10[%parallel_loop3A_897, %parallel_loop3A_898], %parallel_loop3A_901 {add = true, strides = array<i32>} : memref<8x2048xf32, #tpu.memory_space<vmem>>, vector<1x16xf32>,
      } {sc.loop_unroll_factor = 8 : i64, sc.parallel_access}
    } {sc.loop_unroll_factor = 1 : i64, sc.parallel_access}
    %add3A_123 = arith.constant 6144 : i32
    %add3A_124 = arith.addi %add3A_123, %mul3A_2 : i32
    %add3A_125 = arith.constant 0 : i32
    %add3A_126 = arith.addi %add3A_124, %add3A_125 : i32
    %dma_start3A_127 = arith.constant 0 : i32
    %dma_start3A_128 = tpu.memref_slice %arg5[%add3A_126, %dma_start3A_127] : memref<8192x2048xf32, #tpu.memory_space<hbm>> -> memref<8x2048xf32, #tpu.memory_space<hbm>>
    %dma_start3A_129 = arith.constant 0 : i32
    %dma_start3A_130 = tpu.memref_slice %arg5[%add3A_126, %dma_start3A_129] : memref<8192x2048xf32, #tpu.memory_space<hbm>> -> memref<8x2048xf32, #tpu.memory_space<hbm>>
    tpu.enqueue_dma source(%arg10 : memref<8x2048xf32, #tpu.memory_space<vmem>>) target(%dma_start3A_130 : memref<8x2048xf32, #tpu.memory_space<hbm>>) target_semaphore(%arg22 : memref<!tpu.dma_semaphore, #tpu.memory_space<semaphore_mem>>)
    %add3A_131 = arith.constant 16 : i32
    %add3A_132 = arith.addi %mul3A_2, %add3A_131 : i32
    %dma_start3A_133 = arith.constant 0 : i32
    %dma_start3A_134 = tpu.memref_slice %arg4[%add3A_132, %dma_start3A_133] : memref<2048x2048xf32, #tpu.memory_space<hbm>> -> memref<8x2048xf32, #tpu.memory_space<hbm>>
    %dma_start3A_135 = arith.constant 0 : i32
    %dma_start3A_136 = tpu.memref_slice %arg4[%add3A_132, %dma_start3A_135] : memref<2048x2048xf32, #tpu.memory_space<hbm>> -> memref<8x2048xf32, #tpu.memory_space<hbm>>
    tpu.enqueue_dma source(%dma_start3A_136 : memref<8x2048xf32, #tpu.memory_space<hbm>>) target(%arg12 : memref<8x2048xf32, #tpu.memory_space<vmem>>) target_semaphore(%arg24 : memref<!tpu.dma_semaphore, #tpu.memory_space<semaphore_mem>>)
    %dma_wait3A_137 = arith.constant 0 : i32
    %dma_wait3A_138 = tpu.memref_slice %arg5[%add3A_101, %dma_wait3A_137] : memref<8192x2048xf32, #tpu.memory_space<hbm>> -> memref<8x2048xf32, #tpu.memory_space<hbm>>
    %dma_wait3A_139 = arith.constant 0 : i32
    %dma_wait3A_140 = tpu.memref_slice %arg5[%add3A_101, %dma_wait3A_139] : memref<8192x2048xf32, #tpu.memory_space<hbm>> -> memref<8x2048xf32, #tpu.memory_space<hbm>>
    tpu.wait_dma2 semaphore(%arg21 : memref<!tpu.dma_semaphore, #tpu.memory_space<semaphore_mem>>) src(%arg9 : memref<8x2048xf32, #tpu.memory_space<vmem>>) dst(%dma_wait3A_140 : memref<8x2048xf32, #tpu.memory_space<hbm>>)
    %dma_start3A_141 = arith.constant 200 : i32
    %dma_start3A_142 = tpu.memref_slice %arg6[%dma_start3A_141] : memref<256xi32, #tpu.memory_space<vmem>> -> memref<8xi32, #tpu.memory_space<vmem>>
    %dma_start3A_143 = arith.constant 0 : i32
    %dma_start3A_144 = arith.constant 0 : i32
    %dma_start3A_145 = tpu.memref_slice %arg3[%dma_start3A_143, %dma_start3A_144] : memref<50257x2048xf32, #tpu.memory_space<hbm>> -> memref<50257x2048xf32, #tpu.memory_space<hbm>>
    tpu.enqueue_indirect_dma source(%dma_start3A_145 : memref<50257x2048xf32, #tpu.memory_space<hbm>>) target(%arg9 : memref<8x2048xf32, #tpu.memory_space<vmem>>) offsets(%dma_start3A_142 : memref<8xi32, #tpu.memory_space<vmem>>) semaphore(%arg16 : memref<!tpu.dma_semaphore, #tpu.memory_space<semaphore_mem>>)
    %dma_wait3A_146 = arith.constant 0 : i32
    %dma_wait3A_147 = tpu.memref_slice %arg4[%add3A_17, %dma_wait3A_146] : memref<2048x2048xf32, #tpu.memory_space<hbm>> -> memref<8x2048xf32, #tpu.memory_space<hbm>>
    %dma_wait3A_148 = arith.constant 0 : i32
    %dma_wait3A_149 = tpu.memref_slice %arg4[%add3A_17, %dma_wait3A_148] : memref<2048x2048xf32, #tpu.memory_space<hbm>> -> memref<8x2048xf32, #tpu.memory_space<hbm>>
    tpu.wait_dma2 semaphore(%arg25 : memref<!tpu.dma_semaphore, #tpu.memory_space<semaphore_mem>>) src(%dma_wait3A_149 : memref<8x2048xf32, #tpu.memory_space<hbm>>) dst(%arg13 : memref<8x2048xf32, #tpu.memory_space<vmem>>)
    %dma_wait3A_150 = arith.constant 8 : i32
    %dma_wait3A_151 = tpu.memref_slice %arg6[%dma_wait3A_150] : memref<256xi32, #tpu.memory_space<vmem>> -> memref<8xi32, #tpu.memory_space<vmem>>
    %dma_wait3A_152 = arith.constant 0 : i32
    %dma_wait3A_153 = arith.constant 0 : i32
    %dma_wait3A_154 = tpu.memref_slice %arg3[%dma_wait3A_152, %dma_wait3A_153] : memref<50257x2048xf32, #tpu.memory_space<hbm>> -> memref<50257x2048xf32, #tpu.memory_space<hbm>>
    tpu.wait_indirect_dma semaphore(%arg18 : memref<!tpu.dma_semaphore, #tpu.memory_space<semaphore_mem>>) src(%dma_wait3A_154 : memref<50257x2048xf32, #tpu.memory_space<hbm>>) dst(%arg11 : memref<8x2048xf32, #tpu.memory_space<vmem>>)
    %parallel_loop3A_155 = arith.constant 0 : i32
    %parallel_loop3A_156 = arith.constant 8 : i32
    %parallel_loop3A_157 = arith.constant 1 : i32
    scf.for %parallel_loop3A_888 = %parallel_loop3A_155 to %parallel_loop3A_156 step %parallel_loop3A_157  : i32 {
      %parallel_loop3A_889 = arith.constant 0 : i32
      %parallel_loop3A_890 = arith.constant 2048 : i32
      %parallel_loop3A_891 = arith.constant 16 : i32
      scf.for %parallel_loop3A_892 = %parallel_loop3A_889 to %parallel_loop3A_890 step %parallel_loop3A_891  : i32 {
        %parallel_loop3A_893 = arith.index_cast %parallel_loop3A_888 : i32 to index
        %parallel_loop3A_894 = arith.index_cast %parallel_loop3A_892 : i32 to index
        %parallel_loop3A_895 = tpu.vector_load %arg13[%parallel_loop3A_893, %parallel_loop3A_894] {strides = array<i32>} : memref<8x2048xf32, #tpu.memory_space<vmem>>, vector<1x16xf32>,
        %parallel_loop3A_896 = vector.shape_cast %parallel_loop3A_895 : vector<1x16xf32> to vector<16xf32>
        %parallel_loop3A_897 = arith.index_cast %parallel_loop3A_888 : i32 to index
        %parallel_loop3A_898 = arith.index_cast %parallel_loop3A_892 : i32 to index
        %parallel_loop3A_899 = tpu.vector_load %arg11[%parallel_loop3A_897, %parallel_loop3A_898] {strides = array<i32>} : memref<8x2048xf32, #tpu.memory_space<vmem>>, vector<1x16xf32>,
        %parallel_loop3A_900 = vector.shape_cast %parallel_loop3A_899 : vector<1x16xf32> to vector<16xf32>
        %parallel_loop3A_901 = vector.shape_cast %parallel_loop3A_896 : vector<16xf32> to vector<1x16xf32>
        tpu.vector_store %arg11[%parallel_loop3A_897, %parallel_loop3A_898], %parallel_loop3A_901 {add = true, strides = array<i32>} : memref<8x2048xf32, #tpu.memory_space<vmem>>, vector<1x16xf32>,
      } {sc.loop_unroll_factor = 8 : i64, sc.parallel_access}
    } {sc.loop_unroll_factor = 1 : i64, sc.parallel_access}
    %add3A_158 = arith.constant 0 : i32
    %add3A_159 = arith.addi %add3A_158, %mul3A_2 : i32
    %add3A_160 = arith.constant 8 : i32
    %add3A_161 = arith.addi %add3A_159, %add3A_160 : i32
    %dma_start3A_162 = arith.constant 0 : i32
    %dma_start3A_163 = tpu.memref_slice %arg5[%add3A_161, %dma_start3A_162] : memref<8192x2048xf32, #tpu.memory_space<hbm>> -> memref<8x2048xf32, #tpu.memory_space<hbm>>
    %dma_start3A_164 = arith.constant 0 : i32
    %dma_start3A_165 = tpu.memref_slice %arg5[%add3A_161, %dma_start3A_164] : memref<8192x2048xf32, #tpu.memory_space<hbm>> -> memref<8x2048xf32, #tpu.memory_space<hbm>>
    tpu.enqueue_dma source(%arg11 : memref<8x2048xf32, #tpu.memory_space<vmem>>) target(%dma_start3A_165 : memref<8x2048xf32, #tpu.memory_space<hbm>>) target_semaphore(%arg23 : memref<!tpu.dma_semaphore, #tpu.memory_space<semaphore_mem>>)
    %dma_wait3A_166 = arith.constant 0 : i32
    %dma_wait3A_167 = tpu.memref_slice %arg5[%add3A_126, %dma_wait3A_166] : memref<8192x2048xf32, #tpu.memory_space<hbm>> -> memref<8x2048xf32, #tpu.memory_space<hbm>>
    %dma_wait3A_168 = arith.constant 0 : i32
    %dma_wait3A_169 = tpu.memref_slice %arg5[%add3A_126, %dma_wait3A_168] : memref<8192x2048xf32, #tpu.memory_space<hbm>> -> memref<8x2048xf32, #tpu.memory_space<hbm>>
    tpu.wait_dma2 semaphore(%arg22 : memref<!tpu.dma_semaphore, #tpu.memory_space<semaphore_mem>>) src(%arg10 : memref<8x2048xf32, #tpu.memory_space<vmem>>) dst(%dma_wait3A_169 : memref<8x2048xf32, #tpu.memory_space<hbm>>)
    %dma_start3A_170 = arith.constant 16 : i32
    %dma_start3A_171 = tpu.memref_slice %arg6[%dma_start3A_170] : memref<256xi32, #tpu.memory_space<vmem>> -> memref<8xi32, #tpu.memory_space<vmem>>
    %dma_start3A_172 = arith.constant 0 : i32
    %dma_start3A_173 = arith.constant 0 : i32
    %dma_start3A_174 = tpu.memref_slice %arg3[%dma_start3A_172, %dma_start3A_173] : memref<50257x2048xf32, #tpu.memory_space<hbm>> -> memref<50257x2048xf32, #tpu.memory_space<hbm>>
    tpu.enqueue_indirect_dma source(%dma_start3A_174 : memref<50257x2048xf32, #tpu.memory_space<hbm>>) target(%arg10 : memref<8x2048xf32, #tpu.memory_space<vmem>>) offsets(%dma_start3A_171 : memref<8xi32, #tpu.memory_space<vmem>>) semaphore(%arg17 : memref<!tpu.dma_semaphore, #tpu.memory_space<semaphore_mem>>)
    %dma_wait3A_175 = arith.constant 72 : i32
    %dma_wait3A_176 = tpu.memref_slice %arg6[%dma_wait3A_175] : memref<256xi32, #tpu.memory_space<vmem>> -> memref<8xi32, #tpu.memory_space<vmem>>
    %dma_wait3A_177 = arith.constant 0 : i32
    %dma_wait3A_178 = arith.constant 0 : i32
    %dma_wait3A_179 = tpu.memref_slice %arg3[%dma_wait3A_177, %dma_wait3A_178] : memref<50257x2048xf32, #tpu.memory_space<hbm>> -> memref<50257x2048xf32, #tpu.memory_space<hbm>>
    tpu.wait_indirect_dma semaphore(%arg14 : memref<!tpu.dma_semaphore, #tpu.memory_space<semaphore_mem>>) src(%dma_wait3A_179 : memref<50257x2048xf32, #tpu.memory_space<hbm>>) dst(%arg7 : memref<8x2048xf32, #tpu.memory_space<vmem>>)
    %parallel_loop3A_180 = arith.constant 0 : i32
    %parallel_loop3A_181 = arith.constant 8 : i32
    %parallel_loop3A_182 = arith.constant 1 : i32
    scf.for %parallel_loop3A_888 = %parallel_loop3A_180 to %parallel_loop3A_181 step %parallel_loop3A_182  : i32 {
      %parallel_loop3A_889 = arith.constant 0 : i32
      %parallel_loop3A_890 = arith.constant 2048 : i32
      %parallel_loop3A_891 = arith.constant 16 : i32
      scf.for %parallel_loop3A_892 = %parallel_loop3A_889 to %parallel_loop3A_890 step %parallel_loop3A_891  : i32 {
        %parallel_loop3A_893 = arith.index_cast %parallel_loop3A_888 : i32 to index
        %parallel_loop3A_894 = arith.index_cast %parallel_loop3A_892 : i32 to index
        %parallel_loop3A_895 = tpu.vector_load %arg13[%parallel_loop3A_893, %parallel_loop3A_894] {strides = array<i32>} : memref<8x2048xf32, #tpu.memory_space<vmem>>, vector<1x16xf32>,
        %parallel_loop3A_896 = vector.shape_cast %parallel_loop3A_895 : vector<1x16xf32> to vector<16xf32>
        %parallel_loop3A_897 = arith.index_cast %parallel_loop3A_888 : i32 to index
        %parallel_loop3A_898 = arith.index_cast %parallel_loop3A_892 : i32 to index
        %parallel_loop3A_899 = tpu.vector_load %arg7[%parallel_loop3A_897, %parallel_loop3A_898] {strides = array<i32>} : memref<8x2048xf32, #tpu.memory_space<vmem>>, vector<1x16xf32>,
        %parallel_loop3A_900 = vector.shape_cast %parallel_loop3A_899 : vector<1x16xf32> to vector<16xf32>
        %parallel_loop3A_901 = vector.shape_cast %parallel_loop3A_896 : vector<16xf32> to vector<1x16xf32>
        tpu.vector_store %arg7[%parallel_loop3A_897, %parallel_loop3A_898], %parallel_loop3A_901 {add = true, strides = array<i32>} : memref<8x2048xf32, #tpu.memory_space<vmem>>, vector<1x16xf32>,
      } {sc.loop_unroll_factor = 8 : i64, sc.parallel_access}
    } {sc.loop_unroll_factor = 1 : i64, sc.parallel_access}
    %add3A_183 = arith.constant 2048 : i32
    %add3A_184 = arith.addi %add3A_183, %mul3A_2 : i32
    %add3A_185 = arith.constant 8 : i32
    %add3A_186 = arith.addi %add3A_184, %add3A_185 : i32
    %dma_start3A_187 = arith.constant 0 : i32
    %dma_start3A_188 = tpu.memref_slice %arg5[%add3A_186, %dma_start3A_187] : memref<8192x2048xf32, #tpu.memory_space<hbm>> -> memref<8x2048xf32, #tpu.memory_space<hbm>>
    %dma_start3A_189 = arith.constant 0 : i32
    %dma_start3A_190 = tpu.memref_slice %arg5[%add3A_186, %dma_start3A_189] : memref<8192x2048xf32, #tpu.memory_space<hbm>> -> memref<8x2048xf32, #tpu.memory_space<hbm>>
    tpu.enqueue_dma source(%arg7 : memref<8x2048xf32, #tpu.memory_space<vmem>>) target(%dma_start3A_190 : memref<8x2048xf32, #tpu.memory_space<hbm>>) target_semaphore(%arg19 : memref<!tpu.dma_semaphore, #tpu.memory_space<semaphore_mem>>)
    %dma_wait3A_191 = arith.constant 0 : i32
    %dma_wait3A_192 = tpu.memref_slice %arg5[%add3A_161, %dma_wait3A_191] : memref<8192x2048xf32, #tpu.memory_space<hbm>> -> memref<8x2048xf32, #tpu.memory_space<hbm>>
    %dma_wait3A_193 = arith.constant 0 : i32
    %dma_wait3A_194 = tpu.memref_slice %arg5[%add3A_161, %dma_wait3A_193] : memref<8192x2048xf32, #tpu.memory_space<hbm>> -> memref<8x2048xf32, #tpu.memory_space<hbm>>
    tpu.wait_dma2 semaphore(%arg23 : memref<!tpu.dma_semaphore, #tpu.memory_space<semaphore_mem>>) src(%arg11 : memref<8x2048xf32, #tpu.memory_space<vmem>>) dst(%dma_wait3A_194 : memref<8x2048xf32, #tpu.memory_space<hbm>>)
    %dma_start3A_195 = arith.constant 80 : i32
    %dma_start3A_196 = tpu.memref_slice %arg6[%dma_start3A_195] : memref<256xi32, #tpu.memory_space<vmem>> -> memref<8xi32, #tpu.memory_space<vmem>>
    %dma_start3A_197 = arith.constant 0 : i32
    %dma_start3A_198 = arith.constant 0 : i32
    %dma_start3A_199 = tpu.memref_slice %arg3[%dma_start3A_197, %dma_start3A_198] : memref<50257x2048xf32, #tpu.memory_space<hbm>> -> memref<50257x2048xf32, #tpu.memory_space<hbm>>
    tpu.enqueue_indirect_dma source(%dma_start3A_199 : memref<50257x2048xf32, #tpu.memory_space<hbm>>) target(%arg11 : memref<8x2048xf32, #tpu.memory_space<vmem>>) offsets(%dma_start3A_196 : memref<8xi32, #tpu.memory_space<vmem>>) semaphore(%arg18 : memref<!tpu.dma_semaphore, #tpu.memory_space<semaphore_mem>>)
    %dma_wait3A_200 = arith.constant 136 : i32
    %dma_wait3A_201 = tpu.memref_slice %arg6[%dma_wait3A_200] : memref<256xi32, #tpu.memory_space<vmem>> -> memref<8xi32, #tpu.memory_space<vmem>>
    %dma_wait3A_202 = arith.constant 0 : i32
    %dma_wait3A_203 = arith.constant 0 : i32
    %dma_wait3A_204 = tpu.memref_slice %arg3[%dma_wait3A_202, %dma_wait3A_203] : memref<50257x2048xf32, #tpu.memory_space<hbm>> -> memref<50257x2048xf32, #tpu.memory_space<hbm>>
    tpu.wait_indirect_dma semaphore(%arg15 : memref<!tpu.dma_semaphore, #tpu.memory_space<semaphore_mem>>) src(%dma_wait3A_204 : memref<50257x2048xf32, #tpu.memory_space<hbm>>) dst(%arg8 : memref<8x2048xf32, #tpu.memory_space<vmem>>)
    %parallel_loop3A_205 = arith.constant 0 : i32
    %parallel_loop3A_206 = arith.constant 8 : i32
    %parallel_loop3A_207 = arith.constant 1 : i32
    scf.for %parallel_loop3A_888 = %parallel_loop3A_205 to %parallel_loop3A_206 step %parallel_loop3A_207  : i32 {
      %parallel_loop3A_889 = arith.constant 0 : i32
      %parallel_loop3A_890 = arith.constant 2048 : i32
      %parallel_loop3A_891 = arith.constant 16 : i32
      scf.for %parallel_loop3A_892 = %parallel_loop3A_889 to %parallel_loop3A_890 step %parallel_loop3A_891  : i32 {
        %parallel_loop3A_893 = arith.index_cast %parallel_loop3A_888 : i32 to index
        %parallel_loop3A_894 = arith.index_cast %parallel_loop3A_892 : i32 to index
        %parallel_loop3A_895 = tpu.vector_load %arg13[%parallel_loop3A_893, %parallel_loop3A_894] {strides = array<i32>} : memref<8x2048xf32, #tpu.memory_space<vmem>>, vector<1x16xf32>,
        %parallel_loop3A_896 = vector.shape_cast %parallel_loop3A_895 : vector<1x16xf32> to vector<16xf32>
        %parallel_loop3A_897 = arith.index_cast %parallel_loop3A_888 : i32 to index
        %parallel_loop3A_898 = arith.index_cast %parallel_loop3A_892 : i32 to index
        %parallel_loop3A_899 = tpu.vector_load %arg8[%parallel_loop3A_897, %parallel_loop3A_898] {strides = array<i32>} : memref<8x2048xf32, #tpu.memory_space<vmem>>, vector<1x16xf32>,
        %parallel_loop3A_900 = vector.shape_cast %parallel_loop3A_899 : vector<1x16xf32> to vector<16xf32>
        %parallel_loop3A_901 = vector.shape_cast %parallel_loop3A_896 : vector<16xf32> to vector<1x16xf32>
        tpu.vector_store %arg8[%parallel_loop3A_897, %parallel_loop3A_898], %parallel_loop3A_901 {add = true, strides = array<i32>} : memref<8x2048xf32, #tpu.memory_space<vmem>>, vector<1x16xf32>,
      } {sc.loop_unroll_factor = 8 : i64, sc.parallel_access}
    } {sc.loop_unroll_factor = 1 : i64, sc.parallel_access}
    %add3A_208 = arith.constant 4096 : i32
    %add3A_209 = arith.addi %add3A_208, %mul3A_2 : i32
    %add3A_210 = arith.constant 8 : i32
    %add3A_211 = arith.addi %add3A_209, %add3A_210 : i32
    %dma_start3A_212 = arith.constant 0 : i32
    %dma_start3A_213 = tpu.memref_slice %arg5[%add3A_211, %dma_start3A_212] : memref<8192x2048xf32, #tpu.memory_space<hbm>> -> memref<8x2048xf32, #tpu.memory_space<hbm>>
    %dma_start3A_214 = arith.constant 0 : i32
    %dma_start3A_215 = tpu.memref_slice %arg5[%add3A_211, %dma_start3A_214] : memref<8192x2048xf32, #tpu.memory_space<hbm>> -> memref<8x2048xf32, #tpu.memory_space<hbm>>
    tpu.enqueue_dma source(%arg8 : memref<8x2048xf32, #tpu.memory_space<vmem>>) target(%dma_start3A_215 : memref<8x2048xf32, #tpu.memory_space<hbm>>) target_semaphore(%arg20 : memref<!tpu.dma_semaphore, #tpu.memory_space<semaphore_mem>>)
    %dma_wait3A_216 = arith.constant 0 : i32
    %dma_wait3A_217 = tpu.memref_slice %arg5[%add3A_186, %dma_wait3A_216] : memref<8192x2048xf32, #tpu.memory_space<hbm>> -> memref<8x2048xf32, #tpu.memory_space<hbm>>
    %dma_wait3A_218 = arith.constant 0 : i32
    %dma_wait3A_219 = tpu.memref_slice %arg5[%add3A_186, %dma_wait3A_218] : memref<8192x2048xf32, #tpu.memory_space<hbm>> -> memref<8x2048xf32, #tpu.memory_space<hbm>>
    tpu.wait_dma2 semaphore(%arg19 : memref<!tpu.dma_semaphore, #tpu.memory_space<semaphore_mem>>) src(%arg7 : memref<8x2048xf32, #tpu.memory_space<vmem>>) dst(%dma_wait3A_219 : memref<8x2048xf32, #tpu.memory_space<hbm>>)
    %dma_start3A_220 = arith.constant 144 : i32
    %dma_start3A_221 = tpu.memref_slice %arg6[%dma_start3A_220] : memref<256xi32, #tpu.memory_space<vmem>> -> memref<8xi32, #tpu.memory_space<vmem>>
    %dma_start3A_222 = arith.constant 0 : i32
    %dma_start3A_223 = arith.constant 0 : i32
    %dma_start3A_224 = tpu.memref_slice %arg3[%dma_start3A_222, %dma_start3A_223] : memref<50257x2048xf32, #tpu.memory_space<hbm>> -> memref<50257x2048xf32, #tpu.memory_space<hbm>>
    tpu.enqueue_indirect_dma source(%dma_start3A_224 : memref<50257x2048xf32, #tpu.memory_space<hbm>>) target(%arg7 : memref<8x2048xf32, #tpu.memory_space<vmem>>) offsets(%dma_start3A_221 : memref<8xi32, #tpu.memory_space<vmem>>) semaphore(%arg14 : memref<!tpu.dma_semaphore, #tpu.memory_space<semaphore_mem>>)
    %dma_wait3A_225 = arith.constant 200 : i32
    %dma_wait3A_226 = tpu.memref_slice %arg6[%dma_wait3A_225] : memref<256xi32, #tpu.memory_space<vmem>> -> memref<8xi32, #tpu.memory_space<vmem>>
    %dma_wait3A_227 = arith.constant 0 : i32
    %dma_wait3A_228 = arith.constant 0 : i32
    %dma_wait3A_229 = tpu.memref_slice %arg3[%dma_wait3A_227, %dma_wait3A_228] : memref<50257x2048xf32, #tpu.memory_space<hbm>> -> memref<50257x2048xf32, #tpu.memory_space<hbm>>
    tpu.wait_indirect_dma semaphore(%arg16 : memref<!tpu.dma_semaphore, #tpu.memory_space<semaphore_mem>>) src(%dma_wait3A_229 : memref<50257x2048xf32, #tpu.memory_space<hbm>>) dst(%arg9 : memref<8x2048xf32, #tpu.memory_space<vmem>>)
    %parallel_loop3A_230 = arith.constant 0 : i32
    %parallel_loop3A_231 = arith.constant 8 : i32
    %parallel_loop3A_232 = arith.constant 1 : i32
    scf.for %parallel_loop3A_888 = %parallel_loop3A_230 to %parallel_loop3A_231 step %parallel_loop3A_232  : i32 {
      %parallel_loop3A_889 = arith.constant 0 : i32
      %parallel_loop3A_890 = arith.constant 2048 : i32
      %parallel_loop3A_891 = arith.constant 16 : i32
      scf.for %parallel_loop3A_892 = %parallel_loop3A_889 to %parallel_loop3A_890 step %parallel_loop3A_891  : i32 {
        %parallel_loop3A_893 = arith.index_cast %parallel_loop3A_888 : i32 to index
        %parallel_loop3A_894 = arith.index_cast %parallel_loop3A_892 : i32 to index
        %parallel_loop3A_895 = tpu.vector_load %arg13[%parallel_loop3A_893, %parallel_loop3A_894] {strides = array<i32>} : memref<8x2048xf32, #tpu.memory_space<vmem>>, vector<1x16xf32>,
        %parallel_loop3A_896 = vector.shape_cast %parallel_loop3A_895 : vector<1x16xf32> to vector<16xf32>
        %parallel_loop3A_897 = arith.index_cast %parallel_loop3A_888 : i32 to index
        %parallel_loop3A_898 = arith.index_cast %parallel_loop3A_892 : i32 to index
        %parallel_loop3A_899 = tpu.vector_load %arg9[%parallel_loop3A_897, %parallel_loop3A_898] {strides = array<i32>} : memref<8x2048xf32, #tpu.memory_space<vmem>>, vector<1x16xf32>,
        %parallel_loop3A_900 = vector.shape_cast %parallel_loop3A_899 : vector<1x16xf32> to vector<16xf32>
        %parallel_loop3A_901 = vector.shape_cast %parallel_loop3A_896 : vector<16xf32> to vector<1x16xf32>
        tpu.vector_store %arg9[%parallel_loop3A_897, %parallel_loop3A_898], %parallel_loop3A_901 {add = true, strides = array<i32>} : memref<8x2048xf32, #tpu.memory_space<vmem>>, vector<1x16xf32>,
      } {sc.loop_unroll_factor = 8 : i64, sc.parallel_access}
    } {sc.loop_unroll_factor = 1 : i64, sc.parallel_access}
    %add3A_233 = arith.constant 6144 : i32
    %add3A_234 = arith.addi %add3A_233, %mul3A_2 : i32
    %add3A_235 = arith.constant 8 : i32
    %add3A_236 = arith.addi %add3A_234, %add3A_235 : i32
    %dma_start3A_237 = arith.constant 0 : i32
    %dma_start3A_238 = tpu.memref_slice %arg5[%add3A_236, %dma_start3A_237] : memref<8192x2048xf32, #tpu.memory_space<hbm>> -> memref<8x2048xf32, #tpu.memory_space<hbm>>
    %dma_start3A_239 = arith.constant 0 : i32
    %dma_start3A_240 = tpu.memref_slice %arg5[%add3A_236, %dma_start3A_239] : memref<8192x2048xf32, #tpu.memory_space<hbm>> -> memref<8x2048xf32, #tpu.memory_space<hbm>>
    tpu.enqueue_dma source(%arg9 : memref<8x2048xf32, #tpu.memory_space<vmem>>) target(%dma_start3A_240 : memref<8x2048xf32, #tpu.memory_space<hbm>>) target_semaphore(%arg21 : memref<!tpu.dma_semaphore, #tpu.memory_space<semaphore_mem>>)
    %add3A_241 = arith.constant 24 : i32
    %add3A_242 = arith.addi %mul3A_2, %add3A_241 : i32
    %dma_start3A_243 = arith.constant 0 : i32
    %dma_start3A_244 = tpu.memref_slice %arg4[%add3A_242, %dma_start3A_243] : memref<2048x2048xf32, #tpu.memory_space<hbm>> -> memref<8x2048xf32, #tpu.memory_space<hbm>>
    %dma_start3A_245 = arith.constant 0 : i32
    %dma_start3A_246 = tpu.memref_slice %arg4[%add3A_242, %dma_start3A_245] : memref<2048x2048xf32, #tpu.memory_space<hbm>> -> memref<8x2048xf32, #tpu.memory_space<hbm>>
    tpu.enqueue_dma source(%dma_start3A_246 : memref<8x2048xf32, #tpu.memory_space<hbm>>) target(%arg13 : memref<8x2048xf32, #tpu.memory_space<vmem>>) target_semaphore(%arg25 : memref<!tpu.dma_semaphore, #tpu.memory_space<semaphore_mem>>)
    %dma_wait3A_247 = arith.constant 0 : i32
    %dma_wait3A_248 = tpu.memref_slice %arg5[%add3A_211, %dma_wait3A_247] : memref<8192x2048xf32, #tpu.memory_space<hbm>> -> memref<8x2048xf32, #tpu.memory_space<hbm>>
    %dma_wait3A_249 = arith.constant 0 : i32
    %dma_wait3A_250 = tpu.memref_slice %arg5[%add3A_211, %dma_wait3A_249] : memref<8192x2048xf32, #tpu.memory_space<hbm>> -> memref<8x2048xf32, #tpu.memory_space<hbm>>
    tpu.wait_dma2 semaphore(%arg20 : memref<!tpu.dma_semaphore, #tpu.memory_space<semaphore_mem>>) src(%arg8 : memref<8x2048xf32, #tpu.memory_space<vmem>>) dst(%dma_wait3A_250 : memref<8x2048xf32, #tpu.memory_space<hbm>>)
    %dma_start3A_251 = arith.constant 208 : i32
    %dma_start3A_252 = tpu.memref_slice %arg6[%dma_start3A_251] : memref<256xi32, #tpu.memory_space<vmem>> -> memref<8xi32, #tpu.memory_space<vmem>>
    %dma_start3A_253 = arith.constant 0 : i32
    %dma_start3A_254 = arith.constant 0 : i32
    %dma_start3A_255 = tpu.memref_slice %arg3[%dma_start3A_253, %dma_start3A_254] : memref<50257x2048xf32, #tpu.memory_space<hbm>> -> memref<50257x2048xf32, #tpu.memory_space<hbm>>
    tpu.enqueue_indirect_dma source(%dma_start3A_255 : memref<50257x2048xf32, #tpu.memory_space<hbm>>) target(%arg8 : memref<8x2048xf32, #tpu.memory_space<vmem>>) offsets(%dma_start3A_252 : memref<8xi32, #tpu.memory_space<vmem>>) semaphore(%arg15 : memref<!tpu.dma_semaphore, #tpu.memory_space<semaphore_mem>>)
    %dma_wait3A_256 = arith.constant 0 : i32
    %dma_wait3A_257 = tpu.memref_slice %arg4[%add3A_132, %dma_wait3A_256] : memref<2048x2048xf32, #tpu.memory_space<hbm>> -> memref<8x2048xf32, #tpu.memory_space<hbm>>
    %dma_wait3A_258 = arith.constant 0 : i32
    %dma_wait3A_259 = tpu.memref_slice %arg4[%add3A_132, %dma_wait3A_258] : memref<2048x2048xf32, #tpu.memory_space<hbm>> -> memref<8x2048xf32, #tpu.memory_space<hbm>>
    tpu.wait_dma2 semaphore(%arg24 : memref<!tpu.dma_semaphore, #tpu.memory_space<semaphore_mem>>) src(%dma_wait3A_259 : memref<8x2048xf32, #tpu.memory_space<hbm>>) dst(%arg12 : memref<8x2048xf32, #tpu.memory_space<vmem>>)
    %dma_wait3A_260 = arith.constant 16 : i32
    %dma_wait3A_261 = tpu.memref_slice %arg6[%dma_wait3A_260] : memref<256xi32, #tpu.memory_space<vmem>> -> memref<8xi32, #tpu.memory_space<vmem>>
    %dma_wait3A_262 = arith.constant 0 : i32
    %dma_wait3A_263 = arith.constant 0 : i32
    %dma_wait3A_264 = tpu.memref_slice %arg3[%dma_wait3A_262, %dma_wait3A_263] : memref<50257x2048xf32, #tpu.memory_space<hbm>> -> memref<50257x2048xf32, #tpu.memory_space<hbm>>
    tpu.wait_indirect_dma semaphore(%arg17 : memref<!tpu.dma_semaphore, #tpu.memory_space<semaphore_mem>>) src(%dma_wait3A_264 : memref<50257x2048xf32, #tpu.memory_space<hbm>>) dst(%arg10 : memref<8x2048xf32, #tpu.memory_space<vmem>>)
    %parallel_loop3A_265 = arith.constant 0 : i32
    %parallel_loop3A_266 = arith.constant 8 : i32
    %parallel_loop3A_267 = arith.constant 1 : i32
    scf.for %parallel_loop3A_888 = %parallel_loop3A_265 to %parallel_loop3A_266 step %parallel_loop3A_267  : i32 {
      %parallel_loop3A_889 = arith.constant 0 : i32
      %parallel_loop3A_890 = arith.constant 2048 : i32
      %parallel_loop3A_891 = arith.constant 16 : i32
      scf.for %parallel_loop3A_892 = %parallel_loop3A_889 to %parallel_loop3A_890 step %parallel_loop3A_891  : i32 {
        %parallel_loop3A_893 = arith.index_cast %parallel_loop3A_888 : i32 to index
        %parallel_loop3A_894 = arith.index_cast %parallel_loop3A_892 : i32 to index
        %parallel_loop3A_895 = tpu.vector_load %arg12[%parallel_loop3A_893, %parallel_loop3A_894] {strides = array<i32>} : memref<8x2048xf32, #tpu.memory_space<vmem>>, vector<1x16xf32>,
        %parallel_loop3A_896 = vector.shape_cast %parallel_loop3A_895 : vector<1x16xf32> to vector<16xf32>
        %parallel_loop3A_897 = arith.index_cast %parallel_loop3A_888 : i32 to index
        %parallel_loop3A_898 = arith.index_cast %parallel_loop3A_892 : i32 to index
        %parallel_loop3A_899 = tpu.vector_load %arg10[%parallel_loop3A_897, %parallel_loop3A_898] {strides = array<i32>} : memref<8x2048xf32, #tpu.memory_space<vmem>>, vector<1x16xf32>,
        %parallel_loop3A_900 = vector.shape_cast %parallel_loop3A_899 : vector<1x16xf32> to vector<16xf32>
        %parallel_loop3A_901 = vector.shape_cast %parallel_loop3A_896 : vector<16xf32> to vector<1x16xf32>
        tpu.vector_store %arg10[%parallel_loop3A_897, %parallel_loop3A_898], %parallel_loop3A_901 {add = true, strides = array<i32>} : memref<8x2048xf32, #tpu.memory_space<vmem>>, vector<1x16xf32>,
      } {sc.loop_unroll_factor = 8 : i64, sc.parallel_access}
    } {sc.loop_unroll_factor = 1 : i64, sc.parallel_access}
    %add3A_268 = arith.constant 0 : i32
    %add3A_269 = arith.addi %add3A_268, %mul3A_2 : i32
    %add3A_270 = arith.constant 16 : i32
    %add3A_271 = arith.addi %add3A_269, %add3A_270 : i32
    %dma_start3A_272 = arith.constant 0 : i32
    %dma_start3A_273 = tpu.memref_slice %arg5[%add3A_271, %dma_start3A_272] : memref<8192x2048xf32, #tpu.memory_space<hbm>> -> memref<8x2048xf32, #tpu.memory_space<hbm>>
    %dma_start3A_274 = arith.constant 0 : i32
    %dma_start3A_275 = tpu.memref_slice %arg5[%add3A_271, %dma_start3A_274] : memref<8192x2048xf32, #tpu.memory_space<hbm>> -> memref<8x2048xf32, #tpu.memory_space<hbm>>
    tpu.enqueue_dma source(%arg10 : memref<8x2048xf32, #tpu.memory_space<vmem>>) target(%dma_start3A_275 : memref<8x2048xf32, #tpu.memory_space<hbm>>) target_semaphore(%arg22 : memref<!tpu.dma_semaphore, #tpu.memory_space<semaphore_mem>>)
    %dma_wait3A_276 = arith.constant 0 : i32
    %dma_wait3A_277 = tpu.memref_slice %arg5[%add3A_236, %dma_wait3A_276] : memref<8192x2048xf32, #tpu.memory_space<hbm>> -> memref<8x2048xf32, #tpu.memory_space<hbm>>
    %dma_wait3A_278 = arith.constant 0 : i32
    %dma_wait3A_279 = tpu.memref_slice %arg5[%add3A_236, %dma_wait3A_278] : memref<8192x2048xf32, #tpu.memory_space<hbm>> -> memref<8x2048xf32, #tpu.memory_space<hbm>>
    tpu.wait_dma2 semaphore(%arg21 : memref<!tpu.dma_semaphore, #tpu.memory_space<semaphore_mem>>) src(%arg9 : memref<8x2048xf32, #tpu.memory_space<vmem>>) dst(%dma_wait3A_279 : memref<8x2048xf32, #tpu.memory_space<hbm>>)
    %dma_start3A_280 = arith.constant 24 : i32
    %dma_start3A_281 = tpu.memref_slice %arg6[%dma_start3A_280] : memref<256xi32, #tpu.memory_space<vmem>> -> memref<8xi32, #tpu.memory_space<vmem>>
    %dma_start3A_282 = arith.constant 0 : i32
    %dma_start3A_283 = arith.constant 0 : i32
    %dma_start3A_284 = tpu.memref_slice %arg3[%dma_start3A_282, %dma_start3A_283] : memref<50257x2048xf32, #tpu.memory_space<hbm>> -> memref<50257x2048xf32, #tpu.memory_space<hbm>>
    tpu.enqueue_indirect_dma source(%dma_start3A_284 : memref<50257x2048xf32, #tpu.memory_space<hbm>>) target(%arg9 : memref<8x2048xf32, #tpu.memory_space<vmem>>) offsets(%dma_start3A_281 : memref<8xi32, #tpu.memory_space<vmem>>) semaphore(%arg16 : memref<!tpu.dma_semaphore, #tpu.memory_space<semaphore_mem>>)
    %dma_wait3A_285 = arith.constant 80 : i32
    %dma_wait3A_286 = tpu.memref_slice %arg6[%dma_wait3A_285] : memref<256xi32, #tpu.memory_space<vmem>> -> memref<8xi32, #tpu.memory_space<vmem>>
    %dma_wait3A_287 = arith.constant 0 : i32
    %dma_wait3A_288 = arith.constant 0 : i32
    %dma_wait3A_289 = tpu.memref_slice %arg3[%dma_wait3A_287, %dma_wait3A_288] : memref<50257x2048xf32, #tpu.memory_space<hbm>> -> memref<50257x2048xf32, #tpu.memory_space<hbm>>
    tpu.wait_indirect_dma semaphore(%arg18 : memref<!tpu.dma_semaphore, #tpu.memory_space<semaphore_mem>>) src(%dma_wait3A_289 : memref<50257x2048xf32, #tpu.memory_space<hbm>>) dst(%arg11 : memref<8x2048xf32, #tpu.memory_space<vmem>>)
    %parallel_loop3A_290 = arith.constant 0 : i32
    %parallel_loop3A_291 = arith.constant 8 : i32
    %parallel_loop3A_292 = arith.constant 1 : i32
    scf.for %parallel_loop3A_888 = %parallel_loop3A_290 to %parallel_loop3A_291 step %parallel_loop3A_292  : i32 {
      %parallel_loop3A_889 = arith.constant 0 : i32
      %parallel_loop3A_890 = arith.constant 2048 : i32
      %parallel_loop3A_891 = arith.constant 16 : i32
      scf.for %parallel_loop3A_892 = %parallel_loop3A_889 to %parallel_loop3A_890 step %parallel_loop3A_891  : i32 {
        %parallel_loop3A_893 = arith.index_cast %parallel_loop3A_888 : i32 to index
        %parallel_loop3A_894 = arith.index_cast %parallel_loop3A_892 : i32 to index
        %parallel_loop3A_895 = tpu.vector_load %arg12[%parallel_loop3A_893, %parallel_loop3A_894] {strides = array<i32>} : memref<8x2048xf32, #tpu.memory_space<vmem>>, vector<1x16xf32>,
        %parallel_loop3A_896 = vector.shape_cast %parallel_loop3A_895 : vector<1x16xf32> to vector<16xf32>
        %parallel_loop3A_897 = arith.index_cast %parallel_loop3A_888 : i32 to index
        %parallel_loop3A_898 = arith.index_cast %parallel_loop3A_892 : i32 to index
        %parallel_loop3A_899 = tpu.vector_load %arg11[%parallel_loop3A_897, %parallel_loop3A_898] {strides = array<i32>} : memref<8x2048xf32, #tpu.memory_space<vmem>>, vector<1x16xf32>,
        %parallel_loop3A_900 = vector.shape_cast %parallel_loop3A_899 : vector<1x16xf32> to vector<16xf32>
        %parallel_loop3A_901 = vector.shape_cast %parallel_loop3A_896 : vector<16xf32> to vector<1x16xf32>
        tpu.vector_store %arg11[%parallel_loop3A_897, %parallel_loop3A_898], %parallel_loop3A_901 {add = true, strides = array<i32>} : memref<8x2048xf32, #tpu.memory_space<vmem>>, vector<1x16xf32>,
      } {sc.loop_unroll_factor = 8 : i64, sc.parallel_access}
    } {sc.loop_unroll_factor = 1 : i64, sc.parallel_access}
    %add3A_293 = arith.constant 2048 : i32
    %add3A_294 = arith.addi %add3A_293, %mul3A_2 : i32
    %add3A_295 = arith.constant 16 : i32
    %add3A_296 = arith.addi %add3A_294, %add3A_295 : i32
    %dma_start3A_297 = arith.constant 0 : i32
    %dma_start3A_298 = tpu.memref_slice %arg5[%add3A_296, %dma_start3A_297] : memref<8192x2048xf32, #tpu.memory_space<hbm>> -> memref<8x2048xf32, #tpu.memory_space<hbm>>
    %dma_start3A_299 = arith.constant 0 : i32
    %dma_start3A_300 = tpu.memref_slice %arg5[%add3A_296, %dma_start3A_299] : memref<8192x2048xf32, #tpu.memory_space<hbm>> -> memref<8x2048xf32, #tpu.memory_space<hbm>>
    tpu.enqueue_dma source(%arg11 : memref<8x2048xf32, #tpu.memory_space<vmem>>) target(%dma_start3A_300 : memref<8x2048xf32, #tpu.memory_space<hbm>>) target_semaphore(%arg23 : memref<!tpu.dma_semaphore, #tpu.memory_space<semaphore_mem>>)
    %dma_wait3A_301 = arith.constant 0 : i32
    %dma_wait3A_302 = tpu.memref_slice %arg5[%add3A_271, %dma_wait3A_301] : memref<8192x2048xf32, #tpu.memory_space<hbm>> -> memref<8x2048xf32, #tpu.memory_space<hbm>>
    %dma_wait3A_303 = arith.constant 0 : i32
    %dma_wait3A_304 = tpu.memref_slice %arg5[%add3A_271, %dma_wait3A_303] : memref<8192x2048xf32, #tpu.memory_space<hbm>> -> memref<8x2048xf32, #tpu.memory_space<hbm>>
    tpu.wait_dma2 semaphore(%arg22 : memref<!tpu.dma_semaphore, #tpu.memory_space<semaphore_mem>>) src(%arg10 : memref<8x2048xf32, #tpu.memory_space<vmem>>) dst(%dma_wait3A_304 : memref<8x2048xf32, #tpu.memory_space<hbm>>)
    %dma_start3A_305 = arith.constant 88 : i32
    %dma_start3A_306 = tpu.memref_slice %arg6[%dma_start3A_305] : memref<256xi32, #tpu.memory_space<vmem>> -> memref<8xi32, #tpu.memory_space<vmem>>
    %dma_start3A_307 = arith.constant 0 : i32
    %dma_start3A_308 = arith.constant 0 : i32
    %dma_start3A_309 = tpu.memref_slice %arg3[%dma_start3A_307, %dma_start3A_308] : memref<50257x2048xf32, #tpu.memory_space<hbm>> -> memref<50257x2048xf32, #tpu.memory_space<hbm>>
    tpu.enqueue_indirect_dma source(%dma_start3A_309 : memref<50257x2048xf32, #tpu.memory_space<hbm>>) target(%arg10 : memref<8x2048xf32, #tpu.memory_space<vmem>>) offsets(%dma_start3A_306 : memref<8xi32, #tpu.memory_space<vmem>>) semaphore(%arg17 : memref<!tpu.dma_semaphore, #tpu.memory_space<semaphore_mem>>)
    %dma_wait3A_310 = arith.constant 144 : i32
    %dma_wait3A_311 = tpu.memref_slice %arg6[%dma_wait3A_310] : memref<256xi32, #tpu.memory_space<vmem>> -> memref<8xi32, #tpu.memory_space<vmem>>
    %dma_wait3A_312 = arith.constant 0 : i32
    %dma_wait3A_313 = arith.constant 0 : i32
    %dma_wait3A_314 = tpu.memref_slice %arg3[%dma_wait3A_312, %dma_wait3A_313] : memref<50257x2048xf32, #tpu.memory_space<hbm>> -> memref<50257x2048xf32, #tpu.memory_space<hbm>>
    tpu.wait_indirect_dma semaphore(%arg14 : memref<!tpu.dma_semaphore, #tpu.memory_space<semaphore_mem>>) src(%dma_wait3A_314 : memref<50257x2048xf32, #tpu.memory_space<hbm>>) dst(%arg7 : memref<8x2048xf32, #tpu.memory_space<vmem>>)
    %parallel_loop3A_315 = arith.constant 0 : i32
    %parallel_loop3A_316 = arith.constant 8 : i32
    %parallel_loop3A_317 = arith.constant 1 : i32
    scf.for %parallel_loop3A_888 = %parallel_loop3A_315 to %parallel_loop3A_316 step %parallel_loop3A_317  : i32 {
      %parallel_loop3A_889 = arith.constant 0 : i32
      %parallel_loop3A_890 = arith.constant 2048 : i32
      %parallel_loop3A_891 = arith.constant 16 : i32
      scf.for %parallel_loop3A_892 = %parallel_loop3A_889 to %parallel_loop3A_890 step %parallel_loop3A_891  : i32 {
        %parallel_loop3A_893 = arith.index_cast %parallel_loop3A_888 : i32 to index
        %parallel_loop3A_894 = arith.index_cast %parallel_loop3A_892 : i32 to index
        %parallel_loop3A_895 = tpu.vector_load %arg12[%parallel_loop3A_893, %parallel_loop3A_894] {strides = array<i32>} : memref<8x2048xf32, #tpu.memory_space<vmem>>, vector<1x16xf32>,
        %parallel_loop3A_896 = vector.shape_cast %parallel_loop3A_895 : vector<1x16xf32> to vector<16xf32>
        %parallel_loop3A_897 = arith.index_cast %parallel_loop3A_888 : i32 to index
        %parallel_loop3A_898 = arith.index_cast %parallel_loop3A_892 : i32 to index
        %parallel_loop3A_899 = tpu.vector_load %arg7[%parallel_loop3A_897, %parallel_loop3A_898] {strides = array<i32>} : memref<8x2048xf32, #tpu.memory_space<vmem>>, vector<1x16xf32>,
        %parallel_loop3A_900 = vector.shape_cast %parallel_loop3A_899 : vector<1x16xf32> to vector<16xf32>
        %parallel_loop3A_901 = vector.shape_cast %parallel_loop3A_896 : vector<16xf32> to vector<1x16xf32>
        tpu.vector_store %arg7[%parallel_loop3A_897, %parallel_loop3A_898], %parallel_loop3A_901 {add = true, strides = array<i32>} : memref<8x2048xf32, #tpu.memory_space<vmem>>, vector<1x16xf32>,
      } {sc.loop_unroll_factor = 8 : i64, sc.parallel_access}
    } {sc.loop_unroll_factor = 1 : i64, sc.parallel_access}
    %add3A_318 = arith.constant 4096 : i32
    %add3A_319 = arith.addi %add3A_318, %mul3A_2 : i32
    %add3A_320 = arith.constant 16 : i32
    %add3A_321 = arith.addi %add3A_319, %add3A_320 : i32
    %dma_start3A_322 = arith.constant 0 : i32
    %dma_start3A_323 = tpu.memref_slice %arg5[%add3A_321, %dma_start3A_322] : memref<8192x2048xf32, #tpu.memory_space<hbm>> -> memref<8x2048xf32, #tpu.memory_space<hbm>>
    %dma_start3A_324 = arith.constant 0 : i32
    %dma_start3A_325 = tpu.memref_slice %arg5[%add3A_321, %dma_start3A_324] : memref<8192x2048xf32, #tpu.memory_space<hbm>> -> memref<8x2048xf32, #tpu.memory_space<hbm>>
    tpu.enqueue_dma source(%arg7 : memref<8x2048xf32, #tpu.memory_space<vmem>>) target(%dma_start3A_325 : memref<8x2048xf32, #tpu.memory_space<hbm>>) target_semaphore(%arg19 : memref<!tpu.dma_semaphore, #tpu.memory_space<semaphore_mem>>)
    %dma_wait3A_326 = arith.constant 0 : i32
    %dma_wait3A_327 = tpu.memref_slice %arg5[%add3A_296, %dma_wait3A_326] : memref<8192x2048xf32, #tpu.memory_space<hbm>> -> memref<8x2048xf32, #tpu.memory_space<hbm>>
    %dma_wait3A_328 = arith.constant 0 : i32
    %dma_wait3A_329 = tpu.memref_slice %arg5[%add3A_296, %dma_wait3A_328] : memref<8192x2048xf32, #tpu.memory_space<hbm>> -> memref<8x2048xf32, #tpu.memory_space<hbm>>
    tpu.wait_dma2 semaphore(%arg23 : memref<!tpu.dma_semaphore, #tpu.memory_space<semaphore_mem>>) src(%arg11 : memref<8x2048xf32, #tpu.memory_space<vmem>>) dst(%dma_wait3A_329 : memref<8x2048xf32, #tpu.memory_space<hbm>>)
    %dma_start3A_330 = arith.constant 152 : i32
    %dma_start3A_331 = tpu.memref_slice %arg6[%dma_start3A_330] : memref<256xi32, #tpu.memory_space<vmem>> -> memref<8xi32, #tpu.memory_space<vmem>>
    %dma_start3A_332 = arith.constant 0 : i32
    %dma_start3A_333 = arith.constant 0 : i32
    %dma_start3A_334 = tpu.memref_slice %arg3[%dma_start3A_332, %dma_start3A_333] : memref<50257x2048xf32, #tpu.memory_space<hbm>> -> memref<50257x2048xf32, #tpu.memory_space<hbm>>
    tpu.enqueue_indirect_dma source(%dma_start3A_334 : memref<50257x2048xf32, #tpu.memory_space<hbm>>) target(%arg11 : memref<8x2048xf32, #tpu.memory_space<vmem>>) offsets(%dma_start3A_331 : memref<8xi32, #tpu.memory_space<vmem>>) semaphore(%arg18 : memref<!tpu.dma_semaphore, #tpu.memory_space<semaphore_mem>>)
    %dma_wait3A_335 = arith.constant 208 : i32
    %dma_wait3A_336 = tpu.memref_slice %arg6[%dma_wait3A_335] : memref<256xi32, #tpu.memory_space<vmem>> -> memref<8xi32, #tpu.memory_space<vmem>>
    %dma_wait3A_337 = arith.constant 0 : i32
    %dma_wait3A_338 = arith.constant 0 : i32
    %dma_wait3A_339 = tpu.memref_slice %arg3[%dma_wait3A_337, %dma_wait3A_338] : memref<50257x2048xf32, #tpu.memory_space<hbm>> -> memref<50257x2048xf32, #tpu.memory_space<hbm>>
    tpu.wait_indirect_dma semaphore(%arg15 : memref<!tpu.dma_semaphore, #tpu.memory_space<semaphore_mem>>) src(%dma_wait3A_339 : memref<50257x2048xf32, #tpu.memory_space<hbm>>) dst(%arg8 : memref<8x2048xf32, #tpu.memory_space<vmem>>)
    %parallel_loop3A_340 = arith.constant 0 : i32
    %parallel_loop3A_341 = arith.constant 8 : i32
    %parallel_loop3A_342 = arith.constant 1 : i32
    scf.for %parallel_loop3A_888 = %parallel_loop3A_340 to %parallel_loop3A_341 step %parallel_loop3A_342  : i32 {
      %parallel_loop3A_889 = arith.constant 0 : i32
      %parallel_loop3A_890 = arith.constant 2048 : i32
      %parallel_loop3A_891 = arith.constant 16 : i32
      scf.for %parallel_loop3A_892 = %parallel_loop3A_889 to %parallel_loop3A_890 step %parallel_loop3A_891  : i32 {
        %parallel_loop3A_893 = arith.index_cast %parallel_loop3A_888 : i32 to index
        %parallel_loop3A_894 = arith.index_cast %parallel_loop3A_892 : i32 to index
        %parallel_loop3A_895 = tpu.vector_load %arg12[%parallel_loop3A_893, %parallel_loop3A_894] {strides = array<i32>} : memref<8x2048xf32, #tpu.memory_space<vmem>>, vector<1x16xf32>,
        %parallel_loop3A_896 = vector.shape_cast %parallel_loop3A_895 : vector<1x16xf32> to vector<16xf32>
        %parallel_loop3A_897 = arith.index_cast %parallel_loop3A_888 : i32 to index
        %parallel_loop3A_898 = arith.index_cast %parallel_loop3A_892 : i32 to index
        %parallel_loop3A_899 = tpu.vector_load %arg8[%parallel_loop3A_897, %parallel_loop3A_898] {strides = array<i32>} : memref<8x2048xf32, #tpu.memory_space<vmem>>, vector<1x16xf32>,
        %parallel_loop3A_900 = vector.shape_cast %parallel_loop3A_899 : vector<1x16xf32> to vector<16xf32>
        %parallel_loop3A_901 = vector.shape_cast %parallel_loop3A_896 : vector<16xf32> to vector<1x16xf32>
        tpu.vector_store %arg8[%parallel_loop3A_897, %parallel_loop3A_898], %parallel_loop3A_901 {add = true, strides = array<i32>} : memref<8x2048xf32, #tpu.memory_space<vmem>>, vector<1x16xf32>,
      } {sc.loop_unroll_factor = 8 : i64, sc.parallel_access}
    } {sc.loop_unroll_factor = 1 : i64, sc.parallel_access}
    %add3A_343 = arith.constant 6144 : i32
    %add3A_344 = arith.addi %add3A_343, %mul3A_2 : i32
    %add3A_345 = arith.constant 16 : i32
    %add3A_346 = arith.addi %add3A_344, %add3A_345 : i32
    %dma_start3A_347 = arith.constant 0 : i32
    %dma_start3A_348 = tpu.memref_slice %arg5[%add3A_346, %dma_start3A_347] : memref<8192x2048xf32, #tpu.memory_space<hbm>> -> memref<8x2048xf32, #tpu.memory_space<hbm>>
    %dma_start3A_349 = arith.constant 0 : i32
    %dma_start3A_350 = tpu.memref_slice %arg5[%add3A_346, %dma_start3A_349] : memref<8192x2048xf32, #tpu.memory_space<hbm>> -> memref<8x2048xf32, #tpu.memory_space<hbm>>
    tpu.enqueue_dma source(%arg8 : memref<8x2048xf32, #tpu.memory_space<vmem>>) target(%dma_start3A_350 : memref<8x2048xf32, #tpu.memory_space<hbm>>) target_semaphore(%arg20 : memref<!tpu.dma_semaphore, #tpu.memory_space<semaphore_mem>>)
    %add3A_351 = arith.constant 32 : i32
    %add3A_352 = arith.addi %mul3A_2, %add3A_351 : i32
    %dma_start3A_353 = arith.constant 0 : i32
    %dma_start3A_354 = tpu.memref_slice %arg4[%add3A_352, %dma_start3A_353] : memref<2048x2048xf32, #tpu.memory_space<hbm>> -> memref<8x2048xf32, #tpu.memory_space<hbm>>
    %dma_start3A_355 = arith.constant 0 : i32
    %dma_start3A_356 = tpu.memref_slice %arg4[%add3A_352, %dma_start3A_355] : memref<2048x2048xf32, #tpu.memory_space<hbm>> -> memref<8x2048xf32, #tpu.memory_space<hbm>>
    tpu.enqueue_dma source(%dma_start3A_356 : memref<8x2048xf32, #tpu.memory_space<hbm>>) target(%arg12 : memref<8x2048xf32, #tpu.memory_space<vmem>>) target_semaphore(%arg24 : memref<!tpu.dma_semaphore, #tpu.memory_space<semaphore_mem>>)
    %dma_wait3A_357 = arith.constant 0 : i32
    %dma_wait3A_358 = tpu.memref_slice %arg5[%add3A_321, %dma_wait3A_357] : memref<8192x2048xf32, #tpu.memory_space<hbm>> -> memref<8x2048xf32, #tpu.memory_space<hbm>>
    %dma_wait3A_359 = arith.constant 0 : i32
    %dma_wait3A_360 = tpu.memref_slice %arg5[%add3A_321, %dma_wait3A_359] : memref<8192x2048xf32, #tpu.memory_space<hbm>> -> memref<8x2048xf32, #tpu.memory_space<hbm>>
    tpu.wait_dma2 semaphore(%arg19 : memref<!tpu.dma_semaphore, #tpu.memory_space<semaphore_mem>>) src(%arg7 : memref<8x2048xf32, #tpu.memory_space<vmem>>) dst(%dma_wait3A_360 : memref<8x2048xf32, #tpu.memory_space<hbm>>)
    %dma_start3A_361 = arith.constant 216 : i32
    %dma_start3A_362 = tpu.memref_slice %arg6[%dma_start3A_361] : memref<256xi32, #tpu.memory_space<vmem>> -> memref<8xi32, #tpu.memory_space<vmem>>
    %dma_start3A_363 = arith.constant 0 : i32
    %dma_start3A_364 = arith.constant 0 : i32
    %dma_start3A_365 = tpu.memref_slice %arg3[%dma_start3A_363, %dma_start3A_364] : memref<50257x2048xf32, #tpu.memory_space<hbm>> -> memref<50257x2048xf32, #tpu.memory_space<hbm>>
    tpu.enqueue_indirect_dma source(%dma_start3A_365 : memref<50257x2048xf32, #tpu.memory_space<hbm>>) target(%arg7 : memref<8x2048xf32, #tpu.memory_space<vmem>>) offsets(%dma_start3A_362 : memref<8xi32, #tpu.memory_space<vmem>>) semaphore(%arg14 : memref<!tpu.dma_semaphore, #tpu.memory_space<semaphore_mem>>)
    %dma_wait3A_366 = arith.constant 0 : i32
    %dma_wait3A_367 = tpu.memref_slice %arg4[%add3A_242, %dma_wait3A_366] : memref<2048x2048xf32, #tpu.memory_space<hbm>> -> memref<8x2048xf32, #tpu.memory_space<hbm>>
    %dma_wait3A_368 = arith.constant 0 : i32
    %dma_wait3A_369 = tpu.memref_slice %arg4[%add3A_242, %dma_wait3A_368] : memref<2048x2048xf32, #tpu.memory_space<hbm>> -> memref<8x2048xf32, #tpu.memory_space<hbm>>
    tpu.wait_dma2 semaphore(%arg25 : memref<!tpu.dma_semaphore, #tpu.memory_space<semaphore_mem>>) src(%dma_wait3A_369 : memref<8x2048xf32, #tpu.memory_space<hbm>>) dst(%arg13 : memref<8x2048xf32, #tpu.memory_space<vmem>>)
    %dma_wait3A_370 = arith.constant 24 : i32
    %dma_wait3A_371 = tpu.memref_slice %arg6[%dma_wait3A_370] : memref<256xi32, #tpu.memory_space<vmem>> -> memref<8xi32, #tpu.memory_space<vmem>>
    %dma_wait3A_372 = arith.constant 0 : i32
    %dma_wait3A_373 = arith.constant 0 : i32
    %dma_wait3A_374 = tpu.memref_slice %arg3[%dma_wait3A_372, %dma_wait3A_373] : memref<50257x2048xf32, #tpu.memory_space<hbm>> -> memref<50257x2048xf32, #tpu.memory_space<hbm>>
    tpu.wait_indirect_dma semaphore(%arg16 : memref<!tpu.dma_semaphore, #tpu.memory_space<semaphore_mem>>) src(%dma_wait3A_374 : memref<50257x2048xf32, #tpu.memory_space<hbm>>) dst(%arg9 : memref<8x2048xf32, #tpu.memory_space<vmem>>)
    %parallel_loop3A_375 = arith.constant 0 : i32
    %parallel_loop3A_376 = arith.constant 8 : i32
    %parallel_loop3A_377 = arith.constant 1 : i32
    scf.for %parallel_loop3A_888 = %parallel_loop3A_375 to %parallel_loop3A_376 step %parallel_loop3A_377  : i32 {
      %parallel_loop3A_889 = arith.constant 0 : i32
      %parallel_loop3A_890 = arith.constant 2048 : i32
      %parallel_loop3A_891 = arith.constant 16 : i32
      scf.for %parallel_loop3A_892 = %parallel_loop3A_889 to %parallel_loop3A_890 step %parallel_loop3A_891  : i32 {
        %parallel_loop3A_893 = arith.index_cast %parallel_loop3A_888 : i32 to index
        %parallel_loop3A_894 = arith.index_cast %parallel_loop3A_892 : i32 to index
        %parallel_loop3A_895 = tpu.vector_load %arg13[%parallel_loop3A_893, %parallel_loop3A_894] {strides = array<i32>} : memref<8x2048xf32, #tpu.memory_space<vmem>>, vector<1x16xf32>,
        %parallel_loop3A_896 = vector.shape_cast %parallel_loop3A_895 : vector<1x16xf32> to vector<16xf32>
        %parallel_loop3A_897 = arith.index_cast %parallel_loop3A_888 : i32 to index
        %parallel_loop3A_898 = arith.index_cast %parallel_loop3A_892 : i32 to index
        %parallel_loop3A_899 = tpu.vector_load %arg9[%parallel_loop3A_897, %parallel_loop3A_898] {strides = array<i32>} : memref<8x2048xf32, #tpu.memory_space<vmem>>, vector<1x16xf32>,
        %parallel_loop3A_900 = vector.shape_cast %parallel_loop3A_899 : vector<1x16xf32> to vector<16xf32>
        %parallel_loop3A_901 = vector.shape_cast %parallel_loop3A_896 : vector<16xf32> to vector<1x16xf32>
        tpu.vector_store %arg9[%parallel_loop3A_897, %parallel_loop3A_898], %parallel_loop3A_901 {add = true, strides = array<i32>} : memref<8x2048xf32, #tpu.memory_space<vmem>>, vector<1x16xf32>,
      } {sc.loop_unroll_factor = 8 : i64, sc.parallel_access}
    } {sc.loop_unroll_factor = 1 : i64, sc.parallel_access}
    %add3A_378 = arith.constant 0 : i32
    %add3A_379 = arith.addi %add3A_378, %mul3A_2 : i32
    %add3A_380 = arith.constant 24 : i32
    %add3A_381 = arith.addi %add3A_379, %add3A_380 : i32
    %dma_start3A_382 = arith.constant 0 : i32
    %dma_start3A_383 = tpu.memref_slice %arg5[%add3A_381, %dma_start3A_382] : memref<8192x2048xf32, #tpu.memory_space<hbm>> -> memref<8x2048xf32, #tpu.memory_space<hbm>>
    %dma_start3A_384 = arith.constant 0 : i32
    %dma_start3A_385 = tpu.memref_slice %arg5[%add3A_381, %dma_start3A_384] : memref<8192x2048xf32, #tpu.memory_space<hbm>> -> memref<8x2048xf32, #tpu.memory_space<hbm>>
    tpu.enqueue_dma source(%arg9 : memref<8x2048xf32, #tpu.memory_space<vmem>>) target(%dma_start3A_385 : memref<8x2048xf32, #tpu.memory_space<hbm>>) target_semaphore(%arg21 : memref<!tpu.dma_semaphore, #tpu.memory_space<semaphore_mem>>)
    %dma_wait3A_386 = arith.constant 0 : i32
    %dma_wait3A_387 = tpu.memref_slice %arg5[%add3A_346, %dma_wait3A_386] : memref<8192x2048xf32, #tpu.memory_space<hbm>> -> memref<8x2048xf32, #tpu.memory_space<hbm>>
    %dma_wait3A_388 = arith.constant 0 : i32
    %dma_wait3A_389 = tpu.memref_slice %arg5[%add3A_346, %dma_wait3A_388] : memref<8192x2048xf32, #tpu.memory_space<hbm>> -> memref<8x2048xf32, #tpu.memory_space<hbm>>
    tpu.wait_dma2 semaphore(%arg20 : memref<!tpu.dma_semaphore, #tpu.memory_space<semaphore_mem>>) src(%arg8 : memref<8x2048xf32, #tpu.memory_space<vmem>>) dst(%dma_wait3A_389 : memref<8x2048xf32, #tpu.memory_space<hbm>>)
    %dma_start3A_390 = arith.constant 32 : i32
    %dma_start3A_391 = tpu.memref_slice %arg6[%dma_start3A_390] : memref<256xi32, #tpu.memory_space<vmem>> -> memref<8xi32, #tpu.memory_space<vmem>>
    %dma_start3A_392 = arith.constant 0 : i32
    %dma_start3A_393 = arith.constant 0 : i32
    %dma_start3A_394 = tpu.memref_slice %arg3[%dma_start3A_392, %dma_start3A_393] : memref<50257x2048xf32, #tpu.memory_space<hbm>> -> memref<50257x2048xf32, #tpu.memory_space<hbm>>
    tpu.enqueue_indirect_dma source(%dma_start3A_394 : memref<50257x2048xf32, #tpu.memory_space<hbm>>) target(%arg8 : memref<8x2048xf32, #tpu.memory_space<vmem>>) offsets(%dma_start3A_391 : memref<8xi32, #tpu.memory_space<vmem>>) semaphore(%arg15 : memref<!tpu.dma_semaphore, #tpu.memory_space<semaphore_mem>>)
    %dma_wait3A_395 = arith.constant 88 : i32
    %dma_wait3A_396 = tpu.memref_slice %arg6[%dma_wait3A_395] : memref<256xi32, #tpu.memory_space<vmem>> -> memref<8xi32, #tpu.memory_space<vmem>>
    %dma_wait3A_397 = arith.constant 0 : i32
    %dma_wait3A_398 = arith.constant 0 : i32
    %dma_wait3A_399 = tpu.memref_slice %arg3[%dma_wait3A_397, %dma_wait3A_398] : memref<50257x2048xf32, #tpu.memory_space<hbm>> -> memref<50257x2048xf32, #tpu.memory_space<hbm>>
    tpu.wait_indirect_dma semaphore(%arg17 : memref<!tpu.dma_semaphore, #tpu.memory_space<semaphore_mem>>) src(%dma_wait3A_399 : memref<50257x2048xf32, #tpu.memory_space<hbm>>) dst(%arg10 : memref<8x2048xf32, #tpu.memory_space<vmem>>)
    %parallel_loop3A_400 = arith.constant 0 : i32
    %parallel_loop3A_401 = arith.constant 8 : i32
    %parallel_loop3A_402 = arith.constant 1 : i32
    scf.for %parallel_loop3A_888 = %parallel_loop3A_400 to %parallel_loop3A_401 step %parallel_loop3A_402  : i32 {
      %parallel_loop3A_889 = arith.constant 0 : i32
      %parallel_loop3A_890 = arith.constant 2048 : i32
      %parallel_loop3A_891 = arith.constant 16 : i32
      scf.for %parallel_loop3A_892 = %parallel_loop3A_889 to %parallel_loop3A_890 step %parallel_loop3A_891  : i32 {
        %parallel_loop3A_893 = arith.index_cast %parallel_loop3A_888 : i32 to index
        %parallel_loop3A_894 = arith.index_cast %parallel_loop3A_892 : i32 to index
        %parallel_loop3A_895 = tpu.vector_load %arg13[%parallel_loop3A_893, %parallel_loop3A_894] {strides = array<i32>} : memref<8x2048xf32, #tpu.memory_space<vmem>>, vector<1x16xf32>,
        %parallel_loop3A_896 = vector.shape_cast %parallel_loop3A_895 : vector<1x16xf32> to vector<16xf32>
        %parallel_loop3A_897 = arith.index_cast %parallel_loop3A_888 : i32 to index
        %parallel_loop3A_898 = arith.index_cast %parallel_loop3A_892 : i32 to index
        %parallel_loop3A_899 = tpu.vector_load %arg10[%parallel_loop3A_897, %parallel_loop3A_898] {strides = array<i32>} : memref<8x2048xf32, #tpu.memory_space<vmem>>, vector<1x16xf32>,
        %parallel_loop3A_900 = vector.shape_cast %parallel_loop3A_899 : vector<1x16xf32> to vector<16xf32>
        %parallel_loop3A_901 = vector.shape_cast %parallel_loop3A_896 : vector<16xf32> to vector<1x16xf32>
        tpu.vector_store %arg10[%parallel_loop3A_897, %parallel_loop3A_898], %parallel_loop3A_901 {add = true, strides = array<i32>} : memref<8x2048xf32, #tpu.memory_space<vmem>>, vector<1x16xf32>,
      } {sc.loop_unroll_factor = 8 : i64, sc.parallel_access}
    } {sc.loop_unroll_factor = 1 : i64, sc.parallel_access}
    %add3A_403 = arith.constant 2048 : i32
    %add3A_404 = arith.addi %add3A_403, %mul3A_2 : i32
    %add3A_405 = arith.constant 24 : i32
    %add3A_406 = arith.addi %add3A_404, %add3A_405 : i32
    %dma_start3A_407 = arith.constant 0 : i32
    %dma_start3A_408 = tpu.memref_slice %arg5[%add3A_406, %dma_start3A_407] : memref<8192x2048xf32, #tpu.memory_space<hbm>> -> memref<8x2048xf32, #tpu.memory_space<hbm>>
    %dma_start3A_409 = arith.constant 0 : i32
    %dma_start3A_410 = tpu.memref_slice %arg5[%add3A_406, %dma_start3A_409] : memref<8192x2048xf32, #tpu.memory_space<hbm>> -> memref<8x2048xf32, #tpu.memory_space<hbm>>
    tpu.enqueue_dma source(%arg10 : memref<8x2048xf32, #tpu.memory_space<vmem>>) target(%dma_start3A_410 : memref<8x2048xf32, #tpu.memory_space<hbm>>) target_semaphore(%arg22 : memref<!tpu.dma_semaphore, #tpu.memory_space<semaphore_mem>>)
    %dma_wait3A_411 = arith.constant 0 : i32
    %dma_wait3A_412 = tpu.memref_slice %arg5[%add3A_381, %dma_wait3A_411] : memref<8192x2048xf32, #tpu.memory_space<hbm>> -> memref<8x2048xf32, #tpu.memory_space<hbm>>
    %dma_wait3A_413 = arith.constant 0 : i32
    %dma_wait3A_414 = tpu.memref_slice %arg5[%add3A_381, %dma_wait3A_413] : memref<8192x2048xf32, #tpu.memory_space<hbm>> -> memref<8x2048xf32, #tpu.memory_space<hbm>>
    tpu.wait_dma2 semaphore(%arg21 : memref<!tpu.dma_semaphore, #tpu.memory_space<semaphore_mem>>) src(%arg9 : memref<8x2048xf32, #tpu.memory_space<vmem>>) dst(%dma_wait3A_414 : memref<8x2048xf32, #tpu.memory_space<hbm>>)
    %dma_start3A_415 = arith.constant 96 : i32
    %dma_start3A_416 = tpu.memref_slice %arg6[%dma_start3A_415] : memref<256xi32, #tpu.memory_space<vmem>> -> memref<8xi32, #tpu.memory_space<vmem>>
    %dma_start3A_417 = arith.constant 0 : i32
    %dma_start3A_418 = arith.constant 0 : i32
    %dma_start3A_419 = tpu.memref_slice %arg3[%dma_start3A_417, %dma_start3A_418] : memref<50257x2048xf32, #tpu.memory_space<hbm>> -> memref<50257x2048xf32, #tpu.memory_space<hbm>>
    tpu.enqueue_indirect_dma source(%dma_start3A_419 : memref<50257x2048xf32, #tpu.memory_space<hbm>>) target(%arg9 : memref<8x2048xf32, #tpu.memory_space<vmem>>) offsets(%dma_start3A_416 : memref<8xi32, #tpu.memory_space<vmem>>) semaphore(%arg16 : memref<!tpu.dma_semaphore, #tpu.memory_space<semaphore_mem>>)
    %dma_wait3A_420 = arith.constant 152 : i32
    %dma_wait3A_421 = tpu.memref_slice %arg6[%dma_wait3A_420] : memref<256xi32, #tpu.memory_space<vmem>> -> memref<8xi32, #tpu.memory_space<vmem>>
    %dma_wait3A_422 = arith.constant 0 : i32
    %dma_wait3A_423 = arith.constant 0 : i32
    %dma_wait3A_424 = tpu.memref_slice %arg3[%dma_wait3A_422, %dma_wait3A_423] : memref<50257x2048xf32, #tpu.memory_space<hbm>> -> memref<50257x2048xf32, #tpu.memory_space<hbm>>
    tpu.wait_indirect_dma semaphore(%arg18 : memref<!tpu.dma_semaphore, #tpu.memory_space<semaphore_mem>>) src(%dma_wait3A_424 : memref<50257x2048xf32, #tpu.memory_space<hbm>>) dst(%arg11 : memref<8x2048xf32, #tpu.memory_space<vmem>>)
    %parallel_loop3A_425 = arith.constant 0 : i32
    %parallel_loop3A_426 = arith.constant 8 : i32
    %parallel_loop3A_427 = arith.constant 1 : i32
    scf.for %parallel_loop3A_888 = %parallel_loop3A_425 to %parallel_loop3A_426 step %parallel_loop3A_427  : i32 {
      %parallel_loop3A_889 = arith.constant 0 : i32
      %parallel_loop3A_890 = arith.constant 2048 : i32
      %parallel_loop3A_891 = arith.constant 16 : i32
      scf.for %parallel_loop3A_892 = %parallel_loop3A_889 to %parallel_loop3A_890 step %parallel_loop3A_891  : i32 {
        %parallel_loop3A_893 = arith.index_cast %parallel_loop3A_888 : i32 to index
        %parallel_loop3A_894 = arith.index_cast %parallel_loop3A_892 : i32 to index
        %parallel_loop3A_895 = tpu.vector_load %arg13[%parallel_loop3A_893, %parallel_loop3A_894] {strides = array<i32>} : memref<8x2048xf32, #tpu.memory_space<vmem>>, vector<1x16xf32>,
        %parallel_loop3A_896 = vector.shape_cast %parallel_loop3A_895 : vector<1x16xf32> to vector<16xf32>
        %parallel_loop3A_897 = arith.index_cast %parallel_loop3A_888 : i32 to index
        %parallel_loop3A_898 = arith.index_cast %parallel_loop3A_892 : i32 to index
        %parallel_loop3A_899 = tpu.vector_load %arg11[%parallel_loop3A_897, %parallel_loop3A_898] {strides = array<i32>} : memref<8x2048xf32, #tpu.memory_space<vmem>>, vector<1x16xf32>,
        %parallel_loop3A_900 = vector.shape_cast %parallel_loop3A_899 : vector<1x16xf32> to vector<16xf32>
        %parallel_loop3A_901 = vector.shape_cast %parallel_loop3A_896 : vector<16xf32> to vector<1x16xf32>
        tpu.vector_store %arg11[%parallel_loop3A_897, %parallel_loop3A_898], %parallel_loop3A_901 {add = true, strides = array<i32>} : memref<8x2048xf32, #tpu.memory_space<vmem>>, vector<1x16xf32>,
      } {sc.loop_unroll_factor = 8 : i64, sc.parallel_access}
    } {sc.loop_unroll_factor = 1 : i64, sc.parallel_access}
    %add3A_428 = arith.constant 4096 : i32
    %add3A_429 = arith.addi %add3A_428, %mul3A_2 : i32
    %add3A_430 = arith.constant 24 : i32
    %add3A_431 = arith.addi %add3A_429, %add3A_430 : i32
    %dma_start3A_432 = arith.constant 0 : i32
    %dma_start3A_433 = tpu.memref_slice %arg5[%add3A_431, %dma_start3A_432] : memref<8192x2048xf32, #tpu.memory_space<hbm>> -> memref<8x2048xf32, #tpu.memory_space<hbm>>
    %dma_start3A_434 = arith.constant 0 : i32
    %dma_start3A_435 = tpu.memref_slice %arg5[%add3A_431, %dma_start3A_434] : memref<8192x2048xf32, #tpu.memory_space<hbm>> -> memref<8x2048xf32, #tpu.memory_space<hbm>>
    tpu.enqueue_dma source(%arg11 : memref<8x2048xf32, #tpu.memory_space<vmem>>) target(%dma_start3A_435 : memref<8x2048xf32, #tpu.memory_space<hbm>>) target_semaphore(%arg23 : memref<!tpu.dma_semaphore, #tpu.memory_space<semaphore_mem>>)
    %dma_wait3A_436 = arith.constant 0 : i32
    %dma_wait3A_437 = tpu.memref_slice %arg5[%add3A_406, %dma_wait3A_436] : memref<8192x2048xf32, #tpu.memory_space<hbm>> -> memref<8x2048xf32, #tpu.memory_space<hbm>>
    %dma_wait3A_438 = arith.constant 0 : i32
    %dma_wait3A_439 = tpu.memref_slice %arg5[%add3A_406, %dma_wait3A_438] : memref<8192x2048xf32, #tpu.memory_space<hbm>> -> memref<8x2048xf32, #tpu.memory_space<hbm>>
    tpu.wait_dma2 semaphore(%arg22 : memref<!tpu.dma_semaphore, #tpu.memory_space<semaphore_mem>>) src(%arg10 : memref<8x2048xf32, #tpu.memory_space<vmem>>) dst(%dma_wait3A_439 : memref<8x2048xf32, #tpu.memory_space<hbm>>)
    %dma_start3A_440 = arith.constant 160 : i32
    %dma_start3A_441 = tpu.memref_slice %arg6[%dma_start3A_440] : memref<256xi32, #tpu.memory_space<vmem>> -> memref<8xi32, #tpu.memory_space<vmem>>
    %dma_start3A_442 = arith.constant 0 : i32
    %dma_start3A_443 = arith.constant 0 : i32
    %dma_start3A_444 = tpu.memref_slice %arg3[%dma_start3A_442, %dma_start3A_443] : memref<50257x2048xf32, #tpu.memory_space<hbm>> -> memref<50257x2048xf32, #tpu.memory_space<hbm>>
    tpu.enqueue_indirect_dma source(%dma_start3A_444 : memref<50257x2048xf32, #tpu.memory_space<hbm>>) target(%arg10 : memref<8x2048xf32, #tpu.memory_space<vmem>>) offsets(%dma_start3A_441 : memref<8xi32, #tpu.memory_space<vmem>>) semaphore(%arg17 : memref<!tpu.dma_semaphore, #tpu.memory_space<semaphore_mem>>)
    %dma_wait3A_445 = arith.constant 216 : i32
    %dma_wait3A_446 = tpu.memref_slice %arg6[%dma_wait3A_445] : memref<256xi32, #tpu.memory_space<vmem>> -> memref<8xi32, #tpu.memory_space<vmem>>
    %dma_wait3A_447 = arith.constant 0 : i32
    %dma_wait3A_448 = arith.constant 0 : i32
    %dma_wait3A_449 = tpu.memref_slice %arg3[%dma_wait3A_447, %dma_wait3A_448] : memref<50257x2048xf32, #tpu.memory_space<hbm>> -> memref<50257x2048xf32, #tpu.memory_space<hbm>>
    tpu.wait_indirect_dma semaphore(%arg14 : memref<!tpu.dma_semaphore, #tpu.memory_space<semaphore_mem>>) src(%dma_wait3A_449 : memref<50257x2048xf32, #tpu.memory_space<hbm>>) dst(%arg7 : memref<8x2048xf32, #tpu.memory_space<vmem>>)
    %parallel_loop3A_450 = arith.constant 0 : i32
    %parallel_loop3A_451 = arith.constant 8 : i32
    %parallel_loop3A_452 = arith.constant 1 : i32
    scf.for %parallel_loop3A_888 = %parallel_loop3A_450 to %parallel_loop3A_451 step %parallel_loop3A_452  : i32 {
      %parallel_loop3A_889 = arith.constant 0 : i32
      %parallel_loop3A_890 = arith.constant 2048 : i32
      %parallel_loop3A_891 = arith.constant 16 : i32
      scf.for %parallel_loop3A_892 = %parallel_loop3A_889 to %parallel_loop3A_890 step %parallel_loop3A_891  : i32 {
        %parallel_loop3A_893 = arith.index_cast %parallel_loop3A_888 : i32 to index
        %parallel_loop3A_894 = arith.index_cast %parallel_loop3A_892 : i32 to index
        %parallel_loop3A_895 = tpu.vector_load %arg13[%parallel_loop3A_893, %parallel_loop3A_894] {strides = array<i32>} : memref<8x2048xf32, #tpu.memory_space<vmem>>, vector<1x16xf32>,
        %parallel_loop3A_896 = vector.shape_cast %parallel_loop3A_895 : vector<1x16xf32> to vector<16xf32>
        %parallel_loop3A_897 = arith.index_cast %parallel_loop3A_888 : i32 to index
        %parallel_loop3A_898 = arith.index_cast %parallel_loop3A_892 : i32 to index
        %parallel_loop3A_899 = tpu.vector_load %arg7[%parallel_loop3A_897, %parallel_loop3A_898] {strides = array<i32>} : memref<8x2048xf32, #tpu.memory_space<vmem>>, vector<1x16xf32>,
        %parallel_loop3A_900 = vector.shape_cast %parallel_loop3A_899 : vector<1x16xf32> to vector<16xf32>
        %parallel_loop3A_901 = vector.shape_cast %parallel_loop3A_896 : vector<16xf32> to vector<1x16xf32>
        tpu.vector_store %arg7[%parallel_loop3A_897, %parallel_loop3A_898], %parallel_loop3A_901 {add = true, strides = array<i32>} : memref<8x2048xf32, #tpu.memory_space<vmem>>, vector<1x16xf32>,
      } {sc.loop_unroll_factor = 8 : i64, sc.parallel_access}
    } {sc.loop_unroll_factor = 1 : i64, sc.parallel_access}
    %add3A_453 = arith.constant 6144 : i32
    %add3A_454 = arith.addi %add3A_453, %mul3A_2 : i32
    %add3A_455 = arith.constant 24 : i32
    %add3A_456 = arith.addi %add3A_454, %add3A_455 : i32
    %dma_start3A_457 = arith.constant 0 : i32
    %dma_start3A_458 = tpu.memref_slice %arg5[%add3A_456, %dma_start3A_457] : memref<8192x2048xf32, #tpu.memory_space<hbm>> -> memref<8x2048xf32, #tpu.memory_space<hbm>>
    %dma_start3A_459 = arith.constant 0 : i32
    %dma_start3A_460 = tpu.memref_slice %arg5[%add3A_456, %dma_start3A_459] : memref<8192x2048xf32, #tpu.memory_space<hbm>> -> memref<8x2048xf32, #tpu.memory_space<hbm>>
    tpu.enqueue_dma source(%arg7 : memref<8x2048xf32, #tpu.memory_space<vmem>>) target(%dma_start3A_460 : memref<8x2048xf32, #tpu.memory_space<hbm>>) target_semaphore(%arg19 : memref<!tpu.dma_semaphore, #tpu.memory_space<semaphore_mem>>)
    %add3A_461 = arith.constant 40 : i32
    %add3A_462 = arith.addi %mul3A_2, %add3A_461 : i32
    %dma_start3A_463 = arith.constant 0 : i32
    %dma_start3A_464 = tpu.memref_slice %arg4[%add3A_462, %dma_start3A_463] : memref<2048x2048xf32, #tpu.memory_space<hbm>> -> memref<8x2048xf32, #tpu.memory_space<hbm>>
    %dma_start3A_465 = arith.constant 0 : i32
    %dma_start3A_466 = tpu.memref_slice %arg4[%add3A_462, %dma_start3A_465] : memref<2048x2048xf32, #tpu.memory_space<hbm>> -> memref<8x2048xf32, #tpu.memory_space<hbm>>
    tpu.enqueue_dma source(%dma_start3A_466 : memref<8x2048xf32, #tpu.memory_space<hbm>>) target(%arg13 : memref<8x2048xf32, #tpu.memory_space<vmem>>) target_semaphore(%arg25 : memref<!tpu.dma_semaphore, #tpu.memory_space<semaphore_mem>>)
    %dma_wait3A_467 = arith.constant 0 : i32
    %dma_wait3A_468 = tpu.memref_slice %arg5[%add3A_431, %dma_wait3A_467] : memref<8192x2048xf32, #tpu.memory_space<hbm>> -> memref<8x2048xf32, #tpu.memory_space<hbm>>
    %dma_wait3A_469 = arith.constant 0 : i32
    %dma_wait3A_470 = tpu.memref_slice %arg5[%add3A_431, %dma_wait3A_469] : memref<8192x2048xf32, #tpu.memory_space<hbm>> -> memref<8x2048xf32, #tpu.memory_space<hbm>>
    tpu.wait_dma2 semaphore(%arg23 : memref<!tpu.dma_semaphore, #tpu.memory_space<semaphore_mem>>) src(%arg11 : memref<8x2048xf32, #tpu.memory_space<vmem>>) dst(%dma_wait3A_470 : memref<8x2048xf32, #tpu.memory_space<hbm>>)
    %dma_start3A_471 = arith.constant 224 : i32
    %dma_start3A_472 = tpu.memref_slice %arg6[%dma_start3A_471] : memref<256xi32, #tpu.memory_space<vmem>> -> memref<8xi32, #tpu.memory_space<vmem>>
    %dma_start3A_473 = arith.constant 0 : i32
    %dma_start3A_474 = arith.constant 0 : i32
    %dma_start3A_475 = tpu.memref_slice %arg3[%dma_start3A_473, %dma_start3A_474] : memref<50257x2048xf32, #tpu.memory_space<hbm>> -> memref<50257x2048xf32, #tpu.memory_space<hbm>>
    tpu.enqueue_indirect_dma source(%dma_start3A_475 : memref<50257x2048xf32, #tpu.memory_space<hbm>>) target(%arg11 : memref<8x2048xf32, #tpu.memory_space<vmem>>) offsets(%dma_start3A_472 : memref<8xi32, #tpu.memory_space<vmem>>) semaphore(%arg18 : memref<!tpu.dma_semaphore, #tpu.memory_space<semaphore_mem>>)
    %dma_wait3A_476 = arith.constant 0 : i32
    %dma_wait3A_477 = tpu.memref_slice %arg4[%add3A_352, %dma_wait3A_476] : memref<2048x2048xf32, #tpu.memory_space<hbm>> -> memref<8x2048xf32, #tpu.memory_space<hbm>>
    %dma_wait3A_478 = arith.constant 0 : i32
    %dma_wait3A_479 = tpu.memref_slice %arg4[%add3A_352, %dma_wait3A_478] : memref<2048x2048xf32, #tpu.memory_space<hbm>> -> memref<8x2048xf32, #tpu.memory_space<hbm>>
    tpu.wait_dma2 semaphore(%arg24 : memref<!tpu.dma_semaphore, #tpu.memory_space<semaphore_mem>>) src(%dma_wait3A_479 : memref<8x2048xf32, #tpu.memory_space<hbm>>) dst(%arg12 : memref<8x2048xf32, #tpu.memory_space<vmem>>)
    %dma_wait3A_480 = arith.constant 32 : i32
    %dma_wait3A_481 = tpu.memref_slice %arg6[%dma_wait3A_480] : memref<256xi32, #tpu.memory_space<vmem>> -> memref<8xi32, #tpu.memory_space<vmem>>
    %dma_wait3A_482 = arith.constant 0 : i32
    %dma_wait3A_483 = arith.constant 0 : i32
    %dma_wait3A_484 = tpu.memref_slice %arg3[%dma_wait3A_482, %dma_wait3A_483] : memref<50257x2048xf32, #tpu.memory_space<hbm>> -> memref<50257x2048xf32, #tpu.memory_space<hbm>>
    tpu.wait_indirect_dma semaphore(%arg15 : memref<!tpu.dma_semaphore, #tpu.memory_space<semaphore_mem>>) src(%dma_wait3A_484 : memref<50257x2048xf32, #tpu.memory_space<hbm>>) dst(%arg8 : memref<8x2048xf32, #tpu.memory_space<vmem>>)
    %parallel_loop3A_485 = arith.constant 0 : i32
    %parallel_loop3A_486 = arith.constant 8 : i32
    %parallel_loop3A_487 = arith.constant 1 : i32
    scf.for %parallel_loop3A_888 = %parallel_loop3A_485 to %parallel_loop3A_486 step %parallel_loop3A_487  : i32 {
      %parallel_loop3A_889 = arith.constant 0 : i32
      %parallel_loop3A_890 = arith.constant 2048 : i32
      %parallel_loop3A_891 = arith.constant 16 : i32
      scf.for %parallel_loop3A_892 = %parallel_loop3A_889 to %parallel_loop3A_890 step %parallel_loop3A_891  : i32 {
        %parallel_loop3A_893 = arith.index_cast %parallel_loop3A_888 : i32 to index
        %parallel_loop3A_894 = arith.index_cast %parallel_loop3A_892 : i32 to index
        %parallel_loop3A_895 = tpu.vector_load %arg12[%parallel_loop3A_893, %parallel_loop3A_894] {strides = array<i32>} : memref<8x2048xf32, #tpu.memory_space<vmem>>, vector<1x16xf32>,
        %parallel_loop3A_896 = vector.shape_cast %parallel_loop3A_895 : vector<1x16xf32> to vector<16xf32>
        %parallel_loop3A_897 = arith.index_cast %parallel_loop3A_888 : i32 to index
        %parallel_loop3A_898 = arith.index_cast %parallel_loop3A_892 : i32 to index
        %parallel_loop3A_899 = tpu.vector_load %arg8[%parallel_loop3A_897, %parallel_loop3A_898] {strides = array<i32>} : memref<8x2048xf32, #tpu.memory_space<vmem>>, vector<1x16xf32>,
        %parallel_loop3A_900 = vector.shape_cast %parallel_loop3A_899 : vector<1x16xf32> to vector<16xf32>
        %parallel_loop3A_901 = vector.shape_cast %parallel_loop3A_896 : vector<16xf32> to vector<1x16xf32>
        tpu.vector_store %arg8[%parallel_loop3A_897, %parallel_loop3A_898], %parallel_loop3A_901 {add = true, strides = array<i32>} : memref<8x2048xf32, #tpu.memory_space<vmem>>, vector<1x16xf32>,
      } {sc.loop_unroll_factor = 8 : i64, sc.parallel_access}
    } {sc.loop_unroll_factor = 1 : i64, sc.parallel_access}
    %add3A_488 = arith.constant 0 : i32
    %add3A_489 = arith.addi %add3A_488, %mul3A_2 : i32
    %add3A_490 = arith.constant 32 : i32
    %add3A_491 = arith.addi %add3A_489, %add3A_490 : i32
    %dma_start3A_492 = arith.constant 0 : i32
    %dma_start3A_493 = tpu.memref_slice %arg5[%add3A_491, %dma_start3A_492] : memref<8192x2048xf32, #tpu.memory_space<hbm>> -> memref<8x2048xf32, #tpu.memory_space<hbm>>
    %dma_start3A_494 = arith.constant 0 : i32
    %dma_start3A_495 = tpu.memref_slice %arg5[%add3A_491, %dma_start3A_494] : memref<8192x2048xf32, #tpu.memory_space<hbm>> -> memref<8x2048xf32, #tpu.memory_space<hbm>>
    tpu.enqueue_dma source(%arg8 : memref<8x2048xf32, #tpu.memory_space<vmem>>) target(%dma_start3A_495 : memref<8x2048xf32, #tpu.memory_space<hbm>>) target_semaphore(%arg20 : memref<!tpu.dma_semaphore, #tpu.memory_space<semaphore_mem>>)
    %dma_wait3A_496 = arith.constant 0 : i32
    %dma_wait3A_497 = tpu.memref_slice %arg5[%add3A_456, %dma_wait3A_496] : memref<8192x2048xf32, #tpu.memory_space<hbm>> -> memref<8x2048xf32, #tpu.memory_space<hbm>>
    %dma_wait3A_498 = arith.constant 0 : i32
    %dma_wait3A_499 = tpu.memref_slice %arg5[%add3A_456, %dma_wait3A_498] : memref<8192x2048xf32, #tpu.memory_space<hbm>> -> memref<8x2048xf32, #tpu.memory_space<hbm>>
    tpu.wait_dma2 semaphore(%arg19 : memref<!tpu.dma_semaphore, #tpu.memory_space<semaphore_mem>>) src(%arg7 : memref<8x2048xf32, #tpu.memory_space<vmem>>) dst(%dma_wait3A_499 : memref<8x2048xf32, #tpu.memory_space<hbm>>)
    %dma_start3A_500 = arith.constant 40 : i32
    %dma_start3A_501 = tpu.memref_slice %arg6[%dma_start3A_500] : memref<256xi32, #tpu.memory_space<vmem>> -> memref<8xi32, #tpu.memory_space<vmem>>
    %dma_start3A_502 = arith.constant 0 : i32
    %dma_start3A_503 = arith.constant 0 : i32
    %dma_start3A_504 = tpu.memref_slice %arg3[%dma_start3A_502, %dma_start3A_503] : memref<50257x2048xf32, #tpu.memory_space<hbm>> -> memref<50257x2048xf32, #tpu.memory_space<hbm>>
    tpu.enqueue_indirect_dma source(%dma_start3A_504 : memref<50257x2048xf32, #tpu.memory_space<hbm>>) target(%arg7 : memref<8x2048xf32, #tpu.memory_space<vmem>>) offsets(%dma_start3A_501 : memref<8xi32, #tpu.memory_space<vmem>>) semaphore(%arg14 : memref<!tpu.dma_semaphore, #tpu.memory_space<semaphore_mem>>)
    %dma_wait3A_505 = arith.constant 96 : i32
    %dma_wait3A_506 = tpu.memref_slice %arg6[%dma_wait3A_505] : memref<256xi32, #tpu.memory_space<vmem>> -> memref<8xi32, #tpu.memory_space<vmem>>
    %dma_wait3A_507 = arith.constant 0 : i32
    %dma_wait3A_508 = arith.constant 0 : i32
    %dma_wait3A_509 = tpu.memref_slice %arg3[%dma_wait3A_507, %dma_wait3A_508] : memref<50257x2048xf32, #tpu.memory_space<hbm>> -> memref<50257x2048xf32, #tpu.memory_space<hbm>>
    tpu.wait_indirect_dma semaphore(%arg16 : memref<!tpu.dma_semaphore, #tpu.memory_space<semaphore_mem>>) src(%dma_wait3A_509 : memref<50257x2048xf32, #tpu.memory_space<hbm>>) dst(%arg9 : memref<8x2048xf32, #tpu.memory_space<vmem>>)
    %parallel_loop3A_510 = arith.constant 0 : i32
    %parallel_loop3A_511 = arith.constant 8 : i32
    %parallel_loop3A_512 = arith.constant 1 : i32
    scf.for %parallel_loop3A_888 = %parallel_loop3A_510 to %parallel_loop3A_511 step %parallel_loop3A_512  : i32 {
      %parallel_loop3A_889 = arith.constant 0 : i32
      %parallel_loop3A_890 = arith.constant 2048 : i32
      %parallel_loop3A_891 = arith.constant 16 : i32
      scf.for %parallel_loop3A_892 = %parallel_loop3A_889 to %parallel_loop3A_890 step %parallel_loop3A_891  : i32 {
        %parallel_loop3A_893 = arith.index_cast %parallel_loop3A_888 : i32 to index
        %parallel_loop3A_894 = arith.index_cast %parallel_loop3A_892 : i32 to index
        %parallel_loop3A_895 = tpu.vector_load %arg12[%parallel_loop3A_893, %parallel_loop3A_894] {strides = array<i32>} : memref<8x2048xf32, #tpu.memory_space<vmem>>, vector<1x16xf32>,
        %parallel_loop3A_896 = vector.shape_cast %parallel_loop3A_895 : vector<1x16xf32> to vector<16xf32>
        %parallel_loop3A_897 = arith.index_cast %parallel_loop3A_888 : i32 to index
        %parallel_loop3A_898 = arith.index_cast %parallel_loop3A_892 : i32 to index
        %parallel_loop3A_899 = tpu.vector_load %arg9[%parallel_loop3A_897, %parallel_loop3A_898] {strides = array<i32>} : memref<8x2048xf32, #tpu.memory_space<vmem>>, vector<1x16xf32>,
        %parallel_loop3A_900 = vector.shape_cast %parallel_loop3A_899 : vector<1x16xf32> to vector<16xf32>
        %parallel_loop3A_901 = vector.shape_cast %parallel_loop3A_896 : vector<16xf32> to vector<1x16xf32>
        tpu.vector_store %arg9[%parallel_loop3A_897, %parallel_loop3A_898], %parallel_loop3A_901 {add = true, strides = array<i32>} : memref<8x2048xf32, #tpu.memory_space<vmem>>, vector<1x16xf32>,
      } {sc.loop_unroll_factor = 8 : i64, sc.parallel_access}
    } {sc.loop_unroll_factor = 1 : i64, sc.parallel_access}
    %add3A_513 = arith.constant 2048 : i32
    %add3A_514 = arith.addi %add3A_513, %mul3A_2 : i32
    %add3A_515 = arith.constant 32 : i32
    %add3A_516 = arith.addi %add3A_514, %add3A_515 : i32
    %dma_start3A_517 = arith.constant 0 : i32
    %dma_start3A_518 = tpu.memref_slice %arg5[%add3A_516, %dma_start3A_517] : memref<8192x2048xf32, #tpu.memory_space<hbm>> -> memref<8x2048xf32, #tpu.memory_space<hbm>>
    %dma_start3A_519 = arith.constant 0 : i32
    %dma_start3A_520 = tpu.memref_slice %arg5[%add3A_516, %dma_start3A_519] : memref<8192x2048xf32, #tpu.memory_space<hbm>> -> memref<8x2048xf32, #tpu.memory_space<hbm>>
    tpu.enqueue_dma source(%arg9 : memref<8x2048xf32, #tpu.memory_space<vmem>>) target(%dma_start3A_520 : memref<8x2048xf32, #tpu.memory_space<hbm>>) target_semaphore(%arg21 : memref<!tpu.dma_semaphore, #tpu.memory_space<semaphore_mem>>)
    %dma_wait3A_521 = arith.constant 0 : i32
    %dma_wait3A_522 = tpu.memref_slice %arg5[%add3A_491, %dma_wait3A_521] : memref<8192x2048xf32, #tpu.memory_space<hbm>> -> memref<8x2048xf32, #tpu.memory_space<hbm>>
    %dma_wait3A_523 = arith.constant 0 : i32
    %dma_wait3A_524 = tpu.memref_slice %arg5[%add3A_491, %dma_wait3A_523] : memref<8192x2048xf32, #tpu.memory_space<hbm>> -> memref<8x2048xf32, #tpu.memory_space<hbm>>
    tpu.wait_dma2 semaphore(%arg20 : memref<!tpu.dma_semaphore, #tpu.memory_space<semaphore_mem>>) src(%arg8 : memref<8x2048xf32, #tpu.memory_space<vmem>>) dst(%dma_wait3A_524 : memref<8x2048xf32, #tpu.memory_space<hbm>>)
    %dma_start3A_525 = arith.constant 104 : i32
    %dma_start3A_526 = tpu.memref_slice %arg6[%dma_start3A_525] : memref<256xi32, #tpu.memory_space<vmem>> -> memref<8xi32, #tpu.memory_space<vmem>>
    %dma_start3A_527 = arith.constant 0 : i32
    %dma_start3A_528 = arith.constant 0 : i32
    %dma_start3A_529 = tpu.memref_slice %arg3[%dma_start3A_527, %dma_start3A_528] : memref<50257x2048xf32, #tpu.memory_space<hbm>> -> memref<50257x2048xf32, #tpu.memory_space<hbm>>
    tpu.enqueue_indirect_dma source(%dma_start3A_529 : memref<50257x2048xf32, #tpu.memory_space<hbm>>) target(%arg8 : memref<8x2048xf32, #tpu.memory_space<vmem>>) offsets(%dma_start3A_526 : memref<8xi32, #tpu.memory_space<vmem>>) semaphore(%arg15 : memref<!tpu.dma_semaphore, #tpu.memory_space<semaphore_mem>>)
    %dma_wait3A_530 = arith.constant 160 : i32
    %dma_wait3A_531 = tpu.memref_slice %arg6[%dma_wait3A_530] : memref<256xi32, #tpu.memory_space<vmem>> -> memref<8xi32, #tpu.memory_space<vmem>>
    %dma_wait3A_532 = arith.constant 0 : i32
    %dma_wait3A_533 = arith.constant 0 : i32
    %dma_wait3A_534 = tpu.memref_slice %arg3[%dma_wait3A_532, %dma_wait3A_533] : memref<50257x2048xf32, #tpu.memory_space<hbm>> -> memref<50257x2048xf32, #tpu.memory_space<hbm>>
    tpu.wait_indirect_dma semaphore(%arg17 : memref<!tpu.dma_semaphore, #tpu.memory_space<semaphore_mem>>) src(%dma_wait3A_534 : memref<50257x2048xf32, #tpu.memory_space<hbm>>) dst(%arg10 : memref<8x2048xf32, #tpu.memory_space<vmem>>)
    %parallel_loop3A_535 = arith.constant 0 : i32
    %parallel_loop3A_536 = arith.constant 8 : i32
    %parallel_loop3A_537 = arith.constant 1 : i32
    scf.for %parallel_loop3A_888 = %parallel_loop3A_535 to %parallel_loop3A_536 step %parallel_loop3A_537  : i32 {
      %parallel_loop3A_889 = arith.constant 0 : i32
      %parallel_loop3A_890 = arith.constant 2048 : i32
      %parallel_loop3A_891 = arith.constant 16 : i32
      scf.for %parallel_loop3A_892 = %parallel_loop3A_889 to %parallel_loop3A_890 step %parallel_loop3A_891  : i32 {
        %parallel_loop3A_893 = arith.index_cast %parallel_loop3A_888 : i32 to index
        %parallel_loop3A_894 = arith.index_cast %parallel_loop3A_892 : i32 to index
        %parallel_loop3A_895 = tpu.vector_load %arg12[%parallel_loop3A_893, %parallel_loop3A_894] {strides = array<i32>} : memref<8x2048xf32, #tpu.memory_space<vmem>>, vector<1x16xf32>,
        %parallel_loop3A_896 = vector.shape_cast %parallel_loop3A_895 : vector<1x16xf32> to vector<16xf32>
        %parallel_loop3A_897 = arith.index_cast %parallel_loop3A_888 : i32 to index
        %parallel_loop3A_898 = arith.index_cast %parallel_loop3A_892 : i32 to index
        %parallel_loop3A_899 = tpu.vector_load %arg10[%parallel_loop3A_897, %parallel_loop3A_898] {strides = array<i32>} : memref<8x2048xf32, #tpu.memory_space<vmem>>, vector<1x16xf32>,
        %parallel_loop3A_900 = vector.shape_cast %parallel_loop3A_899 : vector<1x16xf32> to vector<16xf32>
        %parallel_loop3A_901 = vector.shape_cast %parallel_loop3A_896 : vector<16xf32> to vector<1x16xf32>
        tpu.vector_store %arg10[%parallel_loop3A_897, %parallel_loop3A_898], %parallel_loop3A_901 {add = true, strides = array<i32>} : memref<8x2048xf32, #tpu.memory_space<vmem>>, vector<1x16xf32>,
      } {sc.loop_unroll_factor = 8 : i64, sc.parallel_access}
    } {sc.loop_unroll_factor = 1 : i64, sc.parallel_access}
    %add3A_538 = arith.constant 4096 : i32
    %add3A_539 = arith.addi %add3A_538, %mul3A_2 : i32
    %add3A_540 = arith.constant 32 : i32
    %add3A_541 = arith.addi %add3A_539, %add3A_540 : i32
    %dma_start3A_542 = arith.constant 0 : i32
    %dma_start3A_543 = tpu.memref_slice %arg5[%add3A_541, %dma_start3A_542] : memref<8192x2048xf32, #tpu.memory_space<hbm>> -> memref<8x2048xf32, #tpu.memory_space<hbm>>
    %dma_start3A_544 = arith.constant 0 : i32
    %dma_start3A_545 = tpu.memref_slice %arg5[%add3A_541, %dma_start3A_544] : memref<8192x2048xf32, #tpu.memory_space<hbm>> -> memref<8x2048xf32, #tpu.memory_space<hbm>>
    tpu.enqueue_dma source(%arg10 : memref<8x2048xf32, #tpu.memory_space<vmem>>) target(%dma_start3A_545 : memref<8x2048xf32, #tpu.memory_space<hbm>>) target_semaphore(%arg22 : memref<!tpu.dma_semaphore, #tpu.memory_space<semaphore_mem>>)
    %dma_wait3A_546 = arith.constant 0 : i32
    %dma_wait3A_547 = tpu.memref_slice %arg5[%add3A_516, %dma_wait3A_546] : memref<8192x2048xf32, #tpu.memory_space<hbm>> -> memref<8x2048xf32, #tpu.memory_space<hbm>>
    %dma_wait3A_548 = arith.constant 0 : i32
    %dma_wait3A_549 = tpu.memref_slice %arg5[%add3A_516, %dma_wait3A_548] : memref<8192x2048xf32, #tpu.memory_space<hbm>> -> memref<8x2048xf32, #tpu.memory_space<hbm>>
    tpu.wait_dma2 semaphore(%arg21 : memref<!tpu.dma_semaphore, #tpu.memory_space<semaphore_mem>>) src(%arg9 : memref<8x2048xf32, #tpu.memory_space<vmem>>) dst(%dma_wait3A_549 : memref<8x2048xf32, #tpu.memory_space<hbm>>)
    %dma_start3A_550 = arith.constant 168 : i32
    %dma_start3A_551 = tpu.memref_slice %arg6[%dma_start3A_550] : memref<256xi32, #tpu.memory_space<vmem>> -> memref<8xi32, #tpu.memory_space<vmem>>
    %dma_start3A_552 = arith.constant 0 : i32
    %dma_start3A_553 = arith.constant 0 : i32
    %dma_start3A_554 = tpu.memref_slice %arg3[%dma_start3A_552, %dma_start3A_553] : memref<50257x2048xf32, #tpu.memory_space<hbm>> -> memref<50257x2048xf32, #tpu.memory_space<hbm>>
    tpu.enqueue_indirect_dma source(%dma_start3A_554 : memref<50257x2048xf32, #tpu.memory_space<hbm>>) target(%arg9 : memref<8x2048xf32, #tpu.memory_space<vmem>>) offsets(%dma_start3A_551 : memref<8xi32, #tpu.memory_space<vmem>>) semaphore(%arg16 : memref<!tpu.dma_semaphore, #tpu.memory_space<semaphore_mem>>)
    %dma_wait3A_555 = arith.constant 224 : i32
    %dma_wait3A_556 = tpu.memref_slice %arg6[%dma_wait3A_555] : memref<256xi32, #tpu.memory_space<vmem>> -> memref<8xi32, #tpu.memory_space<vmem>>
    %dma_wait3A_557 = arith.constant 0 : i32
    %dma_wait3A_558 = arith.constant 0 : i32
    %dma_wait3A_559 = tpu.memref_slice %arg3[%dma_wait3A_557, %dma_wait3A_558] : memref<50257x2048xf32, #tpu.memory_space<hbm>> -> memref<50257x2048xf32, #tpu.memory_space<hbm>>
    tpu.wait_indirect_dma semaphore(%arg18 : memref<!tpu.dma_semaphore, #tpu.memory_space<semaphore_mem>>) src(%dma_wait3A_559 : memref<50257x2048xf32, #tpu.memory_space<hbm>>) dst(%arg11 : memref<8x2048xf32, #tpu.memory_space<vmem>>)
    %parallel_loop3A_560 = arith.constant 0 : i32
    %parallel_loop3A_561 = arith.constant 8 : i32
    %parallel_loop3A_562 = arith.constant 1 : i32
    scf.for %parallel_loop3A_888 = %parallel_loop3A_560 to %parallel_loop3A_561 step %parallel_loop3A_562  : i32 {
      %parallel_loop3A_889 = arith.constant 0 : i32
      %parallel_loop3A_890 = arith.constant 2048 : i32
      %parallel_loop3A_891 = arith.constant 16 : i32
      scf.for %parallel_loop3A_892 = %parallel_loop3A_889 to %parallel_loop3A_890 step %parallel_loop3A_891  : i32 {
        %parallel_loop3A_893 = arith.index_cast %parallel_loop3A_888 : i32 to index
        %parallel_loop3A_894 = arith.index_cast %parallel_loop3A_892 : i32 to index
        %parallel_loop3A_895 = tpu.vector_load %arg12[%parallel_loop3A_893, %parallel_loop3A_894] {strides = array<i32>} : memref<8x2048xf32, #tpu.memory_space<vmem>>, vector<1x16xf32>,
        %parallel_loop3A_896 = vector.shape_cast %parallel_loop3A_895 : vector<1x16xf32> to vector<16xf32>
        %parallel_loop3A_897 = arith.index_cast %parallel_loop3A_888 : i32 to index
        %parallel_loop3A_898 = arith.index_cast %parallel_loop3A_892 : i32 to index
        %parallel_loop3A_899 = tpu.vector_load %arg11[%parallel_loop3A_897, %parallel_loop3A_898] {strides = array<i32>} : memref<8x2048xf32, #tpu.memory_space<vmem>>, vector<1x16xf32>,
        %parallel_loop3A_900 = vector.shape_cast %parallel_loop3A_899 : vector<1x16xf32> to vector<16xf32>
        %parallel_loop3A_901 = vector.shape_cast %parallel_loop3A_896 : vector<16xf32> to vector<1x16xf32>
        tpu.vector_store %arg11[%parallel_loop3A_897, %parallel_loop3A_898], %parallel_loop3A_901 {add = true, strides = array<i32>} : memref<8x2048xf32, #tpu.memory_space<vmem>>, vector<1x16xf32>,
      } {sc.loop_unroll_factor = 8 : i64, sc.parallel_access}
    } {sc.loop_unroll_factor = 1 : i64, sc.parallel_access}
    %add3A_563 = arith.constant 6144 : i32
    %add3A_564 = arith.addi %add3A_563, %mul3A_2 : i32
    %add3A_565 = arith.constant 32 : i32
    %add3A_566 = arith.addi %add3A_564, %add3A_565 : i32
    %dma_start3A_567 = arith.constant 0 : i32
    %dma_start3A_568 = tpu.memref_slice %arg5[%add3A_566, %dma_start3A_567] : memref<8192x2048xf32, #tpu.memory_space<hbm>> -> memref<8x2048xf32, #tpu.memory_space<hbm>>
    %dma_start3A_569 = arith.constant 0 : i32
    %dma_start3A_570 = tpu.memref_slice %arg5[%add3A_566, %dma_start3A_569] : memref<8192x2048xf32, #tpu.memory_space<hbm>> -> memref<8x2048xf32, #tpu.memory_space<hbm>>
    tpu.enqueue_dma source(%arg11 : memref<8x2048xf32, #tpu.memory_space<vmem>>) target(%dma_start3A_570 : memref<8x2048xf32, #tpu.memory_space<hbm>>) target_semaphore(%arg23 : memref<!tpu.dma_semaphore, #tpu.memory_space<semaphore_mem>>)
    %add3A_571 = arith.constant 48 : i32
    %add3A_572 = arith.addi %mul3A_2, %add3A_571 : i32
    %dma_start3A_573 = arith.constant 0 : i32
    %dma_start3A_574 = tpu.memref_slice %arg4[%add3A_572, %dma_start3A_573] : memref<2048x2048xf32, #tpu.memory_space<hbm>> -> memref<8x2048xf32, #tpu.memory_space<hbm>>
    %dma_start3A_575 = arith.constant 0 : i32
    %dma_start3A_576 = tpu.memref_slice %arg4[%add3A_572, %dma_start3A_575] : memref<2048x2048xf32, #tpu.memory_space<hbm>> -> memref<8x2048xf32, #tpu.memory_space<hbm>>
    tpu.enqueue_dma source(%dma_start3A_576 : memref<8x2048xf32, #tpu.memory_space<hbm>>) target(%arg12 : memref<8x2048xf32, #tpu.memory_space<vmem>>) target_semaphore(%arg24 : memref<!tpu.dma_semaphore, #tpu.memory_space<semaphore_mem>>)
    %dma_wait3A_577 = arith.constant 0 : i32
    %dma_wait3A_578 = tpu.memref_slice %arg5[%add3A_541, %dma_wait3A_577] : memref<8192x2048xf32, #tpu.memory_space<hbm>> -> memref<8x2048xf32, #tpu.memory_space<hbm>>
    %dma_wait3A_579 = arith.constant 0 : i32
    %dma_wait3A_580 = tpu.memref_slice %arg5[%add3A_541, %dma_wait3A_579] : memref<8192x2048xf32, #tpu.memory_space<hbm>> -> memref<8x2048xf32, #tpu.memory_space<hbm>>
    tpu.wait_dma2 semaphore(%arg22 : memref<!tpu.dma_semaphore, #tpu.memory_space<semaphore_mem>>) src(%arg10 : memref<8x2048xf32, #tpu.memory_space<vmem>>) dst(%dma_wait3A_580 : memref<8x2048xf32, #tpu.memory_space<hbm>>)
    %dma_start3A_581 = arith.constant 232 : i32
    %dma_start3A_582 = tpu.memref_slice %arg6[%dma_start3A_581] : memref<256xi32, #tpu.memory_space<vmem>> -> memref<8xi32, #tpu.memory_space<vmem>>
    %dma_start3A_583 = arith.constant 0 : i32
    %dma_start3A_584 = arith.constant 0 : i32
    %dma_start3A_585 = tpu.memref_slice %arg3[%dma_start3A_583, %dma_start3A_584] : memref<50257x2048xf32, #tpu.memory_space<hbm>> -> memref<50257x2048xf32, #tpu.memory_space<hbm>>
    tpu.enqueue_indirect_dma source(%dma_start3A_585 : memref<50257x2048xf32, #tpu.memory_space<hbm>>) target(%arg10 : memref<8x2048xf32, #tpu.memory_space<vmem>>) offsets(%dma_start3A_582 : memref<8xi32, #tpu.memory_space<vmem>>) semaphore(%arg17 : memref<!tpu.dma_semaphore, #tpu.memory_space<semaphore_mem>>)
    %dma_wait3A_586 = arith.constant 0 : i32
    %dma_wait3A_587 = tpu.memref_slice %arg4[%add3A_462, %dma_wait3A_586] : memref<2048x2048xf32, #tpu.memory_space<hbm>> -> memref<8x2048xf32, #tpu.memory_space<hbm>>
    %dma_wait3A_588 = arith.constant 0 : i32
    %dma_wait3A_589 = tpu.memref_slice %arg4[%add3A_462, %dma_wait3A_588] : memref<2048x2048xf32, #tpu.memory_space<hbm>> -> memref<8x2048xf32, #tpu.memory_space<hbm>>
    tpu.wait_dma2 semaphore(%arg25 : memref<!tpu.dma_semaphore, #tpu.memory_space<semaphore_mem>>) src(%dma_wait3A_589 : memref<8x2048xf32, #tpu.memory_space<hbm>>) dst(%arg13 : memref<8x2048xf32, #tpu.memory_space<vmem>>)
    %dma_wait3A_590 = arith.constant 40 : i32
    %dma_wait3A_591 = tpu.memref_slice %arg6[%dma_wait3A_590] : memref<256xi32, #tpu.memory_space<vmem>> -> memref<8xi32, #tpu.memory_space<vmem>>
    %dma_wait3A_592 = arith.constant 0 : i32
    %dma_wait3A_593 = arith.constant 0 : i32
    %dma_wait3A_594 = tpu.memref_slice %arg3[%dma_wait3A_592, %dma_wait3A_593] : memref<50257x2048xf32, #tpu.memory_space<hbm>> -> memref<50257x2048xf32, #tpu.memory_space<hbm>>
    tpu.wait_indirect_dma semaphore(%arg14 : memref<!tpu.dma_semaphore, #tpu.memory_space<semaphore_mem>>) src(%dma_wait3A_594 : memref<50257x2048xf32, #tpu.memory_space<hbm>>) dst(%arg7 : memref<8x2048xf32, #tpu.memory_space<vmem>>)
    %parallel_loop3A_595 = arith.constant 0 : i32
    %parallel_loop3A_596 = arith.constant 8 : i32
    %parallel_loop3A_597 = arith.constant 1 : i32
    scf.for %parallel_loop3A_888 = %parallel_loop3A_595 to %parallel_loop3A_596 step %parallel_loop3A_597  : i32 {
      %parallel_loop3A_889 = arith.constant 0 : i32
      %parallel_loop3A_890 = arith.constant 2048 : i32
      %parallel_loop3A_891 = arith.constant 16 : i32
      scf.for %parallel_loop3A_892 = %parallel_loop3A_889 to %parallel_loop3A_890 step %parallel_loop3A_891  : i32 {
        %parallel_loop3A_893 = arith.index_cast %parallel_loop3A_888 : i32 to index
        %parallel_loop3A_894 = arith.index_cast %parallel_loop3A_892 : i32 to index
        %parallel_loop3A_895 = tpu.vector_load %arg13[%parallel_loop3A_893, %parallel_loop3A_894] {strides = array<i32>} : memref<8x2048xf32, #tpu.memory_space<vmem>>, vector<1x16xf32>,
        %parallel_loop3A_896 = vector.shape_cast %parallel_loop3A_895 : vector<1x16xf32> to vector<16xf32>
        %parallel_loop3A_897 = arith.index_cast %parallel_loop3A_888 : i32 to index
        %parallel_loop3A_898 = arith.index_cast %parallel_loop3A_892 : i32 to index
        %parallel_loop3A_899 = tpu.vector_load %arg7[%parallel_loop3A_897, %parallel_loop3A_898] {strides = array<i32>} : memref<8x2048xf32, #tpu.memory_space<vmem>>, vector<1x16xf32>,
        %parallel_loop3A_900 = vector.shape_cast %parallel_loop3A_899 : vector<1x16xf32> to vector<16xf32>
        %parallel_loop3A_901 = vector.shape_cast %parallel_loop3A_896 : vector<16xf32> to vector<1x16xf32>
        tpu.vector_store %arg7[%parallel_loop3A_897, %parallel_loop3A_898], %parallel_loop3A_901 {add = true, strides = array<i32>} : memref<8x2048xf32, #tpu.memory_space<vmem>>, vector<1x16xf32>,
      } {sc.loop_unroll_factor = 8 : i64, sc.parallel_access}
    } {sc.loop_unroll_factor = 1 : i64, sc.parallel_access}
    %add3A_598 = arith.constant 0 : i32
    %add3A_599 = arith.addi %add3A_598, %mul3A_2 : i32
    %add3A_600 = arith.constant 40 : i32
    %add3A_601 = arith.addi %add3A_599, %add3A_600 : i32
    %dma_start3A_602 = arith.constant 0 : i32
    %dma_start3A_603 = tpu.memref_slice %arg5[%add3A_601, %dma_start3A_602] : memref<8192x2048xf32, #tpu.memory_space<hbm>> -> memref<8x2048xf32, #tpu.memory_space<hbm>>
    %dma_start3A_604 = arith.constant 0 : i32
    %dma_start3A_605 = tpu.memref_slice %arg5[%add3A_601, %dma_start3A_604] : memref<8192x2048xf32, #tpu.memory_space<hbm>> -> memref<8x2048xf32, #tpu.memory_space<hbm>>
    tpu.enqueue_dma source(%arg7 : memref<8x2048xf32, #tpu.memory_space<vmem>>) target(%dma_start3A_605 : memref<8x2048xf32, #tpu.memory_space<hbm>>) target_semaphore(%arg19 : memref<!tpu.dma_semaphore, #tpu.memory_space<semaphore_mem>>)
    %dma_wait3A_606 = arith.constant 0 : i32
    %dma_wait3A_607 = tpu.memref_slice %arg5[%add3A_566, %dma_wait3A_606] : memref<8192x2048xf32, #tpu.memory_space<hbm>> -> memref<8x2048xf32, #tpu.memory_space<hbm>>
    %dma_wait3A_608 = arith.constant 0 : i32
    %dma_wait3A_609 = tpu.memref_slice %arg5[%add3A_566, %dma_wait3A_608] : memref<8192x2048xf32, #tpu.memory_space<hbm>> -> memref<8x2048xf32, #tpu.memory_space<hbm>>
    tpu.wait_dma2 semaphore(%arg23 : memref<!tpu.dma_semaphore, #tpu.memory_space<semaphore_mem>>) src(%arg11 : memref<8x2048xf32, #tpu.memory_space<vmem>>) dst(%dma_wait3A_609 : memref<8x2048xf32, #tpu.memory_space<hbm>>)
    %dma_start3A_610 = arith.constant 48 : i32
    %dma_start3A_611 = tpu.memref_slice %arg6[%dma_start3A_610] : memref<256xi32, #tpu.memory_space<vmem>> -> memref<8xi32, #tpu.memory_space<vmem>>
    %dma_start3A_612 = arith.constant 0 : i32
    %dma_start3A_613 = arith.constant 0 : i32
    %dma_start3A_614 = tpu.memref_slice %arg3[%dma_start3A_612, %dma_start3A_613] : memref<50257x2048xf32, #tpu.memory_space<hbm>> -> memref<50257x2048xf32, #tpu.memory_space<hbm>>
    tpu.enqueue_indirect_dma source(%dma_start3A_614 : memref<50257x2048xf32, #tpu.memory_space<hbm>>) target(%arg11 : memref<8x2048xf32, #tpu.memory_space<vmem>>) offsets(%dma_start3A_611 : memref<8xi32, #tpu.memory_space<vmem>>) semaphore(%arg18 : memref<!tpu.dma_semaphore, #tpu.memory_space<semaphore_mem>>)
    %dma_wait3A_615 = arith.constant 104 : i32
    %dma_wait3A_616 = tpu.memref_slice %arg6[%dma_wait3A_615] : memref<256xi32, #tpu.memory_space<vmem>> -> memref<8xi32, #tpu.memory_space<vmem>>
    %dma_wait3A_617 = arith.constant 0 : i32
    %dma_wait3A_618 = arith.constant 0 : i32
    %dma_wait3A_619 = tpu.memref_slice %arg3[%dma_wait3A_617, %dma_wait3A_618] : memref<50257x2048xf32, #tpu.memory_space<hbm>> -> memref<50257x2048xf32, #tpu.memory_space<hbm>>
    tpu.wait_indirect_dma semaphore(%arg15 : memref<!tpu.dma_semaphore, #tpu.memory_space<semaphore_mem>>) src(%dma_wait3A_619 : memref<50257x2048xf32, #tpu.memory_space<hbm>>) dst(%arg8 : memref<8x2048xf32, #tpu.memory_space<vmem>>)
    %parallel_loop3A_620 = arith.constant 0 : i32
    %parallel_loop3A_621 = arith.constant 8 : i32
    %parallel_loop3A_622 = arith.constant 1 : i32
    scf.for %parallel_loop3A_888 = %parallel_loop3A_620 to %parallel_loop3A_621 step %parallel_loop3A_622  : i32 {
      %parallel_loop3A_889 = arith.constant 0 : i32
      %parallel_loop3A_890 = arith.constant 2048 : i32
      %parallel_loop3A_891 = arith.constant 16 : i32
      scf.for %parallel_loop3A_892 = %parallel_loop3A_889 to %parallel_loop3A_890 step %parallel_loop3A_891  : i32 {
        %parallel_loop3A_893 = arith.index_cast %parallel_loop3A_888 : i32 to index
        %parallel_loop3A_894 = arith.index_cast %parallel_loop3A_892 : i32 to index
        %parallel_loop3A_895 = tpu.vector_load %arg13[%parallel_loop3A_893, %parallel_loop3A_894] {strides = array<i32>} : memref<8x2048xf32, #tpu.memory_space<vmem>>, vector<1x16xf32>,
        %parallel_loop3A_896 = vector.shape_cast %parallel_loop3A_895 : vector<1x16xf32> to vector<16xf32>
        %parallel_loop3A_897 = arith.index_cast %parallel_loop3A_888 : i32 to index
        %parallel_loop3A_898 = arith.index_cast %parallel_loop3A_892 : i32 to index
        %parallel_loop3A_899 = tpu.vector_load %arg8[%parallel_loop3A_897, %parallel_loop3A_898] {strides = array<i32>} : memref<8x2048xf32, #tpu.memory_space<vmem>>, vector<1x16xf32>,
        %parallel_loop3A_900 = vector.shape_cast %parallel_loop3A_899 : vector<1x16xf32> to vector<16xf32>
        %parallel_loop3A_901 = vector.shape_cast %parallel_loop3A_896 : vector<16xf32> to vector<1x16xf32>
        tpu.vector_store %arg8[%parallel_loop3A_897, %parallel_loop3A_898], %parallel_loop3A_901 {add = true, strides = array<i32>} : memref<8x2048xf32, #tpu.memory_space<vmem>>, vector<1x16xf32>,
      } {sc.loop_unroll_factor = 8 : i64, sc.parallel_access}
    } {sc.loop_unroll_factor = 1 : i64, sc.parallel_access}
    %add3A_623 = arith.constant 2048 : i32
    %add3A_624 = arith.addi %add3A_623, %mul3A_2 : i32
    %add3A_625 = arith.constant 40 : i32
    %add3A_626 = arith.addi %add3A_624, %add3A_625 : i32
    %dma_start3A_627 = arith.constant 0 : i32
    %dma_start3A_628 = tpu.memref_slice %arg5[%add3A_626, %dma_start3A_627] : memref<8192x2048xf32, #tpu.memory_space<hbm>> -> memref<8x2048xf32, #tpu.memory_space<hbm>>
    %dma_start3A_629 = arith.constant 0 : i32
    %dma_start3A_630 = tpu.memref_slice %arg5[%add3A_626, %dma_start3A_629] : memref<8192x2048xf32, #tpu.memory_space<hbm>> -> memref<8x2048xf32, #tpu.memory_space<hbm>>
    tpu.enqueue_dma source(%arg8 : memref<8x2048xf32, #tpu.memory_space<vmem>>) target(%dma_start3A_630 : memref<8x2048xf32, #tpu.memory_space<hbm>>) target_semaphore(%arg20 : memref<!tpu.dma_semaphore, #tpu.memory_space<semaphore_mem>>)
    %dma_wait3A_631 = arith.constant 0 : i32
    %dma_wait3A_632 = tpu.memref_slice %arg5[%add3A_601, %dma_wait3A_631] : memref<8192x2048xf32, #tpu.memory_space<hbm>> -> memref<8x2048xf32, #tpu.memory_space<hbm>>
    %dma_wait3A_633 = arith.constant 0 : i32
    %dma_wait3A_634 = tpu.memref_slice %arg5[%add3A_601, %dma_wait3A_633] : memref<8192x2048xf32, #tpu.memory_space<hbm>> -> memref<8x2048xf32, #tpu.memory_space<hbm>>
    tpu.wait_dma2 semaphore(%arg19 : memref<!tpu.dma_semaphore, #tpu.memory_space<semaphore_mem>>) src(%arg7 : memref<8x2048xf32, #tpu.memory_space<vmem>>) dst(%dma_wait3A_634 : memref<8x2048xf32, #tpu.memory_space<hbm>>)
    %dma_start3A_635 = arith.constant 112 : i32
    %dma_start3A_636 = tpu.memref_slice %arg6[%dma_start3A_635] : memref<256xi32, #tpu.memory_space<vmem>> -> memref<8xi32, #tpu.memory_space<vmem>>
    %dma_start3A_637 = arith.constant 0 : i32
    %dma_start3A_638 = arith.constant 0 : i32
    %dma_start3A_639 = tpu.memref_slice %arg3[%dma_start3A_637, %dma_start3A_638] : memref<50257x2048xf32, #tpu.memory_space<hbm>> -> memref<50257x2048xf32, #tpu.memory_space<hbm>>
    tpu.enqueue_indirect_dma source(%dma_start3A_639 : memref<50257x2048xf32, #tpu.memory_space<hbm>>) target(%arg7 : memref<8x2048xf32, #tpu.memory_space<vmem>>) offsets(%dma_start3A_636 : memref<8xi32, #tpu.memory_space<vmem>>) semaphore(%arg14 : memref<!tpu.dma_semaphore, #tpu.memory_space<semaphore_mem>>)
    %dma_wait3A_640 = arith.constant 168 : i32
    %dma_wait3A_641 = tpu.memref_slice %arg6[%dma_wait3A_640] : memref<256xi32, #tpu.memory_space<vmem>> -> memref<8xi32, #tpu.memory_space<vmem>>
    %dma_wait3A_642 = arith.constant 0 : i32
    %dma_wait3A_643 = arith.constant 0 : i32
    %dma_wait3A_644 = tpu.memref_slice %arg3[%dma_wait3A_642, %dma_wait3A_643] : memref<50257x2048xf32, #tpu.memory_space<hbm>> -> memref<50257x2048xf32, #tpu.memory_space<hbm>>
    tpu.wait_indirect_dma semaphore(%arg16 : memref<!tpu.dma_semaphore, #tpu.memory_space<semaphore_mem>>) src(%dma_wait3A_644 : memref<50257x2048xf32, #tpu.memory_space<hbm>>) dst(%arg9 : memref<8x2048xf32, #tpu.memory_space<vmem>>)
    %parallel_loop3A_645 = arith.constant 0 : i32
    %parallel_loop3A_646 = arith.constant 8 : i32
    %parallel_loop3A_647 = arith.constant 1 : i32
    scf.for %parallel_loop3A_888 = %parallel_loop3A_645 to %parallel_loop3A_646 step %parallel_loop3A_647  : i32 {
      %parallel_loop3A_889 = arith.constant 0 : i32
      %parallel_loop3A_890 = arith.constant 2048 : i32
      %parallel_loop3A_891 = arith.constant 16 : i32
      scf.for %parallel_loop3A_892 = %parallel_loop3A_889 to %parallel_loop3A_890 step %parallel_loop3A_891  : i32 {
        %parallel_loop3A_893 = arith.index_cast %parallel_loop3A_888 : i32 to index
        %parallel_loop3A_894 = arith.index_cast %parallel_loop3A_892 : i32 to index
        %parallel_loop3A_895 = tpu.vector_load %arg13[%parallel_loop3A_893, %parallel_loop3A_894] {strides = array<i32>} : memref<8x2048xf32, #tpu.memory_space<vmem>>, vector<1x16xf32>,
        %parallel_loop3A_896 = vector.shape_cast %parallel_loop3A_895 : vector<1x16xf32> to vector<16xf32>
        %parallel_loop3A_897 = arith.index_cast %parallel_loop3A_888 : i32 to index
        %parallel_loop3A_898 = arith.index_cast %parallel_loop3A_892 : i32 to index
        %parallel_loop3A_899 = tpu.vector_load %arg9[%parallel_loop3A_897, %parallel_loop3A_898] {strides = array<i32>} : memref<8x2048xf32, #tpu.memory_space<vmem>>, vector<1x16xf32>,
        %parallel_loop3A_900 = vector.shape_cast %parallel_loop3A_899 : vector<1x16xf32> to vector<16xf32>
        %parallel_loop3A_901 = vector.shape_cast %parallel_loop3A_896 : vector<16xf32> to vector<1x16xf32>
        tpu.vector_store %arg9[%parallel_loop3A_897, %parallel_loop3A_898], %parallel_loop3A_901 {add = true, strides = array<i32>} : memref<8x2048xf32, #tpu.memory_space<vmem>>, vector<1x16xf32>,
      } {sc.loop_unroll_factor = 8 : i64, sc.parallel_access}
    } {sc.loop_unroll_factor = 1 : i64, sc.parallel_access}
    %add3A_648 = arith.constant 4096 : i32
    %add3A_649 = arith.addi %add3A_648, %mul3A_2 : i32
    %add3A_650 = arith.constant 40 : i32
    %add3A_651 = arith.addi %add3A_649, %add3A_650 : i32
    %dma_start3A_652 = arith.constant 0 : i32
    %dma_start3A_653 = tpu.memref_slice %arg5[%add3A_651, %dma_start3A_652] : memref<8192x2048xf32, #tpu.memory_space<hbm>> -> memref<8x2048xf32, #tpu.memory_space<hbm>>
    %dma_start3A_654 = arith.constant 0 : i32
    %dma_start3A_655 = tpu.memref_slice %arg5[%add3A_651, %dma_start3A_654] : memref<8192x2048xf32, #tpu.memory_space<hbm>> -> memref<8x2048xf32, #tpu.memory_space<hbm>>
    tpu.enqueue_dma source(%arg9 : memref<8x2048xf32, #tpu.memory_space<vmem>>) target(%dma_start3A_655 : memref<8x2048xf32, #tpu.memory_space<hbm>>) target_semaphore(%arg21 : memref<!tpu.dma_semaphore, #tpu.memory_space<semaphore_mem>>)
    %dma_wait3A_656 = arith.constant 0 : i32
    %dma_wait3A_657 = tpu.memref_slice %arg5[%add3A_626, %dma_wait3A_656] : memref<8192x2048xf32, #tpu.memory_space<hbm>> -> memref<8x2048xf32, #tpu.memory_space<hbm>>
    %dma_wait3A_658 = arith.constant 0 : i32
    %dma_wait3A_659 = tpu.memref_slice %arg5[%add3A_626, %dma_wait3A_658] : memref<8192x2048xf32, #tpu.memory_space<hbm>> -> memref<8x2048xf32, #tpu.memory_space<hbm>>
    tpu.wait_dma2 semaphore(%arg20 : memref<!tpu.dma_semaphore, #tpu.memory_space<semaphore_mem>>) src(%arg8 : memref<8x2048xf32, #tpu.memory_space<vmem>>) dst(%dma_wait3A_659 : memref<8x2048xf32, #tpu.memory_space<hbm>>)
    %dma_start3A_660 = arith.constant 176 : i32
    %dma_start3A_661 = tpu.memref_slice %arg6[%dma_start3A_660] : memref<256xi32, #tpu.memory_space<vmem>> -> memref<8xi32, #tpu.memory_space<vmem>>
    %dma_start3A_662 = arith.constant 0 : i32
    %dma_start3A_663 = arith.constant 0 : i32
    %dma_start3A_664 = tpu.memref_slice %arg3[%dma_start3A_662, %dma_start3A_663] : memref<50257x2048xf32, #tpu.memory_space<hbm>> -> memref<50257x2048xf32, #tpu.memory_space<hbm>>
    tpu.enqueue_indirect_dma source(%dma_start3A_664 : memref<50257x2048xf32, #tpu.memory_space<hbm>>) target(%arg8 : memref<8x2048xf32, #tpu.memory_space<vmem>>) offsets(%dma_start3A_661 : memref<8xi32, #tpu.memory_space<vmem>>) semaphore(%arg15 : memref<!tpu.dma_semaphore, #tpu.memory_space<semaphore_mem>>)
    %dma_wait3A_665 = arith.constant 232 : i32
    %dma_wait3A_666 = tpu.memref_slice %arg6[%dma_wait3A_665] : memref<256xi32, #tpu.memory_space<vmem>> -> memref<8xi32, #tpu.memory_space<vmem>>
    %dma_wait3A_667 = arith.constant 0 : i32
    %dma_wait3A_668 = arith.constant 0 : i32
    %dma_wait3A_669 = tpu.memref_slice %arg3[%dma_wait3A_667, %dma_wait3A_668] : memref<50257x2048xf32, #tpu.memory_space<hbm>> -> memref<50257x2048xf32, #tpu.memory_space<hbm>>
    tpu.wait_indirect_dma semaphore(%arg17 : memref<!tpu.dma_semaphore, #tpu.memory_space<semaphore_mem>>) src(%dma_wait3A_669 : memref<50257x2048xf32, #tpu.memory_space<hbm>>) dst(%arg10 : memref<8x2048xf32, #tpu.memory_space<vmem>>)
    %parallel_loop3A_670 = arith.constant 0 : i32
    %parallel_loop3A_671 = arith.constant 8 : i32
    %parallel_loop3A_672 = arith.constant 1 : i32
    scf.for %parallel_loop3A_888 = %parallel_loop3A_670 to %parallel_loop3A_671 step %parallel_loop3A_672  : i32 {
      %parallel_loop3A_889 = arith.constant 0 : i32
      %parallel_loop3A_890 = arith.constant 2048 : i32
      %parallel_loop3A_891 = arith.constant 16 : i32
      scf.for %parallel_loop3A_892 = %parallel_loop3A_889 to %parallel_loop3A_890 step %parallel_loop3A_891  : i32 {
        %parallel_loop3A_893 = arith.index_cast %parallel_loop3A_888 : i32 to index
        %parallel_loop3A_894 = arith.index_cast %parallel_loop3A_892 : i32 to index
        %parallel_loop3A_895 = tpu.vector_load %arg13[%parallel_loop3A_893, %parallel_loop3A_894] {strides = array<i32>} : memref<8x2048xf32, #tpu.memory_space<vmem>>, vector<1x16xf32>,
        %parallel_loop3A_896 = vector.shape_cast %parallel_loop3A_895 : vector<1x16xf32> to vector<16xf32>
        %parallel_loop3A_897 = arith.index_cast %parallel_loop3A_888 : i32 to index
        %parallel_loop3A_898 = arith.index_cast %parallel_loop3A_892 : i32 to index
        %parallel_loop3A_899 = tpu.vector_load %arg10[%parallel_loop3A_897, %parallel_loop3A_898] {strides = array<i32>} : memref<8x2048xf32, #tpu.memory_space<vmem>>, vector<1x16xf32>,
        %parallel_loop3A_900 = vector.shape_cast %parallel_loop3A_899 : vector<1x16xf32> to vector<16xf32>
        %parallel_loop3A_901 = vector.shape_cast %parallel_loop3A_896 : vector<16xf32> to vector<1x16xf32>
        tpu.vector_store %arg10[%parallel_loop3A_897, %parallel_loop3A_898], %parallel_loop3A_901 {add = true, strides = array<i32>} : memref<8x2048xf32, #tpu.memory_space<vmem>>, vector<1x16xf32>,
      } {sc.loop_unroll_factor = 8 : i64, sc.parallel_access}
    } {sc.loop_unroll_factor = 1 : i64, sc.parallel_access}
    %add3A_673 = arith.constant 6144 : i32
    %add3A_674 = arith.addi %add3A_673, %mul3A_2 : i32
    %add3A_675 = arith.constant 40 : i32
    %add3A_676 = arith.addi %add3A_674, %add3A_675 : i32
    %dma_start3A_677 = arith.constant 0 : i32
    %dma_start3A_678 = tpu.memref_slice %arg5[%add3A_676, %dma_start3A_677] : memref<8192x2048xf32, #tpu.memory_space<hbm>> -> memref<8x2048xf32, #tpu.memory_space<hbm>>
    %dma_start3A_679 = arith.constant 0 : i32
    %dma_start3A_680 = tpu.memref_slice %arg5[%add3A_676, %dma_start3A_679] : memref<8192x2048xf32, #tpu.memory_space<hbm>> -> memref<8x2048xf32, #tpu.memory_space<hbm>>
    tpu.enqueue_dma source(%arg10 : memref<8x2048xf32, #tpu.memory_space<vmem>>) target(%dma_start3A_680 : memref<8x2048xf32, #tpu.memory_space<hbm>>) target_semaphore(%arg22 : memref<!tpu.dma_semaphore, #tpu.memory_space<semaphore_mem>>)
    %add3A_681 = arith.constant 56 : i32
    %add3A_682 = arith.addi %mul3A_2, %add3A_681 : i32
    %dma_start3A_683 = arith.constant 0 : i32
    %dma_start3A_684 = tpu.memref_slice %arg4[%add3A_682, %dma_start3A_683] : memref<2048x2048xf32, #tpu.memory_space<hbm>> -> memref<8x2048xf32, #tpu.memory_space<hbm>>
    %dma_start3A_685 = arith.constant 0 : i32
    %dma_start3A_686 = tpu.memref_slice %arg4[%add3A_682, %dma_start3A_685] : memref<2048x2048xf32, #tpu.memory_space<hbm>> -> memref<8x2048xf32, #tpu.memory_space<hbm>>
    tpu.enqueue_dma source(%dma_start3A_686 : memref<8x2048xf32, #tpu.memory_space<hbm>>) target(%arg13 : memref<8x2048xf32, #tpu.memory_space<vmem>>) target_semaphore(%arg25 : memref<!tpu.dma_semaphore, #tpu.memory_space<semaphore_mem>>)
    %dma_wait3A_687 = arith.constant 0 : i32
    %dma_wait3A_688 = tpu.memref_slice %arg5[%add3A_651, %dma_wait3A_687] : memref<8192x2048xf32, #tpu.memory_space<hbm>> -> memref<8x2048xf32, #tpu.memory_space<hbm>>
    %dma_wait3A_689 = arith.constant 0 : i32
    %dma_wait3A_690 = tpu.memref_slice %arg5[%add3A_651, %dma_wait3A_689] : memref<8192x2048xf32, #tpu.memory_space<hbm>> -> memref<8x2048xf32, #tpu.memory_space<hbm>>
    tpu.wait_dma2 semaphore(%arg21 : memref<!tpu.dma_semaphore, #tpu.memory_space<semaphore_mem>>) src(%arg9 : memref<8x2048xf32, #tpu.memory_space<vmem>>) dst(%dma_wait3A_690 : memref<8x2048xf32, #tpu.memory_space<hbm>>)
    %dma_start3A_691 = arith.constant 240 : i32
    %dma_start3A_692 = tpu.memref_slice %arg6[%dma_start3A_691] : memref<256xi32, #tpu.memory_space<vmem>> -> memref<8xi32, #tpu.memory_space<vmem>>
    %dma_start3A_693 = arith.constant 0 : i32
    %dma_start3A_694 = arith.constant 0 : i32
    %dma_start3A_695 = tpu.memref_slice %arg3[%dma_start3A_693, %dma_start3A_694] : memref<50257x2048xf32, #tpu.memory_space<hbm>> -> memref<50257x2048xf32, #tpu.memory_space<hbm>>
    tpu.enqueue_indirect_dma source(%dma_start3A_695 : memref<50257x2048xf32, #tpu.memory_space<hbm>>) target(%arg9 : memref<8x2048xf32, #tpu.memory_space<vmem>>) offsets(%dma_start3A_692 : memref<8xi32, #tpu.memory_space<vmem>>) semaphore(%arg16 : memref<!tpu.dma_semaphore, #tpu.memory_space<semaphore_mem>>)
    %dma_wait3A_696 = arith.constant 0 : i32
    %dma_wait3A_697 = tpu.memref_slice %arg4[%add3A_572, %dma_wait3A_696] : memref<2048x2048xf32, #tpu.memory_space<hbm>> -> memref<8x2048xf32, #tpu.memory_space<hbm>>
    %dma_wait3A_698 = arith.constant 0 : i32
    %dma_wait3A_699 = tpu.memref_slice %arg4[%add3A_572, %dma_wait3A_698] : memref<2048x2048xf32, #tpu.memory_space<hbm>> -> memref<8x2048xf32, #tpu.memory_space<hbm>>
    tpu.wait_dma2 semaphore(%arg24 : memref<!tpu.dma_semaphore, #tpu.memory_space<semaphore_mem>>) src(%dma_wait3A_699 : memref<8x2048xf32, #tpu.memory_space<hbm>>) dst(%arg12 : memref<8x2048xf32, #tpu.memory_space<vmem>>)
    %dma_wait3A_700 = arith.constant 48 : i32
    %dma_wait3A_701 = tpu.memref_slice %arg6[%dma_wait3A_700] : memref<256xi32, #tpu.memory_space<vmem>> -> memref<8xi32, #tpu.memory_space<vmem>>
    %dma_wait3A_702 = arith.constant 0 : i32
    %dma_wait3A_703 = arith.constant 0 : i32
    %dma_wait3A_704 = tpu.memref_slice %arg3[%dma_wait3A_702, %dma_wait3A_703] : memref<50257x2048xf32, #tpu.memory_space<hbm>> -> memref<50257x2048xf32, #tpu.memory_space<hbm>>
    tpu.wait_indirect_dma semaphore(%arg18 : memref<!tpu.dma_semaphore, #tpu.memory_space<semaphore_mem>>) src(%dma_wait3A_704 : memref<50257x2048xf32, #tpu.memory_space<hbm>>) dst(%arg11 : memref<8x2048xf32, #tpu.memory_space<vmem>>)
    %parallel_loop3A_705 = arith.constant 0 : i32
    %parallel_loop3A_706 = arith.constant 8 : i32
    %parallel_loop3A_707 = arith.constant 1 : i32
    scf.for %parallel_loop3A_888 = %parallel_loop3A_705 to %parallel_loop3A_706 step %parallel_loop3A_707  : i32 {
      %parallel_loop3A_889 = arith.constant 0 : i32
      %parallel_loop3A_890 = arith.constant 2048 : i32
      %parallel_loop3A_891 = arith.constant 16 : i32
      scf.for %parallel_loop3A_892 = %parallel_loop3A_889 to %parallel_loop3A_890 step %parallel_loop3A_891  : i32 {
        %parallel_loop3A_893 = arith.index_cast %parallel_loop3A_888 : i32 to index
        %parallel_loop3A_894 = arith.index_cast %parallel_loop3A_892 : i32 to index
        %parallel_loop3A_895 = tpu.vector_load %arg12[%parallel_loop3A_893, %parallel_loop3A_894] {strides = array<i32>} : memref<8x2048xf32, #tpu.memory_space<vmem>>, vector<1x16xf32>,
        %parallel_loop3A_896 = vector.shape_cast %parallel_loop3A_895 : vector<1x16xf32> to vector<16xf32>
        %parallel_loop3A_897 = arith.index_cast %parallel_loop3A_888 : i32 to index
        %parallel_loop3A_898 = arith.index_cast %parallel_loop3A_892 : i32 to index
        %parallel_loop3A_899 = tpu.vector_load %arg11[%parallel_loop3A_897, %parallel_loop3A_898] {strides = array<i32>} : memref<8x2048xf32, #tpu.memory_space<vmem>>, vector<1x16xf32>,
        %parallel_loop3A_900 = vector.shape_cast %parallel_loop3A_899 : vector<1x16xf32> to vector<16xf32>
        %parallel_loop3A_901 = vector.shape_cast %parallel_loop3A_896 : vector<16xf32> to vector<1x16xf32>
        tpu.vector_store %arg11[%parallel_loop3A_897, %parallel_loop3A_898], %parallel_loop3A_901 {add = true, strides = array<i32>} : memref<8x2048xf32, #tpu.memory_space<vmem>>, vector<1x16xf32>,
      } {sc.loop_unroll_factor = 8 : i64, sc.parallel_access}
    } {sc.loop_unroll_factor = 1 : i64, sc.parallel_access}
    %add3A_708 = arith.constant 0 : i32
    %add3A_709 = arith.addi %add3A_708, %mul3A_2 : i32
    %add3A_710 = arith.constant 48 : i32
    %add3A_711 = arith.addi %add3A_709, %add3A_710 : i32
    %dma_start3A_712 = arith.constant 0 : i32
    %dma_start3A_713 = tpu.memref_slice %arg5[%add3A_711, %dma_start3A_712] : memref<8192x2048xf32, #tpu.memory_space<hbm>> -> memref<8x2048xf32, #tpu.memory_space<hbm>>
    %dma_start3A_714 = arith.constant 0 : i32
    %dma_start3A_715 = tpu.memref_slice %arg5[%add3A_711, %dma_start3A_714] : memref<8192x2048xf32, #tpu.memory_space<hbm>> -> memref<8x2048xf32, #tpu.memory_space<hbm>>
    tpu.enqueue_dma source(%arg11 : memref<8x2048xf32, #tpu.memory_space<vmem>>) target(%dma_start3A_715 : memref<8x2048xf32, #tpu.memory_space<hbm>>) target_semaphore(%arg23 : memref<!tpu.dma_semaphore, #tpu.memory_space<semaphore_mem>>)
    %dma_wait3A_716 = arith.constant 0 : i32
    %dma_wait3A_717 = tpu.memref_slice %arg5[%add3A_676, %dma_wait3A_716] : memref<8192x2048xf32, #tpu.memory_space<hbm>> -> memref<8x2048xf32, #tpu.memory_space<hbm>>
    %dma_wait3A_718 = arith.constant 0 : i32
    %dma_wait3A_719 = tpu.memref_slice %arg5[%add3A_676, %dma_wait3A_718] : memref<8192x2048xf32, #tpu.memory_space<hbm>> -> memref<8x2048xf32, #tpu.memory_space<hbm>>
    tpu.wait_dma2 semaphore(%arg22 : memref<!tpu.dma_semaphore, #tpu.memory_space<semaphore_mem>>) src(%arg10 : memref<8x2048xf32, #tpu.memory_space<vmem>>) dst(%dma_wait3A_719 : memref<8x2048xf32, #tpu.memory_space<hbm>>)
    %dma_start3A_720 = arith.constant 56 : i32
    %dma_start3A_721 = tpu.memref_slice %arg6[%dma_start3A_720] : memref<256xi32, #tpu.memory_space<vmem>> -> memref<8xi32, #tpu.memory_space<vmem>>
    %dma_start3A_722 = arith.constant 0 : i32
    %dma_start3A_723 = arith.constant 0 : i32
    %dma_start3A_724 = tpu.memref_slice %arg3[%dma_start3A_722, %dma_start3A_723] : memref<50257x2048xf32, #tpu.memory_space<hbm>> -> memref<50257x2048xf32, #tpu.memory_space<hbm>>
    tpu.enqueue_indirect_dma source(%dma_start3A_724 : memref<50257x2048xf32, #tpu.memory_space<hbm>>) target(%arg10 : memref<8x2048xf32, #tpu.memory_space<vmem>>) offsets(%dma_start3A_721 : memref<8xi32, #tpu.memory_space<vmem>>) semaphore(%arg17 : memref<!tpu.dma_semaphore, #tpu.memory_space<semaphore_mem>>)
    %dma_wait3A_725 = arith.constant 112 : i32
    %dma_wait3A_726 = tpu.memref_slice %arg6[%dma_wait3A_725] : memref<256xi32, #tpu.memory_space<vmem>> -> memref<8xi32, #tpu.memory_space<vmem>>
    %dma_wait3A_727 = arith.constant 0 : i32
    %dma_wait3A_728 = arith.constant 0 : i32
    %dma_wait3A_729 = tpu.memref_slice %arg3[%dma_wait3A_727, %dma_wait3A_728] : memref<50257x2048xf32, #tpu.memory_space<hbm>> -> memref<50257x2048xf32, #tpu.memory_space<hbm>>
    tpu.wait_indirect_dma semaphore(%arg14 : memref<!tpu.dma_semaphore, #tpu.memory_space<semaphore_mem>>) src(%dma_wait3A_729 : memref<50257x2048xf32, #tpu.memory_space<hbm>>) dst(%arg7 : memref<8x2048xf32, #tpu.memory_space<vmem>>)
    %parallel_loop3A_730 = arith.constant 0 : i32
    %parallel_loop3A_731 = arith.constant 8 : i32
    %parallel_loop3A_732 = arith.constant 1 : i32
    scf.for %parallel_loop3A_888 = %parallel_loop3A_730 to %parallel_loop3A_731 step %parallel_loop3A_732  : i32 {
      %parallel_loop3A_889 = arith.constant 0 : i32
      %parallel_loop3A_890 = arith.constant 2048 : i32
      %parallel_loop3A_891 = arith.constant 16 : i32
      scf.for %parallel_loop3A_892 = %parallel_loop3A_889 to %parallel_loop3A_890 step %parallel_loop3A_891  : i32 {
        %parallel_loop3A_893 = arith.index_cast %parallel_loop3A_888 : i32 to index
        %parallel_loop3A_894 = arith.index_cast %parallel_loop3A_892 : i32 to index
        %parallel_loop3A_895 = tpu.vector_load %arg12[%parallel_loop3A_893, %parallel_loop3A_894] {strides = array<i32>} : memref<8x2048xf32, #tpu.memory_space<vmem>>, vector<1x16xf32>,
        %parallel_loop3A_896 = vector.shape_cast %parallel_loop3A_895 : vector<1x16xf32> to vector<16xf32>
        %parallel_loop3A_897 = arith.index_cast %parallel_loop3A_888 : i32 to index
        %parallel_loop3A_898 = arith.index_cast %parallel_loop3A_892 : i32 to index
        %parallel_loop3A_899 = tpu.vector_load %arg7[%parallel_loop3A_897, %parallel_loop3A_898] {strides = array<i32>} : memref<8x2048xf32, #tpu.memory_space<vmem>>, vector<1x16xf32>,
        %parallel_loop3A_900 = vector.shape_cast %parallel_loop3A_899 : vector<1x16xf32> to vector<16xf32>
        %parallel_loop3A_901 = vector.shape_cast %parallel_loop3A_896 : vector<16xf32> to vector<1x16xf32>
        tpu.vector_store %arg7[%parallel_loop3A_897, %parallel_loop3A_898], %parallel_loop3A_901 {add = true, strides = array<i32>} : memref<8x2048xf32, #tpu.memory_space<vmem>>, vector<1x16xf32>,
      } {sc.loop_unroll_factor = 8 : i64, sc.parallel_access}
    } {sc.loop_unroll_factor = 1 : i64, sc.parallel_access}
    %add3A_733 = arith.constant 2048 : i32
    %add3A_734 = arith.addi %add3A_733, %mul3A_2 : i32
    %add3A_735 = arith.constant 48 : i32
    %add3A_736 = arith.addi %add3A_734, %add3A_735 : i32
    %dma_start3A_737 = arith.constant 0 : i32
    %dma_start3A_738 = tpu.memref_slice %arg5[%add3A_736, %dma_start3A_737] : memref<8192x2048xf32, #tpu.memory_space<hbm>> -> memref<8x2048xf32, #tpu.memory_space<hbm>>
    %dma_start3A_739 = arith.constant 0 : i32
    %dma_start3A_740 = tpu.memref_slice %arg5[%add3A_736, %dma_start3A_739] : memref<8192x2048xf32, #tpu.memory_space<hbm>> -> memref<8x2048xf32, #tpu.memory_space<hbm>>
    tpu.enqueue_dma source(%arg7 : memref<8x2048xf32, #tpu.memory_space<vmem>>) target(%dma_start3A_740 : memref<8x2048xf32, #tpu.memory_space<hbm>>) target_semaphore(%arg19 : memref<!tpu.dma_semaphore, #tpu.memory_space<semaphore_mem>>)
    %dma_wait3A_741 = arith.constant 0 : i32
    %dma_wait3A_742 = tpu.memref_slice %arg5[%add3A_711, %dma_wait3A_741] : memref<8192x2048xf32, #tpu.memory_space<hbm>> -> memref<8x2048xf32, #tpu.memory_space<hbm>>
    %dma_wait3A_743 = arith.constant 0 : i32
    %dma_wait3A_744 = tpu.memref_slice %arg5[%add3A_711, %dma_wait3A_743] : memref<8192x2048xf32, #tpu.memory_space<hbm>> -> memref<8x2048xf32, #tpu.memory_space<hbm>>
    tpu.wait_dma2 semaphore(%arg23 : memref<!tpu.dma_semaphore, #tpu.memory_space<semaphore_mem>>) src(%arg11 : memref<8x2048xf32, #tpu.memory_space<vmem>>) dst(%dma_wait3A_744 : memref<8x2048xf32, #tpu.memory_space<hbm>>)
    %dma_start3A_745 = arith.constant 120 : i32
    %dma_start3A_746 = tpu.memref_slice %arg6[%dma_start3A_745] : memref<256xi32, #tpu.memory_space<vmem>> -> memref<8xi32, #tpu.memory_space<vmem>>
    %dma_start3A_747 = arith.constant 0 : i32
    %dma_start3A_748 = arith.constant 0 : i32
    %dma_start3A_749 = tpu.memref_slice %arg3[%dma_start3A_747, %dma_start3A_748] : memref<50257x2048xf32, #tpu.memory_space<hbm>> -> memref<50257x2048xf32, #tpu.memory_space<hbm>>
    tpu.enqueue_indirect_dma source(%dma_start3A_749 : memref<50257x2048xf32, #tpu.memory_space<hbm>>) target(%arg11 : memref<8x2048xf32, #tpu.memory_space<vmem>>) offsets(%dma_start3A_746 : memref<8xi32, #tpu.memory_space<vmem>>) semaphore(%arg18 : memref<!tpu.dma_semaphore, #tpu.memory_space<semaphore_mem>>)
    %dma_wait3A_750 = arith.constant 176 : i32
    %dma_wait3A_751 = tpu.memref_slice %arg6[%dma_wait3A_750] : memref<256xi32, #tpu.memory_space<vmem>> -> memref<8xi32, #tpu.memory_space<vmem>>
    %dma_wait3A_752 = arith.constant 0 : i32
    %dma_wait3A_753 = arith.constant 0 : i32
    %dma_wait3A_754 = tpu.memref_slice %arg3[%dma_wait3A_752, %dma_wait3A_753] : memref<50257x2048xf32, #tpu.memory_space<hbm>> -> memref<50257x2048xf32, #tpu.memory_space<hbm>>
    tpu.wait_indirect_dma semaphore(%arg15 : memref<!tpu.dma_semaphore, #tpu.memory_space<semaphore_mem>>) src(%dma_wait3A_754 : memref<50257x2048xf32, #tpu.memory_space<hbm>>) dst(%arg8 : memref<8x2048xf32, #tpu.memory_space<vmem>>)
    %parallel_loop3A_755 = arith.constant 0 : i32
    %parallel_loop3A_756 = arith.constant 8 : i32
    %parallel_loop3A_757 = arith.constant 1 : i32
    scf.for %parallel_loop3A_888 = %parallel_loop3A_755 to %parallel_loop3A_756 step %parallel_loop3A_757  : i32 {
      %parallel_loop3A_889 = arith.constant 0 : i32
      %parallel_loop3A_890 = arith.constant 2048 : i32
      %parallel_loop3A_891 = arith.constant 16 : i32
      scf.for %parallel_loop3A_892 = %parallel_loop3A_889 to %parallel_loop3A_890 step %parallel_loop3A_891  : i32 {
        %parallel_loop3A_893 = arith.index_cast %parallel_loop3A_888 : i32 to index
        %parallel_loop3A_894 = arith.index_cast %parallel_loop3A_892 : i32 to index
        %parallel_loop3A_895 = tpu.vector_load %arg12[%parallel_loop3A_893, %parallel_loop3A_894] {strides = array<i32>} : memref<8x2048xf32, #tpu.memory_space<vmem>>, vector<1x16xf32>,
        %parallel_loop3A_896 = vector.shape_cast %parallel_loop3A_895 : vector<1x16xf32> to vector<16xf32>
        %parallel_loop3A_897 = arith.index_cast %parallel_loop3A_888 : i32 to index
        %parallel_loop3A_898 = arith.index_cast %parallel_loop3A_892 : i32 to index
        %parallel_loop3A_899 = tpu.vector_load %arg8[%parallel_loop3A_897, %parallel_loop3A_898] {strides = array<i32>} : memref<8x2048xf32, #tpu.memory_space<vmem>>, vector<1x16xf32>,
        %parallel_loop3A_900 = vector.shape_cast %parallel_loop3A_899 : vector<1x16xf32> to vector<16xf32>
        %parallel_loop3A_901 = vector.shape_cast %parallel_loop3A_896 : vector<16xf32> to vector<1x16xf32>
        tpu.vector_store %arg8[%parallel_loop3A_897, %parallel_loop3A_898], %parallel_loop3A_901 {add = true, strides = array<i32>} : memref<8x2048xf32, #tpu.memory_space<vmem>>, vector<1x16xf32>,
      } {sc.loop_unroll_factor = 8 : i64, sc.parallel_access}
    } {sc.loop_unroll_factor = 1 : i64, sc.parallel_access}
    %add3A_758 = arith.constant 4096 : i32
    %add3A_759 = arith.addi %add3A_758, %mul3A_2 : i32
    %add3A_760 = arith.constant 48 : i32
    %add3A_761 = arith.addi %add3A_759, %add3A_760 : i32
    %dma_start3A_762 = arith.constant 0 : i32
    %dma_start3A_763 = tpu.memref_slice %arg5[%add3A_761, %dma_start3A_762] : memref<8192x2048xf32, #tpu.memory_space<hbm>> -> memref<8x2048xf32, #tpu.memory_space<hbm>>
    %dma_start3A_764 = arith.constant 0 : i32
    %dma_start3A_765 = tpu.memref_slice %arg5[%add3A_761, %dma_start3A_764] : memref<8192x2048xf32, #tpu.memory_space<hbm>> -> memref<8x2048xf32, #tpu.memory_space<hbm>>
    tpu.enqueue_dma source(%arg8 : memref<8x2048xf32, #tpu.memory_space<vmem>>) target(%dma_start3A_765 : memref<8x2048xf32, #tpu.memory_space<hbm>>) target_semaphore(%arg20 : memref<!tpu.dma_semaphore, #tpu.memory_space<semaphore_mem>>)
    %dma_wait3A_766 = arith.constant 0 : i32
    %dma_wait3A_767 = tpu.memref_slice %arg5[%add3A_736, %dma_wait3A_766] : memref<8192x2048xf32, #tpu.memory_space<hbm>> -> memref<8x2048xf32, #tpu.memory_space<hbm>>
    %dma_wait3A_768 = arith.constant 0 : i32
    %dma_wait3A_769 = tpu.memref_slice %arg5[%add3A_736, %dma_wait3A_768] : memref<8192x2048xf32, #tpu.memory_space<hbm>> -> memref<8x2048xf32, #tpu.memory_space<hbm>>
    tpu.wait_dma2 semaphore(%arg19 : memref<!tpu.dma_semaphore, #tpu.memory_space<semaphore_mem>>) src(%arg7 : memref<8x2048xf32, #tpu.memory_space<vmem>>) dst(%dma_wait3A_769 : memref<8x2048xf32, #tpu.memory_space<hbm>>)
    %dma_start3A_770 = arith.constant 184 : i32
    %dma_start3A_771 = tpu.memref_slice %arg6[%dma_start3A_770] : memref<256xi32, #tpu.memory_space<vmem>> -> memref<8xi32, #tpu.memory_space<vmem>>
    %dma_start3A_772 = arith.constant 0 : i32
    %dma_start3A_773 = arith.constant 0 : i32
    %dma_start3A_774 = tpu.memref_slice %arg3[%dma_start3A_772, %dma_start3A_773] : memref<50257x2048xf32, #tpu.memory_space<hbm>> -> memref<50257x2048xf32, #tpu.memory_space<hbm>>
    tpu.enqueue_indirect_dma source(%dma_start3A_774 : memref<50257x2048xf32, #tpu.memory_space<hbm>>) target(%arg7 : memref<8x2048xf32, #tpu.memory_space<vmem>>) offsets(%dma_start3A_771 : memref<8xi32, #tpu.memory_space<vmem>>) semaphore(%arg14 : memref<!tpu.dma_semaphore, #tpu.memory_space<semaphore_mem>>)
    %dma_wait3A_775 = arith.constant 240 : i32
    %dma_wait3A_776 = tpu.memref_slice %arg6[%dma_wait3A_775] : memref<256xi32, #tpu.memory_space<vmem>> -> memref<8xi32, #tpu.memory_space<vmem>>
    %dma_wait3A_777 = arith.constant 0 : i32
    %dma_wait3A_778 = arith.constant 0 : i32
    %dma_wait3A_779 = tpu.memref_slice %arg3[%dma_wait3A_777, %dma_wait3A_778] : memref<50257x2048xf32, #tpu.memory_space<hbm>> -> memref<50257x2048xf32, #tpu.memory_space<hbm>>
    tpu.wait_indirect_dma semaphore(%arg16 : memref<!tpu.dma_semaphore, #tpu.memory_space<semaphore_mem>>) src(%dma_wait3A_779 : memref<50257x2048xf32, #tpu.memory_space<hbm>>) dst(%arg9 : memref<8x2048xf32, #tpu.memory_space<vmem>>)
    %parallel_loop3A_780 = arith.constant 0 : i32
    %parallel_loop3A_781 = arith.constant 8 : i32
    %parallel_loop3A_782 = arith.constant 1 : i32
    scf.for %parallel_loop3A_888 = %parallel_loop3A_780 to %parallel_loop3A_781 step %parallel_loop3A_782  : i32 {
      %parallel_loop3A_889 = arith.constant 0 : i32
      %parallel_loop3A_890 = arith.constant 2048 : i32
      %parallel_loop3A_891 = arith.constant 16 : i32
      scf.for %parallel_loop3A_892 = %parallel_loop3A_889 to %parallel_loop3A_890 step %parallel_loop3A_891  : i32 {
        %parallel_loop3A_893 = arith.index_cast %parallel_loop3A_888 : i32 to index
        %parallel_loop3A_894 = arith.index_cast %parallel_loop3A_892 : i32 to index
        %parallel_loop3A_895 = tpu.vector_load %arg12[%parallel_loop3A_893, %parallel_loop3A_894] {strides = array<i32>} : memref<8x2048xf32, #tpu.memory_space<vmem>>, vector<1x16xf32>,
        %parallel_loop3A_896 = vector.shape_cast %parallel_loop3A_895 : vector<1x16xf32> to vector<16xf32>
        %parallel_loop3A_897 = arith.index_cast %parallel_loop3A_888 : i32 to index
        %parallel_loop3A_898 = arith.index_cast %parallel_loop3A_892 : i32 to index
        %parallel_loop3A_899 = tpu.vector_load %arg9[%parallel_loop3A_897, %parallel_loop3A_898] {strides = array<i32>} : memref<8x2048xf32, #tpu.memory_space<vmem>>, vector<1x16xf32>,
        %parallel_loop3A_900 = vector.shape_cast %parallel_loop3A_899 : vector<1x16xf32> to vector<16xf32>
        %parallel_loop3A_901 = vector.shape_cast %parallel_loop3A_896 : vector<16xf32> to vector<1x16xf32>
        tpu.vector_store %arg9[%parallel_loop3A_897, %parallel_loop3A_898], %parallel_loop3A_901 {add = true, strides = array<i32>} : memref<8x2048xf32, #tpu.memory_space<vmem>>, vector<1x16xf32>,
      } {sc.loop_unroll_factor = 8 : i64, sc.parallel_access}
    } {sc.loop_unroll_factor = 1 : i64, sc.parallel_access}
    %add3A_783 = arith.constant 6144 : i32
    %add3A_784 = arith.addi %add3A_783, %mul3A_2 : i32
    %add3A_785 = arith.constant 48 : i32
    %add3A_786 = arith.addi %add3A_784, %add3A_785 : i32
    %dma_start3A_787 = arith.constant 0 : i32
    %dma_start3A_788 = tpu.memref_slice %arg5[%add3A_786, %dma_start3A_787] : memref<8192x2048xf32, #tpu.memory_space<hbm>> -> memref<8x2048xf32, #tpu.memory_space<hbm>>
    %dma_start3A_789 = arith.constant 0 : i32
    %dma_start3A_790 = tpu.memref_slice %arg5[%add3A_786, %dma_start3A_789] : memref<8192x2048xf32, #tpu.memory_space<hbm>> -> memref<8x2048xf32, #tpu.memory_space<hbm>>
    tpu.enqueue_dma source(%arg9 : memref<8x2048xf32, #tpu.memory_space<vmem>>) target(%dma_start3A_790 : memref<8x2048xf32, #tpu.memory_space<hbm>>) target_semaphore(%arg21 : memref<!tpu.dma_semaphore, #tpu.memory_space<semaphore_mem>>)
    %dma_wait3A_791 = arith.constant 0 : i32
    %dma_wait3A_792 = tpu.memref_slice %arg5[%add3A_761, %dma_wait3A_791] : memref<8192x2048xf32, #tpu.memory_space<hbm>> -> memref<8x2048xf32, #tpu.memory_space<hbm>>
    %dma_wait3A_793 = arith.constant 0 : i32
    %dma_wait3A_794 = tpu.memref_slice %arg5[%add3A_761, %dma_wait3A_793] : memref<8192x2048xf32, #tpu.memory_space<hbm>> -> memref<8x2048xf32, #tpu.memory_space<hbm>>
    tpu.wait_dma2 semaphore(%arg20 : memref<!tpu.dma_semaphore, #tpu.memory_space<semaphore_mem>>) src(%arg8 : memref<8x2048xf32, #tpu.memory_space<vmem>>) dst(%dma_wait3A_794 : memref<8x2048xf32, #tpu.memory_space<hbm>>)
    %dma_start3A_795 = arith.constant 248 : i32
    %dma_start3A_796 = tpu.memref_slice %arg6[%dma_start3A_795] : memref<256xi32, #tpu.memory_space<vmem>> -> memref<8xi32, #tpu.memory_space<vmem>>
    %dma_start3A_797 = arith.constant 0 : i32
    %dma_start3A_798 = arith.constant 0 : i32
    %dma_start3A_799 = tpu.memref_slice %arg3[%dma_start3A_797, %dma_start3A_798] : memref<50257x2048xf32, #tpu.memory_space<hbm>> -> memref<50257x2048xf32, #tpu.memory_space<hbm>>
    tpu.enqueue_indirect_dma source(%dma_start3A_799 : memref<50257x2048xf32, #tpu.memory_space<hbm>>) target(%arg8 : memref<8x2048xf32, #tpu.memory_space<vmem>>) offsets(%dma_start3A_796 : memref<8xi32, #tpu.memory_space<vmem>>) semaphore(%arg15 : memref<!tpu.dma_semaphore, #tpu.memory_space<semaphore_mem>>)
    %dma_wait3A_800 = arith.constant 0 : i32
    %dma_wait3A_801 = tpu.memref_slice %arg4[%add3A_682, %dma_wait3A_800] : memref<2048x2048xf32, #tpu.memory_space<hbm>> -> memref<8x2048xf32, #tpu.memory_space<hbm>>
    %dma_wait3A_802 = arith.constant 0 : i32
    %dma_wait3A_803 = tpu.memref_slice %arg4[%add3A_682, %dma_wait3A_802] : memref<2048x2048xf32, #tpu.memory_space<hbm>> -> memref<8x2048xf32, #tpu.memory_space<hbm>>
    tpu.wait_dma2 semaphore(%arg25 : memref<!tpu.dma_semaphore, #tpu.memory_space<semaphore_mem>>) src(%dma_wait3A_803 : memref<8x2048xf32, #tpu.memory_space<hbm>>) dst(%arg13 : memref<8x2048xf32, #tpu.memory_space<vmem>>)
    %dma_wait3A_804 = arith.constant 56 : i32
    %dma_wait3A_805 = tpu.memref_slice %arg6[%dma_wait3A_804] : memref<256xi32, #tpu.memory_space<vmem>> -> memref<8xi32, #tpu.memory_space<vmem>>
    %dma_wait3A_806 = arith.constant 0 : i32
    %dma_wait3A_807 = arith.constant 0 : i32
    %dma_wait3A_808 = tpu.memref_slice %arg3[%dma_wait3A_806, %dma_wait3A_807] : memref<50257x2048xf32, #tpu.memory_space<hbm>> -> memref<50257x2048xf32, #tpu.memory_space<hbm>>
    tpu.wait_indirect_dma semaphore(%arg17 : memref<!tpu.dma_semaphore, #tpu.memory_space<semaphore_mem>>) src(%dma_wait3A_808 : memref<50257x2048xf32, #tpu.memory_space<hbm>>) dst(%arg10 : memref<8x2048xf32, #tpu.memory_space<vmem>>)
    %parallel_loop3A_809 = arith.constant 0 : i32
    %parallel_loop3A_810 = arith.constant 8 : i32
    %parallel_loop3A_811 = arith.constant 1 : i32
    scf.for %parallel_loop3A_888 = %parallel_loop3A_809 to %parallel_loop3A_810 step %parallel_loop3A_811  : i32 {
      %parallel_loop3A_889 = arith.constant 0 : i32
      %parallel_loop3A_890 = arith.constant 2048 : i32
      %parallel_loop3A_891 = arith.constant 16 : i32
      scf.for %parallel_loop3A_892 = %parallel_loop3A_889 to %parallel_loop3A_890 step %parallel_loop3A_891  : i32 {
        %parallel_loop3A_893 = arith.index_cast %parallel_loop3A_888 : i32 to index
        %parallel_loop3A_894 = arith.index_cast %parallel_loop3A_892 : i32 to index
        %parallel_loop3A_895 = tpu.vector_load %arg13[%parallel_loop3A_893, %parallel_loop3A_894] {strides = array<i32>} : memref<8x2048xf32, #tpu.memory_space<vmem>>, vector<1x16xf32>,
        %parallel_loop3A_896 = vector.shape_cast %parallel_loop3A_895 : vector<1x16xf32> to vector<16xf32>
        %parallel_loop3A_897 = arith.index_cast %parallel_loop3A_888 : i32 to index
        %parallel_loop3A_898 = arith.index_cast %parallel_loop3A_892 : i32 to index
        %parallel_loop3A_899 = tpu.vector_load %arg10[%parallel_loop3A_897, %parallel_loop3A_898] {strides = array<i32>} : memref<8x2048xf32, #tpu.memory_space<vmem>>, vector<1x16xf32>,
        %parallel_loop3A_900 = vector.shape_cast %parallel_loop3A_899 : vector<1x16xf32> to vector<16xf32>
        %parallel_loop3A_901 = vector.shape_cast %parallel_loop3A_896 : vector<16xf32> to vector<1x16xf32>
        tpu.vector_store %arg10[%parallel_loop3A_897, %parallel_loop3A_898], %parallel_loop3A_901 {add = true, strides = array<i32>} : memref<8x2048xf32, #tpu.memory_space<vmem>>, vector<1x16xf32>,
      } {sc.loop_unroll_factor = 8 : i64, sc.parallel_access}
    } {sc.loop_unroll_factor = 1 : i64, sc.parallel_access}
    %add3A_812 = arith.constant 0 : i32
    %add3A_813 = arith.addi %add3A_812, %mul3A_2 : i32
    %add3A_814 = arith.constant 56 : i32
    %add3A_815 = arith.addi %add3A_813, %add3A_814 : i32
    %dma_start3A_816 = arith.constant 0 : i32
    %dma_start3A_817 = tpu.memref_slice %arg5[%add3A_815, %dma_start3A_816] : memref<8192x2048xf32, #tpu.memory_space<hbm>> -> memref<8x2048xf32, #tpu.memory_space<hbm>>
    %dma_start3A_818 = arith.constant 0 : i32
    %dma_start3A_819 = tpu.memref_slice %arg5[%add3A_815, %dma_start3A_818] : memref<8192x2048xf32, #tpu.memory_space<hbm>> -> memref<8x2048xf32, #tpu.memory_space<hbm>>
    tpu.enqueue_dma source(%arg10 : memref<8x2048xf32, #tpu.memory_space<vmem>>) target(%dma_start3A_819 : memref<8x2048xf32, #tpu.memory_space<hbm>>) target_semaphore(%arg22 : memref<!tpu.dma_semaphore, #tpu.memory_space<semaphore_mem>>)
    %dma_wait3A_820 = arith.constant 120 : i32
    %dma_wait3A_821 = tpu.memref_slice %arg6[%dma_wait3A_820] : memref<256xi32, #tpu.memory_space<vmem>> -> memref<8xi32, #tpu.memory_space<vmem>>
    %dma_wait3A_822 = arith.constant 0 : i32
    %dma_wait3A_823 = arith.constant 0 : i32
    %dma_wait3A_824 = tpu.memref_slice %arg3[%dma_wait3A_822, %dma_wait3A_823] : memref<50257x2048xf32, #tpu.memory_space<hbm>> -> memref<50257x2048xf32, #tpu.memory_space<hbm>>
    tpu.wait_indirect_dma semaphore(%arg18 : memref<!tpu.dma_semaphore, #tpu.memory_space<semaphore_mem>>) src(%dma_wait3A_824 : memref<50257x2048xf32, #tpu.memory_space<hbm>>) dst(%arg11 : memref<8x2048xf32, #tpu.memory_space<vmem>>)
    %parallel_loop3A_825 = arith.constant 0 : i32
    %parallel_loop3A_826 = arith.constant 8 : i32
    %parallel_loop3A_827 = arith.constant 1 : i32
    scf.for %parallel_loop3A_888 = %parallel_loop3A_825 to %parallel_loop3A_826 step %parallel_loop3A_827  : i32 {
      %parallel_loop3A_889 = arith.constant 0 : i32
      %parallel_loop3A_890 = arith.constant 2048 : i32
      %parallel_loop3A_891 = arith.constant 16 : i32
      scf.for %parallel_loop3A_892 = %parallel_loop3A_889 to %parallel_loop3A_890 step %parallel_loop3A_891  : i32 {
        %parallel_loop3A_893 = arith.index_cast %parallel_loop3A_888 : i32 to index
        %parallel_loop3A_894 = arith.index_cast %parallel_loop3A_892 : i32 to index
        %parallel_loop3A_895 = tpu.vector_load %arg13[%parallel_loop3A_893, %parallel_loop3A_894] {strides = array<i32>} : memref<8x2048xf32, #tpu.memory_space<vmem>>, vector<1x16xf32>,
        %parallel_loop3A_896 = vector.shape_cast %parallel_loop3A_895 : vector<1x16xf32> to vector<16xf32>
        %parallel_loop3A_897 = arith.index_cast %parallel_loop3A_888 : i32 to index
        %parallel_loop3A_898 = arith.index_cast %parallel_loop3A_892 : i32 to index
        %parallel_loop3A_899 = tpu.vector_load %arg11[%parallel_loop3A_897, %parallel_loop3A_898] {strides = array<i32>} : memref<8x2048xf32, #tpu.memory_space<vmem>>, vector<1x16xf32>,
        %parallel_loop3A_900 = vector.shape_cast %parallel_loop3A_899 : vector<1x16xf32> to vector<16xf32>
        %parallel_loop3A_901 = vector.shape_cast %parallel_loop3A_896 : vector<16xf32> to vector<1x16xf32>
        tpu.vector_store %arg11[%parallel_loop3A_897, %parallel_loop3A_898], %parallel_loop3A_901 {add = true, strides = array<i32>} : memref<8x2048xf32, #tpu.memory_space<vmem>>, vector<1x16xf32>,
      } {sc.loop_unroll_factor = 8 : i64, sc.parallel_access}
    } {sc.loop_unroll_factor = 1 : i64, sc.parallel_access}
    %add3A_828 = arith.constant 2048 : i32
    %add3A_829 = arith.addi %add3A_828, %mul3A_2 : i32
    %add3A_830 = arith.constant 56 : i32
    %add3A_831 = arith.addi %add3A_829, %add3A_830 : i32
    %dma_start3A_832 = arith.constant 0 : i32
    %dma_start3A_833 = tpu.memref_slice %arg5[%add3A_831, %dma_start3A_832] : memref<8192x2048xf32, #tpu.memory_space<hbm>> -> memref<8x2048xf32, #tpu.memory_space<hbm>>
    %dma_start3A_834 = arith.constant 0 : i32
    %dma_start3A_835 = tpu.memref_slice %arg5[%add3A_831, %dma_start3A_834] : memref<8192x2048xf32, #tpu.memory_space<hbm>> -> memref<8x2048xf32, #tpu.memory_space<hbm>>
    tpu.enqueue_dma source(%arg11 : memref<8x2048xf32, #tpu.memory_space<vmem>>) target(%dma_start3A_835 : memref<8x2048xf32, #tpu.memory_space<hbm>>) target_semaphore(%arg23 : memref<!tpu.dma_semaphore, #tpu.memory_space<semaphore_mem>>)
    %dma_wait3A_836 = arith.constant 184 : i32
    %dma_wait3A_837 = tpu.memref_slice %arg6[%dma_wait3A_836] : memref<256xi32, #tpu.memory_space<vmem>> -> memref<8xi32, #tpu.memory_space<vmem>>
    %dma_wait3A_838 = arith.constant 0 : i32
    %dma_wait3A_839 = arith.constant 0 : i32
    %dma_wait3A_840 = tpu.memref_slice %arg3[%dma_wait3A_838, %dma_wait3A_839] : memref<50257x2048xf32, #tpu.memory_space<hbm>> -> memref<50257x2048xf32, #tpu.memory_space<hbm>>
    tpu.wait_indirect_dma semaphore(%arg14 : memref<!tpu.dma_semaphore, #tpu.memory_space<semaphore_mem>>) src(%dma_wait3A_840 : memref<50257x2048xf32, #tpu.memory_space<hbm>>) dst(%arg7 : memref<8x2048xf32, #tpu.memory_space<vmem>>)
    %parallel_loop3A_841 = arith.constant 0 : i32
    %parallel_loop3A_842 = arith.constant 8 : i32
    %parallel_loop3A_843 = arith.constant 1 : i32
    scf.for %parallel_loop3A_888 = %parallel_loop3A_841 to %parallel_loop3A_842 step %parallel_loop3A_843  : i32 {
      %parallel_loop3A_889 = arith.constant 0 : i32
      %parallel_loop3A_890 = arith.constant 2048 : i32
      %parallel_loop3A_891 = arith.constant 16 : i32
      scf.for %parallel_loop3A_892 = %parallel_loop3A_889 to %parallel_loop3A_890 step %parallel_loop3A_891  : i32 {
        %parallel_loop3A_893 = arith.index_cast %parallel_loop3A_888 : i32 to index
        %parallel_loop3A_894 = arith.index_cast %parallel_loop3A_892 : i32 to index
        %parallel_loop3A_895 = tpu.vector_load %arg13[%parallel_loop3A_893, %parallel_loop3A_894] {strides = array<i32>} : memref<8x2048xf32, #tpu.memory_space<vmem>>, vector<1x16xf32>,
        %parallel_loop3A_896 = vector.shape_cast %parallel_loop3A_895 : vector<1x16xf32> to vector<16xf32>
        %parallel_loop3A_897 = arith.index_cast %parallel_loop3A_888 : i32 to index
        %parallel_loop3A_898 = arith.index_cast %parallel_loop3A_892 : i32 to index
        %parallel_loop3A_899 = tpu.vector_load %arg7[%parallel_loop3A_897, %parallel_loop3A_898] {strides = array<i32>} : memref<8x2048xf32, #tpu.memory_space<vmem>>, vector<1x16xf32>,
        %parallel_loop3A_900 = vector.shape_cast %parallel_loop3A_899 : vector<1x16xf32> to vector<16xf32>
        %parallel_loop3A_901 = vector.shape_cast %parallel_loop3A_896 : vector<16xf32> to vector<1x16xf32>
        tpu.vector_store %arg7[%parallel_loop3A_897, %parallel_loop3A_898], %parallel_loop3A_901 {add = true, strides = array<i32>} : memref<8x2048xf32, #tpu.memory_space<vmem>>, vector<1x16xf32>,
      } {sc.loop_unroll_factor = 8 : i64, sc.parallel_access}
    } {sc.loop_unroll_factor = 1 : i64, sc.parallel_access}
    %add3A_844 = arith.constant 4096 : i32
    %add3A_845 = arith.addi %add3A_844, %mul3A_2 : i32
    %add3A_846 = arith.constant 56 : i32
    %add3A_847 = arith.addi %add3A_845, %add3A_846 : i32
    %dma_start3A_848 = arith.constant 0 : i32
    %dma_start3A_849 = tpu.memref_slice %arg5[%add3A_847, %dma_start3A_848] : memref<8192x2048xf32, #tpu.memory_space<hbm>> -> memref<8x2048xf32, #tpu.memory_space<hbm>>
    %dma_start3A_850 = arith.constant 0 : i32
    %dma_start3A_851 = tpu.memref_slice %arg5[%add3A_847, %dma_start3A_850] : memref<8192x2048xf32, #tpu.memory_space<hbm>> -> memref<8x2048xf32, #tpu.memory_space<hbm>>
    tpu.enqueue_dma source(%arg7 : memref<8x2048xf32, #tpu.memory_space<vmem>>) target(%dma_start3A_851 : memref<8x2048xf32, #tpu.memory_space<hbm>>) target_semaphore(%arg19 : memref<!tpu.dma_semaphore, #tpu.memory_space<semaphore_mem>>)
    %dma_wait3A_852 = arith.constant 248 : i32
    %dma_wait3A_853 = tpu.memref_slice %arg6[%dma_wait3A_852] : memref<256xi32, #tpu.memory_space<vmem>> -> memref<8xi32, #tpu.memory_space<vmem>>
    %dma_wait3A_854 = arith.constant 0 : i32
    %dma_wait3A_855 = arith.constant 0 : i32
    %dma_wait3A_856 = tpu.memref_slice %arg3[%dma_wait3A_854, %dma_wait3A_855] : memref<50257x2048xf32, #tpu.memory_space<hbm>> -> memref<50257x2048xf32, #tpu.memory_space<hbm>>
    tpu.wait_indirect_dma semaphore(%arg15 : memref<!tpu.dma_semaphore, #tpu.memory_space<semaphore_mem>>) src(%dma_wait3A_856 : memref<50257x2048xf32, #tpu.memory_space<hbm>>) dst(%arg8 : memref<8x2048xf32, #tpu.memory_space<vmem>>)
    %parallel_loop3A_857 = arith.constant 0 : i32
    %parallel_loop3A_858 = arith.constant 8 : i32
    %parallel_loop3A_859 = arith.constant 1 : i32
    scf.for %parallel_loop3A_888 = %parallel_loop3A_857 to %parallel_loop3A_858 step %parallel_loop3A_859  : i32 {
      %parallel_loop3A_889 = arith.constant 0 : i32
      %parallel_loop3A_890 = arith.constant 2048 : i32
      %parallel_loop3A_891 = arith.constant 16 : i32
      scf.for %parallel_loop3A_892 = %parallel_loop3A_889 to %parallel_loop3A_890 step %parallel_loop3A_891  : i32 {
        %parallel_loop3A_893 = arith.index_cast %parallel_loop3A_888 : i32 to index
        %parallel_loop3A_894 = arith.index_cast %parallel_loop3A_892 : i32 to index
        %parallel_loop3A_895 = tpu.vector_load %arg13[%parallel_loop3A_893, %parallel_loop3A_894] {strides = array<i32>} : memref<8x2048xf32, #tpu.memory_space<vmem>>, vector<1x16xf32>,
        %parallel_loop3A_896 = vector.shape_cast %parallel_loop3A_895 : vector<1x16xf32> to vector<16xf32>
        %parallel_loop3A_897 = arith.index_cast %parallel_loop3A_888 : i32 to index
        %parallel_loop3A_898 = arith.index_cast %parallel_loop3A_892 : i32 to index
        %parallel_loop3A_899 = tpu.vector_load %arg8[%parallel_loop3A_897, %parallel_loop3A_898] {strides = array<i32>} : memref<8x2048xf32, #tpu.memory_space<vmem>>, vector<1x16xf32>,
        %parallel_loop3A_900 = vector.shape_cast %parallel_loop3A_899 : vector<1x16xf32> to vector<16xf32>
        %parallel_loop3A_901 = vector.shape_cast %parallel_loop3A_896 : vector<16xf32> to vector<1x16xf32>
        tpu.vector_store %arg8[%parallel_loop3A_897, %parallel_loop3A_898], %parallel_loop3A_901 {add = true, strides = array<i32>} : memref<8x2048xf32, #tpu.memory_space<vmem>>, vector<1x16xf32>,
      } {sc.loop_unroll_factor = 8 : i64, sc.parallel_access}
    } {sc.loop_unroll_factor = 1 : i64, sc.parallel_access}
    %add3A_860 = arith.constant 6144 : i32
    %add3A_861 = arith.addi %add3A_860, %mul3A_2 : i32
    %add3A_862 = arith.constant 56 : i32
    %add3A_863 = arith.addi %add3A_861, %add3A_862 : i32
    %dma_start3A_864 = arith.constant 0 : i32
    %dma_start3A_865 = tpu.memref_slice %arg5[%add3A_863, %dma_start3A_864] : memref<8192x2048xf32, #tpu.memory_space<hbm>> -> memref<8x2048xf32, #tpu.memory_space<hbm>>
    %dma_start3A_866 = arith.constant 0 : i32
    %dma_start3A_867 = tpu.memref_slice %arg5[%add3A_863, %dma_start3A_866] : memref<8192x2048xf32, #tpu.memory_space<hbm>> -> memref<8x2048xf32, #tpu.memory_space<hbm>>
    tpu.enqueue_dma source(%arg8 : memref<8x2048xf32, #tpu.memory_space<vmem>>) target(%dma_start3A_867 : memref<8x2048xf32, #tpu.memory_space<hbm>>) target_semaphore(%arg20 : memref<!tpu.dma_semaphore, #tpu.memory_space<semaphore_mem>>)
    %dma_wait3A_868 = arith.constant 0 : i32
    %dma_wait3A_869 = tpu.memref_slice %arg5[%add3A_847, %dma_wait3A_868] : memref<8192x2048xf32, #tpu.memory_space<hbm>> -> memref<8x2048xf32, #tpu.memory_space<hbm>>
    %dma_wait3A_870 = arith.constant 0 : i32
    %dma_wait3A_871 = tpu.memref_slice %arg5[%add3A_847, %dma_wait3A_870] : memref<8192x2048xf32, #tpu.memory_space<hbm>> -> memref<8x2048xf32, #tpu.memory_space<hbm>>
    tpu.wait_dma2 semaphore(%arg19 : memref<!tpu.dma_semaphore, #tpu.memory_space<semaphore_mem>>) src(%arg7 : memref<8x2048xf32, #tpu.memory_space<vmem>>) dst(%dma_wait3A_871 : memref<8x2048xf32, #tpu.memory_space<hbm>>)
    %dma_wait3A_872 = arith.constant 0 : i32
    %dma_wait3A_873 = tpu.memref_slice %arg5[%add3A_863, %dma_wait3A_872] : memref<8192x2048xf32, #tpu.memory_space<hbm>> -> memref<8x2048xf32, #tpu.memory_space<hbm>>
    %dma_wait3A_874 = arith.constant 0 : i32
    %dma_wait3A_875 = tpu.memref_slice %arg5[%add3A_863, %dma_wait3A_874] : memref<8192x2048xf32, #tpu.memory_space<hbm>> -> memref<8x2048xf32, #tpu.memory_space<hbm>>
    tpu.wait_dma2 semaphore(%arg20 : memref<!tpu.dma_semaphore, #tpu.memory_space<semaphore_mem>>) src(%arg8 : memref<8x2048xf32, #tpu.memory_space<vmem>>) dst(%dma_wait3A_875 : memref<8x2048xf32, #tpu.memory_space<hbm>>)
    %dma_wait3A_876 = arith.constant 0 : i32
    %dma_wait3A_877 = tpu.memref_slice %arg5[%add3A_786, %dma_wait3A_876] : memref<8192x2048xf32, #tpu.memory_space<hbm>> -> memref<8x2048xf32, #tpu.memory_space<hbm>>
    %dma_wait3A_878 = arith.constant 0 : i32
    %dma_wait3A_879 = tpu.memref_slice %arg5[%add3A_786, %dma_wait3A_878] : memref<8192x2048xf32, #tpu.memory_space<hbm>> -> memref<8x2048xf32, #tpu.memory_space<hbm>>
    tpu.wait_dma2 semaphore(%arg21 : memref<!tpu.dma_semaphore, #tpu.memory_space<semaphore_mem>>) src(%arg9 : memref<8x2048xf32, #tpu.memory_space<vmem>>) dst(%dma_wait3A_879 : memref<8x2048xf32, #tpu.memory_space<hbm>>)
    %dma_wait3A_880 = arith.constant 0 : i32
    %dma_wait3A_881 = tpu.memref_slice %arg5[%add3A_815, %dma_wait3A_880] : memref<8192x2048xf32, #tpu.memory_space<hbm>> -> memref<8x2048xf32, #tpu.memory_space<hbm>>
    %dma_wait3A_882 = arith.constant 0 : i32
    %dma_wait3A_883 = tpu.memref_slice %arg5[%add3A_815, %dma_wait3A_882] : memref<8192x2048xf32, #tpu.memory_space<hbm>> -> memref<8x2048xf32, #tpu.memory_space<hbm>>
    tpu.wait_dma2 semaphore(%arg22 : memref<!tpu.dma_semaphore, #tpu.memory_space<semaphore_mem>>) src(%arg10 : memref<8x2048xf32, #tpu.memory_space<vmem>>) dst(%dma_wait3A_883 : memref<8x2048xf32, #tpu.memory_space<hbm>>)
    %dma_wait3A_884 = arith.constant 0 : i32
    %dma_wait3A_885 = tpu.memref_slice %arg5[%add3A_831, %dma_wait3A_884] : memref<8192x2048xf32, #tpu.memory_space<hbm>> -> memref<8x2048xf32, #tpu.memory_space<hbm>>
    %dma_wait3A_886 = arith.constant 0 : i32
    %dma_wait3A_887 = tpu.memref_slice %arg5[%add3A_831, %dma_wait3A_886] : memref<8192x2048xf32, #tpu.memory_space<hbm>> -> memref<8x2048xf32, #tpu.memory_space<hbm>>
    tpu.wait_dma2 semaphore(%arg23 : memref<!tpu.dma_semaphore, #tpu.memory_space<semaphore_mem>>) src(%arg11 : memref<8x2048xf32, #tpu.memory_space<vmem>>) dst(%dma_wait3A_887 : memref<8x2048xf32, #tpu.memory_space<hbm>>)
    return
  }
}

</mosaic_0001>

<sc_bundles>
// kernel: kernel.3.cloned.1.call-start
scs
__scs_entry_jumppad:
0x0: {  	(pc) =	sbr.rel $0x88, $3  }
0x1: {  	(tag) =	ssettag $0x0;
	lr =	simm.s32 $0x1  }
0x2: {  	[smem:$0x3F9E] =	sst lr;
	_ =	strace $0xD0000000  }
0x3: {  	_ = 	snop  }
0x4: {  	_ = 	snop  }
0x5: {  	_ = 	snop  }
0x6: {  	_ = 	snop  }
0x7: {  	_ = 	snop  }
__scs_overlays_trampoline_lowered:
0x8: {  	[smem:$0x3FAD] =	sst s0  }
0x9: {  	[smem:$0x3FAE] =	sst s1  }
0xa: {  	[smem:$0x3FAF] =	sst s2  }
0xb: {  	[smem:$0x3FB0] =	sst s3  }
0xc: {  	[smem:$0x3FB1] =	sst s4  }
0xd: {  	[smem:$0x3FB2] =	sst s5  }
0xe: {  	[smem:$0x3FB3] =	sst s6  }
0xf: {  	[smem:$0x3FB4] =	sst s7  }
0x10: {  	[smem:$0x3FB5] =	sst s8  }
0x11: {  	[smem:$0x3FB6] =	sst s9;
	s0 =	simm.s32 @!p0 $0x0  }
0x12: {  	s1 =	sld [smem:$0x3F9C];
	s0 =	simm.s32 @p0 $0x1  }
0x13: {  	[smem:$0x3FB7] =	sst s0;
	s0 =	simm.s32 @!p1 $0x0  }
0x14: {  	s2 =	sld [smem:$0x3F9B];
	s0 =	simm.s32 @p1 $0x1  }
0x15: {  	[smem:$0x3FB8] =	sst s0;
	s0 =	simm.s32 @!p2 $0x0  }
0x16: {  	s3 =	sld [smem:$0x3FDB];
	s0 =	simm.s32 @p2 $0x1  }
0x17: {  	s4 =	simm.s32 $0x1BF5;
	[smem:$0x3FBA] =	sst s0  }
0x18: {  	s0 =	sld [smem:$0x3F9D];
	_ =	swait.ge [sflag:s4], $0x0  }
0x19: {  	s7 =	sld [smem:$0x3F9E]  }
0x1a: {  	s8 =	sadd.s32 $0xFFFFE003, lr  }
0x1b: {  	s9 =	sadd.s32 $0xFFFFFEF7, lr;
	s5 =	simm.s32 $0xFFFFFFFF;
	p2 =	slt.u32 s8, $0xFFFFF086  }
0x1c: {  	p1 =	slt.u32 s9, $0xF7A;
	s5 =	simm.s32 @!p2 $0x0  }
0x1d: {  	s5 =	simm.s32 @p1 $0x1;
	p0 =	seq.s32 s7, s2  }
0x1e: {  	s7 =	smul.u32 @!p0 $0xF7A, s2;
	p2 =	seq.s32 @!p0 s5, $0x0  }
0x1f: {  	s9 =	smul.u32 $0xF7A, s1;
	s8 =	simm.s32 @!p0 $0x1BF5;
	p2 =	por !p2, p0  }
0x20: {  	[sflag:s8] =	ssyncset.s32 @!p0 $0xFFFFF086;
	s6 =	sadd.s32 @!p0 s3, s7;
	s7 =	simm.s32 @!p0 $0x108  }
0x21: {  	s3 =	sadd.s32 s3, s9;
	s6 =	sadd.s32 @!p0 $0x88, s6;
	s7 =	simm.s32 @p2 $0x1082  }
0x22: {  	[simem:s7], [sflag:s8] =	dma.local @!p0 [hbm:s6], $0xF7A  }
0x23: {  	s9 =	sor.u32 $0xD0000000, s2;
	s6 =	simm.s32 $0x108;
	_ =	swait.ge @!p0 [sflag:s8], $0x0  }
0x24: {  	s3 =	sadd.s32 $0x88, s3;
	s6 =	simm.s32 @!p1 $0x1082;
	[sflag:s4] =	ssyncset.s32 $0xFFFFF086  }
0x25: {  	[simem:s6], [sflag:s4] =	dma.local [hbm:s3], $0xF7A  }
0x26: {  	[smem:$0x3F9E] =	sst s1;
	(tag) =	ssettag s2;
	_ =	strace s9  }
0x27: {  	s1 =	sld [smem:$0x3FAE]  }
0x28: {  	s2 =	sld [smem:$0x3FAF]  }
0x29: {  	s4 =	sld [smem:$0x3FB1]  }
0x2a: {  	p0 =	seq.s32 s5, $0x0;
	s5 =	sld [smem:$0x3FB2]  }
0x2b: {  	s6 =	sld [smem:$0x3FB3]  }
0x2c: {  	s7 =	sld [smem:$0x3FB4]  }
0x2d: {  	s3 =	simm.s32 $0x108;
	s8 =	sld [smem:$0x3FB5]  }
0x2e: {  	s3 =	simm.s32 @!p0 $0x1082;
	s9 =	sld [smem:$0x3FB6]  }
0x2f: {  	lr =	sadd.s32 s0, s3;
	s0 =	sld [smem:$0x3FAD]  }
0x30: {  	s3 =	sld [smem:$0x3FB0]  }
0x31: {  	[smem:$0x3FB9] =	sst s10  }
0x32: {  	s10 =	sld [smem:$0x3FB7];
	_ =	sdelay $0x3  }
0x33: {  	p0 =	seq.s32 s10, $0x1;
	s10 =	sld [smem:$0x3FB9];
	_ =	sdelay $0x3  }
0x34: {  	[smem:$0x3FB9] =	sst s10  }
0x35: {  	s10 =	sld [smem:$0x3FB8];
	_ =	sdelay $0x3  }
0x36: {  	p1 =	seq.s32 s10, $0x1;
	s10 =	sld [smem:$0x3FB9];
	_ =	sdelay $0x3  }
0x37: {  	[smem:$0x3FB9] =	sst s10  }
0x38: {  	s10 =	sld [smem:$0x3FBA]  }
0x39: {  	_ = 	snop;
	(pc) =	sbr.ind lr, $3  }
0x3a: {  	_ = 	snop  }
0x3b: {  	_ = 	snop  }
0x3c: {  	p2 =	seq.s32 s10, $0x1;
	s10 =	sld [smem:$0x3FB9]  }
0x3d: {  	_ =	shalt  }
0x3e: {  	_ =	shalt  }
0x3f: {  	_ =	shalt  }
0x40: {  	_ =	shalt  }
0x41: {  	_ =	shalt  }
0x42: {  	_ =	shalt  }
0x43: {  	_ =	shalt  }
0x44: {  	_ =	shalt  }
0x45: {  	_ =	shalt  }
0x46: {  	_ =	shalt  }
0x47: {  	_ =	shalt  }
0x48: {  	_ =	shalt  }
0x49: {  	_ =	shalt  }
0x4a: {  	_ =	shalt  }
0x4b: {  	_ =	shalt  }
0x4c: {  	_ =	shalt  }
0x4d: {  	_ =	shalt  }
0x4e: {  	_ =	shalt  }
0x4f: {  	_ =	shalt  }
0x50: {  	_ =	shalt  }
0x51: {  	_ =	shalt  }
0x52: {  	_ =	shalt  }
0x53: {  	_ =	shalt  }
0x54: {  	_ =	shalt  }
0x55: {  	_ =	shalt  }
0x56: {  	_ =	shalt  }
0x57: {  	_ =	shalt  }
0x58: {  	_ =	shalt  }
0x59: {  	_ =	shalt  }
0x5a: {  	_ =	shalt  }
0x5b: {  	_ =	shalt  }
0x5c: {  	_ =	shalt  }
0x5d: {  	_ =	shalt  }
0x5e: {  	_ =	shalt  }
0x5f: {  	_ =	shalt  }
0x60: {  	_ =	shalt  }
0x61: {  	_ =	shalt  }
0x62: {  	_ =	shalt  }
0x63: {  	_ =	shalt  }
0x64: {  	_ =	shalt  }
0x65: {  	_ =	shalt  }
0x66: {  	_ =	shalt  }
0x67: {  	_ =	shalt  }
0x68: {  	_ =	shalt  }
0x69: {  	_ =	shalt  }
0x6a: {  	_ =	shalt  }
0x6b: {  	_ =	shalt  }
0x6c: {  	_ =	shalt  }
0x6d: {  	_ =	shalt  }
0x6e: {  	_ =	shalt  }
0x6f: {  	_ =	shalt  }
0x70: {  	_ =	shalt  }
0x71: {  	_ =	shalt  }
0x72: {  	_ =	shalt  }
0x73: {  	_ =	shalt  }
0x74: {  	_ =	shalt  }
0x75: {  	_ =	shalt  }
0x76: {  	_ =	shalt  }
0x77: {  	_ =	shalt  }
0x78: {  	_ =	shalt  }
0x79: {  	_ =	shalt  }
0x7a: {  	_ =	shalt  }
0x7b: {  	_ =	shalt  }
0x7c: {  	_ =	shalt  }
0x7d: {  	_ =	shalt  }
0x7e: {  	_ =	shalt  }
0x7f: {  	_ =	shalt  }
0x80: {  	_ =	shalt  }
0x81: {  	_ =	shalt  }
0x82: {  	_ =	shalt  }
0x83: {  	_ =	shalt  }
0x84: {  	_ =	shalt  }
0x85: {  	_ =	shalt  }
0x86: {  	_ =	shalt  }
0x87: {  	_ =	shalt  }
.Lfunc_end0:
.L_simem_size_0:
called_computation_lowered:
.L_overlay_start_0:
0x88: {  	s2 =	sld [smem:$0x3FD9]  }
0x89: {  	s3 =	sld [smem:$0x3FFE];
	_ =	sdelay $0x1  }
0x8a: {  	s1 =	srdreg.scid  }
0x8b: {  	s0 =	sand.u32 $0x1, s1  }
0x8c: {  	s17 =	sshll.u32 s0, $0xA;
	s2 =	sadd.s32 s3, s2  }
0x8d: {  	s2 =	sadd.s32 s2, s17  }
0x8e: {  	[smem:$0x3FC5] =	sst s2  }
0x8f: {  	_ = 	snop  }
0x90: {  	s2 =	sld [smem:$0x3FC8]  }
0x91: {  	s18 =	sld [smem:$0x3FC7]  }
0x92: {  	s4 =	sld [smem:$0x3FD0];
	(tm) =	ssettm $0x1  }
0x93: {  	s5 =	sld [smem:$0x3FFB];
	_ =	sdelay $0x3  }
0x94: {  	_ =	strace s5  }
0x95: {  	s5 =	sld [smem:$0x3FFC];
	_ =	sdelay $0x3  }
0x96: {  	_ =	strace s5  }
0x97: {  	s5 =	sld [smem:$0x3FFD];
	_ =	sdelay $0x3  }
0x98: {  	_ =	strace s5  }
0x99: {  	_ =	strace $0x8FFFFFFF  }
0x9a: {  	s19 =	sld [smem:$0x3FDB];
	_ =	sdelay $0x1  }
0x9b: {  	s6 =	simm.s32 $_scs_section_size  }
0x9c: {  	s7 =	simm.s32 $_size__tile_overlayer_lowered;
	s8 =	simm.s32 $_tile_overlayer_lowered  }
0x9d: {  	s22 =	simm.s32 $0x1BFF;
	s21 =	sshll.u32 s8, $0x1;
	s5 =	sadd.s32 s6, s19  }
0x9e: {  	s9 =	simm.s32 $0x0;
	s20 =	sshll.u32 s7, $0x1;
	s7 =	sadd.s32 s21, s5  }
0x9f: {  	[timem:s9], [sflag:s22] =	dma.local [hbm:s7], s20  }
0xa0: {  	_ =	swait.ge [sflag:s22], s20  }
0xa1: {  	s6 =	ssub.s32 $0x0, s20;
	[sflag:s22] =	ssyncset.done $0x0  }
0xa2: {  	[sflag:s22] =	ssyncadd.s32 s6;
	_ =	sdelay $0x1  }
0xa3: {  	s23 =	simm.s32 $0x1B8B  }
0xa4: {  	_ =	swait.ge [sflag:s23], $0x1  }
0xa5: {  	[sflag:s23] =	ssyncset.done $0x0  }
0xa6: {  	s25 =	simm.s32 $0x1B8E;
	s24 =	sld [smem:$0x3FFE];
	[sflag:s23] =	ssyncadd.s32 $0xFFFFFFFF  }
0xa7: {  	s26 =	simm.s32 $execute0_lowered;
	[smem:$0x3FD2] =	sst s25  }
0xa8: {  	s7 =	sshll.u32 s26, $0x1;
	_ =	strace $0x80000046;
	[dreg:$0x1] =	wrdreg $0xFFFFFFFF  }
0xa9: {  	s28 =	simm.s32 $_size_execute0_lowered;
	s5 =	sadd.s32 s5, s7;
	[dreg:$0x0] =	wrdreg $0x0  }
0xaa: {  	s7 =	sshll.u32 s28, $0x1;
	[dreg:$0x2] =	wrdreg s5  }
0xab: {  	[dreg:$0x3] =	wrdreg s7  }
0xac: {  	[dreg:$0x4] =	wrdreg $0xC0  }
0xad: {  	_ =	task [dreg:s9], $0x5FFFF  }
0xae: {  	[dreg:$0x1] =	wrdreg $0xFFFFFFFF  }
0xaf: {  	[dreg:$0x0] =	wrdreg $0x60  }
0xb0: {  	[dreg:$0x2] =	wrdreg s24  }
0xb1: {  	[dreg:$0x3] =	wrdreg s2  }
0xb2: {  	[dreg:$0x4] =	wrdreg s18  }
0xb3: {  	[dreg:$0x5] =	wrdreg s4  }
0xb4: {  	[dreg:$0x6] =	wrdreg $0x9  }
0xb5: {  	_ =	task.clear_ibuf [dreg:s9], $0x7FFFF;
	_ =	strace $0x90000046  }
0xb6: {  	s29 =	simm.s32 $0x9;
	_ =	strace $0x80000048  }
0xb7: {  	_ =	swait.ge [sflag:s29], $0x1  }
0xb8: {  	[sflag:s29] =	ssyncadd.s32 $0xFFFFFFFF  }
0xb9: {  	_ =	strace $0x90000048  }
0xba: {  	_ =	sfence  }
0xbb: {  	s30 =	sld [smem:$0x0];
	_ =	sdelay $0x2  }
0xbc: {  	s31 =	sshll.u32 s1, $0xD;
	s1 =	sshrl.u32 s1, $0x2  }
0xbd: {  	s3 =	sand.u32 $0x4000, s31;
	s1 =	sadd.s32 s1, s30  }
0xbe: {  	s0 =	sor.u32 s3, s0;
	s1 =	sshll.u32 s1, $0x11  }
0xbf: {  	s0 =	sor.u32 s1, s0  }
0xc0: {  	s0 =	sadd.s32 $0x8F2B, s0  }
0xc1: {  	[sflag:s0] =	ssyncadd.remote.s32 $0x1  }
0xc2: {  	_ =	sfence.sel $0xFFFF  }
0xc3: {  	[dreg:$0x0] =	wrdreg $0xFFFFFFFF;
	(pc) =	sbr.abs _section_cstart, $3  }
0xc4: {  	[dreg:$0x1] =	wrdreg $0xFFFFFFFF  }
0xc5: {  	_ =	task.clear_ibuf [dreg:s9], $0x2FFFF;
	_ =	strace $0x9FFFFFFF  }
0xc6: {  	(tm) =	ssettm $0x7FFFFFFF  }
0xc7: {  	_ =	shalt  }
tec
execute0_lowered:
.L_overlay_start_1:
0x0: {  	(tag) =	ssettag $0x1  }
0x1: {  	s0 =	rddreg [dreg:$0x0]  }
0x2: {  	s2 =	rddreg [dreg:$0x2];
	s1 =	srdreg.scid  }
0x3: {  	s3 =	rddreg [dreg:$0x3];
	s5 =	stileid.u32  }
0x4: {  	s4 =	sand.u32 $0x1, s1;
	s1 =	simm.s32 $0x0;
	s5 =	sshll.u32 s5, $0x7  }
0x5: {  	s0 =	sadd.s32 $0x400, s0;
	s6 =	sshll.u32 s4, $0x6;
	s4 =	ssub.s32 $0x2, s4  }
0x6: {  	[smem:$0x7FF] =	sst s1;
	s5 =	sor.u32 s6, s5;
	s18 =	sshrl.u32 s4, $0x1  }
0x7: {  	s7 =	sor.u32 $0x800, s5;
	s19 =	sshrl.u32 s5, $0x3;
	s21 =	sor.u32 $0x1000, s5  }
0x8: {  	s9 =	sor.u32 $0x1800, s5;
	s5 =	sshll.u32 s5, $0x8;
	s6 =	sadd.s32 s0, s19  }
0x9: {  	s8 =	sshrl.u32 s7, $0x3;
	s24 =	sadd.s32 s2, s5;
	[dreg:$0x5] =	wrdreg s6  }
0xa: {  	s22 =	sshrl.u32 s21, $0x3;
	s23 =	sshrl.u32 s9, $0x3;
	[dreg:$0x9] =	wrdreg s24  }
0xb: {  	s20 =	sadd.s32 s0, s8;
	s8 =	sadd.s32 s0, s22;
	s22 =	rddreg [dreg:$0x1]  }
0xc: {  	s10 =	sor.u32 $0x800, s5;
	s26 =	sshll.u32 s7, $0x8;
	[dreg:$0x6] =	wrdreg s20  }
0xd: {  	s7 =	sshll.u32 s9, $0x8;
	s0 =	sadd.s32 s0, s23;
	[dreg:$0x7] =	wrdreg s8  }
0xe: {  	s9 =	sor.u32 $0x1000, s5;
	s25 =	sadd.s32 s2, s10;
	[dreg:$0x8] =	wrdreg s0  }
0xf: {  	s4 =	ssub.s32 s4, s18;
	s12 =	sadd.s32 s2, s9;
	[dreg:$0xa] =	wrdreg s25  }
0x10: {  	s11 =	sor.u32 $0x1800, s5;
	s13 =	sadd.s32 s3, s10;
	[dreg:$0xf] =	wrdreg s12  }
0x11: {  	s15 =	sor.u32 $0x2000, s5;
	s14 =	sadd.s32 s2, s11;
	[dreg:$0x10] =	wrdreg s13  }
0x12: {  	s16 =	sor.u32 $0x2800, s5;
	s17 =	sadd.s32 s2, s15;
	[dreg:$0x11] =	wrdreg s14  }
0x13: {  	s19 =	sor.u32 $0x3000, s5;
	s18 =	sadd.s32 s2, s16;
	[dreg:$0x13] =	wrdreg s17  }
0x14: {  	s6 =	sshll.u32 s21, $0x8;
	s21 =	sadd.s32 s2, s19;
	[dreg:$0x15] =	wrdreg s18  }
0x15: {  	s0 =	sadd.s32 s3, s26;
	[dreg:$0x18] =	wrdreg s21  }
0x16: {  	s6 =	sadd.s32 s3, s6;
	[dreg:$0xc] =	wrdreg s0  }
0x17: {  	s20 =	sadd.s32 s3, s16;
	[dreg:$0xd] =	wrdreg s6  }
0x18: {  	s8 =	sadd.s32 s3, s5;
	s0 =	sadd.s32 s3, s7;
	[dreg:$0x17] =	wrdreg s20  }
0x19: {  	s5 =	sor.u32 $0x3800, s5;
	s6 =	sadd.s32 s3, s11;
	[dreg:$0xe] =	wrdreg s0  }
0x1a: {  	s2 =	sadd.s32 s2, s5;
	[dreg:$0x14] =	wrdreg s6  }
0x1b: {  	s23 =	sadd.s32 s3, s5;
	[dreg:$0x19] =	wrdreg s2  }
0x1c: {  	s0 =	sadd.s32 s3, s9;
	[dreg:$0x1b] =	wrdreg s23  }
0x1d: {  	[dreg:$0x12] =	wrdreg s0;
	s0 =	sadd.s32 s3, s15  }
0x1e: {  	[dreg:$0x16] =	wrdreg s0;
	s0 =	sadd.s32 s3, s19  }
0x1f: {  	s24 =	smax.u32 s4, $0x1;
	[dreg:$0x1a] =	wrdreg s0  }
0x20: {  	s25 =	sadd.s32 $0x80800, s8;
	_ =	strace $0x80000047;
	[dreg:$0x1c] =	wrdreg s24  }
0x21: {  	s26 =	sadd.s32 $0x100800, s8;
	[dreg:$0x1d] =	wrdreg s25  }
0x22: {  	s5 =	sadd.s32 $0x180800, s8;
	[dreg:$0x1e] =	wrdreg s26  }
0x23: {  	s6 =	sadd.s32 $0x81000, s8;
	[dreg:$0x1f] =	wrdreg s5  }
0x24: {  	s7 =	sadd.s32 $0x101000, s8;
	[smem:$0x7EC] =	sst s6  }
0x25: {  	s9 =	sadd.s32 $0x181000, s8;
	[smem:$0x7ED] =	sst s7  }
0x26: {  	s10 =	sadd.s32 $0x81800, s8;
	[smem:$0x7EE] =	sst s9  }
0x27: {  	s11 =	sadd.s32 $0x101800, s8;
	[smem:$0x7EF] =	sst s10  }
0x28: {  	s12 =	sadd.s32 $0x181800, s8;
	[smem:$0x7F0] =	sst s11  }
0x29: {  	s13 =	sadd.s32 $0x82000, s8;
	[smem:$0x7F1] =	sst s12  }
0x2a: {  	s28 =	simm.s32 $0x10100;
	s14 =	sadd.s32 $0x102000, s8;
	[smem:$0x7F2] =	sst s13  }
0x2b: {  	s29 =	sadd.s32 $0x100, s22;
	s15 =	sadd.s32 $0x182000, s8;
	[smem:$0x7F3] =	sst s14  }
0x2c: {  	s30 =	sadd.s32 $0x200, s22;
	s16 =	sadd.s32 $0x82800, s8;
	[smem:$0x7F4] =	sst s15  }
0x2d: {  	s31 =	sadd.s32 $0x300, s22;
	s17 =	sadd.s32 $0x102800, s8;
	[smem:$0x7F5] =	sst s16  }
0x2e: {  	s20 =	sadd.s32 $0x400, s22;
	s18 =	sadd.s32 $0x182800, s8;
	[smem:$0x7F6] =	sst s17  }
0x2f: {  	s21 =	sadd.s32 $0x103000, s8;
	s19 =	sadd.s32 $0x83000, s8;
	[smem:$0x7F7] =	sst s18  }
0x30: {  	s2 =	sadd.s32 $0x600, s22;
	s23 =	sadd.s32 $0x183000, s8;
	[smem:$0x7F8] =	sst s19  }
0x31: {  	s3 =	sadd.s32 $0x700, s22;
	s0 =	sadd.s32 $0x500, s22;
	[smem:$0x7F9] =	sst s21  }
0x32: {  	[smem:$0x7FA] =	sst s23;
	s24 =	sadd.s32 $0x83800, s8;
	s25 =	sadd.s32 $0x103800, s8  }
0x33: {  	[dreg:$0xb] =	wrdreg s8;
	s26 =	sadd.s32 $0x183800, s8;
	s7 =	simm.s32 $0x100  }
0x34: {  	s16 =	simm.s32 $0x4100;
	s6 =	simm.s32 $0xC100;
	s8 =	simm.s32 $0xB  }
0x35: {  	s5 =	simm.s32 $0x1;
	s9 =	simm.s32 $0x2;
	s10 =	simm.s32 $0x6  }
0x36: {  	s11 =	simm.s32 $0x3;
	s12 =	simm.s32 $0x7;
	s13 =	simm.s32 $0x4  }
0x37: {  	v0 =	vlaneseq.u32;
	s14 =	simm.s32 $0x8;
	s15 =	simm.s32 $0xC;
	[smem:$0x7FB] =	sst s24  }
0x38: {  	v1 =	vshrl.u32 v0, $0x3;
	s17 =	simm.s32 $0x5;
	s18 =	simm.s32 $0x9;
	[smem:$0x7FC] =	sst s25  }
0x39: {  	vm0 =	vmmov $0xffff;
	v0 =	vand.u32 $0x7, v0;
	v1 =	vmul.u32 $0x8, v1;
	s19 =	simm.s32 $0xA;
	s21 =	simm.s32 $0x0;
	[smem:$0x7FD] =	sst s26  }
.LBB2_1:
0x3a: {  	s4 =	rddreg [dreg:$0x5];
	s23 =	simm.s32 $0xD  }
0x3b: {  	[tilespmem:s1], [sflag:$0xD] =	stream.linear.gather [hbm4b:s4+s1], $0x40, $0x38;
	[tilespmem:$0x1C100] =	vst v63  }
0x3c: {  	_ =	swait.ge [sflag:s23], $0x40  }
0x3d: {  	[sflag:s23] =	ssyncset.done $0x0  }
0x3e: {  	s24 =	simm.s32 $0x40;
	s26 =	rddreg [dreg:$0x6];
	[sflag:s23] =	ssyncadd.s32 $0xFFFFFFC0  }
0x3f: {  	[tilespmem:s24], [sflag:$0xD] =	stream.linear.gather [hbm4b:s26+s1], $0x40, $0x38;
	[tilespmem:$0x1C100] =	vst v63  }
0x40: {  	_ =	swait.ge [sflag:s23], $0x40  }
0x41: {  	[sflag:s23] =	ssyncset.done $0x0  }
0x42: {  	s26 =	simm.s32 $0x80;
	s25 =	rddreg [dreg:$0x7];
	[sflag:s23] =	ssyncadd.s32 $0xFFFFFFC0  }
0x43: {  	[tilespmem:s26], [sflag:$0xD] =	stream.linear.gather [hbm4b:s25+s1], $0x40, $0x38;
	[tilespmem:$0x1C100] =	vst v63  }
0x44: {  	_ =	swait.ge [sflag:s23], $0x40  }
0x45: {  	[sflag:s23] =	ssyncset.done $0x0  }
0x46: {  	s26 =	simm.s32 $0xC0;
	s25 =	rddreg [dreg:$0x8];
	[sflag:s23] =	ssyncadd.s32 $0xFFFFFFC0  }
0x47: {  	[tilespmem:s26], [sflag:$0xD] =	stream.linear.gather [hbm4b:s25+s1], $0x40, $0x38;
	[tilespmem:$0x1C100] =	vst v63  }
0x48: {  	_ =	swait.ge [sflag:s23], $0x40  }
0x49: {  	[sflag:s23] =	ssyncset.done $0x0  }
0x4a: {  	s26 =	simm.s32 $0x14100;
	s25 =	rddreg [dreg:$0x9];
	[sflag:s23] =	ssyncadd.s32 $0xFFFFFFC0  }
0x4b: {  	[tilespmem:s26], [sflag:$0xB] =	stream.linear.gather [hbm4b:s25+s1], $0x4000, $0x38;
	[tilespmem:$0x1C100] =	vst v63  }
0x4c: {  	s24 =	rddreg [dreg:$0xa];
	s25 =	simm.s32 $0x18100  }
0x4d: {  	[tilespmem:s25], [sflag:$0xC] =	stream.linear.gather [hbm4b:s24+s1], $0x4000, $0x38;
	[tilespmem:$0x1C100] =	vst v63  }
0x4e: {  	v2 =	vld.msk [tilespmem:$0x0], $0xff;
	_ =	sdelay $0x4  }
0x4f: {  	v3 =	vshll.u32 v2, $0x4  }
0x50: {  	v2 =	vand.u32 $0x7, v2;
	v3 =	vand.u32 $0xFFFFFF80, v3  }
0x51: {  	v2 =	vor.u32 v2, v3  }
0x52: {  	v2 =	vperm.xlane v2, v0;
	_ =	sdelay $0x1  }
0x53: {  	v2 =	vadd.s32 v1, v2;
	_ =	sdelay $0x4  }
0x54: {  	[tilespmem:s7], [sflag:$0x1] =	stream.indirect_vreg.gather [hbm4b:s22+s1], $0x80, v2, vm0, $0xb8;
	[tilespmem:$0x1C100] =	vst v63  }
0x55: {  	s26 =	simm.s32 $0x900  }
0x56: {  	[tilespmem:s26], [sflag:$0x1] =	stream.indirect_vreg.gather [hbm4b:s29+s1], $0x80, v2, vm0, $0xb8;
	[tilespmem:$0x1C100] =	vst v63  }
0x57: {  	s23 =	simm.s32 $0x1100  }
0x58: {  	[tilespmem:s23], [sflag:$0x1] =	stream.indirect_vreg.gather [hbm4b:s30+s1], $0x80, v2, vm0, $0xb8;
	[tilespmem:$0x1C100] =	vst v63  }
0x59: {  	s24 =	simm.s32 $0x1900  }
0x5a: {  	[tilespmem:s24], [sflag:$0x1] =	stream.indirect_vreg.gather [hbm4b:s31+s1], $0x80, v2, vm0, $0xb8;
	[tilespmem:$0x1C100] =	vst v63  }
0x5b: {  	s25 =	simm.s32 $0x2100  }
0x5c: {  	[tilespmem:s25], [sflag:$0x1] =	stream.indirect_vreg.gather [hbm4b:s20+s1], $0x80, v2, vm0, $0xb8;
	[tilespmem:$0x1C100] =	vst v63  }
0x5d: {  	s26 =	simm.s32 $0x2900  }
0x5e: {  	[tilespmem:s26], [sflag:$0x1] =	stream.indirect_vreg.gather [hbm4b:s0+s1], $0x80, v2, vm0, $0xb8;
	[tilespmem:$0x1C100] =	vst v63  }
0x5f: {  	s23 =	simm.s32 $0x3100  }
0x60: {  	[tilespmem:s23], [sflag:$0x1] =	stream.indirect_vreg.gather [hbm4b:s2+s1], $0x80, v2, vm0, $0xb8;
	[tilespmem:$0x1C100] =	vst v63  }
0x61: {  	s24 =	simm.s32 $0x3900  }
0x62: {  	[tilespmem:s24], [sflag:$0x1] =	stream.indirect_vreg.gather [hbm4b:s3+s1], $0x80, v2, vm0, $0xb8;
	[tilespmem:$0x1C100] =	vst v63  }
0x63: {  	v2 =	vld.msk [tilespmem:$0x40], $0xff;
	_ =	sdelay $0x4  }
0x64: {  	v3 =	vshll.u32 v2, $0x4  }
0x65: {  	v2 =	vand.u32 $0x7, v2;
	v3 =	vand.u32 $0xFFFFFF80, v3  }
0x66: {  	v2 =	vor.u32 v2, v3  }
0x67: {  	v2 =	vperm.xlane v2, v0;
	_ =	sdelay $0x1  }
0x68: {  	v2 =	vadd.s32 v1, v2;
	_ =	sdelay $0x4  }
0x69: {  	[tilespmem:s16], [sflag:$0x2] =	stream.indirect_vreg.gather [hbm4b:s22+s1], $0x80, v2, vm0, $0xb8;
	[tilespmem:$0x1C100] =	vst v63  }
0x6a: {  	s25 =	simm.s32 $0x4900  }
0x6b: {  	[tilespmem:s25], [sflag:$0x2] =	stream.indirect_vreg.gather [hbm4b:s29+s1], $0x80, v2, vm0, $0xb8;
	[tilespmem:$0x1C100] =	vst v63  }
0x6c: {  	s26 =	simm.s32 $0x5100  }
0x6d: {  	[tilespmem:s26], [sflag:$0x2] =	stream.indirect_vreg.gather [hbm4b:s30+s1], $0x80, v2, vm0, $0xb8;
	[tilespmem:$0x1C100] =	vst v63  }
0x6e: {  	s23 =	simm.s32 $0x5900  }
0x6f: {  	[tilespmem:s23], [sflag:$0x2] =	stream.indirect_vreg.gather [hbm4b:s31+s1], $0x80, v2, vm0, $0xb8;
	[tilespmem:$0x1C100] =	vst v63  }
0x70: {  	s24 =	simm.s32 $0x6100  }
0x71: {  	[tilespmem:s24], [sflag:$0x2] =	stream.indirect_vreg.gather [hbm4b:s20+s1], $0x80, v2, vm0, $0xb8;
	[tilespmem:$0x1C100] =	vst v63  }
0x72: {  	s25 =	simm.s32 $0x6900  }
0x73: {  	[tilespmem:s25], [sflag:$0x2] =	stream.indirect_vreg.gather [hbm4b:s0+s1], $0x80, v2, vm0, $0xb8;
	[tilespmem:$0x1C100] =	vst v63  }
0x74: {  	s26 =	simm.s32 $0x7100  }
0x75: {  	[tilespmem:s26], [sflag:$0x2] =	stream.indirect_vreg.gather [hbm4b:s2+s1], $0x80, v2, vm0, $0xb8;
	[tilespmem:$0x1C100] =	vst v63  }
0x76: {  	s23 =	simm.s32 $0x7900  }
0x77: {  	[tilespmem:s23], [sflag:$0x2] =	stream.indirect_vreg.gather [hbm4b:s3+s1], $0x80, v2, vm0, $0xb8;
	[tilespmem:$0x1C100] =	vst v63  }
0x78: {  	v2 =	vld.msk [tilespmem:$0x80], $0xff;
	_ =	sdelay $0x4  }
0x79: {  	v3 =	vshll.u32 v2, $0x4  }
0x7a: {  	v2 =	vand.u32 $0x7, v2;
	v3 =	vand.u32 $0xFFFFFF80, v3  }
0x7b: {  	v2 =	vor.u32 v2, v3  }
0x7c: {  	v2 =	vperm.xlane v2, v0;
	_ =	sdelay $0x1  }
0x7d: {  	v2 =	vadd.s32 v1, v2;
	_ =	sdelay $0x3  }
0x7e: {  	s24 =	simm.s32 $0x8100  }
0x7f: {  	[tilespmem:s24], [sflag:$0x3] =	stream.indirect_vreg.gather [hbm4b:s22+s1], $0x80, v2, vm0, $0xb8;
	[tilespmem:$0x1C100] =	vst v63  }
0x80: {  	s25 =	simm.s32 $0x8900  }
0x81: {  	[tilespmem:s25], [sflag:$0x3] =	stream.indirect_vreg.gather [hbm4b:s29+s1], $0x80, v2, vm0, $0xb8;
	[tilespmem:$0x1C100] =	vst v63  }
0x82: {  	s26 =	simm.s32 $0x9100  }
0x83: {  	[tilespmem:s26], [sflag:$0x3] =	stream.indirect_vreg.gather [hbm4b:s30+s1], $0x80, v2, vm0, $0xb8;
	[tilespmem:$0x1C100] =	vst v63  }
0x84: {  	s23 =	simm.s32 $0x9900  }
0x85: {  	[tilespmem:s23], [sflag:$0x3] =	stream.indirect_vreg.gather [hbm4b:s31+s1], $0x80, v2, vm0, $0xb8;
	[tilespmem:$0x1C100] =	vst v63  }
0x86: {  	s24 =	simm.s32 $0xA100  }
0x87: {  	[tilespmem:s24], [sflag:$0x3] =	stream.indirect_vreg.gather [hbm4b:s20+s1], $0x80, v2, vm0, $0xb8;
	[tilespmem:$0x1C100] =	vst v63  }
0x88: {  	s25 =	simm.s32 $0xA900  }
0x89: {  	[tilespmem:s25], [sflag:$0x3] =	stream.indirect_vreg.gather [hbm4b:s0+s1], $0x80, v2, vm0, $0xb8;
	[tilespmem:$0x1C100] =	vst v63  }
0x8a: {  	s26 =	simm.s32 $0xB100  }
0x8b: {  	[tilespmem:s26], [sflag:$0x3] =	stream.indirect_vreg.gather [hbm4b:s2+s1], $0x80, v2, vm0, $0xb8;
	[tilespmem:$0x1C100] =	vst v63  }
0x8c: {  	s23 =	simm.s32 $0xB900  }
0x8d: {  	[tilespmem:s23], [sflag:$0x3] =	stream.indirect_vreg.gather [hbm4b:s3+s1], $0x80, v2, vm0, $0xb8;
	[tilespmem:$0x1C100] =	vst v63  }
0x8e: {  	v2 =	vld.msk [tilespmem:$0xC0], $0xff;
	_ =	sdelay $0x4  }
0x8f: {  	v3 =	vshll.u32 v2, $0x4  }
0x90: {  	v2 =	vand.u32 $0x7, v2;
	v3 =	vand.u32 $0xFFFFFF80, v3  }
0x91: {  	v2 =	vor.u32 v2, v3  }
0x92: {  	v2 =	vperm.xlane v2, v0;
	_ =	sdelay $0x1  }
0x93: {  	v2 =	vadd.s32 v1, v2;
	_ =	sdelay $0x4  }
0x94: {  	[tilespmem:s6], [sflag:$0x4] =	stream.indirect_vreg.gather [hbm4b:s22+s1], $0x80, v2, vm0, $0xb8;
	[tilespmem:$0x1C100] =	vst v63  }
0x95: {  	s24 =	simm.s32 $0xC900  }
0x96: {  	[tilespmem:s24], [sflag:$0x4] =	stream.indirect_vreg.gather [hbm4b:s29+s1], $0x80, v2, vm0, $0xb8;
	[tilespmem:$0x1C100] =	vst v63  }
0x97: {  	s25 =	simm.s32 $0xD100  }
0x98: {  	[tilespmem:s25], [sflag:$0x4] =	stream.indirect_vreg.gather [hbm4b:s30+s1], $0x80, v2, vm0, $0xb8;
	[tilespmem:$0x1C100] =	vst v63  }
0x99: {  	s26 =	simm.s32 $0xD900  }
0x9a: {  	[tilespmem:s26], [sflag:$0x4] =	stream.indirect_vreg.gather [hbm4b:s31+s1], $0x80, v2, vm0, $0xb8;
	[tilespmem:$0x1C100] =	vst v63  }
0x9b: {  	s23 =	simm.s32 $0xE100  }
0x9c: {  	[tilespmem:s23], [sflag:$0x4] =	stream.indirect_vreg.gather [hbm4b:s20+s1], $0x80, v2, vm0, $0xb8;
	[tilespmem:$0x1C100] =	vst v63  }
0x9d: {  	s24 =	simm.s32 $0xE900  }
0x9e: {  	[tilespmem:s24], [sflag:$0x4] =	stream.indirect_vreg.gather [hbm4b:s0+s1], $0x80, v2, vm0, $0xb8;
	[tilespmem:$0x1C100] =	vst v63  }
0x9f: {  	s25 =	simm.s32 $0xF100  }
0xa0: {  	[tilespmem:s25], [sflag:$0x4] =	stream.indirect_vreg.gather [hbm4b:s2+s1], $0x80, v2, vm0, $0xb8;
	[tilespmem:$0x1C100] =	vst v63  }
0xa1: {  	s26 =	simm.s32 $0xF900  }
0xa2: {  	[tilespmem:s26], [sflag:$0x4] =	stream.indirect_vreg.gather [hbm4b:s3+s1], $0x80, v2, vm0, $0xb8;
	[tilespmem:$0x1C100] =	vst v63  }
0xa3: {  	_ =	swait.ge [sflag:s8], $0x4000  }
0xa4: {  	[sflag:s8] =	ssyncset.done $0x0  }
0xa5: {  	[sflag:s8] =	ssyncadd.s32 $0xFFFFC000  }
0xa6: {  	_ =	swait.ge [sflag:s5], $0x4000  }
0xa7: {  	[sflag:s5] =	ssyncset.done $0x0  }
0xa8: {  	s23 =	simm.s32 $0x0;
	s24 =	simm.s32 $0x0;
	[sflag:s5] =	ssyncadd.s32 $0xFFFFC000  }
.LBB2_2:
0xa9: {  	s25 =	sshra.s32 s23, $0x2  }
0xaa: {  	v2 =	vld [tilespmem:s25+$0x14170]  }
0xab: {  	v3 =	vld [tilespmem:s25+$0x14100]  }
0xac: {  	v4 =	vld [tilespmem:s25+$0x14110]  }
0xad: {  	v5 =	vld [tilespmem:s25+$0x14120]  }
0xae: {  	v6 =	vld [tilespmem:s25+$0x14130]  }
0xaf: {  	v7 =	vld [tilespmem:s25+$0x14140]  }
0xb0: {  	v8 =	vld [tilespmem:s25+$0x14150]  }
0xb1: {  	[tilespmem:s25+$0x170] =	vst.add.f32.msk $0xffff, v2  }
0xb2: {  	v2 =	vld [tilespmem:s25+$0x14160]  }
0xb3: {  	[tilespmem:s25+$0x100] =	vst.add.f32.msk $0xffff, v3  }
0xb4: {  	[tilespmem:s25+$0x110] =	vst.add.f32.msk $0xffff, v4  }
0xb5: {  	[tilespmem:s25+$0x120] =	vst.add.f32.msk $0xffff, v5  }
0xb6: {  	[tilespmem:s25+$0x130] =	vst.add.f32.msk $0xffff, v6  }
0xb7: {  	[tilespmem:s25+$0x140] =	vst.add.f32.msk $0xffff, v7  }
0xb8: {  	s4 =	simm.s32 $0x0;
	s26 =	sadd.s32 $0x1000, s23;
	[tilespmem:s25+$0x150] =	vst.add.f32.msk $0xffff, v8  }
.LBB2_3:
0xb9: {  	s4 =	sadd.s32 $0x80, s4;
	[tilespmem:s25+$0x160] =	vst.add.f32.msk $0xffff, v2;
	s25 =	sshra.s32 s26, $0x2  }
0xba: {  	v2 =	vld [tilespmem:s25+$0x14170];
	p0 =	slt.u32 s4, $0x780  }
0xbb: {  	v3 =	vld [tilespmem:s25+$0x14100]  }
0xbc: {  	v4 =	vld [tilespmem:s25+$0x14110]  }
0xbd: {  	v5 =	vld [tilespmem:s25+$0x14120]  }
0xbe: {  	v6 =	vld [tilespmem:s25+$0x14130]  }
0xbf: {  	[tilespmem:s25+$0x170] =	vst.add.f32.msk $0xffff, v2  }
0xc0: {  	v7 =	vld [tilespmem:s25+$0x14140]  }
0xc1: {  	v8 =	vld [tilespmem:s25+$0x14150]  }
0xc2: {  	v2 =	vld [tilespmem:s25+$0x14160]  }
0xc3: {  	[tilespmem:s25+$0x100] =	vst.add.f32.msk $0xffff, v3  }
.Ltmp0:
0xc4: {  	[tilespmem:s25+$0x110] =	vst.add.f32.msk $0xffff, v4;
	(pc) =	sbr.rel @p0 .LBB2_3-.Ltmp0, $4  }
0xc5: {  	[tilespmem:s25+$0x120] =	vst.add.f32.msk $0xffff, v5  }
0xc6: {  	[tilespmem:s25+$0x130] =	vst.add.f32.msk $0xffff, v6  }
0xc7: {  	[tilespmem:s25+$0x140] =	vst.add.f32.msk $0xffff, v7  }
0xc8: {  	s26 =	sadd.s32 $0x1000, s26;
	[tilespmem:s25+$0x150] =	vst.add.f32.msk $0xffff, v8  }
0xc9: {  	s24 =	sadd.s32 $0x1, s24  }
0xca: {  	p0 =	sne.s32 s24, $0x8  }
.Ltmp1:
0xcb: {  	_ = 	snop;
	(pc) =	sbr.rel @p0 .LBB2_2-.Ltmp1, $2  }
0xcc: {  	_ =	sdelay $0x2  }
0xcd: {  	[tilespmem:s25+$0x160] =	vst.add.f32.msk $0xffff, v2;
	s23 =	sadd.s32 $0x200, s23  }
0xce: {  	s23 =	simm.s32 $0x0;
	s4 =	rddreg [dreg:$0xb]  }
0xcf: {  	[hbm4b:s4+s23] =	stream.linear.scatter [tilespmem:s7], [sflag:$0x6], $0x4000, $0x38;
	[tilespmem:$0x1C100] =	vst v63  }
0xd0: {  	v2 =	vld.msk [tilespmem:$0x8], $0xff;
	_ =	sdelay $0x4  }
0xd1: {  	v3 =	vshll.u32 v2, $0x4  }
0xd2: {  	v2 =	vand.u32 $0x7, v2;
	v3 =	vand.u32 $0xFFFFFF80, v3  }
0xd3: {  	v2 =	vor.u32 v2, v3  }
0xd4: {  	v2 =	vperm.xlane v2, v0;
	_ =	sdelay $0x1  }
0xd5: {  	v2 =	vadd.s32 v1, v2;
	_ =	sdelay $0x4  }
0xd6: {  	[tilespmem:s28], [sflag:$0x5] =	stream.indirect_vreg.gather [hbm4b:s22+s23], $0x80, v2, vm0, $0xb8;
	[tilespmem:$0x1C100] =	vst v63  }
0xd7: {  	s26 =	simm.s32 $0x10900  }
0xd8: {  	[tilespmem:s26], [sflag:$0x5] =	stream.indirect_vreg.gather [hbm4b:s29+s23], $0x80, v2, vm0, $0xb8;
	[tilespmem:$0x1C100] =	vst v63  }
0xd9: {  	s24 =	simm.s32 $0x11100  }
0xda: {  	[tilespmem:s24], [sflag:$0x5] =	stream.indirect_vreg.gather [hbm4b:s30+s23], $0x80, v2, vm0, $0xb8;
	[tilespmem:$0x1C100] =	vst v63  }
0xdb: {  	s25 =	simm.s32 $0x11900  }
0xdc: {  	[tilespmem:s25], [sflag:$0x5] =	stream.indirect_vreg.gather [hbm4b:s31+s23], $0x80, v2, vm0, $0xb8;
	[tilespmem:$0x1C100] =	vst v63  }
0xdd: {  	s26 =	simm.s32 $0x12100  }
0xde: {  	[tilespmem:s26], [sflag:$0x5] =	stream.indirect_vreg.gather [hbm4b:s20+s23], $0x80, v2, vm0, $0xb8;
	[tilespmem:$0x1C100] =	vst v63  }
0xdf: {  	s24 =	simm.s32 $0x12900  }
0xe0: {  	[tilespmem:s24], [sflag:$0x5] =	stream.indirect_vreg.gather [hbm4b:s0+s23], $0x80, v2, vm0, $0xb8;
	[tilespmem:$0x1C100] =	vst v63  }
0xe1: {  	s25 =	simm.s32 $0x13100  }
0xe2: {  	[tilespmem:s25], [sflag:$0x5] =	stream.indirect_vreg.gather [hbm4b:s2+s23], $0x80, v2, vm0, $0xb8;
	[tilespmem:$0x1C100] =	vst v63  }
0xe3: {  	s26 =	simm.s32 $0x13900  }
0xe4: {  	[tilespmem:s26], [sflag:$0x5] =	stream.indirect_vreg.gather [hbm4b:s3+s23], $0x80, v2, vm0, $0xb8;
	[tilespmem:$0x1C100] =	vst v63  }
0xe5: {  	_ =	swait.ge [sflag:s9], $0x4000  }
0xe6: {  	[sflag:s9] =	ssyncset.done $0x0  }
0xe7: {  	s24 =	simm.s32 $0x0;
	[sflag:s9] =	ssyncadd.s32 $0xFFFFC000  }
.LBB2_6:
0xe8: {  	s25 =	sshra.s32 s23, $0x2  }
0xe9: {  	v2 =	vld [tilespmem:s25+$0x14170]  }
0xea: {  	v3 =	vld [tilespmem:s25+$0x14100]  }
0xeb: {  	v4 =	vld [tilespmem:s25+$0x14110]  }
0xec: {  	v5 =	vld [tilespmem:s25+$0x14120]  }
0xed: {  	v6 =	vld [tilespmem:s25+$0x14130]  }
0xee: {  	v7 =	vld [tilespmem:s25+$0x14140]  }
0xef: {  	v8 =	vld [tilespmem:s25+$0x14150]  }
0xf0: {  	[tilespmem:s25+$0x4170] =	vst.add.f32.msk $0xffff, v2  }
0xf1: {  	v2 =	vld [tilespmem:s25+$0x14160]  }
0xf2: {  	[tilespmem:s25+$0x4100] =	vst.add.f32.msk $0xffff, v3  }
0xf3: {  	[tilespmem:s25+$0x4110] =	vst.add.f32.msk $0xffff, v4  }
0xf4: {  	[tilespmem:s25+$0x4120] =	vst.add.f32.msk $0xffff, v5  }
0xf5: {  	[tilespmem:s25+$0x4130] =	vst.add.f32.msk $0xffff, v6  }
0xf6: {  	[tilespmem:s25+$0x4140] =	vst.add.f32.msk $0xffff, v7  }
0xf7: {  	s4 =	simm.s32 $0x0;
	s26 =	sadd.s32 $0x1000, s23;
	[tilespmem:s25+$0x4150] =	vst.add.f32.msk $0xffff, v8  }
.LBB2_7:
0xf8: {  	s4 =	sadd.s32 $0x80, s4;
	[tilespmem:s25+$0x4160] =	vst.add.f32.msk $0xffff, v2;
	s25 =	sshra.s32 s26, $0x2  }
0xf9: {  	v2 =	vld [tilespmem:s25+$0x14170];
	p0 =	slt.u32 s4, $0x780  }
0xfa: {  	v3 =	vld [tilespmem:s25+$0x14100]  }
0xfb: {  	v4 =	vld [tilespmem:s25+$0x14110]  }
0xfc: {  	v5 =	vld [tilespmem:s25+$0x14120]  }
0xfd: {  	v6 =	vld [tilespmem:s25+$0x14130]  }
0xfe: {  	[tilespmem:s25+$0x4170] =	vst.add.f32.msk $0xffff, v2  }
0xff: {  	v7 =	vld [tilespmem:s25+$0x14140]  }
0x100: {  	v8 =	vld [tilespmem:s25+$0x14150]  }
0x101: {  	v2 =	vld [tilespmem:s25+$0x14160]  }
0x102: {  	[tilespmem:s25+$0x4100] =	vst.add.f32.msk $0xffff, v3  }
.Ltmp2:
0x103: {  	[tilespmem:s25+$0x4110] =	vst.add.f32.msk $0xffff, v4;
	(pc) =	sbr.rel @p0 .LBB2_7-.Ltmp2, $4  }
0x104: {  	[tilespmem:s25+$0x4120] =	vst.add.f32.msk $0xffff, v5  }
0x105: {  	[tilespmem:s25+$0x4130] =	vst.add.f32.msk $0xffff, v6  }
0x106: {  	[tilespmem:s25+$0x4140] =	vst.add.f32.msk $0xffff, v7  }
0x107: {  	s26 =	sadd.s32 $0x1000, s26;
	[tilespmem:s25+$0x4150] =	vst.add.f32.msk $0xffff, v8  }
0x108: {  	s24 =	sadd.s32 $0x1, s24  }
0x109: {  	p0 =	sne.s32 s24, $0x8  }
.Ltmp3:
0x10a: {  	_ = 	snop;
	(pc) =	sbr.rel @p0 .LBB2_6-.Ltmp3, $2  }
0x10b: {  	_ =	sdelay $0x2  }
0x10c: {  	[tilespmem:s25+$0x4160] =	vst.add.f32.msk $0xffff, v2;
	s23 =	sadd.s32 $0x200, s23  }
0x10d: {  	s23 =	simm.s32 $0x0;
	s4 =	rddreg [dreg:$0xc]  }
0x10e: {  	[hbm4b:s4+s23] =	stream.linear.scatter [tilespmem:s16], [sflag:$0x7], $0x4000, $0x38;
	[tilespmem:$0x1C100] =	vst v63  }
0x10f: {  	_ =	swait.ge [sflag:s10], $0x4000  }
0x110: {  	[sflag:s10] =	ssyncset.done $0x0  }
0x111: {  	[sflag:s10] =	ssyncadd.s32 $0xFFFFC000  }
0x112: {  	v2 =	vld.msk [tilespmem:$0x48], $0xff;
	_ =	sdelay $0x4  }
0x113: {  	v3 =	vshll.u32 v2, $0x4  }
0x114: {  	v2 =	vand.u32 $0x7, v2;
	v3 =	vand.u32 $0xFFFFFF80, v3  }
0x115: {  	v2 =	vor.u32 v2, v3  }
0x116: {  	v2 =	vperm.xlane v2, v0;
	_ =	sdelay $0x1  }
0x117: {  	v2 =	vadd.s32 v1, v2;
	_ =	sdelay $0x4  }
0x118: {  	[tilespmem:s7], [sflag:$0x1] =	stream.indirect_vreg.gather [hbm4b:s22+s23], $0x80, v2, vm0, $0xb8;
	[tilespmem:$0x1C100] =	vst v63  }
0x119: {  	s26 =	simm.s32 $0x900  }
0x11a: {  	[tilespmem:s26], [sflag:$0x1] =	stream.indirect_vreg.gather [hbm4b:s29+s23], $0x80, v2, vm0, $0xb8;
	[tilespmem:$0x1C100] =	vst v63  }
0x11b: {  	s24 =	simm.s32 $0x1100  }
0x11c: {  	[tilespmem:s24], [sflag:$0x1] =	stream.indirect_vreg.gather [hbm4b:s30+s23], $0x80, v2, vm0, $0xb8;
	[tilespmem:$0x1C100] =	vst v63  }
0x11d: {  	s25 =	simm.s32 $0x1900  }
0x11e: {  	[tilespmem:s25], [sflag:$0x1] =	stream.indirect_vreg.gather [hbm4b:s31+s23], $0x80, v2, vm0, $0xb8;
	[tilespmem:$0x1C100] =	vst v63  }
0x11f: {  	s26 =	simm.s32 $0x2100  }
0x120: {  	[tilespmem:s26], [sflag:$0x1] =	stream.indirect_vreg.gather [hbm4b:s20+s23], $0x80, v2, vm0, $0xb8;
	[tilespmem:$0x1C100] =	vst v63  }
0x121: {  	s24 =	simm.s32 $0x2900  }
0x122: {  	[tilespmem:s24], [sflag:$0x1] =	stream.indirect_vreg.gather [hbm4b:s0+s23], $0x80, v2, vm0, $0xb8;
	[tilespmem:$0x1C100] =	vst v63  }
0x123: {  	s25 =	simm.s32 $0x3100  }
0x124: {  	[tilespmem:s25], [sflag:$0x1] =	stream.indirect_vreg.gather [hbm4b:s2+s23], $0x80, v2, vm0, $0xb8;
	[tilespmem:$0x1C100] =	vst v63  }
0x125: {  	s26 =	simm.s32 $0x3900  }
0x126: {  	[tilespmem:s26], [sflag:$0x1] =	stream.indirect_vreg.gather [hbm4b:s3+s23], $0x80, v2, vm0, $0xb8;
	[tilespmem:$0x1C100] =	vst v63  }
0x127: {  	_ =	swait.ge [sflag:s11], $0x4000  }
0x128: {  	[sflag:s11] =	ssyncset.done $0x0  }
0x129: {  	s24 =	simm.s32 $0x0;
	[sflag:s11] =	ssyncadd.s32 $0xFFFFC000  }
.LBB2_10:
0x12a: {  	s25 =	sshra.s32 s23, $0x2  }
0x12b: {  	v2 =	vld [tilespmem:s25+$0x14170]  }
0x12c: {  	v3 =	vld [tilespmem:s25+$0x14100]  }
0x12d: {  	v4 =	vld [tilespmem:s25+$0x14110]  }
0x12e: {  	v5 =	vld [tilespmem:s25+$0x14120]  }
0x12f: {  	v6 =	vld [tilespmem:s25+$0x14130]  }
0x130: {  	v7 =	vld [tilespmem:s25+$0x14140]  }
0x131: {  	v8 =	vld [tilespmem:s25+$0x14150]  }
0x132: {  	[tilespmem:s25+$0x8170] =	vst.add.f32.msk $0xffff, v2  }
0x133: {  	v2 =	vld [tilespmem:s25+$0x14160]  }
0x134: {  	[tilespmem:s25+$0x8100] =	vst.add.f32.msk $0xffff, v3  }
0x135: {  	[tilespmem:s25+$0x8110] =	vst.add.f32.msk $0xffff, v4  }
0x136: {  	[tilespmem:s25+$0x8120] =	vst.add.f32.msk $0xffff, v5  }
0x137: {  	[tilespmem:s25+$0x8130] =	vst.add.f32.msk $0xffff, v6  }
0x138: {  	[tilespmem:s25+$0x8140] =	vst.add.f32.msk $0xffff, v7  }
0x139: {  	s4 =	simm.s32 $0x0;
	s26 =	sadd.s32 $0x1000, s23;
	[tilespmem:s25+$0x8150] =	vst.add.f32.msk $0xffff, v8  }
.LBB2_11:
0x13a: {  	s4 =	sadd.s32 $0x80, s4;
	[tilespmem:s25+$0x8160] =	vst.add.f32.msk $0xffff, v2;
	s25 =	sshra.s32 s26, $0x2  }
0x13b: {  	v2 =	vld [tilespmem:s25+$0x14170];
	p0 =	slt.u32 s4, $0x780  }
0x13c: {  	v3 =	vld [tilespmem:s25+$0x14100]  }
0x13d: {  	v4 =	vld [tilespmem:s25+$0x14110]  }
0x13e: {  	v5 =	vld [tilespmem:s25+$0x14120]  }
0x13f: {  	v6 =	vld [tilespmem:s25+$0x14130]  }
0x140: {  	[tilespmem:s25+$0x8170] =	vst.add.f32.msk $0xffff, v2  }
0x141: {  	v7 =	vld [tilespmem:s25+$0x14140]  }
0x142: {  	v8 =	vld [tilespmem:s25+$0x14150]  }
0x143: {  	v2 =	vld [tilespmem:s25+$0x14160]  }
0x144: {  	[tilespmem:s25+$0x8100] =	vst.add.f32.msk $0xffff, v3  }
.Ltmp4:
0x145: {  	[tilespmem:s25+$0x8110] =	vst.add.f32.msk $0xffff, v4;
	(pc) =	sbr.rel @p0 .LBB2_11-.Ltmp4, $4  }
0x146: {  	[tilespmem:s25+$0x8120] =	vst.add.f32.msk $0xffff, v5  }
0x147: {  	[tilespmem:s25+$0x8130] =	vst.add.f32.msk $0xffff, v6  }
0x148: {  	[tilespmem:s25+$0x8140] =	vst.add.f32.msk $0xffff, v7  }
0x149: {  	s26 =	sadd.s32 $0x1000, s26;
	[tilespmem:s25+$0x8150] =	vst.add.f32.msk $0xffff, v8  }
0x14a: {  	s24 =	sadd.s32 $0x1, s24  }
0x14b: {  	p0 =	sne.s32 s24, $0x8  }
.Ltmp5:
0x14c: {  	_ = 	snop;
	(pc) =	sbr.rel @p0 .LBB2_10-.Ltmp5, $2  }
0x14d: {  	_ =	sdelay $0x2  }
0x14e: {  	[tilespmem:s25+$0x8160] =	vst.add.f32.msk $0xffff, v2;
	s23 =	sadd.s32 $0x200, s23  }
0x14f: {  	s23 =	simm.s32 $0x0;
	s4 =	rddreg [dreg:$0xd];
	s24 =	simm.s32 $0x8100  }
0x150: {  	[hbm4b:s4+s23] =	stream.linear.scatter [tilespmem:s24], [sflag:$0x8], $0x4000, $0x38;
	[tilespmem:$0x1C100] =	vst v63  }
0x151: {  	_ =	swait.ge [sflag:s12], $0x4000  }
0x152: {  	[sflag:s12] =	ssyncset.done $0x0  }
0x153: {  	[sflag:s12] =	ssyncadd.s32 $0xFFFFC000  }
0x154: {  	v2 =	vld.msk [tilespmem:$0x88], $0xff;
	_ =	sdelay $0x4  }
0x155: {  	v3 =	vshll.u32 v2, $0x4  }
0x156: {  	v2 =	vand.u32 $0x7, v2;
	v3 =	vand.u32 $0xFFFFFF80, v3  }
0x157: {  	v2 =	vor.u32 v2, v3  }
0x158: {  	v2 =	vperm.xlane v2, v0;
	_ =	sdelay $0x1  }
0x159: {  	v2 =	vadd.s32 v1, v2;
	_ =	sdelay $0x4  }
0x15a: {  	[tilespmem:s16], [sflag:$0x2] =	stream.indirect_vreg.gather [hbm4b:s22+s23], $0x80, v2, vm0, $0xb8;
	[tilespmem:$0x1C100] =	vst v63  }
0x15b: {  	s26 =	simm.s32 $0x4900  }
0x15c: {  	[tilespmem:s26], [sflag:$0x2] =	stream.indirect_vreg.gather [hbm4b:s29+s23], $0x80, v2, vm0, $0xb8;
	[tilespmem:$0x1C100] =	vst v63  }
0x15d: {  	s24 =	simm.s32 $0x5100  }
0x15e: {  	[tilespmem:s24], [sflag:$0x2] =	stream.indirect_vreg.gather [hbm4b:s30+s23], $0x80, v2, vm0, $0xb8;
	[tilespmem:$0x1C100] =	vst v63  }
0x15f: {  	s25 =	simm.s32 $0x5900  }
0x160: {  	[tilespmem:s25], [sflag:$0x2] =	stream.indirect_vreg.gather [hbm4b:s31+s23], $0x80, v2, vm0, $0xb8;
	[tilespmem:$0x1C100] =	vst v63  }
0x161: {  	s26 =	simm.s32 $0x6100  }
0x162: {  	[tilespmem:s26], [sflag:$0x2] =	stream.indirect_vreg.gather [hbm4b:s20+s23], $0x80, v2, vm0, $0xb8;
	[tilespmem:$0x1C100] =	vst v63  }
0x163: {  	s24 =	simm.s32 $0x6900  }
0x164: {  	[tilespmem:s24], [sflag:$0x2] =	stream.indirect_vreg.gather [hbm4b:s0+s23], $0x80, v2, vm0, $0xb8;
	[tilespmem:$0x1C100] =	vst v63  }
0x165: {  	s25 =	simm.s32 $0x7100  }
0x166: {  	[tilespmem:s25], [sflag:$0x2] =	stream.indirect_vreg.gather [hbm4b:s2+s23], $0x80, v2, vm0, $0xb8;
	[tilespmem:$0x1C100] =	vst v63  }
0x167: {  	s26 =	simm.s32 $0x7900  }
0x168: {  	[tilespmem:s26], [sflag:$0x2] =	stream.indirect_vreg.gather [hbm4b:s3+s23], $0x80, v2, vm0, $0xb8;
	[tilespmem:$0x1C100] =	vst v63  }
0x169: {  	_ =	swait.ge [sflag:s13], $0x4000  }
0x16a: {  	[sflag:s13] =	ssyncset.done $0x0  }
0x16b: {  	s24 =	simm.s32 $0x0;
	[sflag:s13] =	ssyncadd.s32 $0xFFFFC000  }
.LBB2_14:
0x16c: {  	s25 =	sshra.s32 s23, $0x2  }
0x16d: {  	v2 =	vld [tilespmem:s25+$0x14170]  }
0x16e: {  	v3 =	vld [tilespmem:s25+$0x14100]  }
0x16f: {  	v4 =	vld [tilespmem:s25+$0x14110]  }
0x170: {  	v5 =	vld [tilespmem:s25+$0x14120]  }
0x171: {  	v6 =	vld [tilespmem:s25+$0x14130]  }
0x172: {  	v7 =	vld [tilespmem:s25+$0x14140]  }
0x173: {  	v8 =	vld [tilespmem:s25+$0x14150]  }
0x174: {  	[tilespmem:s25+$0xC170] =	vst.add.f32.msk $0xffff, v2  }
0x175: {  	v2 =	vld [tilespmem:s25+$0x14160]  }
0x176: {  	[tilespmem:s25+$0xC100] =	vst.add.f32.msk $0xffff, v3  }
0x177: {  	[tilespmem:s25+$0xC110] =	vst.add.f32.msk $0xffff, v4  }
0x178: {  	[tilespmem:s25+$0xC120] =	vst.add.f32.msk $0xffff, v5  }
0x179: {  	[tilespmem:s25+$0xC130] =	vst.add.f32.msk $0xffff, v6  }
0x17a: {  	[tilespmem:s25+$0xC140] =	vst.add.f32.msk $0xffff, v7  }
0x17b: {  	s4 =	simm.s32 $0x0;
	s26 =	sadd.s32 $0x1000, s23;
	[tilespmem:s25+$0xC150] =	vst.add.f32.msk $0xffff, v8  }
.LBB2_15:
0x17c: {  	s4 =	sadd.s32 $0x80, s4;
	[tilespmem:s25+$0xC160] =	vst.add.f32.msk $0xffff, v2;
	s25 =	sshra.s32 s26, $0x2  }
0x17d: {  	v2 =	vld [tilespmem:s25+$0x14170];
	p0 =	slt.u32 s4, $0x780  }
0x17e: {  	v3 =	vld [tilespmem:s25+$0x14100]  }
0x17f: {  	v4 =	vld [tilespmem:s25+$0x14110]  }
0x180: {  	v5 =	vld [tilespmem:s25+$0x14120]  }
0x181: {  	v6 =	vld [tilespmem:s25+$0x14130]  }
0x182: {  	[tilespmem:s25+$0xC170] =	vst.add.f32.msk $0xffff, v2  }
0x183: {  	v7 =	vld [tilespmem:s25+$0x14140]  }
0x184: {  	v8 =	vld [tilespmem:s25+$0x14150]  }
0x185: {  	v2 =	vld [tilespmem:s25+$0x14160]  }
0x186: {  	[tilespmem:s25+$0xC100] =	vst.add.f32.msk $0xffff, v3  }
.Ltmp6:
0x187: {  	[tilespmem:s25+$0xC110] =	vst.add.f32.msk $0xffff, v4;
	(pc) =	sbr.rel @p0 .LBB2_15-.Ltmp6, $4  }
0x188: {  	[tilespmem:s25+$0xC120] =	vst.add.f32.msk $0xffff, v5  }
0x189: {  	[tilespmem:s25+$0xC130] =	vst.add.f32.msk $0xffff, v6  }
0x18a: {  	[tilespmem:s25+$0xC140] =	vst.add.f32.msk $0xffff, v7  }
0x18b: {  	s26 =	sadd.s32 $0x1000, s26;
	[tilespmem:s25+$0xC150] =	vst.add.f32.msk $0xffff, v8  }
0x18c: {  	s24 =	sadd.s32 $0x1, s24  }
0x18d: {  	p0 =	sne.s32 s24, $0x8  }
.Ltmp7:
0x18e: {  	_ = 	snop;
	(pc) =	sbr.rel @p0 .LBB2_14-.Ltmp7, $2  }
0x18f: {  	_ =	sdelay $0x2  }
0x190: {  	[tilespmem:s25+$0xC160] =	vst.add.f32.msk $0xffff, v2;
	s23 =	sadd.s32 $0x200, s23  }
0x191: {  	s23 =	simm.s32 $0x0;
	s4 =	rddreg [dreg:$0xe]  }
0x192: {  	[hbm4b:s4+s23] =	stream.linear.scatter [tilespmem:s6], [sflag:$0x9], $0x4000, $0x38;
	[tilespmem:$0x1C100] =	vst v63  }
0x193: {  	s26 =	rddreg [dreg:$0xf];
	s24 =	simm.s32 $0x14100  }
0x194: {  	[tilespmem:s24], [sflag:$0xB] =	stream.linear.gather [hbm4b:s26+s23], $0x4000, $0x38;
	[tilespmem:$0x1C100] =	vst v63  }
0x195: {  	_ =	swait.ge [sflag:s14], $0x4000  }
0x196: {  	[sflag:s14] =	ssyncset.done $0x0  }
0x197: {  	[sflag:s14] =	ssyncadd.s32 $0xFFFFC000  }
0x198: {  	v2 =	vld.msk [tilespmem:$0xC8], $0xff;
	_ =	sdelay $0x4  }
0x199: {  	v3 =	vshll.u32 v2, $0x4  }
0x19a: {  	v2 =	vand.u32 $0x7, v2;
	v3 =	vand.u32 $0xFFFFFF80, v3  }
0x19b: {  	v2 =	vor.u32 v2, v3  }
0x19c: {  	v2 =	vperm.xlane v2, v0;
	_ =	sdelay $0x1  }
0x19d: {  	v2 =	vadd.s32 v1, v2;
	_ =	sdelay $0x3  }
0x19e: {  	s25 =	simm.s32 $0x8100  }
0x19f: {  	[tilespmem:s25], [sflag:$0x3] =	stream.indirect_vreg.gather [hbm4b:s22+s23], $0x80, v2, vm0, $0xb8;
	[tilespmem:$0x1C100] =	vst v63  }
0x1a0: {  	s26 =	simm.s32 $0x8900  }
0x1a1: {  	[tilespmem:s26], [sflag:$0x3] =	stream.indirect_vreg.gather [hbm4b:s29+s23], $0x80, v2, vm0, $0xb8;
	[tilespmem:$0x1C100] =	vst v63  }
0x1a2: {  	s24 =	simm.s32 $0x9100  }
0x1a3: {  	[tilespmem:s24], [sflag:$0x3] =	stream.indirect_vreg.gather [hbm4b:s30+s23], $0x80, v2, vm0, $0xb8;
	[tilespmem:$0x1C100] =	vst v63  }
0x1a4: {  	s25 =	simm.s32 $0x9900  }
0x1a5: {  	[tilespmem:s25], [sflag:$0x3] =	stream.indirect_vreg.gather [hbm4b:s31+s23], $0x80, v2, vm0, $0xb8;
	[tilespmem:$0x1C100] =	vst v63  }
0x1a6: {  	s26 =	simm.s32 $0xA100  }
0x1a7: {  	[tilespmem:s26], [sflag:$0x3] =	stream.indirect_vreg.gather [hbm4b:s20+s23], $0x80, v2, vm0, $0xb8;
	[tilespmem:$0x1C100] =	vst v63  }
0x1a8: {  	s24 =	simm.s32 $0xA900  }
0x1a9: {  	[tilespmem:s24], [sflag:$0x3] =	stream.indirect_vreg.gather [hbm4b:s0+s23], $0x80, v2, vm0, $0xb8;
	[tilespmem:$0x1C100] =	vst v63  }
0x1aa: {  	s25 =	simm.s32 $0xB100  }
0x1ab: {  	[tilespmem:s25], [sflag:$0x3] =	stream.indirect_vreg.gather [hbm4b:s2+s23], $0x80, v2, vm0, $0xb8;
	[tilespmem:$0x1C100] =	vst v63  }
0x1ac: {  	s26 =	simm.s32 $0xB900  }
0x1ad: {  	[tilespmem:s26], [sflag:$0x3] =	stream.indirect_vreg.gather [hbm4b:s3+s23], $0x80, v2, vm0, $0xb8;
	[tilespmem:$0x1C100] =	vst v63  }
0x1ae: {  	_ =	swait.ge [sflag:s15], $0x4000  }
0x1af: {  	[sflag:s15] =	ssyncset.done $0x0  }
0x1b0: {  	[sflag:s15] =	ssyncadd.s32 $0xFFFFC000  }
0x1b1: {  	_ =	swait.ge [sflag:s17], $0x4000  }
0x1b2: {  	[sflag:s17] =	ssyncset.done $0x0  }
0x1b3: {  	s24 =	simm.s32 $0x0;
	[sflag:s17] =	ssyncadd.s32 $0xFFFFC000  }
.LBB2_18:
0x1b4: {  	s25 =	sshra.s32 s23, $0x2  }
0x1b5: {  	v2 =	vld [tilespmem:s25+$0x18170]  }
0x1b6: {  	v3 =	vld [tilespmem:s25+$0x18100]  }
0x1b7: {  	v4 =	vld [tilespmem:s25+$0x18110]  }
0x1b8: {  	v5 =	vld [tilespmem:s25+$0x18120]  }
0x1b9: {  	v6 =	vld [tilespmem:s25+$0x18130]  }
0x1ba: {  	v7 =	vld [tilespmem:s25+$0x18140]  }
0x1bb: {  	v8 =	vld [tilespmem:s25+$0x18150]  }
0x1bc: {  	[tilespmem:s25+$0x10170] =	vst.add.f32.msk $0xffff, v2  }
0x1bd: {  	v2 =	vld [tilespmem:s25+$0x18160]  }
0x1be: {  	[tilespmem:s25+$0x10100] =	vst.add.f32.msk $0xffff, v3  }
0x1bf: {  	[tilespmem:s25+$0x10110] =	vst.add.f32.msk $0xffff, v4  }
0x1c0: {  	[tilespmem:s25+$0x10120] =	vst.add.f32.msk $0xffff, v5  }
0x1c1: {  	[tilespmem:s25+$0x10130] =	vst.add.f32.msk $0xffff, v6  }
0x1c2: {  	[tilespmem:s25+$0x10140] =	vst.add.f32.msk $0xffff, v7  }
0x1c3: {  	s4 =	simm.s32 $0x0;
	s26 =	sadd.s32 $0x1000, s23;
	[tilespmem:s25+$0x10150] =	vst.add.f32.msk $0xffff, v8  }
.LBB2_19:
0x1c4: {  	s4 =	sadd.s32 $0x80, s4;
	[tilespmem:s25+$0x10160] =	vst.add.f32.msk $0xffff, v2;
	s25 =	sshra.s32 s26, $0x2  }
0x1c5: {  	v2 =	vld [tilespmem:s25+$0x18170];
	p0 =	slt.u32 s4, $0x780  }
0x1c6: {  	v3 =	vld [tilespmem:s25+$0x18100]  }
0x1c7: {  	v4 =	vld [tilespmem:s25+$0x18110]  }
0x1c8: {  	v5 =	vld [tilespmem:s25+$0x18120]  }
0x1c9: {  	v6 =	vld [tilespmem:s25+$0x18130]  }
0x1ca: {  	[tilespmem:s25+$0x10170] =	vst.add.f32.msk $0xffff, v2  }
0x1cb: {  	v7 =	vld [tilespmem:s25+$0x18140]  }
0x1cc: {  	v8 =	vld [tilespmem:s25+$0x18150]  }
0x1cd: {  	v2 =	vld [tilespmem:s25+$0x18160]  }
0x1ce: {  	[tilespmem:s25+$0x10100] =	vst.add.f32.msk $0xffff, v3  }
.Ltmp8:
0x1cf: {  	[tilespmem:s25+$0x10110] =	vst.add.f32.msk $0xffff, v4;
	(pc) =	sbr.rel @p0 .LBB2_19-.Ltmp8, $4  }
0x1d0: {  	[tilespmem:s25+$0x10120] =	vst.add.f32.msk $0xffff, v5  }
0x1d1: {  	[tilespmem:s25+$0x10130] =	vst.add.f32.msk $0xffff, v6  }
0x1d2: {  	[tilespmem:s25+$0x10140] =	vst.add.f32.msk $0xffff, v7  }
0x1d3: {  	s26 =	sadd.s32 $0x1000, s26;
	[tilespmem:s25+$0x10150] =	vst.add.f32.msk $0xffff, v8  }
0x1d4: {  	s24 =	sadd.s32 $0x1, s24  }
0x1d5: {  	p0 =	sne.s32 s24, $0x8  }
.Ltmp9:
0x1d6: {  	_ = 	snop;
	(pc) =	sbr.rel @p0 .LBB2_18-.Ltmp9, $2  }
0x1d7: {  	_ =	sdelay $0x2  }
0x1d8: {  	[tilespmem:s25+$0x10160] =	vst.add.f32.msk $0xffff, v2;
	s23 =	sadd.s32 $0x200, s23  }
0x1d9: {  	s23 =	simm.s32 $0x0;
	s4 =	rddreg [dreg:$0x10]  }
0x1da: {  	[hbm4b:s4+s23] =	stream.linear.scatter [tilespmem:s28], [sflag:$0xA], $0x4000, $0x38;
	[tilespmem:$0x1C100] =	vst v63  }
0x1db: {  	_ =	swait.ge [sflag:s18], $0x4000  }
0x1dc: {  	[sflag:s18] =	ssyncset.done $0x0  }
0x1dd: {  	[sflag:s18] =	ssyncadd.s32 $0xFFFFC000  }
0x1de: {  	v2 =	vld.msk [tilespmem:$0x10], $0xff;
	_ =	sdelay $0x4  }
0x1df: {  	v3 =	vshll.u32 v2, $0x4  }
0x1e0: {  	v2 =	vand.u32 $0x7, v2;
	v3 =	vand.u32 $0xFFFFFF80, v3  }
0x1e1: {  	v2 =	vor.u32 v2, v3  }
0x1e2: {  	v2 =	vperm.xlane v2, v0;
	_ =	sdelay $0x1  }
0x1e3: {  	v2 =	vadd.s32 v1, v2;
	_ =	sdelay $0x4  }
0x1e4: {  	[tilespmem:s6], [sflag:$0x4] =	stream.indirect_vreg.gather [hbm4b:s22+s23], $0x80, v2, vm0, $0xb8;
	[tilespmem:$0x1C100] =	vst v63  }
0x1e5: {  	s26 =	simm.s32 $0xC900  }
0x1e6: {  	[tilespmem:s26], [sflag:$0x4] =	stream.indirect_vreg.gather [hbm4b:s29+s23], $0x80, v2, vm0, $0xb8;
	[tilespmem:$0x1C100] =	vst v63  }
0x1e7: {  	s24 =	simm.s32 $0xD100  }
0x1e8: {  	[tilespmem:s24], [sflag:$0x4] =	stream.indirect_vreg.gather [hbm4b:s30+s23], $0x80, v2, vm0, $0xb8;
	[tilespmem:$0x1C100] =	vst v63  }
0x1e9: {  	s25 =	simm.s32 $0xD900  }
0x1ea: {  	[tilespmem:s25], [sflag:$0x4] =	stream.indirect_vreg.gather [hbm4b:s31+s23], $0x80, v2, vm0, $0xb8;
	[tilespmem:$0x1C100] =	vst v63  }
0x1eb: {  	s26 =	simm.s32 $0xE100  }
0x1ec: {  	[tilespmem:s26], [sflag:$0x4] =	stream.indirect_vreg.gather [hbm4b:s20+s23], $0x80, v2, vm0, $0xb8;
	[tilespmem:$0x1C100] =	vst v63  }
0x1ed: {  	s24 =	simm.s32 $0xE900  }
0x1ee: {  	[tilespmem:s24], [sflag:$0x4] =	stream.indirect_vreg.gather [hbm4b:s0+s23], $0x80, v2, vm0, $0xb8;
	[tilespmem:$0x1C100] =	vst v63  }
0x1ef: {  	s25 =	simm.s32 $0xF100  }
0x1f0: {  	[tilespmem:s25], [sflag:$0x4] =	stream.indirect_vreg.gather [hbm4b:s2+s23], $0x80, v2, vm0, $0xb8;
	[tilespmem:$0x1C100] =	vst v63  }
0x1f1: {  	s26 =	simm.s32 $0xF900  }
0x1f2: {  	[tilespmem:s26], [sflag:$0x4] =	stream.indirect_vreg.gather [hbm4b:s3+s23], $0x80, v2, vm0, $0xb8;
	[tilespmem:$0x1C100] =	vst v63  }
0x1f3: {  	_ =	swait.ge [sflag:s5], $0x4000  }
0x1f4: {  	[sflag:s5] =	ssyncset.done $0x0  }
0x1f5: {  	s24 =	simm.s32 $0x0;
	[sflag:s5] =	ssyncadd.s32 $0xFFFFC000  }
.LBB2_22:
0x1f6: {  	s25 =	sshra.s32 s23, $0x2  }
0x1f7: {  	v2 =	vld [tilespmem:s25+$0x18170]  }
0x1f8: {  	v3 =	vld [tilespmem:s25+$0x18100]  }
0x1f9: {  	v4 =	vld [tilespmem:s25+$0x18110]  }
0x1fa: {  	v5 =	vld [tilespmem:s25+$0x18120]  }
0x1fb: {  	v6 =	vld [tilespmem:s25+$0x18130]  }
0x1fc: {  	v7 =	vld [tilespmem:s25+$0x18140]  }
0x1fd: {  	v8 =	vld [tilespmem:s25+$0x18150]  }
0x1fe: {  	[tilespmem:s25+$0x170] =	vst.add.f32.msk $0xffff, v2  }
0x1ff: {  	v2 =	vld [tilespmem:s25+$0x18160]  }
0x200: {  	[tilespmem:s25+$0x100] =	vst.add.f32.msk $0xffff, v3  }
0x201: {  	[tilespmem:s25+$0x110] =	vst.add.f32.msk $0xffff, v4  }
0x202: {  	[tilespmem:s25+$0x120] =	vst.add.f32.msk $0xffff, v5  }
0x203: {  	[tilespmem:s25+$0x130] =	vst.add.f32.msk $0xffff, v6  }
0x204: {  	[tilespmem:s25+$0x140] =	vst.add.f32.msk $0xffff, v7  }
0x205: {  	s4 =	simm.s32 $0x0;
	s26 =	sadd.s32 $0x1000, s23;
	[tilespmem:s25+$0x150] =	vst.add.f32.msk $0xffff, v8  }
.LBB2_23:
0x206: {  	s4 =	sadd.s32 $0x80, s4;
	[tilespmem:s25+$0x160] =	vst.add.f32.msk $0xffff, v2;
	s25 =	sshra.s32 s26, $0x2  }
0x207: {  	v2 =	vld [tilespmem:s25+$0x18170];
	p0 =	slt.u32 s4, $0x780  }
0x208: {  	v3 =	vld [tilespmem:s25+$0x18100]  }
0x209: {  	v4 =	vld [tilespmem:s25+$0x18110]  }
0x20a: {  	v5 =	vld [tilespmem:s25+$0x18120]  }
0x20b: {  	v6 =	vld [tilespmem:s25+$0x18130]  }
0x20c: {  	[tilespmem:s25+$0x170] =	vst.add.f32.msk $0xffff, v2  }
0x20d: {  	v7 =	vld [tilespmem:s25+$0x18140]  }
0x20e: {  	v8 =	vld [tilespmem:s25+$0x18150]  }
0x20f: {  	v2 =	vld [tilespmem:s25+$0x18160]  }
0x210: {  	[tilespmem:s25+$0x100] =	vst.add.f32.msk $0xffff, v3  }
.Ltmp10:
0x211: {  	[tilespmem:s25+$0x110] =	vst.add.f32.msk $0xffff, v4;
	(pc) =	sbr.rel @p0 .LBB2_23-.Ltmp10, $4  }
0x212: {  	[tilespmem:s25+$0x120] =	vst.add.f32.msk $0xffff, v5  }
0x213: {  	[tilespmem:s25+$0x130] =	vst.add.f32.msk $0xffff, v6  }
0x214: {  	[tilespmem:s25+$0x140] =	vst.add.f32.msk $0xffff, v7  }
0x215: {  	s26 =	sadd.s32 $0x1000, s26;
	[tilespmem:s25+$0x150] =	vst.add.f32.msk $0xffff, v8  }
0x216: {  	s24 =	sadd.s32 $0x1, s24  }
0x217: {  	p0 =	sne.s32 s24, $0x8  }
.Ltmp11:
0x218: {  	_ = 	snop;
	(pc) =	sbr.rel @p0 .LBB2_22-.Ltmp11, $2  }
0x219: {  	_ =	sdelay $0x2  }
0x21a: {  	[tilespmem:s25+$0x160] =	vst.add.f32.msk $0xffff, v2;
	s23 =	sadd.s32 $0x200, s23  }
0x21b: {  	s23 =	simm.s32 $0x0;
	s4 =	rddreg [dreg:$0x1d]  }
0x21c: {  	[hbm4b:s4+s23] =	stream.linear.scatter [tilespmem:s7], [sflag:$0x6], $0x4000, $0x38;
	[tilespmem:$0x1C100] =	vst v63  }
0x21d: {  	_ =	swait.ge [sflag:s19], $0x4000  }
0x21e: {  	[sflag:s19] =	ssyncset.done $0x0  }
0x21f: {  	[sflag:s19] =	ssyncadd.s32 $0xFFFFC000  }
0x220: {  	v2 =	vld.msk [tilespmem:$0x50], $0xff;
	_ =	sdelay $0x4  }
0x221: {  	v3 =	vshll.u32 v2, $0x4  }
0x222: {  	v2 =	vand.u32 $0x7, v2;
	v3 =	vand.u32 $0xFFFFFF80, v3  }
0x223: {  	v2 =	vor.u32 v2, v3  }
0x224: {  	v2 =	vperm.xlane v2, v0;
	_ =	sdelay $0x1  }
0x225: {  	v2 =	vadd.s32 v1, v2;
	_ =	sdelay $0x4  }
0x226: {  	[tilespmem:s28], [sflag:$0x5] =	stream.indirect_vreg.gather [hbm4b:s22+s23], $0x80, v2, vm0, $0xb8;
	[tilespmem:$0x1C100] =	vst v63  }
0x227: {  	s26 =	simm.s32 $0x10900  }
0x228: {  	[tilespmem:s26], [sflag:$0x5] =	stream.indirect_vreg.gather [hbm4b:s29+s23], $0x80, v2, vm0, $0xb8;
	[tilespmem:$0x1C100] =	vst v63  }
0x229: {  	s24 =	simm.s32 $0x11100  }
0x22a: {  	[tilespmem:s24], [sflag:$0x5] =	stream.indirect_vreg.gather [hbm4b:s30+s23], $0x80, v2, vm0, $0xb8;
	[tilespmem:$0x1C100] =	vst v63  }
0x22b: {  	s25 =	simm.s32 $0x11900  }
0x22c: {  	[tilespmem:s25], [sflag:$0x5] =	stream.indirect_vreg.gather [hbm4b:s31+s23], $0x80, v2, vm0, $0xb8;
	[tilespmem:$0x1C100] =	vst v63  }
0x22d: {  	s26 =	simm.s32 $0x12100  }
0x22e: {  	[tilespmem:s26], [sflag:$0x5] =	stream.indirect_vreg.gather [hbm4b:s20+s23], $0x80, v2, vm0, $0xb8;
	[tilespmem:$0x1C100] =	vst v63  }
0x22f: {  	s24 =	simm.s32 $0x12900  }
0x230: {  	[tilespmem:s24], [sflag:$0x5] =	stream.indirect_vreg.gather [hbm4b:s0+s23], $0x80, v2, vm0, $0xb8;
	[tilespmem:$0x1C100] =	vst v63  }
0x231: {  	s25 =	simm.s32 $0x13100  }
0x232: {  	[tilespmem:s25], [sflag:$0x5] =	stream.indirect_vreg.gather [hbm4b:s2+s23], $0x80, v2, vm0, $0xb8;
	[tilespmem:$0x1C100] =	vst v63  }
0x233: {  	s26 =	simm.s32 $0x13900  }
0x234: {  	[tilespmem:s26], [sflag:$0x5] =	stream.indirect_vreg.gather [hbm4b:s3+s23], $0x80, v2, vm0, $0xb8;
	[tilespmem:$0x1C100] =	vst v63  }
0x235: {  	_ =	swait.ge [sflag:s9], $0x4000  }
0x236: {  	[sflag:s9] =	ssyncset.done $0x0  }
0x237: {  	s24 =	simm.s32 $0x0;
	[sflag:s9] =	ssyncadd.s32 $0xFFFFC000  }
.LBB2_26:
0x238: {  	s25 =	sshra.s32 s23, $0x2  }
0x239: {  	v2 =	vld [tilespmem:s25+$0x18170]  }
0x23a: {  	v3 =	vld [tilespmem:s25+$0x18100]  }
0x23b: {  	v4 =	vld [tilespmem:s25+$0x18110]  }
0x23c: {  	v5 =	vld [tilespmem:s25+$0x18120]  }
0x23d: {  	v6 =	vld [tilespmem:s25+$0x18130]  }
0x23e: {  	v7 =	vld [tilespmem:s25+$0x18140]  }
0x23f: {  	v8 =	vld [tilespmem:s25+$0x18150]  }
0x240: {  	[tilespmem:s25+$0x4170] =	vst.add.f32.msk $0xffff, v2  }
0x241: {  	v2 =	vld [tilespmem:s25+$0x18160]  }
0x242: {  	[tilespmem:s25+$0x4100] =	vst.add.f32.msk $0xffff, v3  }
0x243: {  	[tilespmem:s25+$0x4110] =	vst.add.f32.msk $0xffff, v4  }
0x244: {  	[tilespmem:s25+$0x4120] =	vst.add.f32.msk $0xffff, v5  }
0x245: {  	[tilespmem:s25+$0x4130] =	vst.add.f32.msk $0xffff, v6  }
0x246: {  	[tilespmem:s25+$0x4140] =	vst.add.f32.msk $0xffff, v7  }
0x247: {  	s4 =	simm.s32 $0x0;
	s26 =	sadd.s32 $0x1000, s23;
	[tilespmem:s25+$0x4150] =	vst.add.f32.msk $0xffff, v8  }
.LBB2_27:
0x248: {  	s4 =	sadd.s32 $0x80, s4;
	[tilespmem:s25+$0x4160] =	vst.add.f32.msk $0xffff, v2;
	s25 =	sshra.s32 s26, $0x2  }
0x249: {  	v2 =	vld [tilespmem:s25+$0x18170];
	p0 =	slt.u32 s4, $0x780  }
0x24a: {  	v3 =	vld [tilespmem:s25+$0x18100]  }
0x24b: {  	v4 =	vld [tilespmem:s25+$0x18110]  }
0x24c: {  	v5 =	vld [tilespmem:s25+$0x18120]  }
0x24d: {  	v6 =	vld [tilespmem:s25+$0x18130]  }
0x24e: {  	[tilespmem:s25+$0x4170] =	vst.add.f32.msk $0xffff, v2  }
0x24f: {  	v7 =	vld [tilespmem:s25+$0x18140]  }
0x250: {  	v8 =	vld [tilespmem:s25+$0x18150]  }
0x251: {  	v2 =	vld [tilespmem:s25+$0x18160]  }
0x252: {  	[tilespmem:s25+$0x4100] =	vst.add.f32.msk $0xffff, v3  }
.Ltmp12:
0x253: {  	[tilespmem:s25+$0x4110] =	vst.add.f32.msk $0xffff, v4;
	(pc) =	sbr.rel @p0 .LBB2_27-.Ltmp12, $4  }
0x254: {  	[tilespmem:s25+$0x4120] =	vst.add.f32.msk $0xffff, v5  }
0x255: {  	[tilespmem:s25+$0x4130] =	vst.add.f32.msk $0xffff, v6  }
0x256: {  	[tilespmem:s25+$0x4140] =	vst.add.f32.msk $0xffff, v7  }
0x257: {  	s26 =	sadd.s32 $0x1000, s26;
	[tilespmem:s25+$0x4150] =	vst.add.f32.msk $0xffff, v8  }
0x258: {  	s24 =	sadd.s32 $0x1, s24  }
0x259: {  	p0 =	sne.s32 s24, $0x8  }
.Ltmp13:
0x25a: {  	_ = 	snop;
	(pc) =	sbr.rel @p0 .LBB2_26-.Ltmp13, $2  }
0x25b: {  	_ =	sdelay $0x2  }
0x25c: {  	[tilespmem:s25+$0x4160] =	vst.add.f32.msk $0xffff, v2;
	s23 =	sadd.s32 $0x200, s23  }
0x25d: {  	s23 =	simm.s32 $0x0;
	s4 =	rddreg [dreg:$0x1e]  }
0x25e: {  	[hbm4b:s4+s23] =	stream.linear.scatter [tilespmem:s16], [sflag:$0x7], $0x4000, $0x38;
	[tilespmem:$0x1C100] =	vst v63  }
0x25f: {  	_ =	swait.ge [sflag:s10], $0x4000  }
0x260: {  	[sflag:s10] =	ssyncset.done $0x0  }
0x261: {  	[sflag:s10] =	ssyncadd.s32 $0xFFFFC000  }
0x262: {  	v2 =	vld.msk [tilespmem:$0x90], $0xff;
	_ =	sdelay $0x4  }
0x263: {  	v3 =	vshll.u32 v2, $0x4  }
0x264: {  	v2 =	vand.u32 $0x7, v2;
	v3 =	vand.u32 $0xFFFFFF80, v3  }
0x265: {  	v2 =	vor.u32 v2, v3  }
0x266: {  	v2 =	vperm.xlane v2, v0;
	_ =	sdelay $0x1  }
0x267: {  	v2 =	vadd.s32 v1, v2;
	_ =	sdelay $0x4  }
0x268: {  	[tilespmem:s7], [sflag:$0x1] =	stream.indirect_vreg.gather [hbm4b:s22+s23], $0x80, v2, vm0, $0xb8;
	[tilespmem:$0x1C100] =	vst v63  }
0x269: {  	s26 =	simm.s32 $0x900  }
0x26a: {  	[tilespmem:s26], [sflag:$0x1] =	stream.indirect_vreg.gather [hbm4b:s29+s23], $0x80, v2, vm0, $0xb8;
	[tilespmem:$0x1C100] =	vst v63  }
0x26b: {  	s24 =	simm.s32 $0x1100  }
0x26c: {  	[tilespmem:s24], [sflag:$0x1] =	stream.indirect_vreg.gather [hbm4b:s30+s23], $0x80, v2, vm0, $0xb8;
	[tilespmem:$0x1C100] =	vst v63  }
0x26d: {  	s25 =	simm.s32 $0x1900  }
0x26e: {  	[tilespmem:s25], [sflag:$0x1] =	stream.indirect_vreg.gather [hbm4b:s31+s23], $0x80, v2, vm0, $0xb8;
	[tilespmem:$0x1C100] =	vst v63  }
0x26f: {  	s26 =	simm.s32 $0x2100  }
0x270: {  	[tilespmem:s26], [sflag:$0x1] =	stream.indirect_vreg.gather [hbm4b:s20+s23], $0x80, v2, vm0, $0xb8;
	[tilespmem:$0x1C100] =	vst v63  }
0x271: {  	s24 =	simm.s32 $0x2900  }
0x272: {  	[tilespmem:s24], [sflag:$0x1] =	stream.indirect_vreg.gather [hbm4b:s0+s23], $0x80, v2, vm0, $0xb8;
	[tilespmem:$0x1C100] =	vst v63  }
0x273: {  	s25 =	simm.s32 $0x3100  }
0x274: {  	[tilespmem:s25], [sflag:$0x1] =	stream.indirect_vreg.gather [hbm4b:s2+s23], $0x80, v2, vm0, $0xb8;
	[tilespmem:$0x1C100] =	vst v63  }
0x275: {  	s26 =	simm.s32 $0x3900  }
0x276: {  	[tilespmem:s26], [sflag:$0x1] =	stream.indirect_vreg.gather [hbm4b:s3+s23], $0x80, v2, vm0, $0xb8;
	[tilespmem:$0x1C100] =	vst v63  }
0x277: {  	_ =	swait.ge [sflag:s11], $0x4000  }
0x278: {  	[sflag:s11] =	ssyncset.done $0x0  }
0x279: {  	s24 =	simm.s32 $0x0;
	[sflag:s11] =	ssyncadd.s32 $0xFFFFC000  }
.LBB2_30:
0x27a: {  	s25 =	sshra.s32 s23, $0x2  }
0x27b: {  	v2 =	vld [tilespmem:s25+$0x18170]  }
0x27c: {  	v3 =	vld [tilespmem:s25+$0x18100]  }
0x27d: {  	v4 =	vld [tilespmem:s25+$0x18110]  }
0x27e: {  	v5 =	vld [tilespmem:s25+$0x18120]  }
0x27f: {  	v6 =	vld [tilespmem:s25+$0x18130]  }
0x280: {  	v7 =	vld [tilespmem:s25+$0x18140]  }
0x281: {  	v8 =	vld [tilespmem:s25+$0x18150]  }
0x282: {  	[tilespmem:s25+$0x8170] =	vst.add.f32.msk $0xffff, v2  }
0x283: {  	v2 =	vld [tilespmem:s25+$0x18160]  }
0x284: {  	[tilespmem:s25+$0x8100] =	vst.add.f32.msk $0xffff, v3  }
0x285: {  	[tilespmem:s25+$0x8110] =	vst.add.f32.msk $0xffff, v4  }
0x286: {  	[tilespmem:s25+$0x8120] =	vst.add.f32.msk $0xffff, v5  }
0x287: {  	[tilespmem:s25+$0x8130] =	vst.add.f32.msk $0xffff, v6  }
0x288: {  	[tilespmem:s25+$0x8140] =	vst.add.f32.msk $0xffff, v7  }
0x289: {  	s4 =	simm.s32 $0x0;
	s26 =	sadd.s32 $0x1000, s23;
	[tilespmem:s25+$0x8150] =	vst.add.f32.msk $0xffff, v8  }
.LBB2_31:
0x28a: {  	s4 =	sadd.s32 $0x80, s4;
	[tilespmem:s25+$0x8160] =	vst.add.f32.msk $0xffff, v2;
	s25 =	sshra.s32 s26, $0x2  }
0x28b: {  	v2 =	vld [tilespmem:s25+$0x18170];
	p0 =	slt.u32 s4, $0x780  }
0x28c: {  	v3 =	vld [tilespmem:s25+$0x18100]  }
0x28d: {  	v4 =	vld [tilespmem:s25+$0x18110]  }
0x28e: {  	v5 =	vld [tilespmem:s25+$0x18120]  }
0x28f: {  	v6 =	vld [tilespmem:s25+$0x18130]  }
0x290: {  	[tilespmem:s25+$0x8170] =	vst.add.f32.msk $0xffff, v2  }
0x291: {  	v7 =	vld [tilespmem:s25+$0x18140]  }
0x292: {  	v8 =	vld [tilespmem:s25+$0x18150]  }
0x293: {  	v2 =	vld [tilespmem:s25+$0x18160]  }
0x294: {  	[tilespmem:s25+$0x8100] =	vst.add.f32.msk $0xffff, v3  }
.Ltmp14:
0x295: {  	[tilespmem:s25+$0x8110] =	vst.add.f32.msk $0xffff, v4;
	(pc) =	sbr.rel @p0 .LBB2_31-.Ltmp14, $4  }
0x296: {  	[tilespmem:s25+$0x8120] =	vst.add.f32.msk $0xffff, v5  }
0x297: {  	[tilespmem:s25+$0x8130] =	vst.add.f32.msk $0xffff, v6  }
0x298: {  	[tilespmem:s25+$0x8140] =	vst.add.f32.msk $0xffff, v7  }
0x299: {  	s26 =	sadd.s32 $0x1000, s26;
	[tilespmem:s25+$0x8150] =	vst.add.f32.msk $0xffff, v8  }
0x29a: {  	s24 =	sadd.s32 $0x1, s24  }
0x29b: {  	p0 =	sne.s32 s24, $0x8  }
.Ltmp15:
0x29c: {  	_ = 	snop;
	(pc) =	sbr.rel @p0 .LBB2_30-.Ltmp15, $2  }
0x29d: {  	_ =	sdelay $0x2  }
0x29e: {  	[tilespmem:s25+$0x8160] =	vst.add.f32.msk $0xffff, v2;
	s23 =	sadd.s32 $0x200, s23  }
0x29f: {  	s23 =	simm.s32 $0x0;
	s4 =	rddreg [dreg:$0x1f];
	s24 =	simm.s32 $0x8100  }
0x2a0: {  	[hbm4b:s4+s23] =	stream.linear.scatter [tilespmem:s24], [sflag:$0x8], $0x4000, $0x38;
	[tilespmem:$0x1C100] =	vst v63  }
0x2a1: {  	s25 =	simm.s32 $0x18100;
	s24 =	rddreg [dreg:$0x11]  }
0x2a2: {  	[tilespmem:s25], [sflag:$0xC] =	stream.linear.gather [hbm4b:s24+s23], $0x4000, $0x38;
	[tilespmem:$0x1C100] =	vst v63  }
0x2a3: {  	_ =	swait.ge [sflag:s12], $0x4000  }
0x2a4: {  	[sflag:s12] =	ssyncset.done $0x0  }
0x2a5: {  	[sflag:s12] =	ssyncadd.s32 $0xFFFFC000  }
0x2a6: {  	v2 =	vld.msk [tilespmem:$0xD0], $0xff;
	_ =	sdelay $0x4  }
0x2a7: {  	v3 =	vshll.u32 v2, $0x4  }
0x2a8: {  	v2 =	vand.u32 $0x7, v2;
	v3 =	vand.u32 $0xFFFFFF80, v3  }
0x2a9: {  	v2 =	vor.u32 v2, v3  }
0x2aa: {  	v2 =	vperm.xlane v2, v0;
	_ =	sdelay $0x1  }
0x2ab: {  	v2 =	vadd.s32 v1, v2;
	_ =	sdelay $0x4  }
0x2ac: {  	[tilespmem:s16], [sflag:$0x2] =	stream.indirect_vreg.gather [hbm4b:s22+s23], $0x80, v2, vm0, $0xb8;
	[tilespmem:$0x1C100] =	vst v63  }
0x2ad: {  	s26 =	simm.s32 $0x4900  }
0x2ae: {  	[tilespmem:s26], [sflag:$0x2] =	stream.indirect_vreg.gather [hbm4b:s29+s23], $0x80, v2, vm0, $0xb8;
	[tilespmem:$0x1C100] =	vst v63  }
0x2af: {  	s24 =	simm.s32 $0x5100  }
0x2b0: {  	[tilespmem:s24], [sflag:$0x2] =	stream.indirect_vreg.gather [hbm4b:s30+s23], $0x80, v2, vm0, $0xb8;
	[tilespmem:$0x1C100] =	vst v63  }
0x2b1: {  	s25 =	simm.s32 $0x5900  }
0x2b2: {  	[tilespmem:s25], [sflag:$0x2] =	stream.indirect_vreg.gather [hbm4b:s31+s23], $0x80, v2, vm0, $0xb8;
	[tilespmem:$0x1C100] =	vst v63  }
0x2b3: {  	s26 =	simm.s32 $0x6100  }
0x2b4: {  	[tilespmem:s26], [sflag:$0x2] =	stream.indirect_vreg.gather [hbm4b:s20+s23], $0x80, v2, vm0, $0xb8;
	[tilespmem:$0x1C100] =	vst v63  }
0x2b5: {  	s24 =	simm.s32 $0x6900  }
0x2b6: {  	[tilespmem:s24], [sflag:$0x2] =	stream.indirect_vreg.gather [hbm4b:s0+s23], $0x80, v2, vm0, $0xb8;
	[tilespmem:$0x1C100] =	vst v63  }
0x2b7: {  	s25 =	simm.s32 $0x7100  }
0x2b8: {  	[tilespmem:s25], [sflag:$0x2] =	stream.indirect_vreg.gather [hbm4b:s2+s23], $0x80, v2, vm0, $0xb8;
	[tilespmem:$0x1C100] =	vst v63  }
0x2b9: {  	s26 =	simm.s32 $0x7900  }
0x2ba: {  	[tilespmem:s26], [sflag:$0x2] =	stream.indirect_vreg.gather [hbm4b:s3+s23], $0x80, v2, vm0, $0xb8;
	[tilespmem:$0x1C100] =	vst v63  }
0x2bb: {  	_ =	swait.ge [sflag:s8], $0x4000  }
0x2bc: {  	[sflag:s8] =	ssyncset.done $0x0  }
0x2bd: {  	[sflag:s8] =	ssyncadd.s32 $0xFFFFC000  }
0x2be: {  	_ =	swait.ge [sflag:s13], $0x4000  }
0x2bf: {  	[sflag:s13] =	ssyncset.done $0x0  }
0x2c0: {  	s24 =	simm.s32 $0x0;
	[sflag:s13] =	ssyncadd.s32 $0xFFFFC000  }
.LBB2_34:
0x2c1: {  	s25 =	sshra.s32 s23, $0x2  }
0x2c2: {  	v2 =	vld [tilespmem:s25+$0x14170]  }
0x2c3: {  	v3 =	vld [tilespmem:s25+$0x14100]  }
0x2c4: {  	v4 =	vld [tilespmem:s25+$0x14110]  }
0x2c5: {  	v5 =	vld [tilespmem:s25+$0x14120]  }
0x2c6: {  	v6 =	vld [tilespmem:s25+$0x14130]  }
0x2c7: {  	v7 =	vld [tilespmem:s25+$0x14140]  }
0x2c8: {  	v8 =	vld [tilespmem:s25+$0x14150]  }
0x2c9: {  	[tilespmem:s25+$0xC170] =	vst.add.f32.msk $0xffff, v2  }
0x2ca: {  	v2 =	vld [tilespmem:s25+$0x14160]  }
0x2cb: {  	[tilespmem:s25+$0xC100] =	vst.add.f32.msk $0xffff, v3  }
0x2cc: {  	[tilespmem:s25+$0xC110] =	vst.add.f32.msk $0xffff, v4  }
0x2cd: {  	[tilespmem:s25+$0xC120] =	vst.add.f32.msk $0xffff, v5  }
0x2ce: {  	[tilespmem:s25+$0xC130] =	vst.add.f32.msk $0xffff, v6  }
0x2cf: {  	[tilespmem:s25+$0xC140] =	vst.add.f32.msk $0xffff, v7  }
0x2d0: {  	s4 =	simm.s32 $0x0;
	s26 =	sadd.s32 $0x1000, s23;
	[tilespmem:s25+$0xC150] =	vst.add.f32.msk $0xffff, v8  }
.LBB2_35:
0x2d1: {  	s4 =	sadd.s32 $0x80, s4;
	[tilespmem:s25+$0xC160] =	vst.add.f32.msk $0xffff, v2;
	s25 =	sshra.s32 s26, $0x2  }
0x2d2: {  	v2 =	vld [tilespmem:s25+$0x14170];
	p0 =	slt.u32 s4, $0x780  }
0x2d3: {  	v3 =	vld [tilespmem:s25+$0x14100]  }
0x2d4: {  	v4 =	vld [tilespmem:s25+$0x14110]  }
0x2d5: {  	v5 =	vld [tilespmem:s25+$0x14120]  }
0x2d6: {  	v6 =	vld [tilespmem:s25+$0x14130]  }
0x2d7: {  	[tilespmem:s25+$0xC170] =	vst.add.f32.msk $0xffff, v2  }
0x2d8: {  	v7 =	vld [tilespmem:s25+$0x14140]  }
0x2d9: {  	v8 =	vld [tilespmem:s25+$0x14150]  }
0x2da: {  	v2 =	vld [tilespmem:s25+$0x14160]  }
0x2db: {  	[tilespmem:s25+$0xC100] =	vst.add.f32.msk $0xffff, v3  }
.Ltmp16:
0x2dc: {  	[tilespmem:s25+$0xC110] =	vst.add.f32.msk $0xffff, v4;
	(pc) =	sbr.rel @p0 .LBB2_35-.Ltmp16, $4  }
0x2dd: {  	[tilespmem:s25+$0xC120] =	vst.add.f32.msk $0xffff, v5  }
0x2de: {  	[tilespmem:s25+$0xC130] =	vst.add.f32.msk $0xffff, v6  }
0x2df: {  	[tilespmem:s25+$0xC140] =	vst.add.f32.msk $0xffff, v7  }
0x2e0: {  	s26 =	sadd.s32 $0x1000, s26;
	[tilespmem:s25+$0xC150] =	vst.add.f32.msk $0xffff, v8  }
0x2e1: {  	s24 =	sadd.s32 $0x1, s24  }
0x2e2: {  	p0 =	sne.s32 s24, $0x8  }
.Ltmp17:
0x2e3: {  	_ = 	snop;
	(pc) =	sbr.rel @p0 .LBB2_34-.Ltmp17, $2  }
0x2e4: {  	_ =	sdelay $0x2  }
0x2e5: {  	[tilespmem:s25+$0xC160] =	vst.add.f32.msk $0xffff, v2;
	s23 =	sadd.s32 $0x200, s23  }
0x2e6: {  	s23 =	simm.s32 $0x0;
	s4 =	rddreg [dreg:$0x12]  }
0x2e7: {  	[hbm4b:s4+s23] =	stream.linear.scatter [tilespmem:s6], [sflag:$0x9], $0x4000, $0x38;
	[tilespmem:$0x1C100] =	vst v63  }
0x2e8: {  	_ =	swait.ge [sflag:s14], $0x4000  }
0x2e9: {  	[sflag:s14] =	ssyncset.done $0x0  }
0x2ea: {  	[sflag:s14] =	ssyncadd.s32 $0xFFFFC000  }
0x2eb: {  	v2 =	vld.msk [tilespmem:$0x18], $0xff;
	_ =	sdelay $0x4  }
0x2ec: {  	v3 =	vshll.u32 v2, $0x4  }
0x2ed: {  	v2 =	vand.u32 $0x7, v2;
	v3 =	vand.u32 $0xFFFFFF80, v3  }
0x2ee: {  	v2 =	vor.u32 v2, v3  }
0x2ef: {  	v2 =	vperm.xlane v2, v0;
	_ =	sdelay $0x1  }
0x2f0: {  	v2 =	vadd.s32 v1, v2;
	_ =	sdelay $0x3  }
0x2f1: {  	s25 =	simm.s32 $0x8100  }
0x2f2: {  	[tilespmem:s25], [sflag:$0x3] =	stream.indirect_vreg.gather [hbm4b:s22+s23], $0x80, v2, vm0, $0xb8;
	[tilespmem:$0x1C100] =	vst v63  }
0x2f3: {  	s26 =	simm.s32 $0x8900  }
0x2f4: {  	[tilespmem:s26], [sflag:$0x3] =	stream.indirect_vreg.gather [hbm4b:s29+s23], $0x80, v2, vm0, $0xb8;
	[tilespmem:$0x1C100] =	vst v63  }
0x2f5: {  	s24 =	simm.s32 $0x9100  }
0x2f6: {  	[tilespmem:s24], [sflag:$0x3] =	stream.indirect_vreg.gather [hbm4b:s30+s23], $0x80, v2, vm0, $0xb8;
	[tilespmem:$0x1C100] =	vst v63  }
0x2f7: {  	s25 =	simm.s32 $0x9900  }
0x2f8: {  	[tilespmem:s25], [sflag:$0x3] =	stream.indirect_vreg.gather [hbm4b:s31+s23], $0x80, v2, vm0, $0xb8;
	[tilespmem:$0x1C100] =	vst v63  }
0x2f9: {  	s26 =	simm.s32 $0xA100  }
0x2fa: {  	[tilespmem:s26], [sflag:$0x3] =	stream.indirect_vreg.gather [hbm4b:s20+s23], $0x80, v2, vm0, $0xb8;
	[tilespmem:$0x1C100] =	vst v63  }
0x2fb: {  	s24 =	simm.s32 $0xA900  }
0x2fc: {  	[tilespmem:s24], [sflag:$0x3] =	stream.indirect_vreg.gather [hbm4b:s0+s23], $0x80, v2, vm0, $0xb8;
	[tilespmem:$0x1C100] =	vst v63  }
0x2fd: {  	s25 =	simm.s32 $0xB100  }
0x2fe: {  	[tilespmem:s25], [sflag:$0x3] =	stream.indirect_vreg.gather [hbm4b:s2+s23], $0x80, v2, vm0, $0xb8;
	[tilespmem:$0x1C100] =	vst v63  }
0x2ff: {  	s26 =	simm.s32 $0xB900  }
0x300: {  	[tilespmem:s26], [sflag:$0x3] =	stream.indirect_vreg.gather [hbm4b:s3+s23], $0x80, v2, vm0, $0xb8;
	[tilespmem:$0x1C100] =	vst v63  }
0x301: {  	_ =	swait.ge [sflag:s17], $0x4000  }
0x302: {  	[sflag:s17] =	ssyncset.done $0x0  }
0x303: {  	s24 =	simm.s32 $0x0;
	[sflag:s17] =	ssyncadd.s32 $0xFFFFC000  }
.LBB2_38:
0x304: {  	s25 =	sshra.s32 s23, $0x2  }
0x305: {  	v2 =	vld [tilespmem:s25+$0x14170]  }
0x306: {  	v3 =	vld [tilespmem:s25+$0x14100]  }
0x307: {  	v4 =	vld [tilespmem:s25+$0x14110]  }
0x308: {  	v5 =	vld [tilespmem:s25+$0x14120]  }
0x309: {  	v6 =	vld [tilespmem:s25+$0x14130]  }
0x30a: {  	v7 =	vld [tilespmem:s25+$0x14140]  }
0x30b: {  	v8 =	vld [tilespmem:s25+$0x14150]  }
0x30c: {  	[tilespmem:s25+$0x10170] =	vst.add.f32.msk $0xffff, v2  }
0x30d: {  	v2 =	vld [tilespmem:s25+$0x14160]  }
0x30e: {  	[tilespmem:s25+$0x10100] =	vst.add.f32.msk $0xffff, v3  }
0x30f: {  	[tilespmem:s25+$0x10110] =	vst.add.f32.msk $0xffff, v4  }
0x310: {  	[tilespmem:s25+$0x10120] =	vst.add.f32.msk $0xffff, v5  }
0x311: {  	[tilespmem:s25+$0x10130] =	vst.add.f32.msk $0xffff, v6  }
0x312: {  	[tilespmem:s25+$0x10140] =	vst.add.f32.msk $0xffff, v7  }
0x313: {  	s4 =	simm.s32 $0x0;
	s26 =	sadd.s32 $0x1000, s23;
	[tilespmem:s25+$0x10150] =	vst.add.f32.msk $0xffff, v8  }
.LBB2_39:
0x314: {  	s4 =	sadd.s32 $0x80, s4;
	[tilespmem:s25+$0x10160] =	vst.add.f32.msk $0xffff, v2;
	s25 =	sshra.s32 s26, $0x2  }
0x315: {  	v2 =	vld [tilespmem:s25+$0x14170];
	p0 =	slt.u32 s4, $0x780  }
0x316: {  	v3 =	vld [tilespmem:s25+$0x14100]  }
0x317: {  	v4 =	vld [tilespmem:s25+$0x14110]  }
0x318: {  	v5 =	vld [tilespmem:s25+$0x14120]  }
0x319: {  	v6 =	vld [tilespmem:s25+$0x14130]  }
0x31a: {  	[tilespmem:s25+$0x10170] =	vst.add.f32.msk $0xffff, v2  }
0x31b: {  	v7 =	vld [tilespmem:s25+$0x14140]  }
0x31c: {  	v8 =	vld [tilespmem:s25+$0x14150]  }
0x31d: {  	v2 =	vld [tilespmem:s25+$0x14160]  }
0x31e: {  	[tilespmem:s25+$0x10100] =	vst.add.f32.msk $0xffff, v3  }
.Ltmp18:
0x31f: {  	[tilespmem:s25+$0x10110] =	vst.add.f32.msk $0xffff, v4;
	(pc) =	sbr.rel @p0 .LBB2_39-.Ltmp18, $4  }
0x320: {  	[tilespmem:s25+$0x10120] =	vst.add.f32.msk $0xffff, v5  }
0x321: {  	[tilespmem:s25+$0x10130] =	vst.add.f32.msk $0xffff, v6  }
0x322: {  	[tilespmem:s25+$0x10140] =	vst.add.f32.msk $0xffff, v7  }
0x323: {  	s26 =	sadd.s32 $0x1000, s26;
	[tilespmem:s25+$0x10150] =	vst.add.f32.msk $0xffff, v8  }
0x324: {  	s24 =	sadd.s32 $0x1, s24  }
0x325: {  	p0 =	sne.s32 s24, $0x8  }
.Ltmp19:
0x326: {  	_ = 	snop;
	(pc) =	sbr.rel @p0 .LBB2_38-.Ltmp19, $2  }
0x327: {  	_ =	sdelay $0x2  }
0x328: {  	[tilespmem:s25+$0x10160] =	vst.add.f32.msk $0xffff, v2;
	s23 =	sadd.s32 $0x200, s23  }
0x329: {  	s4 =	sld [smem:$0x7EC];
	_ =	sdelay $0x1  }
0x32a: {  	s23 =	simm.s32 $0x0  }
0x32b: {  	[hbm4b:s4+s23] =	stream.linear.scatter [tilespmem:s28], [sflag:$0xA], $0x4000, $0x38;
	[tilespmem:$0x1C100] =	vst v63  }
0x32c: {  	_ =	swait.ge [sflag:s18], $0x4000  }
0x32d: {  	[sflag:s18] =	ssyncset.done $0x0  }
0x32e: {  	[sflag:s18] =	ssyncadd.s32 $0xFFFFC000  }
0x32f: {  	v2 =	vld.msk [tilespmem:$0x58], $0xff;
	_ =	sdelay $0x4  }
0x330: {  	v3 =	vshll.u32 v2, $0x4  }
0x331: {  	v2 =	vand.u32 $0x7, v2;
	v3 =	vand.u32 $0xFFFFFF80, v3  }
0x332: {  	v2 =	vor.u32 v2, v3  }
0x333: {  	v2 =	vperm.xlane v2, v0;
	_ =	sdelay $0x1  }
0x334: {  	v2 =	vadd.s32 v1, v2;
	_ =	sdelay $0x4  }
0x335: {  	[tilespmem:s6], [sflag:$0x4] =	stream.indirect_vreg.gather [hbm4b:s22+s23], $0x80, v2, vm0, $0xb8;
	[tilespmem:$0x1C100] =	vst v63  }
0x336: {  	s26 =	simm.s32 $0xC900  }
0x337: {  	[tilespmem:s26], [sflag:$0x4] =	stream.indirect_vreg.gather [hbm4b:s29+s23], $0x80, v2, vm0, $0xb8;
	[tilespmem:$0x1C100] =	vst v63  }
0x338: {  	s24 =	simm.s32 $0xD100  }
0x339: {  	[tilespmem:s24], [sflag:$0x4] =	stream.indirect_vreg.gather [hbm4b:s30+s23], $0x80, v2, vm0, $0xb8;
	[tilespmem:$0x1C100] =	vst v63  }
0x33a: {  	s25 =	simm.s32 $0xD900  }
0x33b: {  	[tilespmem:s25], [sflag:$0x4] =	stream.indirect_vreg.gather [hbm4b:s31+s23], $0x80, v2, vm0, $0xb8;
	[tilespmem:$0x1C100] =	vst v63  }
0x33c: {  	s26 =	simm.s32 $0xE100  }
0x33d: {  	[tilespmem:s26], [sflag:$0x4] =	stream.indirect_vreg.gather [hbm4b:s20+s23], $0x80, v2, vm0, $0xb8;
	[tilespmem:$0x1C100] =	vst v63  }
0x33e: {  	s24 =	simm.s32 $0xE900  }
0x33f: {  	[tilespmem:s24], [sflag:$0x4] =	stream.indirect_vreg.gather [hbm4b:s0+s23], $0x80, v2, vm0, $0xb8;
	[tilespmem:$0x1C100] =	vst v63  }
0x340: {  	s25 =	simm.s32 $0xF100  }
0x341: {  	[tilespmem:s25], [sflag:$0x4] =	stream.indirect_vreg.gather [hbm4b:s2+s23], $0x80, v2, vm0, $0xb8;
	[tilespmem:$0x1C100] =	vst v63  }
0x342: {  	s26 =	simm.s32 $0xF900  }
0x343: {  	[tilespmem:s26], [sflag:$0x4] =	stream.indirect_vreg.gather [hbm4b:s3+s23], $0x80, v2, vm0, $0xb8;
	[tilespmem:$0x1C100] =	vst v63  }
0x344: {  	_ =	swait.ge [sflag:s5], $0x4000  }
0x345: {  	[sflag:s5] =	ssyncset.done $0x0  }
0x346: {  	s24 =	simm.s32 $0x0;
	[sflag:s5] =	ssyncadd.s32 $0xFFFFC000  }
.LBB2_42:
0x347: {  	s25 =	sshra.s32 s23, $0x2  }
0x348: {  	v2 =	vld [tilespmem:s25+$0x14170]  }
0x349: {  	v3 =	vld [tilespmem:s25+$0x14100]  }
0x34a: {  	v4 =	vld [tilespmem:s25+$0x14110]  }
0x34b: {  	v5 =	vld [tilespmem:s25+$0x14120]  }
0x34c: {  	v6 =	vld [tilespmem:s25+$0x14130]  }
0x34d: {  	v7 =	vld [tilespmem:s25+$0x14140]  }
0x34e: {  	v8 =	vld [tilespmem:s25+$0x14150]  }
0x34f: {  	[tilespmem:s25+$0x170] =	vst.add.f32.msk $0xffff, v2  }
0x350: {  	v2 =	vld [tilespmem:s25+$0x14160]  }
0x351: {  	[tilespmem:s25+$0x100] =	vst.add.f32.msk $0xffff, v3  }
0x352: {  	[tilespmem:s25+$0x110] =	vst.add.f32.msk $0xffff, v4  }
0x353: {  	[tilespmem:s25+$0x120] =	vst.add.f32.msk $0xffff, v5  }
0x354: {  	[tilespmem:s25+$0x130] =	vst.add.f32.msk $0xffff, v6  }
0x355: {  	[tilespmem:s25+$0x140] =	vst.add.f32.msk $0xffff, v7  }
0x356: {  	s4 =	simm.s32 $0x0;
	s26 =	sadd.s32 $0x1000, s23;
	[tilespmem:s25+$0x150] =	vst.add.f32.msk $0xffff, v8  }
.LBB2_43:
0x357: {  	s4 =	sadd.s32 $0x80, s4;
	[tilespmem:s25+$0x160] =	vst.add.f32.msk $0xffff, v2;
	s25 =	sshra.s32 s26, $0x2  }
0x358: {  	v2 =	vld [tilespmem:s25+$0x14170];
	p0 =	slt.u32 s4, $0x780  }
0x359: {  	v3 =	vld [tilespmem:s25+$0x14100]  }
0x35a: {  	v4 =	vld [tilespmem:s25+$0x14110]  }
0x35b: {  	v5 =	vld [tilespmem:s25+$0x14120]  }
0x35c: {  	v6 =	vld [tilespmem:s25+$0x14130]  }
0x35d: {  	[tilespmem:s25+$0x170] =	vst.add.f32.msk $0xffff, v2  }
0x35e: {  	v7 =	vld [tilespmem:s25+$0x14140]  }
0x35f: {  	v8 =	vld [tilespmem:s25+$0x14150]  }
0x360: {  	v2 =	vld [tilespmem:s25+$0x14160]  }
0x361: {  	[tilespmem:s25+$0x100] =	vst.add.f32.msk $0xffff, v3  }
.Ltmp20:
0x362: {  	[tilespmem:s25+$0x110] =	vst.add.f32.msk $0xffff, v4;
	(pc) =	sbr.rel @p0 .LBB2_43-.Ltmp20, $4  }
0x363: {  	[tilespmem:s25+$0x120] =	vst.add.f32.msk $0xffff, v5  }
0x364: {  	[tilespmem:s25+$0x130] =	vst.add.f32.msk $0xffff, v6  }
0x365: {  	[tilespmem:s25+$0x140] =	vst.add.f32.msk $0xffff, v7  }
0x366: {  	s26 =	sadd.s32 $0x1000, s26;
	[tilespmem:s25+$0x150] =	vst.add.f32.msk $0xffff, v8  }
0x367: {  	s24 =	sadd.s32 $0x1, s24  }
0x368: {  	p0 =	sne.s32 s24, $0x8  }
.Ltmp21:
0x369: {  	_ = 	snop;
	(pc) =	sbr.rel @p0 .LBB2_42-.Ltmp21, $2  }
0x36a: {  	_ =	sdelay $0x2  }
0x36b: {  	[tilespmem:s25+$0x160] =	vst.add.f32.msk $0xffff, v2;
	s23 =	sadd.s32 $0x200, s23  }
0x36c: {  	s4 =	sld [smem:$0x7ED];
	_ =	sdelay $0x1  }
0x36d: {  	s23 =	simm.s32 $0x0  }
0x36e: {  	[hbm4b:s4+s23] =	stream.linear.scatter [tilespmem:s7], [sflag:$0x6], $0x4000, $0x38;
	[tilespmem:$0x1C100] =	vst v63  }
0x36f: {  	_ =	swait.ge [sflag:s19], $0x4000  }
0x370: {  	[sflag:s19] =	ssyncset.done $0x0  }
0x371: {  	[sflag:s19] =	ssyncadd.s32 $0xFFFFC000  }
0x372: {  	v2 =	vld.msk [tilespmem:$0x98], $0xff;
	_ =	sdelay $0x4  }
0x373: {  	v3 =	vshll.u32 v2, $0x4  }
0x374: {  	v2 =	vand.u32 $0x7, v2;
	v3 =	vand.u32 $0xFFFFFF80, v3  }
0x375: {  	v2 =	vor.u32 v2, v3  }
0x376: {  	v2 =	vperm.xlane v2, v0;
	_ =	sdelay $0x1  }
0x377: {  	v2 =	vadd.s32 v1, v2;
	_ =	sdelay $0x4  }
0x378: {  	[tilespmem:s28], [sflag:$0x5] =	stream.indirect_vreg.gather [hbm4b:s22+s23], $0x80, v2, vm0, $0xb8;
	[tilespmem:$0x1C100] =	vst v63  }
0x379: {  	s26 =	simm.s32 $0x10900  }
0x37a: {  	[tilespmem:s26], [sflag:$0x5] =	stream.indirect_vreg.gather [hbm4b:s29+s23], $0x80, v2, vm0, $0xb8;
	[tilespmem:$0x1C100] =	vst v63  }
0x37b: {  	s24 =	simm.s32 $0x11100  }
0x37c: {  	[tilespmem:s24], [sflag:$0x5] =	stream.indirect_vreg.gather [hbm4b:s30+s23], $0x80, v2, vm0, $0xb8;
	[tilespmem:$0x1C100] =	vst v63  }
0x37d: {  	s25 =	simm.s32 $0x11900  }
0x37e: {  	[tilespmem:s25], [sflag:$0x5] =	stream.indirect_vreg.gather [hbm4b:s31+s23], $0x80, v2, vm0, $0xb8;
	[tilespmem:$0x1C100] =	vst v63  }
0x37f: {  	s26 =	simm.s32 $0x12100  }
0x380: {  	[tilespmem:s26], [sflag:$0x5] =	stream.indirect_vreg.gather [hbm4b:s20+s23], $0x80, v2, vm0, $0xb8;
	[tilespmem:$0x1C100] =	vst v63  }
0x381: {  	s24 =	simm.s32 $0x12900  }
0x382: {  	[tilespmem:s24], [sflag:$0x5] =	stream.indirect_vreg.gather [hbm4b:s0+s23], $0x80, v2, vm0, $0xb8;
	[tilespmem:$0x1C100] =	vst v63  }
0x383: {  	s25 =	simm.s32 $0x13100  }
0x384: {  	[tilespmem:s25], [sflag:$0x5] =	stream.indirect_vreg.gather [hbm4b:s2+s23], $0x80, v2, vm0, $0xb8;
	[tilespmem:$0x1C100] =	vst v63  }
0x385: {  	s26 =	simm.s32 $0x13900  }
0x386: {  	[tilespmem:s26], [sflag:$0x5] =	stream.indirect_vreg.gather [hbm4b:s3+s23], $0x80, v2, vm0, $0xb8;
	[tilespmem:$0x1C100] =	vst v63  }
0x387: {  	_ =	swait.ge [sflag:s9], $0x4000  }
0x388: {  	[sflag:s9] =	ssyncset.done $0x0  }
0x389: {  	s24 =	simm.s32 $0x0;
	[sflag:s9] =	ssyncadd.s32 $0xFFFFC000  }
.LBB2_46:
0x38a: {  	s25 =	sshra.s32 s23, $0x2  }
0x38b: {  	v2 =	vld [tilespmem:s25+$0x14170]  }
0x38c: {  	v3 =	vld [tilespmem:s25+$0x14100]  }
0x38d: {  	v4 =	vld [tilespmem:s25+$0x14110]  }
0x38e: {  	v5 =	vld [tilespmem:s25+$0x14120]  }
0x38f: {  	v6 =	vld [tilespmem:s25+$0x14130]  }
0x390: {  	v7 =	vld [tilespmem:s25+$0x14140]  }
0x391: {  	v8 =	vld [tilespmem:s25+$0x14150]  }
0x392: {  	[tilespmem:s25+$0x4170] =	vst.add.f32.msk $0xffff, v2  }
0x393: {  	v2 =	vld [tilespmem:s25+$0x14160]  }
0x394: {  	[tilespmem:s25+$0x4100] =	vst.add.f32.msk $0xffff, v3  }
0x395: {  	[tilespmem:s25+$0x4110] =	vst.add.f32.msk $0xffff, v4  }
0x396: {  	[tilespmem:s25+$0x4120] =	vst.add.f32.msk $0xffff, v5  }
0x397: {  	[tilespmem:s25+$0x4130] =	vst.add.f32.msk $0xffff, v6  }
0x398: {  	[tilespmem:s25+$0x4140] =	vst.add.f32.msk $0xffff, v7  }
0x399: {  	s4 =	simm.s32 $0x0;
	s26 =	sadd.s32 $0x1000, s23;
	[tilespmem:s25+$0x4150] =	vst.add.f32.msk $0xffff, v8  }
.LBB2_47:
0x39a: {  	s4 =	sadd.s32 $0x80, s4;
	[tilespmem:s25+$0x4160] =	vst.add.f32.msk $0xffff, v2;
	s25 =	sshra.s32 s26, $0x2  }
0x39b: {  	v2 =	vld [tilespmem:s25+$0x14170];
	p0 =	slt.u32 s4, $0x780  }
0x39c: {  	v3 =	vld [tilespmem:s25+$0x14100]  }
0x39d: {  	v4 =	vld [tilespmem:s25+$0x14110]  }
0x39e: {  	v5 =	vld [tilespmem:s25+$0x14120]  }
0x39f: {  	v6 =	vld [tilespmem:s25+$0x14130]  }
0x3a0: {  	[tilespmem:s25+$0x4170] =	vst.add.f32.msk $0xffff, v2  }
0x3a1: {  	v7 =	vld [tilespmem:s25+$0x14140]  }
0x3a2: {  	v8 =	vld [tilespmem:s25+$0x14150]  }
0x3a3: {  	v2 =	vld [tilespmem:s25+$0x14160]  }
0x3a4: {  	[tilespmem:s25+$0x4100] =	vst.add.f32.msk $0xffff, v3  }
.Ltmp22:
0x3a5: {  	[tilespmem:s25+$0x4110] =	vst.add.f32.msk $0xffff, v4;
	(pc) =	sbr.rel @p0 .LBB2_47-.Ltmp22, $4  }
0x3a6: {  	[tilespmem:s25+$0x4120] =	vst.add.f32.msk $0xffff, v5  }
0x3a7: {  	[tilespmem:s25+$0x4130] =	vst.add.f32.msk $0xffff, v6  }
0x3a8: {  	[tilespmem:s25+$0x4140] =	vst.add.f32.msk $0xffff, v7  }
0x3a9: {  	s26 =	sadd.s32 $0x1000, s26;
	[tilespmem:s25+$0x4150] =	vst.add.f32.msk $0xffff, v8  }
0x3aa: {  	s24 =	sadd.s32 $0x1, s24  }
0x3ab: {  	p0 =	sne.s32 s24, $0x8  }
.Ltmp23:
0x3ac: {  	_ = 	snop;
	(pc) =	sbr.rel @p0 .LBB2_46-.Ltmp23, $2  }
0x3ad: {  	_ =	sdelay $0x2  }
0x3ae: {  	[tilespmem:s25+$0x4160] =	vst.add.f32.msk $0xffff, v2;
	s23 =	sadd.s32 $0x200, s23  }
0x3af: {  	s4 =	sld [smem:$0x7EE];
	_ =	sdelay $0x1  }
0x3b0: {  	s23 =	simm.s32 $0x0  }
0x3b1: {  	[hbm4b:s4+s23] =	stream.linear.scatter [tilespmem:s16], [sflag:$0x7], $0x4000, $0x38;
	[tilespmem:$0x1C100] =	vst v63  }
0x3b2: {  	s25 =	rddreg [dreg:$0x13];
	s24 =	simm.s32 $0x14100  }
0x3b3: {  	[tilespmem:s24], [sflag:$0xB] =	stream.linear.gather [hbm4b:s25+s23], $0x4000, $0x38;
	[tilespmem:$0x1C100] =	vst v63  }
0x3b4: {  	_ =	swait.ge [sflag:s10], $0x4000  }
0x3b5: {  	[sflag:s10] =	ssyncset.done $0x0  }
0x3b6: {  	[sflag:s10] =	ssyncadd.s32 $0xFFFFC000  }
0x3b7: {  	v2 =	vld.msk [tilespmem:$0xD8], $0xff;
	_ =	sdelay $0x4  }
0x3b8: {  	v3 =	vshll.u32 v2, $0x4  }
0x3b9: {  	v2 =	vand.u32 $0x7, v2;
	v3 =	vand.u32 $0xFFFFFF80, v3  }
0x3ba: {  	v2 =	vor.u32 v2, v3  }
0x3bb: {  	v2 =	vperm.xlane v2, v0;
	_ =	sdelay $0x1  }
0x3bc: {  	v2 =	vadd.s32 v1, v2;
	_ =	sdelay $0x4  }
0x3bd: {  	[tilespmem:s7], [sflag:$0x1] =	stream.indirect_vreg.gather [hbm4b:s22+s23], $0x80, v2, vm0, $0xb8;
	[tilespmem:$0x1C100] =	vst v63  }
0x3be: {  	s26 =	simm.s32 $0x900  }
0x3bf: {  	[tilespmem:s26], [sflag:$0x1] =	stream.indirect_vreg.gather [hbm4b:s29+s23], $0x80, v2, vm0, $0xb8;
	[tilespmem:$0x1C100] =	vst v63  }
0x3c0: {  	s24 =	simm.s32 $0x1100  }
0x3c1: {  	[tilespmem:s24], [sflag:$0x1] =	stream.indirect_vreg.gather [hbm4b:s30+s23], $0x80, v2, vm0, $0xb8;
	[tilespmem:$0x1C100] =	vst v63  }
0x3c2: {  	s25 =	simm.s32 $0x1900  }
0x3c3: {  	[tilespmem:s25], [sflag:$0x1] =	stream.indirect_vreg.gather [hbm4b:s31+s23], $0x80, v2, vm0, $0xb8;
	[tilespmem:$0x1C100] =	vst v63  }
0x3c4: {  	s26 =	simm.s32 $0x2100  }
0x3c5: {  	[tilespmem:s26], [sflag:$0x1] =	stream.indirect_vreg.gather [hbm4b:s20+s23], $0x80, v2, vm0, $0xb8;
	[tilespmem:$0x1C100] =	vst v63  }
0x3c6: {  	s24 =	simm.s32 $0x2900  }
0x3c7: {  	[tilespmem:s24], [sflag:$0x1] =	stream.indirect_vreg.gather [hbm4b:s0+s23], $0x80, v2, vm0, $0xb8;
	[tilespmem:$0x1C100] =	vst v63  }
0x3c8: {  	s25 =	simm.s32 $0x3100  }
0x3c9: {  	[tilespmem:s25], [sflag:$0x1] =	stream.indirect_vreg.gather [hbm4b:s2+s23], $0x80, v2, vm0, $0xb8;
	[tilespmem:$0x1C100] =	vst v63  }
0x3ca: {  	s26 =	simm.s32 $0x3900  }
0x3cb: {  	[tilespmem:s26], [sflag:$0x1] =	stream.indirect_vreg.gather [hbm4b:s3+s23], $0x80, v2, vm0, $0xb8;
	[tilespmem:$0x1C100] =	vst v63  }
0x3cc: {  	_ =	swait.ge [sflag:s15], $0x4000  }
0x3cd: {  	[sflag:s15] =	ssyncset.done $0x0  }
0x3ce: {  	[sflag:s15] =	ssyncadd.s32 $0xFFFFC000  }
0x3cf: {  	_ =	swait.ge [sflag:s11], $0x4000  }
0x3d0: {  	[sflag:s11] =	ssyncset.done $0x0  }
0x3d1: {  	s24 =	simm.s32 $0x0;
	[sflag:s11] =	ssyncadd.s32 $0xFFFFC000  }
.LBB2_50:
0x3d2: {  	s25 =	sshra.s32 s23, $0x2  }
0x3d3: {  	v2 =	vld [tilespmem:s25+$0x18170]  }
0x3d4: {  	v3 =	vld [tilespmem:s25+$0x18100]  }
0x3d5: {  	v4 =	vld [tilespmem:s25+$0x18110]  }
0x3d6: {  	v5 =	vld [tilespmem:s25+$0x18120]  }
0x3d7: {  	v6 =	vld [tilespmem:s25+$0x18130]  }
0x3d8: {  	v7 =	vld [tilespmem:s25+$0x18140]  }
0x3d9: {  	v8 =	vld [tilespmem:s25+$0x18150]  }
0x3da: {  	[tilespmem:s25+$0x8170] =	vst.add.f32.msk $0xffff, v2  }
0x3db: {  	v2 =	vld [tilespmem:s25+$0x18160]  }
0x3dc: {  	[tilespmem:s25+$0x8100] =	vst.add.f32.msk $0xffff, v3  }
0x3dd: {  	[tilespmem:s25+$0x8110] =	vst.add.f32.msk $0xffff, v4  }
0x3de: {  	[tilespmem:s25+$0x8120] =	vst.add.f32.msk $0xffff, v5  }
0x3df: {  	[tilespmem:s25+$0x8130] =	vst.add.f32.msk $0xffff, v6  }
0x3e0: {  	[tilespmem:s25+$0x8140] =	vst.add.f32.msk $0xffff, v7  }
0x3e1: {  	s4 =	simm.s32 $0x0;
	s26 =	sadd.s32 $0x1000, s23;
	[tilespmem:s25+$0x8150] =	vst.add.f32.msk $0xffff, v8  }
.LBB2_51:
0x3e2: {  	s4 =	sadd.s32 $0x80, s4;
	[tilespmem:s25+$0x8160] =	vst.add.f32.msk $0xffff, v2;
	s25 =	sshra.s32 s26, $0x2  }
0x3e3: {  	v2 =	vld [tilespmem:s25+$0x18170];
	p0 =	slt.u32 s4, $0x780  }
0x3e4: {  	v3 =	vld [tilespmem:s25+$0x18100]  }
0x3e5: {  	v4 =	vld [tilespmem:s25+$0x18110]  }
0x3e6: {  	v5 =	vld [tilespmem:s25+$0x18120]  }
0x3e7: {  	v6 =	vld [tilespmem:s25+$0x18130]  }
0x3e8: {  	[tilespmem:s25+$0x8170] =	vst.add.f32.msk $0xffff, v2  }
0x3e9: {  	v7 =	vld [tilespmem:s25+$0x18140]  }
0x3ea: {  	v8 =	vld [tilespmem:s25+$0x18150]  }
0x3eb: {  	v2 =	vld [tilespmem:s25+$0x18160]  }
0x3ec: {  	[tilespmem:s25+$0x8100] =	vst.add.f32.msk $0xffff, v3  }
.Ltmp24:
0x3ed: {  	[tilespmem:s25+$0x8110] =	vst.add.f32.msk $0xffff, v4;
	(pc) =	sbr.rel @p0 .LBB2_51-.Ltmp24, $4  }
0x3ee: {  	[tilespmem:s25+$0x8120] =	vst.add.f32.msk $0xffff, v5  }
0x3ef: {  	[tilespmem:s25+$0x8130] =	vst.add.f32.msk $0xffff, v6  }
0x3f0: {  	[tilespmem:s25+$0x8140] =	vst.add.f32.msk $0xffff, v7  }
0x3f1: {  	s26 =	sadd.s32 $0x1000, s26;
	[tilespmem:s25+$0x8150] =	vst.add.f32.msk $0xffff, v8  }
0x3f2: {  	s24 =	sadd.s32 $0x1, s24  }
0x3f3: {  	p0 =	sne.s32 s24, $0x8  }
.Ltmp25:
0x3f4: {  	_ = 	snop;
	(pc) =	sbr.rel @p0 .LBB2_50-.Ltmp25, $2  }
0x3f5: {  	_ =	sdelay $0x2  }
0x3f6: {  	[tilespmem:s25+$0x8160] =	vst.add.f32.msk $0xffff, v2;
	s23 =	sadd.s32 $0x200, s23  }
0x3f7: {  	s23 =	simm.s32 $0x0;
	s4 =	rddreg [dreg:$0x14];
	s24 =	simm.s32 $0x8100  }
0x3f8: {  	[hbm4b:s4+s23] =	stream.linear.scatter [tilespmem:s24], [sflag:$0x8], $0x4000, $0x38;
	[tilespmem:$0x1C100] =	vst v63  }
0x3f9: {  	_ =	swait.ge [sflag:s12], $0x4000  }
0x3fa: {  	[sflag:s12] =	ssyncset.done $0x0  }
0x3fb: {  	[sflag:s12] =	ssyncadd.s32 $0xFFFFC000  }
0x3fc: {  	v2 =	vld.msk [tilespmem:$0x20], $0xff;
	_ =	sdelay $0x4  }
0x3fd: {  	v3 =	vshll.u32 v2, $0x4  }
0x3fe: {  	v2 =	vand.u32 $0x7, v2;
	v3 =	vand.u32 $0xFFFFFF80, v3  }
0x3ff: {  	v2 =	vor.u32 v2, v3  }
0x400: {  	v2 =	vperm.xlane v2, v0;
	_ =	sdelay $0x1  }
0x401: {  	v2 =	vadd.s32 v1, v2;
	_ =	sdelay $0x4  }
0x402: {  	[tilespmem:s16], [sflag:$0x2] =	stream.indirect_vreg.gather [hbm4b:s22+s23], $0x80, v2, vm0, $0xb8;
	[tilespmem:$0x1C100] =	vst v63  }
0x403: {  	s26 =	simm.s32 $0x4900  }
0x404: {  	[tilespmem:s26], [sflag:$0x2] =	stream.indirect_vreg.gather [hbm4b:s29+s23], $0x80, v2, vm0, $0xb8;
	[tilespmem:$0x1C100] =	vst v63  }
0x405: {  	s24 =	simm.s32 $0x5100  }
0x406: {  	[tilespmem:s24], [sflag:$0x2] =	stream.indirect_vreg.gather [hbm4b:s30+s23], $0x80, v2, vm0, $0xb8;
	[tilespmem:$0x1C100] =	vst v63  }
0x407: {  	s25 =	simm.s32 $0x5900  }
0x408: {  	[tilespmem:s25], [sflag:$0x2] =	stream.indirect_vreg.gather [hbm4b:s31+s23], $0x80, v2, vm0, $0xb8;
	[tilespmem:$0x1C100] =	vst v63  }
0x409: {  	s26 =	simm.s32 $0x6100  }
0x40a: {  	[tilespmem:s26], [sflag:$0x2] =	stream.indirect_vreg.gather [hbm4b:s20+s23], $0x80, v2, vm0, $0xb8;
	[tilespmem:$0x1C100] =	vst v63  }
0x40b: {  	s24 =	simm.s32 $0x6900  }
0x40c: {  	[tilespmem:s24], [sflag:$0x2] =	stream.indirect_vreg.gather [hbm4b:s0+s23], $0x80, v2, vm0, $0xb8;
	[tilespmem:$0x1C100] =	vst v63  }
0x40d: {  	s25 =	simm.s32 $0x7100  }
0x40e: {  	[tilespmem:s25], [sflag:$0x2] =	stream.indirect_vreg.gather [hbm4b:s2+s23], $0x80, v2, vm0, $0xb8;
	[tilespmem:$0x1C100] =	vst v63  }
0x40f: {  	s26 =	simm.s32 $0x7900  }
0x410: {  	[tilespmem:s26], [sflag:$0x2] =	stream.indirect_vreg.gather [hbm4b:s3+s23], $0x80, v2, vm0, $0xb8;
	[tilespmem:$0x1C100] =	vst v63  }
0x411: {  	_ =	swait.ge [sflag:s13], $0x4000  }
0x412: {  	[sflag:s13] =	ssyncset.done $0x0  }
0x413: {  	s24 =	simm.s32 $0x0;
	[sflag:s13] =	ssyncadd.s32 $0xFFFFC000  }
.LBB2_54:
0x414: {  	s25 =	sshra.s32 s23, $0x2  }
0x415: {  	v2 =	vld [tilespmem:s25+$0x18170]  }
0x416: {  	v3 =	vld [tilespmem:s25+$0x18100]  }
0x417: {  	v4 =	vld [tilespmem:s25+$0x18110]  }
0x418: {  	v5 =	vld [tilespmem:s25+$0x18120]  }
0x419: {  	v6 =	vld [tilespmem:s25+$0x18130]  }
0x41a: {  	v7 =	vld [tilespmem:s25+$0x18140]  }
0x41b: {  	v8 =	vld [tilespmem:s25+$0x18150]  }
0x41c: {  	[tilespmem:s25+$0xC170] =	vst.add.f32.msk $0xffff, v2  }
0x41d: {  	v2 =	vld [tilespmem:s25+$0x18160]  }
0x41e: {  	[tilespmem:s25+$0xC100] =	vst.add.f32.msk $0xffff, v3  }
0x41f: {  	[tilespmem:s25+$0xC110] =	vst.add.f32.msk $0xffff, v4  }
0x420: {  	[tilespmem:s25+$0xC120] =	vst.add.f32.msk $0xffff, v5  }
0x421: {  	[tilespmem:s25+$0xC130] =	vst.add.f32.msk $0xffff, v6  }
0x422: {  	[tilespmem:s25+$0xC140] =	vst.add.f32.msk $0xffff, v7  }
0x423: {  	s4 =	simm.s32 $0x0;
	s26 =	sadd.s32 $0x1000, s23;
	[tilespmem:s25+$0xC150] =	vst.add.f32.msk $0xffff, v8  }
.LBB2_55:
0x424: {  	s4 =	sadd.s32 $0x80, s4;
	[tilespmem:s25+$0xC160] =	vst.add.f32.msk $0xffff, v2;
	s25 =	sshra.s32 s26, $0x2  }
0x425: {  	v2 =	vld [tilespmem:s25+$0x18170];
	p0 =	slt.u32 s4, $0x780  }
0x426: {  	v3 =	vld [tilespmem:s25+$0x18100]  }
0x427: {  	v4 =	vld [tilespmem:s25+$0x18110]  }
0x428: {  	v5 =	vld [tilespmem:s25+$0x18120]  }
0x429: {  	v6 =	vld [tilespmem:s25+$0x18130]  }
0x42a: {  	[tilespmem:s25+$0xC170] =	vst.add.f32.msk $0xffff, v2  }
0x42b: {  	v7 =	vld [tilespmem:s25+$0x18140]  }
0x42c: {  	v8 =	vld [tilespmem:s25+$0x18150]  }
0x42d: {  	v2 =	vld [tilespmem:s25+$0x18160]  }
0x42e: {  	[tilespmem:s25+$0xC100] =	vst.add.f32.msk $0xffff, v3  }
.Ltmp26:
0x42f: {  	[tilespmem:s25+$0xC110] =	vst.add.f32.msk $0xffff, v4;
	(pc) =	sbr.rel @p0 .LBB2_55-.Ltmp26, $4  }
0x430: {  	[tilespmem:s25+$0xC120] =	vst.add.f32.msk $0xffff, v5  }
0x431: {  	[tilespmem:s25+$0xC130] =	vst.add.f32.msk $0xffff, v6  }
0x432: {  	[tilespmem:s25+$0xC140] =	vst.add.f32.msk $0xffff, v7  }
0x433: {  	s26 =	sadd.s32 $0x1000, s26;
	[tilespmem:s25+$0xC150] =	vst.add.f32.msk $0xffff, v8  }
0x434: {  	s24 =	sadd.s32 $0x1, s24  }
0x435: {  	p0 =	sne.s32 s24, $0x8  }
.Ltmp27:
0x436: {  	_ = 	snop;
	(pc) =	sbr.rel @p0 .LBB2_54-.Ltmp27, $2  }
0x437: {  	_ =	sdelay $0x2  }
0x438: {  	[tilespmem:s25+$0xC160] =	vst.add.f32.msk $0xffff, v2;
	s23 =	sadd.s32 $0x200, s23  }
0x439: {  	s4 =	sld [smem:$0x7EF];
	_ =	sdelay $0x1  }
0x43a: {  	s23 =	simm.s32 $0x0  }
0x43b: {  	[hbm4b:s4+s23] =	stream.linear.scatter [tilespmem:s6], [sflag:$0x9], $0x4000, $0x38;
	[tilespmem:$0x1C100] =	vst v63  }
0x43c: {  	_ =	swait.ge [sflag:s14], $0x4000  }
0x43d: {  	[sflag:s14] =	ssyncset.done $0x0  }
0x43e: {  	[sflag:s14] =	ssyncadd.s32 $0xFFFFC000  }
0x43f: {  	v2 =	vld.msk [tilespmem:$0x60], $0xff;
	_ =	sdelay $0x4  }
0x440: {  	v3 =	vshll.u32 v2, $0x4  }
0x441: {  	v2 =	vand.u32 $0x7, v2;
	v3 =	vand.u32 $0xFFFFFF80, v3  }
0x442: {  	v2 =	vor.u32 v2, v3  }
0x443: {  	v2 =	vperm.xlane v2, v0;
	_ =	sdelay $0x1  }
0x444: {  	v2 =	vadd.s32 v1, v2;
	_ =	sdelay $0x3  }
0x445: {  	s25 =	simm.s32 $0x8100  }
0x446: {  	[tilespmem:s25], [sflag:$0x3] =	stream.indirect_vreg.gather [hbm4b:s22+s23], $0x80, v2, vm0, $0xb8;
	[tilespmem:$0x1C100] =	vst v63  }
0x447: {  	s26 =	simm.s32 $0x8900  }
0x448: {  	[tilespmem:s26], [sflag:$0x3] =	stream.indirect_vreg.gather [hbm4b:s29+s23], $0x80, v2, vm0, $0xb8;
	[tilespmem:$0x1C100] =	vst v63  }
0x449: {  	s24 =	simm.s32 $0x9100  }
0x44a: {  	[tilespmem:s24], [sflag:$0x3] =	stream.indirect_vreg.gather [hbm4b:s30+s23], $0x80, v2, vm0, $0xb8;
	[tilespmem:$0x1C100] =	vst v63  }
0x44b: {  	s25 =	simm.s32 $0x9900  }
0x44c: {  	[tilespmem:s25], [sflag:$0x3] =	stream.indirect_vreg.gather [hbm4b:s31+s23], $0x80, v2, vm0, $0xb8;
	[tilespmem:$0x1C100] =	vst v63  }
0x44d: {  	s26 =	simm.s32 $0xA100  }
0x44e: {  	[tilespmem:s26], [sflag:$0x3] =	stream.indirect_vreg.gather [hbm4b:s20+s23], $0x80, v2, vm0, $0xb8;
	[tilespmem:$0x1C100] =	vst v63  }
0x44f: {  	s24 =	simm.s32 $0xA900  }
0x450: {  	[tilespmem:s24], [sflag:$0x3] =	stream.indirect_vreg.gather [hbm4b:s0+s23], $0x80, v2, vm0, $0xb8;
	[tilespmem:$0x1C100] =	vst v63  }
0x451: {  	s25 =	simm.s32 $0xB100  }
0x452: {  	[tilespmem:s25], [sflag:$0x3] =	stream.indirect_vreg.gather [hbm4b:s2+s23], $0x80, v2, vm0, $0xb8;
	[tilespmem:$0x1C100] =	vst v63  }
0x453: {  	s26 =	simm.s32 $0xB900  }
0x454: {  	[tilespmem:s26], [sflag:$0x3] =	stream.indirect_vreg.gather [hbm4b:s3+s23], $0x80, v2, vm0, $0xb8;
	[tilespmem:$0x1C100] =	vst v63  }
0x455: {  	_ =	swait.ge [sflag:s17], $0x4000  }
0x456: {  	[sflag:s17] =	ssyncset.done $0x0  }
0x457: {  	s24 =	simm.s32 $0x0;
	[sflag:s17] =	ssyncadd.s32 $0xFFFFC000  }
.LBB2_58:
0x458: {  	s25 =	sshra.s32 s23, $0x2  }
0x459: {  	v2 =	vld [tilespmem:s25+$0x18170]  }
0x45a: {  	v3 =	vld [tilespmem:s25+$0x18100]  }
0x45b: {  	v4 =	vld [tilespmem:s25+$0x18110]  }
0x45c: {  	v5 =	vld [tilespmem:s25+$0x18120]  }
0x45d: {  	v6 =	vld [tilespmem:s25+$0x18130]  }
0x45e: {  	v7 =	vld [tilespmem:s25+$0x18140]  }
0x45f: {  	v8 =	vld [tilespmem:s25+$0x18150]  }
0x460: {  	[tilespmem:s25+$0x10170] =	vst.add.f32.msk $0xffff, v2  }
0x461: {  	v2 =	vld [tilespmem:s25+$0x18160]  }
0x462: {  	[tilespmem:s25+$0x10100] =	vst.add.f32.msk $0xffff, v3  }
0x463: {  	[tilespmem:s25+$0x10110] =	vst.add.f32.msk $0xffff, v4  }
0x464: {  	[tilespmem:s25+$0x10120] =	vst.add.f32.msk $0xffff, v5  }
0x465: {  	[tilespmem:s25+$0x10130] =	vst.add.f32.msk $0xffff, v6  }
0x466: {  	[tilespmem:s25+$0x10140] =	vst.add.f32.msk $0xffff, v7  }
0x467: {  	s4 =	simm.s32 $0x0;
	s26 =	sadd.s32 $0x1000, s23;
	[tilespmem:s25+$0x10150] =	vst.add.f32.msk $0xffff, v8  }
.LBB2_59:
0x468: {  	s4 =	sadd.s32 $0x80, s4;
	[tilespmem:s25+$0x10160] =	vst.add.f32.msk $0xffff, v2;
	s25 =	sshra.s32 s26, $0x2  }
0x469: {  	v2 =	vld [tilespmem:s25+$0x18170];
	p0 =	slt.u32 s4, $0x780  }
0x46a: {  	v3 =	vld [tilespmem:s25+$0x18100]  }
0x46b: {  	v4 =	vld [tilespmem:s25+$0x18110]  }
0x46c: {  	v5 =	vld [tilespmem:s25+$0x18120]  }
0x46d: {  	v6 =	vld [tilespmem:s25+$0x18130]  }
0x46e: {  	[tilespmem:s25+$0x10170] =	vst.add.f32.msk $0xffff, v2  }
0x46f: {  	v7 =	vld [tilespmem:s25+$0x18140]  }
0x470: {  	v8 =	vld [tilespmem:s25+$0x18150]  }
0x471: {  	v2 =	vld [tilespmem:s25+$0x18160]  }
0x472: {  	[tilespmem:s25+$0x10100] =	vst.add.f32.msk $0xffff, v3  }
.Ltmp28:
0x473: {  	[tilespmem:s25+$0x10110] =	vst.add.f32.msk $0xffff, v4;
	(pc) =	sbr.rel @p0 .LBB2_59-.Ltmp28, $4  }
0x474: {  	[tilespmem:s25+$0x10120] =	vst.add.f32.msk $0xffff, v5  }
0x475: {  	[tilespmem:s25+$0x10130] =	vst.add.f32.msk $0xffff, v6  }
0x476: {  	[tilespmem:s25+$0x10140] =	vst.add.f32.msk $0xffff, v7  }
0x477: {  	s26 =	sadd.s32 $0x1000, s26;
	[tilespmem:s25+$0x10150] =	vst.add.f32.msk $0xffff, v8  }
0x478: {  	s24 =	sadd.s32 $0x1, s24  }
0x479: {  	p0 =	sne.s32 s24, $0x8  }
.Ltmp29:
0x47a: {  	_ = 	snop;
	(pc) =	sbr.rel @p0 .LBB2_58-.Ltmp29, $2  }
0x47b: {  	_ =	sdelay $0x2  }
0x47c: {  	[tilespmem:s25+$0x10160] =	vst.add.f32.msk $0xffff, v2;
	s23 =	sadd.s32 $0x200, s23  }
0x47d: {  	s4 =	sld [smem:$0x7F0];
	_ =	sdelay $0x1  }
0x47e: {  	s23 =	simm.s32 $0x0  }
0x47f: {  	[hbm4b:s4+s23] =	stream.linear.scatter [tilespmem:s28], [sflag:$0xA], $0x4000, $0x38;
	[tilespmem:$0x1C100] =	vst v63  }
0x480: {  	_ =	swait.ge [sflag:s18], $0x4000  }
0x481: {  	[sflag:s18] =	ssyncset.done $0x0  }
0x482: {  	[sflag:s18] =	ssyncadd.s32 $0xFFFFC000  }
0x483: {  	v2 =	vld.msk [tilespmem:$0xA0], $0xff;
	_ =	sdelay $0x4  }
0x484: {  	v3 =	vshll.u32 v2, $0x4  }
0x485: {  	v2 =	vand.u32 $0x7, v2;
	v3 =	vand.u32 $0xFFFFFF80, v3  }
0x486: {  	v2 =	vor.u32 v2, v3  }
0x487: {  	v2 =	vperm.xlane v2, v0;
	_ =	sdelay $0x1  }
0x488: {  	v2 =	vadd.s32 v1, v2;
	_ =	sdelay $0x4  }
0x489: {  	[tilespmem:s6], [sflag:$0x4] =	stream.indirect_vreg.gather [hbm4b:s22+s23], $0x80, v2, vm0, $0xb8;
	[tilespmem:$0x1C100] =	vst v63  }
0x48a: {  	s26 =	simm.s32 $0xC900  }
0x48b: {  	[tilespmem:s26], [sflag:$0x4] =	stream.indirect_vreg.gather [hbm4b:s29+s23], $0x80, v2, vm0, $0xb8;
	[tilespmem:$0x1C100] =	vst v63  }
0x48c: {  	s24 =	simm.s32 $0xD100  }
0x48d: {  	[tilespmem:s24], [sflag:$0x4] =	stream.indirect_vreg.gather [hbm4b:s30+s23], $0x80, v2, vm0, $0xb8;
	[tilespmem:$0x1C100] =	vst v63  }
0x48e: {  	s25 =	simm.s32 $0xD900  }
0x48f: {  	[tilespmem:s25], [sflag:$0x4] =	stream.indirect_vreg.gather [hbm4b:s31+s23], $0x80, v2, vm0, $0xb8;
	[tilespmem:$0x1C100] =	vst v63  }
0x490: {  	s26 =	simm.s32 $0xE100  }
0x491: {  	[tilespmem:s26], [sflag:$0x4] =	stream.indirect_vreg.gather [hbm4b:s20+s23], $0x80, v2, vm0, $0xb8;
	[tilespmem:$0x1C100] =	vst v63  }
0x492: {  	s24 =	simm.s32 $0xE900  }
0x493: {  	[tilespmem:s24], [sflag:$0x4] =	stream.indirect_vreg.gather [hbm4b:s0+s23], $0x80, v2, vm0, $0xb8;
	[tilespmem:$0x1C100] =	vst v63  }
0x494: {  	s25 =	simm.s32 $0xF100  }
0x495: {  	[tilespmem:s25], [sflag:$0x4] =	stream.indirect_vreg.gather [hbm4b:s2+s23], $0x80, v2, vm0, $0xb8;
	[tilespmem:$0x1C100] =	vst v63  }
0x496: {  	s26 =	simm.s32 $0xF900  }
0x497: {  	[tilespmem:s26], [sflag:$0x4] =	stream.indirect_vreg.gather [hbm4b:s3+s23], $0x80, v2, vm0, $0xb8;
	[tilespmem:$0x1C100] =	vst v63  }
0x498: {  	_ =	swait.ge [sflag:s5], $0x4000  }
0x499: {  	[sflag:s5] =	ssyncset.done $0x0  }
0x49a: {  	s24 =	simm.s32 $0x0;
	[sflag:s5] =	ssyncadd.s32 $0xFFFFC000  }
.LBB2_62:
0x49b: {  	s25 =	sshra.s32 s23, $0x2  }
0x49c: {  	v2 =	vld [tilespmem:s25+$0x18170]  }
0x49d: {  	v3 =	vld [tilespmem:s25+$0x18100]  }
0x49e: {  	v4 =	vld [tilespmem:s25+$0x18110]  }
0x49f: {  	v5 =	vld [tilespmem:s25+$0x18120]  }
0x4a0: {  	v6 =	vld [tilespmem:s25+$0x18130]  }
0x4a1: {  	v7 =	vld [tilespmem:s25+$0x18140]  }
0x4a2: {  	v8 =	vld [tilespmem:s25+$0x18150]  }
0x4a3: {  	[tilespmem:s25+$0x170] =	vst.add.f32.msk $0xffff, v2  }
0x4a4: {  	v2 =	vld [tilespmem:s25+$0x18160]  }
0x4a5: {  	[tilespmem:s25+$0x100] =	vst.add.f32.msk $0xffff, v3  }
0x4a6: {  	[tilespmem:s25+$0x110] =	vst.add.f32.msk $0xffff, v4  }
0x4a7: {  	[tilespmem:s25+$0x120] =	vst.add.f32.msk $0xffff, v5  }
0x4a8: {  	[tilespmem:s25+$0x130] =	vst.add.f32.msk $0xffff, v6  }
0x4a9: {  	[tilespmem:s25+$0x140] =	vst.add.f32.msk $0xffff, v7  }
0x4aa: {  	s4 =	simm.s32 $0x0;
	s26 =	sadd.s32 $0x1000, s23;
	[tilespmem:s25+$0x150] =	vst.add.f32.msk $0xffff, v8  }
.LBB2_63:
0x4ab: {  	s4 =	sadd.s32 $0x80, s4;
	[tilespmem:s25+$0x160] =	vst.add.f32.msk $0xffff, v2;
	s25 =	sshra.s32 s26, $0x2  }
0x4ac: {  	v2 =	vld [tilespmem:s25+$0x18170];
	p0 =	slt.u32 s4, $0x780  }
0x4ad: {  	v3 =	vld [tilespmem:s25+$0x18100]  }
0x4ae: {  	v4 =	vld [tilespmem:s25+$0x18110]  }
0x4af: {  	v5 =	vld [tilespmem:s25+$0x18120]  }
0x4b0: {  	v6 =	vld [tilespmem:s25+$0x18130]  }
0x4b1: {  	[tilespmem:s25+$0x170] =	vst.add.f32.msk $0xffff, v2  }
0x4b2: {  	v7 =	vld [tilespmem:s25+$0x18140]  }
0x4b3: {  	v8 =	vld [tilespmem:s25+$0x18150]  }
0x4b4: {  	v2 =	vld [tilespmem:s25+$0x18160]  }
0x4b5: {  	[tilespmem:s25+$0x100] =	vst.add.f32.msk $0xffff, v3  }
.Ltmp30:
0x4b6: {  	[tilespmem:s25+$0x110] =	vst.add.f32.msk $0xffff, v4;
	(pc) =	sbr.rel @p0 .LBB2_63-.Ltmp30, $4  }
0x4b7: {  	[tilespmem:s25+$0x120] =	vst.add.f32.msk $0xffff, v5  }
0x4b8: {  	[tilespmem:s25+$0x130] =	vst.add.f32.msk $0xffff, v6  }
0x4b9: {  	[tilespmem:s25+$0x140] =	vst.add.f32.msk $0xffff, v7  }
0x4ba: {  	s26 =	sadd.s32 $0x1000, s26;
	[tilespmem:s25+$0x150] =	vst.add.f32.msk $0xffff, v8  }
0x4bb: {  	s24 =	sadd.s32 $0x1, s24  }
0x4bc: {  	p0 =	sne.s32 s24, $0x8  }
.Ltmp31:
0x4bd: {  	_ = 	snop;
	(pc) =	sbr.rel @p0 .LBB2_62-.Ltmp31, $2  }
0x4be: {  	_ =	sdelay $0x2  }
0x4bf: {  	[tilespmem:s25+$0x160] =	vst.add.f32.msk $0xffff, v2;
	s23 =	sadd.s32 $0x200, s23  }
0x4c0: {  	s4 =	sld [smem:$0x7F1];
	_ =	sdelay $0x1  }
0x4c1: {  	s23 =	simm.s32 $0x0  }
0x4c2: {  	[hbm4b:s4+s23] =	stream.linear.scatter [tilespmem:s7], [sflag:$0x6], $0x4000, $0x38;
	[tilespmem:$0x1C100] =	vst v63  }
0x4c3: {  	s25 =	rddreg [dreg:$0x15];
	s24 =	simm.s32 $0x18100  }
0x4c4: {  	[tilespmem:s24], [sflag:$0xC] =	stream.linear.gather [hbm4b:s25+s23], $0x4000, $0x38;
	[tilespmem:$0x1C100] =	vst v63  }
0x4c5: {  	_ =	swait.ge [sflag:s19], $0x4000  }
0x4c6: {  	[sflag:s19] =	ssyncset.done $0x0  }
0x4c7: {  	[sflag:s19] =	ssyncadd.s32 $0xFFFFC000  }
0x4c8: {  	v2 =	vld.msk [tilespmem:$0xE0], $0xff;
	_ =	sdelay $0x4  }
0x4c9: {  	v3 =	vshll.u32 v2, $0x4  }
0x4ca: {  	v2 =	vand.u32 $0x7, v2;
	v3 =	vand.u32 $0xFFFFFF80, v3  }
0x4cb: {  	v2 =	vor.u32 v2, v3  }
0x4cc: {  	v2 =	vperm.xlane v2, v0;
	_ =	sdelay $0x1  }
0x4cd: {  	v2 =	vadd.s32 v1, v2;
	_ =	sdelay $0x4  }
0x4ce: {  	[tilespmem:s28], [sflag:$0x5] =	stream.indirect_vreg.gather [hbm4b:s22+s23], $0x80, v2, vm0, $0xb8;
	[tilespmem:$0x1C100] =	vst v63  }
0x4cf: {  	s26 =	simm.s32 $0x10900  }
0x4d0: {  	[tilespmem:s26], [sflag:$0x5] =	stream.indirect_vreg.gather [hbm4b:s29+s23], $0x80, v2, vm0, $0xb8;
	[tilespmem:$0x1C100] =	vst v63  }
0x4d1: {  	s24 =	simm.s32 $0x11100  }
0x4d2: {  	[tilespmem:s24], [sflag:$0x5] =	stream.indirect_vreg.gather [hbm4b:s30+s23], $0x80, v2, vm0, $0xb8;
	[tilespmem:$0x1C100] =	vst v63  }
0x4d3: {  	s25 =	simm.s32 $0x11900  }
0x4d4: {  	[tilespmem:s25], [sflag:$0x5] =	stream.indirect_vreg.gather [hbm4b:s31+s23], $0x80, v2, vm0, $0xb8;
	[tilespmem:$0x1C100] =	vst v63  }
0x4d5: {  	s26 =	simm.s32 $0x12100  }
0x4d6: {  	[tilespmem:s26], [sflag:$0x5] =	stream.indirect_vreg.gather [hbm4b:s20+s23], $0x80, v2, vm0, $0xb8;
	[tilespmem:$0x1C100] =	vst v63  }
0x4d7: {  	s24 =	simm.s32 $0x12900  }
0x4d8: {  	[tilespmem:s24], [sflag:$0x5] =	stream.indirect_vreg.gather [hbm4b:s0+s23], $0x80, v2, vm0, $0xb8;
	[tilespmem:$0x1C100] =	vst v63  }
0x4d9: {  	s25 =	simm.s32 $0x13100  }
0x4da: {  	[tilespmem:s25], [sflag:$0x5] =	stream.indirect_vreg.gather [hbm4b:s2+s23], $0x80, v2, vm0, $0xb8;
	[tilespmem:$0x1C100] =	vst v63  }
0x4db: {  	s26 =	simm.s32 $0x13900  }
0x4dc: {  	[tilespmem:s26], [sflag:$0x5] =	stream.indirect_vreg.gather [hbm4b:s3+s23], $0x80, v2, vm0, $0xb8;
	[tilespmem:$0x1C100] =	vst v63  }
0x4dd: {  	_ =	swait.ge [sflag:s8], $0x4000  }
0x4de: {  	[sflag:s8] =	ssyncset.done $0x0  }
0x4df: {  	[sflag:s8] =	ssyncadd.s32 $0xFFFFC000  }
0x4e0: {  	_ =	swait.ge [sflag:s9], $0x4000  }
0x4e1: {  	[sflag:s9] =	ssyncset.done $0x0  }
0x4e2: {  	s24 =	simm.s32 $0x0;
	[sflag:s9] =	ssyncadd.s32 $0xFFFFC000  }
.LBB2_66:
0x4e3: {  	s25 =	sshra.s32 s23, $0x2  }
0x4e4: {  	v2 =	vld [tilespmem:s25+$0x14170]  }
0x4e5: {  	v3 =	vld [tilespmem:s25+$0x14100]  }
0x4e6: {  	v4 =	vld [tilespmem:s25+$0x14110]  }
0x4e7: {  	v5 =	vld [tilespmem:s25+$0x14120]  }
0x4e8: {  	v6 =	vld [tilespmem:s25+$0x14130]  }
0x4e9: {  	v7 =	vld [tilespmem:s25+$0x14140]  }
0x4ea: {  	v8 =	vld [tilespmem:s25+$0x14150]  }
0x4eb: {  	[tilespmem:s25+$0x4170] =	vst.add.f32.msk $0xffff, v2  }
0x4ec: {  	v2 =	vld [tilespmem:s25+$0x14160]  }
0x4ed: {  	[tilespmem:s25+$0x4100] =	vst.add.f32.msk $0xffff, v3  }
0x4ee: {  	[tilespmem:s25+$0x4110] =	vst.add.f32.msk $0xffff, v4  }
0x4ef: {  	[tilespmem:s25+$0x4120] =	vst.add.f32.msk $0xffff, v5  }
0x4f0: {  	[tilespmem:s25+$0x4130] =	vst.add.f32.msk $0xffff, v6  }
0x4f1: {  	[tilespmem:s25+$0x4140] =	vst.add.f32.msk $0xffff, v7  }
0x4f2: {  	s4 =	simm.s32 $0x0;
	s26 =	sadd.s32 $0x1000, s23;
	[tilespmem:s25+$0x4150] =	vst.add.f32.msk $0xffff, v8  }
.LBB2_67:
0x4f3: {  	s4 =	sadd.s32 $0x80, s4;
	[tilespmem:s25+$0x4160] =	vst.add.f32.msk $0xffff, v2;
	s25 =	sshra.s32 s26, $0x2  }
0x4f4: {  	v2 =	vld [tilespmem:s25+$0x14170];
	p0 =	slt.u32 s4, $0x780  }
0x4f5: {  	v3 =	vld [tilespmem:s25+$0x14100]  }
0x4f6: {  	v4 =	vld [tilespmem:s25+$0x14110]  }
0x4f7: {  	v5 =	vld [tilespmem:s25+$0x14120]  }
0x4f8: {  	v6 =	vld [tilespmem:s25+$0x14130]  }
0x4f9: {  	[tilespmem:s25+$0x4170] =	vst.add.f32.msk $0xffff, v2  }
0x4fa: {  	v7 =	vld [tilespmem:s25+$0x14140]  }
0x4fb: {  	v8 =	vld [tilespmem:s25+$0x14150]  }
0x4fc: {  	v2 =	vld [tilespmem:s25+$0x14160]  }
0x4fd: {  	[tilespmem:s25+$0x4100] =	vst.add.f32.msk $0xffff, v3  }
.Ltmp32:
0x4fe: {  	[tilespmem:s25+$0x4110] =	vst.add.f32.msk $0xffff, v4;
	(pc) =	sbr.rel @p0 .LBB2_67-.Ltmp32, $4  }
0x4ff: {  	[tilespmem:s25+$0x4120] =	vst.add.f32.msk $0xffff, v5  }
0x500: {  	[tilespmem:s25+$0x4130] =	vst.add.f32.msk $0xffff, v6  }
0x501: {  	[tilespmem:s25+$0x4140] =	vst.add.f32.msk $0xffff, v7  }
0x502: {  	s26 =	sadd.s32 $0x1000, s26;
	[tilespmem:s25+$0x4150] =	vst.add.f32.msk $0xffff, v8  }
0x503: {  	s24 =	sadd.s32 $0x1, s24  }
0x504: {  	p0 =	sne.s32 s24, $0x8  }
.Ltmp33:
0x505: {  	_ = 	snop;
	(pc) =	sbr.rel @p0 .LBB2_66-.Ltmp33, $2  }
0x506: {  	_ =	sdelay $0x2  }
0x507: {  	[tilespmem:s25+$0x4160] =	vst.add.f32.msk $0xffff, v2;
	s23 =	sadd.s32 $0x200, s23  }
0x508: {  	s23 =	simm.s32 $0x0;
	s4 =	rddreg [dreg:$0x16]  }
0x509: {  	[hbm4b:s4+s23] =	stream.linear.scatter [tilespmem:s16], [sflag:$0x7], $0x4000, $0x38;
	[tilespmem:$0x1C100] =	vst v63  }
0x50a: {  	_ =	swait.ge [sflag:s10], $0x4000  }
0x50b: {  	[sflag:s10] =	ssyncset.done $0x0  }
0x50c: {  	[sflag:s10] =	ssyncadd.s32 $0xFFFFC000  }
0x50d: {  	v2 =	vld.msk [tilespmem:$0x28], $0xff;
	_ =	sdelay $0x4  }
0x50e: {  	v3 =	vshll.u32 v2, $0x4  }
0x50f: {  	v2 =	vand.u32 $0x7, v2;
	v3 =	vand.u32 $0xFFFFFF80, v3  }
0x510: {  	v2 =	vor.u32 v2, v3  }
0x511: {  	v2 =	vperm.xlane v2, v0;
	_ =	sdelay $0x1  }
0x512: {  	v2 =	vadd.s32 v1, v2;
	_ =	sdelay $0x4  }
0x513: {  	[tilespmem:s7], [sflag:$0x1] =	stream.indirect_vreg.gather [hbm4b:s22+s23], $0x80, v2, vm0, $0xb8;
	[tilespmem:$0x1C100] =	vst v63  }
0x514: {  	s26 =	simm.s32 $0x900  }
0x515: {  	[tilespmem:s26], [sflag:$0x1] =	stream.indirect_vreg.gather [hbm4b:s29+s23], $0x80, v2, vm0, $0xb8;
	[tilespmem:$0x1C100] =	vst v63  }
0x516: {  	s24 =	simm.s32 $0x1100  }
0x517: {  	[tilespmem:s24], [sflag:$0x1] =	stream.indirect_vreg.gather [hbm4b:s30+s23], $0x80, v2, vm0, $0xb8;
	[tilespmem:$0x1C100] =	vst v63  }
0x518: {  	s25 =	simm.s32 $0x1900  }
0x519: {  	[tilespmem:s25], [sflag:$0x1] =	stream.indirect_vreg.gather [hbm4b:s31+s23], $0x80, v2, vm0, $0xb8;
	[tilespmem:$0x1C100] =	vst v63  }
0x51a: {  	s26 =	simm.s32 $0x2100  }
0x51b: {  	[tilespmem:s26], [sflag:$0x1] =	stream.indirect_vreg.gather [hbm4b:s20+s23], $0x80, v2, vm0, $0xb8;
	[tilespmem:$0x1C100] =	vst v63  }
0x51c: {  	s24 =	simm.s32 $0x2900  }
0x51d: {  	[tilespmem:s24], [sflag:$0x1] =	stream.indirect_vreg.gather [hbm4b:s0+s23], $0x80, v2, vm0, $0xb8;
	[tilespmem:$0x1C100] =	vst v63  }
0x51e: {  	s25 =	simm.s32 $0x3100  }
0x51f: {  	[tilespmem:s25], [sflag:$0x1] =	stream.indirect_vreg.gather [hbm4b:s2+s23], $0x80, v2, vm0, $0xb8;
	[tilespmem:$0x1C100] =	vst v63  }
0x520: {  	s26 =	simm.s32 $0x3900  }
0x521: {  	[tilespmem:s26], [sflag:$0x1] =	stream.indirect_vreg.gather [hbm4b:s3+s23], $0x80, v2, vm0, $0xb8;
	[tilespmem:$0x1C100] =	vst v63  }
0x522: {  	_ =	swait.ge [sflag:s11], $0x4000  }
0x523: {  	[sflag:s11] =	ssyncset.done $0x0  }
0x524: {  	s24 =	simm.s32 $0x0;
	[sflag:s11] =	ssyncadd.s32 $0xFFFFC000  }
.LBB2_70:
0x525: {  	s25 =	sshra.s32 s23, $0x2  }
0x526: {  	v2 =	vld [tilespmem:s25+$0x14170]  }
0x527: {  	v3 =	vld [tilespmem:s25+$0x14100]  }
0x528: {  	v4 =	vld [tilespmem:s25+$0x14110]  }
0x529: {  	v5 =	vld [tilespmem:s25+$0x14120]  }
0x52a: {  	v6 =	vld [tilespmem:s25+$0x14130]  }
0x52b: {  	v7 =	vld [tilespmem:s25+$0x14140]  }
0x52c: {  	v8 =	vld [tilespmem:s25+$0x14150]  }
0x52d: {  	[tilespmem:s25+$0x8170] =	vst.add.f32.msk $0xffff, v2  }
0x52e: {  	v2 =	vld [tilespmem:s25+$0x14160]  }
0x52f: {  	[tilespmem:s25+$0x8100] =	vst.add.f32.msk $0xffff, v3  }
0x530: {  	[tilespmem:s25+$0x8110] =	vst.add.f32.msk $0xffff, v4  }
0x531: {  	[tilespmem:s25+$0x8120] =	vst.add.f32.msk $0xffff, v5  }
0x532: {  	[tilespmem:s25+$0x8130] =	vst.add.f32.msk $0xffff, v6  }
0x533: {  	[tilespmem:s25+$0x8140] =	vst.add.f32.msk $0xffff, v7  }
0x534: {  	s4 =	simm.s32 $0x0;
	s26 =	sadd.s32 $0x1000, s23;
	[tilespmem:s25+$0x8150] =	vst.add.f32.msk $0xffff, v8  }
.LBB2_71:
0x535: {  	s4 =	sadd.s32 $0x80, s4;
	[tilespmem:s25+$0x8160] =	vst.add.f32.msk $0xffff, v2;
	s25 =	sshra.s32 s26, $0x2  }
0x536: {  	v2 =	vld [tilespmem:s25+$0x14170];
	p0 =	slt.u32 s4, $0x780  }
0x537: {  	v3 =	vld [tilespmem:s25+$0x14100]  }
0x538: {  	v4 =	vld [tilespmem:s25+$0x14110]  }
0x539: {  	v5 =	vld [tilespmem:s25+$0x14120]  }
0x53a: {  	v6 =	vld [tilespmem:s25+$0x14130]  }
0x53b: {  	[tilespmem:s25+$0x8170] =	vst.add.f32.msk $0xffff, v2  }
0x53c: {  	v7 =	vld [tilespmem:s25+$0x14140]  }
0x53d: {  	v8 =	vld [tilespmem:s25+$0x14150]  }
0x53e: {  	v2 =	vld [tilespmem:s25+$0x14160]  }
0x53f: {  	[tilespmem:s25+$0x8100] =	vst.add.f32.msk $0xffff, v3  }
.Ltmp34:
0x540: {  	[tilespmem:s25+$0x8110] =	vst.add.f32.msk $0xffff, v4;
	(pc) =	sbr.rel @p0 .LBB2_71-.Ltmp34, $4  }
0x541: {  	[tilespmem:s25+$0x8120] =	vst.add.f32.msk $0xffff, v5  }
0x542: {  	[tilespmem:s25+$0x8130] =	vst.add.f32.msk $0xffff, v6  }
0x543: {  	[tilespmem:s25+$0x8140] =	vst.add.f32.msk $0xffff, v7  }
0x544: {  	s26 =	sadd.s32 $0x1000, s26;
	[tilespmem:s25+$0x8150] =	vst.add.f32.msk $0xffff, v8  }
0x545: {  	s24 =	sadd.s32 $0x1, s24  }
0x546: {  	p0 =	sne.s32 s24, $0x8  }
.Ltmp35:
0x547: {  	_ = 	snop;
	(pc) =	sbr.rel @p0 .LBB2_70-.Ltmp35, $2  }
0x548: {  	_ =	sdelay $0x2  }
0x549: {  	[tilespmem:s25+$0x8160] =	vst.add.f32.msk $0xffff, v2;
	s23 =	sadd.s32 $0x200, s23  }
0x54a: {  	s4 =	sld [smem:$0x7F2];
	_ =	sdelay $0x1  }
0x54b: {  	s23 =	simm.s32 $0x0;
	s24 =	simm.s32 $0x8100  }
0x54c: {  	[hbm4b:s4+s23] =	stream.linear.scatter [tilespmem:s24], [sflag:$0x8], $0x4000, $0x38;
	[tilespmem:$0x1C100] =	vst v63  }
0x54d: {  	_ =	swait.ge [sflag:s12], $0x4000  }
0x54e: {  	[sflag:s12] =	ssyncset.done $0x0  }
0x54f: {  	[sflag:s12] =	ssyncadd.s32 $0xFFFFC000  }
0x550: {  	v2 =	vld.msk [tilespmem:$0x68], $0xff;
	_ =	sdelay $0x4  }
0x551: {  	v3 =	vshll.u32 v2, $0x4  }
0x552: {  	v2 =	vand.u32 $0x7, v2;
	v3 =	vand.u32 $0xFFFFFF80, v3  }
0x553: {  	v2 =	vor.u32 v2, v3  }
0x554: {  	v2 =	vperm.xlane v2, v0;
	_ =	sdelay $0x1  }
0x555: {  	v2 =	vadd.s32 v1, v2;
	_ =	sdelay $0x4  }
0x556: {  	[tilespmem:s16], [sflag:$0x2] =	stream.indirect_vreg.gather [hbm4b:s22+s23], $0x80, v2, vm0, $0xb8;
	[tilespmem:$0x1C100] =	vst v63  }
0x557: {  	s26 =	simm.s32 $0x4900  }
0x558: {  	[tilespmem:s26], [sflag:$0x2] =	stream.indirect_vreg.gather [hbm4b:s29+s23], $0x80, v2, vm0, $0xb8;
	[tilespmem:$0x1C100] =	vst v63  }
0x559: {  	s24 =	simm.s32 $0x5100  }
0x55a: {  	[tilespmem:s24], [sflag:$0x2] =	stream.indirect_vreg.gather [hbm4b:s30+s23], $0x80, v2, vm0, $0xb8;
	[tilespmem:$0x1C100] =	vst v63  }
0x55b: {  	s25 =	simm.s32 $0x5900  }
0x55c: {  	[tilespmem:s25], [sflag:$0x2] =	stream.indirect_vreg.gather [hbm4b:s31+s23], $0x80, v2, vm0, $0xb8;
	[tilespmem:$0x1C100] =	vst v63  }
0x55d: {  	s26 =	simm.s32 $0x6100  }
0x55e: {  	[tilespmem:s26], [sflag:$0x2] =	stream.indirect_vreg.gather [hbm4b:s20+s23], $0x80, v2, vm0, $0xb8;
	[tilespmem:$0x1C100] =	vst v63  }
0x55f: {  	s24 =	simm.s32 $0x6900  }
0x560: {  	[tilespmem:s24], [sflag:$0x2] =	stream.indirect_vreg.gather [hbm4b:s0+s23], $0x80, v2, vm0, $0xb8;
	[tilespmem:$0x1C100] =	vst v63  }
0x561: {  	s25 =	simm.s32 $0x7100  }
0x562: {  	[tilespmem:s25], [sflag:$0x2] =	stream.indirect_vreg.gather [hbm4b:s2+s23], $0x80, v2, vm0, $0xb8;
	[tilespmem:$0x1C100] =	vst v63  }
0x563: {  	s26 =	simm.s32 $0x7900  }
0x564: {  	[tilespmem:s26], [sflag:$0x2] =	stream.indirect_vreg.gather [hbm4b:s3+s23], $0x80, v2, vm0, $0xb8;
	[tilespmem:$0x1C100] =	vst v63  }
0x565: {  	_ =	swait.ge [sflag:s13], $0x4000  }
0x566: {  	[sflag:s13] =	ssyncset.done $0x0  }
0x567: {  	s24 =	simm.s32 $0x0;
	[sflag:s13] =	ssyncadd.s32 $0xFFFFC000  }
.LBB2_74:
0x568: {  	s25 =	sshra.s32 s23, $0x2  }
0x569: {  	v2 =	vld [tilespmem:s25+$0x14170]  }
0x56a: {  	v3 =	vld [tilespmem:s25+$0x14100]  }
0x56b: {  	v4 =	vld [tilespmem:s25+$0x14110]  }
0x56c: {  	v5 =	vld [tilespmem:s25+$0x14120]  }
0x56d: {  	v6 =	vld [tilespmem:s25+$0x14130]  }
0x56e: {  	v7 =	vld [tilespmem:s25+$0x14140]  }
0x56f: {  	v8 =	vld [tilespmem:s25+$0x14150]  }
0x570: {  	[tilespmem:s25+$0xC170] =	vst.add.f32.msk $0xffff, v2  }
0x571: {  	v2 =	vld [tilespmem:s25+$0x14160]  }
0x572: {  	[tilespmem:s25+$0xC100] =	vst.add.f32.msk $0xffff, v3  }
0x573: {  	[tilespmem:s25+$0xC110] =	vst.add.f32.msk $0xffff, v4  }
0x574: {  	[tilespmem:s25+$0xC120] =	vst.add.f32.msk $0xffff, v5  }
0x575: {  	[tilespmem:s25+$0xC130] =	vst.add.f32.msk $0xffff, v6  }
0x576: {  	[tilespmem:s25+$0xC140] =	vst.add.f32.msk $0xffff, v7  }
0x577: {  	s4 =	simm.s32 $0x0;
	s26 =	sadd.s32 $0x1000, s23;
	[tilespmem:s25+$0xC150] =	vst.add.f32.msk $0xffff, v8  }
.LBB2_75:
0x578: {  	s4 =	sadd.s32 $0x80, s4;
	[tilespmem:s25+$0xC160] =	vst.add.f32.msk $0xffff, v2;
	s25 =	sshra.s32 s26, $0x2  }
0x579: {  	v2 =	vld [tilespmem:s25+$0x14170];
	p0 =	slt.u32 s4, $0x780  }
0x57a: {  	v3 =	vld [tilespmem:s25+$0x14100]  }
0x57b: {  	v4 =	vld [tilespmem:s25+$0x14110]  }
0x57c: {  	v5 =	vld [tilespmem:s25+$0x14120]  }
0x57d: {  	v6 =	vld [tilespmem:s25+$0x14130]  }
0x57e: {  	[tilespmem:s25+$0xC170] =	vst.add.f32.msk $0xffff, v2  }
0x57f: {  	v7 =	vld [tilespmem:s25+$0x14140]  }
0x580: {  	v8 =	vld [tilespmem:s25+$0x14150]  }
0x581: {  	v2 =	vld [tilespmem:s25+$0x14160]  }
0x582: {  	[tilespmem:s25+$0xC100] =	vst.add.f32.msk $0xffff, v3  }
.Ltmp36:
0x583: {  	[tilespmem:s25+$0xC110] =	vst.add.f32.msk $0xffff, v4;
	(pc) =	sbr.rel @p0 .LBB2_75-.Ltmp36, $4  }
0x584: {  	[tilespmem:s25+$0xC120] =	vst.add.f32.msk $0xffff, v5  }
0x585: {  	[tilespmem:s25+$0xC130] =	vst.add.f32.msk $0xffff, v6  }
0x586: {  	[tilespmem:s25+$0xC140] =	vst.add.f32.msk $0xffff, v7  }
0x587: {  	s26 =	sadd.s32 $0x1000, s26;
	[tilespmem:s25+$0xC150] =	vst.add.f32.msk $0xffff, v8  }
0x588: {  	s24 =	sadd.s32 $0x1, s24  }
0x589: {  	p0 =	sne.s32 s24, $0x8  }
.Ltmp37:
0x58a: {  	_ = 	snop;
	(pc) =	sbr.rel @p0 .LBB2_74-.Ltmp37, $2  }
0x58b: {  	_ =	sdelay $0x2  }
0x58c: {  	[tilespmem:s25+$0xC160] =	vst.add.f32.msk $0xffff, v2;
	s23 =	sadd.s32 $0x200, s23  }
0x58d: {  	s4 =	sld [smem:$0x7F3];
	_ =	sdelay $0x1  }
0x58e: {  	s23 =	simm.s32 $0x0  }
0x58f: {  	[hbm4b:s4+s23] =	stream.linear.scatter [tilespmem:s6], [sflag:$0x9], $0x4000, $0x38;
	[tilespmem:$0x1C100] =	vst v63  }
0x590: {  	_ =	swait.ge [sflag:s14], $0x4000  }
0x591: {  	[sflag:s14] =	ssyncset.done $0x0  }
0x592: {  	[sflag:s14] =	ssyncadd.s32 $0xFFFFC000  }
0x593: {  	v2 =	vld.msk [tilespmem:$0xA8], $0xff;
	_ =	sdelay $0x4  }
0x594: {  	v3 =	vshll.u32 v2, $0x4  }
0x595: {  	v2 =	vand.u32 $0x7, v2;
	v3 =	vand.u32 $0xFFFFFF80, v3  }
0x596: {  	v2 =	vor.u32 v2, v3  }
0x597: {  	v2 =	vperm.xlane v2, v0;
	_ =	sdelay $0x1  }
0x598: {  	v2 =	vadd.s32 v1, v2;
	_ =	sdelay $0x3  }
0x599: {  	s25 =	simm.s32 $0x8100  }
0x59a: {  	[tilespmem:s25], [sflag:$0x3] =	stream.indirect_vreg.gather [hbm4b:s22+s23], $0x80, v2, vm0, $0xb8;
	[tilespmem:$0x1C100] =	vst v63  }
0x59b: {  	s26 =	simm.s32 $0x8900  }
0x59c: {  	[tilespmem:s26], [sflag:$0x3] =	stream.indirect_vreg.gather [hbm4b:s29+s23], $0x80, v2, vm0, $0xb8;
	[tilespmem:$0x1C100] =	vst v63  }
0x59d: {  	s24 =	simm.s32 $0x9100  }
0x59e: {  	[tilespmem:s24], [sflag:$0x3] =	stream.indirect_vreg.gather [hbm4b:s30+s23], $0x80, v2, vm0, $0xb8;
	[tilespmem:$0x1C100] =	vst v63  }
0x59f: {  	s25 =	simm.s32 $0x9900  }
0x5a0: {  	[tilespmem:s25], [sflag:$0x3] =	stream.indirect_vreg.gather [hbm4b:s31+s23], $0x80, v2, vm0, $0xb8;
	[tilespmem:$0x1C100] =	vst v63  }
0x5a1: {  	s26 =	simm.s32 $0xA100  }
0x5a2: {  	[tilespmem:s26], [sflag:$0x3] =	stream.indirect_vreg.gather [hbm4b:s20+s23], $0x80, v2, vm0, $0xb8;
	[tilespmem:$0x1C100] =	vst v63  }
0x5a3: {  	s24 =	simm.s32 $0xA900  }
0x5a4: {  	[tilespmem:s24], [sflag:$0x3] =	stream.indirect_vreg.gather [hbm4b:s0+s23], $0x80, v2, vm0, $0xb8;
	[tilespmem:$0x1C100] =	vst v63  }
0x5a5: {  	s25 =	simm.s32 $0xB100  }
0x5a6: {  	[tilespmem:s25], [sflag:$0x3] =	stream.indirect_vreg.gather [hbm4b:s2+s23], $0x80, v2, vm0, $0xb8;
	[tilespmem:$0x1C100] =	vst v63  }
0x5a7: {  	s26 =	simm.s32 $0xB900  }
0x5a8: {  	[tilespmem:s26], [sflag:$0x3] =	stream.indirect_vreg.gather [hbm4b:s3+s23], $0x80, v2, vm0, $0xb8;
	[tilespmem:$0x1C100] =	vst v63  }
0x5a9: {  	_ =	swait.ge [sflag:s17], $0x4000  }
0x5aa: {  	[sflag:s17] =	ssyncset.done $0x0  }
0x5ab: {  	s24 =	simm.s32 $0x0;
	[sflag:s17] =	ssyncadd.s32 $0xFFFFC000  }
.LBB2_78:
0x5ac: {  	s25 =	sshra.s32 s23, $0x2  }
0x5ad: {  	v2 =	vld [tilespmem:s25+$0x14170]  }
0x5ae: {  	v3 =	vld [tilespmem:s25+$0x14100]  }
0x5af: {  	v4 =	vld [tilespmem:s25+$0x14110]  }
0x5b0: {  	v5 =	vld [tilespmem:s25+$0x14120]  }
0x5b1: {  	v6 =	vld [tilespmem:s25+$0x14130]  }
0x5b2: {  	v7 =	vld [tilespmem:s25+$0x14140]  }
0x5b3: {  	v8 =	vld [tilespmem:s25+$0x14150]  }
0x5b4: {  	[tilespmem:s25+$0x10170] =	vst.add.f32.msk $0xffff, v2  }
0x5b5: {  	v2 =	vld [tilespmem:s25+$0x14160]  }
0x5b6: {  	[tilespmem:s25+$0x10100] =	vst.add.f32.msk $0xffff, v3  }
0x5b7: {  	[tilespmem:s25+$0x10110] =	vst.add.f32.msk $0xffff, v4  }
0x5b8: {  	[tilespmem:s25+$0x10120] =	vst.add.f32.msk $0xffff, v5  }
0x5b9: {  	[tilespmem:s25+$0x10130] =	vst.add.f32.msk $0xffff, v6  }
0x5ba: {  	[tilespmem:s25+$0x10140] =	vst.add.f32.msk $0xffff, v7  }
0x5bb: {  	s4 =	simm.s32 $0x0;
	s26 =	sadd.s32 $0x1000, s23;
	[tilespmem:s25+$0x10150] =	vst.add.f32.msk $0xffff, v8  }
.LBB2_79:
0x5bc: {  	s4 =	sadd.s32 $0x80, s4;
	[tilespmem:s25+$0x10160] =	vst.add.f32.msk $0xffff, v2;
	s25 =	sshra.s32 s26, $0x2  }
0x5bd: {  	v2 =	vld [tilespmem:s25+$0x14170];
	p0 =	slt.u32 s4, $0x780  }
0x5be: {  	v3 =	vld [tilespmem:s25+$0x14100]  }
0x5bf: {  	v4 =	vld [tilespmem:s25+$0x14110]  }
0x5c0: {  	v5 =	vld [tilespmem:s25+$0x14120]  }
0x5c1: {  	v6 =	vld [tilespmem:s25+$0x14130]  }
0x5c2: {  	[tilespmem:s25+$0x10170] =	vst.add.f32.msk $0xffff, v2  }
0x5c3: {  	v7 =	vld [tilespmem:s25+$0x14140]  }
0x5c4: {  	v8 =	vld [tilespmem:s25+$0x14150]  }
0x5c5: {  	v2 =	vld [tilespmem:s25+$0x14160]  }
0x5c6: {  	[tilespmem:s25+$0x10100] =	vst.add.f32.msk $0xffff, v3  }
.Ltmp38:
0x5c7: {  	[tilespmem:s25+$0x10110] =	vst.add.f32.msk $0xffff, v4;
	(pc) =	sbr.rel @p0 .LBB2_79-.Ltmp38, $4  }
0x5c8: {  	[tilespmem:s25+$0x10120] =	vst.add.f32.msk $0xffff, v5  }
0x5c9: {  	[tilespmem:s25+$0x10130] =	vst.add.f32.msk $0xffff, v6  }
0x5ca: {  	[tilespmem:s25+$0x10140] =	vst.add.f32.msk $0xffff, v7  }
0x5cb: {  	s26 =	sadd.s32 $0x1000, s26;
	[tilespmem:s25+$0x10150] =	vst.add.f32.msk $0xffff, v8  }
0x5cc: {  	s24 =	sadd.s32 $0x1, s24  }
0x5cd: {  	p0 =	sne.s32 s24, $0x8  }
.Ltmp39:
0x5ce: {  	_ = 	snop;
	(pc) =	sbr.rel @p0 .LBB2_78-.Ltmp39, $2  }
0x5cf: {  	_ =	sdelay $0x2  }
0x5d0: {  	[tilespmem:s25+$0x10160] =	vst.add.f32.msk $0xffff, v2;
	s23 =	sadd.s32 $0x200, s23  }
0x5d1: {  	s4 =	sld [smem:$0x7F4];
	_ =	sdelay $0x1  }
0x5d2: {  	s23 =	simm.s32 $0x0  }
0x5d3: {  	[hbm4b:s4+s23] =	stream.linear.scatter [tilespmem:s28], [sflag:$0xA], $0x4000, $0x38;
	[tilespmem:$0x1C100] =	vst v63  }
0x5d4: {  	s25 =	rddreg [dreg:$0x18];
	s24 =	simm.s32 $0x14100  }
0x5d5: {  	[tilespmem:s24], [sflag:$0xB] =	stream.linear.gather [hbm4b:s25+s23], $0x4000, $0x38;
	[tilespmem:$0x1C100] =	vst v63  }
0x5d6: {  	_ =	swait.ge [sflag:s18], $0x4000  }
0x5d7: {  	[sflag:s18] =	ssyncset.done $0x0  }
0x5d8: {  	[sflag:s18] =	ssyncadd.s32 $0xFFFFC000  }
0x5d9: {  	v2 =	vld.msk [tilespmem:$0xE8], $0xff;
	_ =	sdelay $0x4  }
0x5da: {  	v3 =	vshll.u32 v2, $0x4  }
0x5db: {  	v2 =	vand.u32 $0x7, v2;
	v3 =	vand.u32 $0xFFFFFF80, v3  }
0x5dc: {  	v2 =	vor.u32 v2, v3  }
0x5dd: {  	v2 =	vperm.xlane v2, v0;
	_ =	sdelay $0x1  }
0x5de: {  	v2 =	vadd.s32 v1, v2;
	_ =	sdelay $0x4  }
0x5df: {  	[tilespmem:s6], [sflag:$0x4] =	stream.indirect_vreg.gather [hbm4b:s22+s23], $0x80, v2, vm0, $0xb8;
	[tilespmem:$0x1C100] =	vst v63  }
0x5e0: {  	s26 =	simm.s32 $0xC900  }
0x5e1: {  	[tilespmem:s26], [sflag:$0x4] =	stream.indirect_vreg.gather [hbm4b:s29+s23], $0x80, v2, vm0, $0xb8;
	[tilespmem:$0x1C100] =	vst v63  }
0x5e2: {  	s24 =	simm.s32 $0xD100  }
0x5e3: {  	[tilespmem:s24], [sflag:$0x4] =	stream.indirect_vreg.gather [hbm4b:s30+s23], $0x80, v2, vm0, $0xb8;
	[tilespmem:$0x1C100] =	vst v63  }
0x5e4: {  	s25 =	simm.s32 $0xD900  }
0x5e5: {  	[tilespmem:s25], [sflag:$0x4] =	stream.indirect_vreg.gather [hbm4b:s31+s23], $0x80, v2, vm0, $0xb8;
	[tilespmem:$0x1C100] =	vst v63  }
0x5e6: {  	s26 =	simm.s32 $0xE100  }
0x5e7: {  	[tilespmem:s26], [sflag:$0x4] =	stream.indirect_vreg.gather [hbm4b:s20+s23], $0x80, v2, vm0, $0xb8;
	[tilespmem:$0x1C100] =	vst v63  }
0x5e8: {  	s24 =	simm.s32 $0xE900  }
0x5e9: {  	[tilespmem:s24], [sflag:$0x4] =	stream.indirect_vreg.gather [hbm4b:s0+s23], $0x80, v2, vm0, $0xb8;
	[tilespmem:$0x1C100] =	vst v63  }
0x5ea: {  	s25 =	simm.s32 $0xF100  }
0x5eb: {  	[tilespmem:s25], [sflag:$0x4] =	stream.indirect_vreg.gather [hbm4b:s2+s23], $0x80, v2, vm0, $0xb8;
	[tilespmem:$0x1C100] =	vst v63  }
0x5ec: {  	s26 =	simm.s32 $0xF900  }
0x5ed: {  	[tilespmem:s26], [sflag:$0x4] =	stream.indirect_vreg.gather [hbm4b:s3+s23], $0x80, v2, vm0, $0xb8;
	[tilespmem:$0x1C100] =	vst v63  }
0x5ee: {  	_ =	swait.ge [sflag:s15], $0x4000  }
0x5ef: {  	[sflag:s15] =	ssyncset.done $0x0  }
0x5f0: {  	[sflag:s15] =	ssyncadd.s32 $0xFFFFC000  }
0x5f1: {  	_ =	swait.ge [sflag:s5], $0x4000  }
0x5f2: {  	[sflag:s5] =	ssyncset.done $0x0  }
0x5f3: {  	s24 =	simm.s32 $0x0;
	[sflag:s5] =	ssyncadd.s32 $0xFFFFC000  }
.LBB2_82:
0x5f4: {  	s25 =	sshra.s32 s23, $0x2  }
0x5f5: {  	v2 =	vld [tilespmem:s25+$0x18170]  }
0x5f6: {  	v3 =	vld [tilespmem:s25+$0x18100]  }
0x5f7: {  	v4 =	vld [tilespmem:s25+$0x18110]  }
0x5f8: {  	v5 =	vld [tilespmem:s25+$0x18120]  }
0x5f9: {  	v6 =	vld [tilespmem:s25+$0x18130]  }
0x5fa: {  	v7 =	vld [tilespmem:s25+$0x18140]  }
0x5fb: {  	v8 =	vld [tilespmem:s25+$0x18150]  }
0x5fc: {  	[tilespmem:s25+$0x170] =	vst.add.f32.msk $0xffff, v2  }
0x5fd: {  	v2 =	vld [tilespmem:s25+$0x18160]  }
0x5fe: {  	[tilespmem:s25+$0x100] =	vst.add.f32.msk $0xffff, v3  }
0x5ff: {  	[tilespmem:s25+$0x110] =	vst.add.f32.msk $0xffff, v4  }
0x600: {  	[tilespmem:s25+$0x120] =	vst.add.f32.msk $0xffff, v5  }
0x601: {  	[tilespmem:s25+$0x130] =	vst.add.f32.msk $0xffff, v6  }
0x602: {  	[tilespmem:s25+$0x140] =	vst.add.f32.msk $0xffff, v7  }
0x603: {  	s4 =	simm.s32 $0x0;
	s26 =	sadd.s32 $0x1000, s23;
	[tilespmem:s25+$0x150] =	vst.add.f32.msk $0xffff, v8  }
.LBB2_83:
0x604: {  	s4 =	sadd.s32 $0x80, s4;
	[tilespmem:s25+$0x160] =	vst.add.f32.msk $0xffff, v2;
	s25 =	sshra.s32 s26, $0x2  }
0x605: {  	v2 =	vld [tilespmem:s25+$0x18170];
	p0 =	slt.u32 s4, $0x780  }
0x606: {  	v3 =	vld [tilespmem:s25+$0x18100]  }
0x607: {  	v4 =	vld [tilespmem:s25+$0x18110]  }
0x608: {  	v5 =	vld [tilespmem:s25+$0x18120]  }
0x609: {  	v6 =	vld [tilespmem:s25+$0x18130]  }
0x60a: {  	[tilespmem:s25+$0x170] =	vst.add.f32.msk $0xffff, v2  }
0x60b: {  	v7 =	vld [tilespmem:s25+$0x18140]  }
0x60c: {  	v8 =	vld [tilespmem:s25+$0x18150]  }
0x60d: {  	v2 =	vld [tilespmem:s25+$0x18160]  }
0x60e: {  	[tilespmem:s25+$0x100] =	vst.add.f32.msk $0xffff, v3  }
.Ltmp40:
0x60f: {  	[tilespmem:s25+$0x110] =	vst.add.f32.msk $0xffff, v4;
	(pc) =	sbr.rel @p0 .LBB2_83-.Ltmp40, $4  }
0x610: {  	[tilespmem:s25+$0x120] =	vst.add.f32.msk $0xffff, v5  }
0x611: {  	[tilespmem:s25+$0x130] =	vst.add.f32.msk $0xffff, v6  }
0x612: {  	[tilespmem:s25+$0x140] =	vst.add.f32.msk $0xffff, v7  }
0x613: {  	s26 =	sadd.s32 $0x1000, s26;
	[tilespmem:s25+$0x150] =	vst.add.f32.msk $0xffff, v8  }
0x614: {  	s24 =	sadd.s32 $0x1, s24  }
0x615: {  	p0 =	sne.s32 s24, $0x8  }
.Ltmp41:
0x616: {  	_ = 	snop;
	(pc) =	sbr.rel @p0 .LBB2_82-.Ltmp41, $2  }
0x617: {  	_ =	sdelay $0x2  }
0x618: {  	[tilespmem:s25+$0x160] =	vst.add.f32.msk $0xffff, v2;
	s23 =	sadd.s32 $0x200, s23  }
0x619: {  	s23 =	simm.s32 $0x0;
	s4 =	rddreg [dreg:$0x17]  }
0x61a: {  	[hbm4b:s4+s23] =	stream.linear.scatter [tilespmem:s7], [sflag:$0x6], $0x4000, $0x38;
	[tilespmem:$0x1C100] =	vst v63  }
0x61b: {  	_ =	swait.ge [sflag:s19], $0x4000  }
0x61c: {  	[sflag:s19] =	ssyncset.done $0x0  }
0x61d: {  	[sflag:s19] =	ssyncadd.s32 $0xFFFFC000  }
0x61e: {  	v2 =	vld.msk [tilespmem:$0x30], $0xff;
	_ =	sdelay $0x4  }
0x61f: {  	v3 =	vshll.u32 v2, $0x4  }
0x620: {  	v2 =	vand.u32 $0x7, v2;
	v3 =	vand.u32 $0xFFFFFF80, v3  }
0x621: {  	v2 =	vor.u32 v2, v3  }
0x622: {  	v2 =	vperm.xlane v2, v0;
	_ =	sdelay $0x1  }
0x623: {  	v2 =	vadd.s32 v1, v2;
	_ =	sdelay $0x4  }
0x624: {  	[tilespmem:s28], [sflag:$0x5] =	stream.indirect_vreg.gather [hbm4b:s22+s23], $0x80, v2, vm0, $0xb8;
	[tilespmem:$0x1C100] =	vst v63  }
0x625: {  	s26 =	simm.s32 $0x10900  }
0x626: {  	[tilespmem:s26], [sflag:$0x5] =	stream.indirect_vreg.gather [hbm4b:s29+s23], $0x80, v2, vm0, $0xb8;
	[tilespmem:$0x1C100] =	vst v63  }
0x627: {  	s24 =	simm.s32 $0x11100  }
0x628: {  	[tilespmem:s24], [sflag:$0x5] =	stream.indirect_vreg.gather [hbm4b:s30+s23], $0x80, v2, vm0, $0xb8;
	[tilespmem:$0x1C100] =	vst v63  }
0x629: {  	s25 =	simm.s32 $0x11900  }
0x62a: {  	[tilespmem:s25], [sflag:$0x5] =	stream.indirect_vreg.gather [hbm4b:s31+s23], $0x80, v2, vm0, $0xb8;
	[tilespmem:$0x1C100] =	vst v63  }
0x62b: {  	s26 =	simm.s32 $0x12100  }
0x62c: {  	[tilespmem:s26], [sflag:$0x5] =	stream.indirect_vreg.gather [hbm4b:s20+s23], $0x80, v2, vm0, $0xb8;
	[tilespmem:$0x1C100] =	vst v63  }
0x62d: {  	s24 =	simm.s32 $0x12900  }
0x62e: {  	[tilespmem:s24], [sflag:$0x5] =	stream.indirect_vreg.gather [hbm4b:s0+s23], $0x80, v2, vm0, $0xb8;
	[tilespmem:$0x1C100] =	vst v63  }
0x62f: {  	s25 =	simm.s32 $0x13100  }
0x630: {  	[tilespmem:s25], [sflag:$0x5] =	stream.indirect_vreg.gather [hbm4b:s2+s23], $0x80, v2, vm0, $0xb8;
	[tilespmem:$0x1C100] =	vst v63  }
0x631: {  	s26 =	simm.s32 $0x13900  }
0x632: {  	[tilespmem:s26], [sflag:$0x5] =	stream.indirect_vreg.gather [hbm4b:s3+s23], $0x80, v2, vm0, $0xb8;
	[tilespmem:$0x1C100] =	vst v63  }
0x633: {  	_ =	swait.ge [sflag:s9], $0x4000  }
0x634: {  	[sflag:s9] =	ssyncset.done $0x0  }
0x635: {  	s24 =	simm.s32 $0x0;
	[sflag:s9] =	ssyncadd.s32 $0xFFFFC000  }
.LBB2_86:
0x636: {  	s25 =	sshra.s32 s23, $0x2  }
0x637: {  	v2 =	vld [tilespmem:s25+$0x18170]  }
0x638: {  	v3 =	vld [tilespmem:s25+$0x18100]  }
0x639: {  	v4 =	vld [tilespmem:s25+$0x18110]  }
0x63a: {  	v5 =	vld [tilespmem:s25+$0x18120]  }
0x63b: {  	v6 =	vld [tilespmem:s25+$0x18130]  }
0x63c: {  	v7 =	vld [tilespmem:s25+$0x18140]  }
0x63d: {  	v8 =	vld [tilespmem:s25+$0x18150]  }
0x63e: {  	[tilespmem:s25+$0x4170] =	vst.add.f32.msk $0xffff, v2  }
0x63f: {  	v2 =	vld [tilespmem:s25+$0x18160]  }
0x640: {  	[tilespmem:s25+$0x4100] =	vst.add.f32.msk $0xffff, v3  }
0x641: {  	[tilespmem:s25+$0x4110] =	vst.add.f32.msk $0xffff, v4  }
0x642: {  	[tilespmem:s25+$0x4120] =	vst.add.f32.msk $0xffff, v5  }
0x643: {  	[tilespmem:s25+$0x4130] =	vst.add.f32.msk $0xffff, v6  }
0x644: {  	[tilespmem:s25+$0x4140] =	vst.add.f32.msk $0xffff, v7  }
0x645: {  	s4 =	simm.s32 $0x0;
	s26 =	sadd.s32 $0x1000, s23;
	[tilespmem:s25+$0x4150] =	vst.add.f32.msk $0xffff, v8  }
.LBB2_87:
0x646: {  	s4 =	sadd.s32 $0x80, s4;
	[tilespmem:s25+$0x4160] =	vst.add.f32.msk $0xffff, v2;
	s25 =	sshra.s32 s26, $0x2  }
0x647: {  	v2 =	vld [tilespmem:s25+$0x18170];
	p0 =	slt.u32 s4, $0x780  }
0x648: {  	v3 =	vld [tilespmem:s25+$0x18100]  }
0x649: {  	v4 =	vld [tilespmem:s25+$0x18110]  }
0x64a: {  	v5 =	vld [tilespmem:s25+$0x18120]  }
0x64b: {  	v6 =	vld [tilespmem:s25+$0x18130]  }
0x64c: {  	[tilespmem:s25+$0x4170] =	vst.add.f32.msk $0xffff, v2  }
0x64d: {  	v7 =	vld [tilespmem:s25+$0x18140]  }
0x64e: {  	v8 =	vld [tilespmem:s25+$0x18150]  }
0x64f: {  	v2 =	vld [tilespmem:s25+$0x18160]  }
0x650: {  	[tilespmem:s25+$0x4100] =	vst.add.f32.msk $0xffff, v3  }
.Ltmp42:
0x651: {  	[tilespmem:s25+$0x4110] =	vst.add.f32.msk $0xffff, v4;
	(pc) =	sbr.rel @p0 .LBB2_87-.Ltmp42, $4  }
0x652: {  	[tilespmem:s25+$0x4120] =	vst.add.f32.msk $0xffff, v5  }
0x653: {  	[tilespmem:s25+$0x4130] =	vst.add.f32.msk $0xffff, v6  }
0x654: {  	[tilespmem:s25+$0x4140] =	vst.add.f32.msk $0xffff, v7  }
0x655: {  	s26 =	sadd.s32 $0x1000, s26;
	[tilespmem:s25+$0x4150] =	vst.add.f32.msk $0xffff, v8  }
0x656: {  	s24 =	sadd.s32 $0x1, s24  }
0x657: {  	p0 =	sne.s32 s24, $0x8  }
.Ltmp43:
0x658: {  	_ = 	snop;
	(pc) =	sbr.rel @p0 .LBB2_86-.Ltmp43, $2  }
0x659: {  	_ =	sdelay $0x2  }
0x65a: {  	[tilespmem:s25+$0x4160] =	vst.add.f32.msk $0xffff, v2;
	s23 =	sadd.s32 $0x200, s23  }
0x65b: {  	s4 =	sld [smem:$0x7F5];
	_ =	sdelay $0x1  }
0x65c: {  	s23 =	simm.s32 $0x0  }
0x65d: {  	[hbm4b:s4+s23] =	stream.linear.scatter [tilespmem:s16], [sflag:$0x7], $0x4000, $0x38;
	[tilespmem:$0x1C100] =	vst v63  }
0x65e: {  	_ =	swait.ge [sflag:s10], $0x4000  }
0x65f: {  	[sflag:s10] =	ssyncset.done $0x0  }
0x660: {  	[sflag:s10] =	ssyncadd.s32 $0xFFFFC000  }
0x661: {  	v2 =	vld.msk [tilespmem:$0x70], $0xff;
	_ =	sdelay $0x4  }
0x662: {  	v3 =	vshll.u32 v2, $0x4  }
0x663: {  	v2 =	vand.u32 $0x7, v2;
	v3 =	vand.u32 $0xFFFFFF80, v3  }
0x664: {  	v2 =	vor.u32 v2, v3  }
0x665: {  	v2 =	vperm.xlane v2, v0;
	_ =	sdelay $0x1  }
0x666: {  	v2 =	vadd.s32 v1, v2;
	_ =	sdelay $0x4  }
0x667: {  	[tilespmem:s7], [sflag:$0x1] =	stream.indirect_vreg.gather [hbm4b:s22+s23], $0x80, v2, vm0, $0xb8;
	[tilespmem:$0x1C100] =	vst v63  }
0x668: {  	s26 =	simm.s32 $0x900  }
0x669: {  	[tilespmem:s26], [sflag:$0x1] =	stream.indirect_vreg.gather [hbm4b:s29+s23], $0x80, v2, vm0, $0xb8;
	[tilespmem:$0x1C100] =	vst v63  }
0x66a: {  	s24 =	simm.s32 $0x1100  }
0x66b: {  	[tilespmem:s24], [sflag:$0x1] =	stream.indirect_vreg.gather [hbm4b:s30+s23], $0x80, v2, vm0, $0xb8;
	[tilespmem:$0x1C100] =	vst v63  }
0x66c: {  	s25 =	simm.s32 $0x1900  }
0x66d: {  	[tilespmem:s25], [sflag:$0x1] =	stream.indirect_vreg.gather [hbm4b:s31+s23], $0x80, v2, vm0, $0xb8;
	[tilespmem:$0x1C100] =	vst v63  }
0x66e: {  	s26 =	simm.s32 $0x2100  }
0x66f: {  	[tilespmem:s26], [sflag:$0x1] =	stream.indirect_vreg.gather [hbm4b:s20+s23], $0x80, v2, vm0, $0xb8;
	[tilespmem:$0x1C100] =	vst v63  }
0x670: {  	s24 =	simm.s32 $0x2900  }
0x671: {  	[tilespmem:s24], [sflag:$0x1] =	stream.indirect_vreg.gather [hbm4b:s0+s23], $0x80, v2, vm0, $0xb8;
	[tilespmem:$0x1C100] =	vst v63  }
0x672: {  	s25 =	simm.s32 $0x3100  }
0x673: {  	[tilespmem:s25], [sflag:$0x1] =	stream.indirect_vreg.gather [hbm4b:s2+s23], $0x80, v2, vm0, $0xb8;
	[tilespmem:$0x1C100] =	vst v63  }
0x674: {  	s26 =	simm.s32 $0x3900  }
0x675: {  	[tilespmem:s26], [sflag:$0x1] =	stream.indirect_vreg.gather [hbm4b:s3+s23], $0x80, v2, vm0, $0xb8;
	[tilespmem:$0x1C100] =	vst v63  }
0x676: {  	_ =	swait.ge [sflag:s11], $0x4000  }
0x677: {  	[sflag:s11] =	ssyncset.done $0x0  }
0x678: {  	s24 =	simm.s32 $0x0;
	[sflag:s11] =	ssyncadd.s32 $0xFFFFC000  }
.LBB2_90:
0x679: {  	s25 =	sshra.s32 s23, $0x2  }
0x67a: {  	v2 =	vld [tilespmem:s25+$0x18170]  }
0x67b: {  	v3 =	vld [tilespmem:s25+$0x18100]  }
0x67c: {  	v4 =	vld [tilespmem:s25+$0x18110]  }
0x67d: {  	v5 =	vld [tilespmem:s25+$0x18120]  }
0x67e: {  	v6 =	vld [tilespmem:s25+$0x18130]  }
0x67f: {  	v7 =	vld [tilespmem:s25+$0x18140]  }
0x680: {  	v8 =	vld [tilespmem:s25+$0x18150]  }
0x681: {  	[tilespmem:s25+$0x8170] =	vst.add.f32.msk $0xffff, v2  }
0x682: {  	v2 =	vld [tilespmem:s25+$0x18160]  }
0x683: {  	[tilespmem:s25+$0x8100] =	vst.add.f32.msk $0xffff, v3  }
0x684: {  	[tilespmem:s25+$0x8110] =	vst.add.f32.msk $0xffff, v4  }
0x685: {  	[tilespmem:s25+$0x8120] =	vst.add.f32.msk $0xffff, v5  }
0x686: {  	[tilespmem:s25+$0x8130] =	vst.add.f32.msk $0xffff, v6  }
0x687: {  	[tilespmem:s25+$0x8140] =	vst.add.f32.msk $0xffff, v7  }
0x688: {  	s4 =	simm.s32 $0x0;
	s26 =	sadd.s32 $0x1000, s23;
	[tilespmem:s25+$0x8150] =	vst.add.f32.msk $0xffff, v8  }
.LBB2_91:
0x689: {  	s4 =	sadd.s32 $0x80, s4;
	[tilespmem:s25+$0x8160] =	vst.add.f32.msk $0xffff, v2;
	s25 =	sshra.s32 s26, $0x2  }
0x68a: {  	v2 =	vld [tilespmem:s25+$0x18170];
	p0 =	slt.u32 s4, $0x780  }
0x68b: {  	v3 =	vld [tilespmem:s25+$0x18100]  }
0x68c: {  	v4 =	vld [tilespmem:s25+$0x18110]  }
0x68d: {  	v5 =	vld [tilespmem:s25+$0x18120]  }
0x68e: {  	v6 =	vld [tilespmem:s25+$0x18130]  }
0x68f: {  	[tilespmem:s25+$0x8170] =	vst.add.f32.msk $0xffff, v2  }
0x690: {  	v7 =	vld [tilespmem:s25+$0x18140]  }
0x691: {  	v8 =	vld [tilespmem:s25+$0x18150]  }
0x692: {  	v2 =	vld [tilespmem:s25+$0x18160]  }
0x693: {  	[tilespmem:s25+$0x8100] =	vst.add.f32.msk $0xffff, v3  }
.Ltmp44:
0x694: {  	[tilespmem:s25+$0x8110] =	vst.add.f32.msk $0xffff, v4;
	(pc) =	sbr.rel @p0 .LBB2_91-.Ltmp44, $4  }
0x695: {  	[tilespmem:s25+$0x8120] =	vst.add.f32.msk $0xffff, v5  }
0x696: {  	[tilespmem:s25+$0x8130] =	vst.add.f32.msk $0xffff, v6  }
0x697: {  	[tilespmem:s25+$0x8140] =	vst.add.f32.msk $0xffff, v7  }
0x698: {  	s26 =	sadd.s32 $0x1000, s26;
	[tilespmem:s25+$0x8150] =	vst.add.f32.msk $0xffff, v8  }
0x699: {  	s24 =	sadd.s32 $0x1, s24  }
0x69a: {  	p0 =	sne.s32 s24, $0x8  }
.Ltmp45:
0x69b: {  	_ = 	snop;
	(pc) =	sbr.rel @p0 .LBB2_90-.Ltmp45, $2  }
0x69c: {  	_ =	sdelay $0x2  }
0x69d: {  	[tilespmem:s25+$0x8160] =	vst.add.f32.msk $0xffff, v2;
	s23 =	sadd.s32 $0x200, s23  }
0x69e: {  	s4 =	sld [smem:$0x7F6];
	_ =	sdelay $0x1  }
0x69f: {  	s23 =	simm.s32 $0x0;
	s24 =	simm.s32 $0x8100  }
0x6a0: {  	[hbm4b:s4+s23] =	stream.linear.scatter [tilespmem:s24], [sflag:$0x8], $0x4000, $0x38;
	[tilespmem:$0x1C100] =	vst v63  }
0x6a1: {  	_ =	swait.ge [sflag:s12], $0x4000  }
0x6a2: {  	[sflag:s12] =	ssyncset.done $0x0  }
0x6a3: {  	[sflag:s12] =	ssyncadd.s32 $0xFFFFC000  }
0x6a4: {  	v2 =	vld.msk [tilespmem:$0xB0], $0xff;
	_ =	sdelay $0x4  }
0x6a5: {  	v3 =	vshll.u32 v2, $0x4  }
0x6a6: {  	v2 =	vand.u32 $0x7, v2;
	v3 =	vand.u32 $0xFFFFFF80, v3  }
0x6a7: {  	v2 =	vor.u32 v2, v3  }
0x6a8: {  	v2 =	vperm.xlane v2, v0;
	_ =	sdelay $0x1  }
0x6a9: {  	v2 =	vadd.s32 v1, v2;
	_ =	sdelay $0x4  }
0x6aa: {  	[tilespmem:s16], [sflag:$0x2] =	stream.indirect_vreg.gather [hbm4b:s22+s23], $0x80, v2, vm0, $0xb8;
	[tilespmem:$0x1C100] =	vst v63  }
0x6ab: {  	s26 =	simm.s32 $0x4900  }
0x6ac: {  	[tilespmem:s26], [sflag:$0x2] =	stream.indirect_vreg.gather [hbm4b:s29+s23], $0x80, v2, vm0, $0xb8;
	[tilespmem:$0x1C100] =	vst v63  }
0x6ad: {  	s24 =	simm.s32 $0x5100  }
0x6ae: {  	[tilespmem:s24], [sflag:$0x2] =	stream.indirect_vreg.gather [hbm4b:s30+s23], $0x80, v2, vm0, $0xb8;
	[tilespmem:$0x1C100] =	vst v63  }
0x6af: {  	s25 =	simm.s32 $0x5900  }
0x6b0: {  	[tilespmem:s25], [sflag:$0x2] =	stream.indirect_vreg.gather [hbm4b:s31+s23], $0x80, v2, vm0, $0xb8;
	[tilespmem:$0x1C100] =	vst v63  }
0x6b1: {  	s26 =	simm.s32 $0x6100  }
0x6b2: {  	[tilespmem:s26], [sflag:$0x2] =	stream.indirect_vreg.gather [hbm4b:s20+s23], $0x80, v2, vm0, $0xb8;
	[tilespmem:$0x1C100] =	vst v63  }
0x6b3: {  	s24 =	simm.s32 $0x6900  }
0x6b4: {  	[tilespmem:s24], [sflag:$0x2] =	stream.indirect_vreg.gather [hbm4b:s0+s23], $0x80, v2, vm0, $0xb8;
	[tilespmem:$0x1C100] =	vst v63  }
0x6b5: {  	s25 =	simm.s32 $0x7100  }
0x6b6: {  	[tilespmem:s25], [sflag:$0x2] =	stream.indirect_vreg.gather [hbm4b:s2+s23], $0x80, v2, vm0, $0xb8;
	[tilespmem:$0x1C100] =	vst v63  }
0x6b7: {  	s26 =	simm.s32 $0x7900  }
0x6b8: {  	[tilespmem:s26], [sflag:$0x2] =	stream.indirect_vreg.gather [hbm4b:s3+s23], $0x80, v2, vm0, $0xb8;
	[tilespmem:$0x1C100] =	vst v63  }
0x6b9: {  	_ =	swait.ge [sflag:s13], $0x4000  }
0x6ba: {  	[sflag:s13] =	ssyncset.done $0x0  }
0x6bb: {  	s24 =	simm.s32 $0x0;
	[sflag:s13] =	ssyncadd.s32 $0xFFFFC000  }
.LBB2_94:
0x6bc: {  	s25 =	sshra.s32 s23, $0x2  }
0x6bd: {  	v2 =	vld [tilespmem:s25+$0x18170]  }
0x6be: {  	v3 =	vld [tilespmem:s25+$0x18100]  }
0x6bf: {  	v4 =	vld [tilespmem:s25+$0x18110]  }
0x6c0: {  	v5 =	vld [tilespmem:s25+$0x18120]  }
0x6c1: {  	v6 =	vld [tilespmem:s25+$0x18130]  }
0x6c2: {  	v7 =	vld [tilespmem:s25+$0x18140]  }
0x6c3: {  	v8 =	vld [tilespmem:s25+$0x18150]  }
0x6c4: {  	[tilespmem:s25+$0xC170] =	vst.add.f32.msk $0xffff, v2  }
0x6c5: {  	v2 =	vld [tilespmem:s25+$0x18160]  }
0x6c6: {  	[tilespmem:s25+$0xC100] =	vst.add.f32.msk $0xffff, v3  }
0x6c7: {  	[tilespmem:s25+$0xC110] =	vst.add.f32.msk $0xffff, v4  }
0x6c8: {  	[tilespmem:s25+$0xC120] =	vst.add.f32.msk $0xffff, v5  }
0x6c9: {  	[tilespmem:s25+$0xC130] =	vst.add.f32.msk $0xffff, v6  }
0x6ca: {  	[tilespmem:s25+$0xC140] =	vst.add.f32.msk $0xffff, v7  }
0x6cb: {  	s4 =	simm.s32 $0x0;
	s26 =	sadd.s32 $0x1000, s23;
	[tilespmem:s25+$0xC150] =	vst.add.f32.msk $0xffff, v8  }
.LBB2_95:
0x6cc: {  	s4 =	sadd.s32 $0x80, s4;
	[tilespmem:s25+$0xC160] =	vst.add.f32.msk $0xffff, v2;
	s25 =	sshra.s32 s26, $0x2  }
0x6cd: {  	v2 =	vld [tilespmem:s25+$0x18170];
	p0 =	slt.u32 s4, $0x780  }
0x6ce: {  	v3 =	vld [tilespmem:s25+$0x18100]  }
0x6cf: {  	v4 =	vld [tilespmem:s25+$0x18110]  }
0x6d0: {  	v5 =	vld [tilespmem:s25+$0x18120]  }
0x6d1: {  	v6 =	vld [tilespmem:s25+$0x18130]  }
0x6d2: {  	[tilespmem:s25+$0xC170] =	vst.add.f32.msk $0xffff, v2  }
0x6d3: {  	v7 =	vld [tilespmem:s25+$0x18140]  }
0x6d4: {  	v8 =	vld [tilespmem:s25+$0x18150]  }
0x6d5: {  	v2 =	vld [tilespmem:s25+$0x18160]  }
0x6d6: {  	[tilespmem:s25+$0xC100] =	vst.add.f32.msk $0xffff, v3  }
.Ltmp46:
0x6d7: {  	[tilespmem:s25+$0xC110] =	vst.add.f32.msk $0xffff, v4;
	(pc) =	sbr.rel @p0 .LBB2_95-.Ltmp46, $4  }
0x6d8: {  	[tilespmem:s25+$0xC120] =	vst.add.f32.msk $0xffff, v5  }
0x6d9: {  	[tilespmem:s25+$0xC130] =	vst.add.f32.msk $0xffff, v6  }
0x6da: {  	[tilespmem:s25+$0xC140] =	vst.add.f32.msk $0xffff, v7  }
0x6db: {  	s26 =	sadd.s32 $0x1000, s26;
	[tilespmem:s25+$0xC150] =	vst.add.f32.msk $0xffff, v8  }
0x6dc: {  	s24 =	sadd.s32 $0x1, s24  }
0x6dd: {  	p0 =	sne.s32 s24, $0x8  }
.Ltmp47:
0x6de: {  	_ = 	snop;
	(pc) =	sbr.rel @p0 .LBB2_94-.Ltmp47, $2  }
0x6df: {  	_ =	sdelay $0x2  }
0x6e0: {  	[tilespmem:s25+$0xC160] =	vst.add.f32.msk $0xffff, v2;
	s23 =	sadd.s32 $0x200, s23  }
0x6e1: {  	s4 =	sld [smem:$0x7F7];
	_ =	sdelay $0x1  }
0x6e2: {  	s23 =	simm.s32 $0x0  }
0x6e3: {  	[hbm4b:s4+s23] =	stream.linear.scatter [tilespmem:s6], [sflag:$0x9], $0x4000, $0x38;
	[tilespmem:$0x1C100] =	vst v63  }
0x6e4: {  	s26 =	rddreg [dreg:$0x19];
	s24 =	simm.s32 $0x18100  }
0x6e5: {  	[tilespmem:s24], [sflag:$0xC] =	stream.linear.gather [hbm4b:s26+s23], $0x4000, $0x38;
	[tilespmem:$0x1C100] =	vst v63  }
0x6e6: {  	_ =	swait.ge [sflag:s14], $0x4000  }
0x6e7: {  	[sflag:s14] =	ssyncset.done $0x0  }
0x6e8: {  	[sflag:s14] =	ssyncadd.s32 $0xFFFFC000  }
0x6e9: {  	v2 =	vld.msk [tilespmem:$0xF0], $0xff;
	_ =	sdelay $0x4  }
0x6ea: {  	v3 =	vshll.u32 v2, $0x4  }
0x6eb: {  	v2 =	vand.u32 $0x7, v2;
	v3 =	vand.u32 $0xFFFFFF80, v3  }
0x6ec: {  	v2 =	vor.u32 v2, v3  }
0x6ed: {  	v2 =	vperm.xlane v2, v0;
	_ =	sdelay $0x1  }
0x6ee: {  	v2 =	vadd.s32 v1, v2;
	_ =	sdelay $0x3  }
0x6ef: {  	s25 =	simm.s32 $0x8100  }
0x6f0: {  	[tilespmem:s25], [sflag:$0x3] =	stream.indirect_vreg.gather [hbm4b:s22+s23], $0x80, v2, vm0, $0xb8;
	[tilespmem:$0x1C100] =	vst v63  }
0x6f1: {  	s26 =	simm.s32 $0x8900  }
0x6f2: {  	[tilespmem:s26], [sflag:$0x3] =	stream.indirect_vreg.gather [hbm4b:s29+s23], $0x80, v2, vm0, $0xb8;
	[tilespmem:$0x1C100] =	vst v63  }
0x6f3: {  	s24 =	simm.s32 $0x9100  }
0x6f4: {  	[tilespmem:s24], [sflag:$0x3] =	stream.indirect_vreg.gather [hbm4b:s30+s23], $0x80, v2, vm0, $0xb8;
	[tilespmem:$0x1C100] =	vst v63  }
0x6f5: {  	s25 =	simm.s32 $0x9900  }
0x6f6: {  	[tilespmem:s25], [sflag:$0x3] =	stream.indirect_vreg.gather [hbm4b:s31+s23], $0x80, v2, vm0, $0xb8;
	[tilespmem:$0x1C100] =	vst v63  }
0x6f7: {  	s26 =	simm.s32 $0xA100  }
0x6f8: {  	[tilespmem:s26], [sflag:$0x3] =	stream.indirect_vreg.gather [hbm4b:s20+s23], $0x80, v2, vm0, $0xb8;
	[tilespmem:$0x1C100] =	vst v63  }
0x6f9: {  	s24 =	simm.s32 $0xA900  }
0x6fa: {  	[tilespmem:s24], [sflag:$0x3] =	stream.indirect_vreg.gather [hbm4b:s0+s23], $0x80, v2, vm0, $0xb8;
	[tilespmem:$0x1C100] =	vst v63  }
0x6fb: {  	s25 =	simm.s32 $0xB100  }
0x6fc: {  	[tilespmem:s25], [sflag:$0x3] =	stream.indirect_vreg.gather [hbm4b:s2+s23], $0x80, v2, vm0, $0xb8;
	[tilespmem:$0x1C100] =	vst v63  }
0x6fd: {  	s26 =	simm.s32 $0xB900  }
0x6fe: {  	[tilespmem:s26], [sflag:$0x3] =	stream.indirect_vreg.gather [hbm4b:s3+s23], $0x80, v2, vm0, $0xb8;
	[tilespmem:$0x1C100] =	vst v63  }
0x6ff: {  	_ =	swait.ge [sflag:s8], $0x4000  }
0x700: {  	[sflag:s8] =	ssyncset.done $0x0  }
0x701: {  	[sflag:s8] =	ssyncadd.s32 $0xFFFFC000  }
0x702: {  	_ =	swait.ge [sflag:s17], $0x4000  }
0x703: {  	[sflag:s17] =	ssyncset.done $0x0  }
0x704: {  	s24 =	simm.s32 $0x0;
	[sflag:s17] =	ssyncadd.s32 $0xFFFFC000  }
.LBB2_98:
0x705: {  	s25 =	sshra.s32 s23, $0x2  }
0x706: {  	v2 =	vld [tilespmem:s25+$0x14170]  }
0x707: {  	v3 =	vld [tilespmem:s25+$0x14100]  }
0x708: {  	v4 =	vld [tilespmem:s25+$0x14110]  }
0x709: {  	v5 =	vld [tilespmem:s25+$0x14120]  }
0x70a: {  	v6 =	vld [tilespmem:s25+$0x14130]  }
0x70b: {  	v7 =	vld [tilespmem:s25+$0x14140]  }
0x70c: {  	v8 =	vld [tilespmem:s25+$0x14150]  }
0x70d: {  	[tilespmem:s25+$0x10170] =	vst.add.f32.msk $0xffff, v2  }
0x70e: {  	v2 =	vld [tilespmem:s25+$0x14160]  }
0x70f: {  	[tilespmem:s25+$0x10100] =	vst.add.f32.msk $0xffff, v3  }
0x710: {  	[tilespmem:s25+$0x10110] =	vst.add.f32.msk $0xffff, v4  }
0x711: {  	[tilespmem:s25+$0x10120] =	vst.add.f32.msk $0xffff, v5  }
0x712: {  	[tilespmem:s25+$0x10130] =	vst.add.f32.msk $0xffff, v6  }
0x713: {  	[tilespmem:s25+$0x10140] =	vst.add.f32.msk $0xffff, v7  }
0x714: {  	s4 =	simm.s32 $0x0;
	s26 =	sadd.s32 $0x1000, s23;
	[tilespmem:s25+$0x10150] =	vst.add.f32.msk $0xffff, v8  }
.LBB2_99:
0x715: {  	s4 =	sadd.s32 $0x80, s4;
	[tilespmem:s25+$0x10160] =	vst.add.f32.msk $0xffff, v2;
	s25 =	sshra.s32 s26, $0x2  }
0x716: {  	v2 =	vld [tilespmem:s25+$0x14170];
	p0 =	slt.u32 s4, $0x780  }
0x717: {  	v3 =	vld [tilespmem:s25+$0x14100]  }
0x718: {  	v4 =	vld [tilespmem:s25+$0x14110]  }
0x719: {  	v5 =	vld [tilespmem:s25+$0x14120]  }
0x71a: {  	v6 =	vld [tilespmem:s25+$0x14130]  }
0x71b: {  	[tilespmem:s25+$0x10170] =	vst.add.f32.msk $0xffff, v2  }
0x71c: {  	v7 =	vld [tilespmem:s25+$0x14140]  }
0x71d: {  	v8 =	vld [tilespmem:s25+$0x14150]  }
0x71e: {  	v2 =	vld [tilespmem:s25+$0x14160]  }
0x71f: {  	[tilespmem:s25+$0x10100] =	vst.add.f32.msk $0xffff, v3  }
.Ltmp48:
0x720: {  	[tilespmem:s25+$0x10110] =	vst.add.f32.msk $0xffff, v4;
	(pc) =	sbr.rel @p0 .LBB2_99-.Ltmp48, $4  }
0x721: {  	[tilespmem:s25+$0x10120] =	vst.add.f32.msk $0xffff, v5  }
0x722: {  	[tilespmem:s25+$0x10130] =	vst.add.f32.msk $0xffff, v6  }
0x723: {  	[tilespmem:s25+$0x10140] =	vst.add.f32.msk $0xffff, v7  }
0x724: {  	s26 =	sadd.s32 $0x1000, s26;
	[tilespmem:s25+$0x10150] =	vst.add.f32.msk $0xffff, v8  }
0x725: {  	s24 =	sadd.s32 $0x1, s24  }
0x726: {  	p0 =	sne.s32 s24, $0x8  }
.Ltmp49:
0x727: {  	_ = 	snop;
	(pc) =	sbr.rel @p0 .LBB2_98-.Ltmp49, $2  }
0x728: {  	_ =	sdelay $0x2  }
0x729: {  	[tilespmem:s25+$0x10160] =	vst.add.f32.msk $0xffff, v2;
	s23 =	sadd.s32 $0x200, s23  }
0x72a: {  	s23 =	simm.s32 $0x0;
	s4 =	rddreg [dreg:$0x1a]  }
0x72b: {  	[hbm4b:s4+s23] =	stream.linear.scatter [tilespmem:s28], [sflag:$0xA], $0x4000, $0x38;
	[tilespmem:$0x1C100] =	vst v63  }
0x72c: {  	_ =	swait.ge [sflag:s18], $0x4000  }
0x72d: {  	[sflag:s18] =	ssyncset.done $0x0  }
0x72e: {  	[sflag:s18] =	ssyncadd.s32 $0xFFFFC000  }
0x72f: {  	v2 =	vld.msk [tilespmem:$0x38], $0xff;
	_ =	sdelay $0x4  }
0x730: {  	v3 =	vshll.u32 v2, $0x4  }
0x731: {  	v2 =	vand.u32 $0x7, v2;
	v3 =	vand.u32 $0xFFFFFF80, v3  }
0x732: {  	v2 =	vor.u32 v2, v3  }
0x733: {  	v2 =	vperm.xlane v2, v0;
	_ =	sdelay $0x1  }
0x734: {  	v2 =	vadd.s32 v1, v2;
	_ =	sdelay $0x4  }
0x735: {  	[tilespmem:s6], [sflag:$0x4] =	stream.indirect_vreg.gather [hbm4b:s22+s23], $0x80, v2, vm0, $0xb8;
	[tilespmem:$0x1C100] =	vst v63  }
0x736: {  	s26 =	simm.s32 $0xC900  }
0x737: {  	[tilespmem:s26], [sflag:$0x4] =	stream.indirect_vreg.gather [hbm4b:s29+s23], $0x80, v2, vm0, $0xb8;
	[tilespmem:$0x1C100] =	vst v63  }
0x738: {  	s24 =	simm.s32 $0xD100  }
0x739: {  	[tilespmem:s24], [sflag:$0x4] =	stream.indirect_vreg.gather [hbm4b:s30+s23], $0x80, v2, vm0, $0xb8;
	[tilespmem:$0x1C100] =	vst v63  }
0x73a: {  	s25 =	simm.s32 $0xD900  }
0x73b: {  	[tilespmem:s25], [sflag:$0x4] =	stream.indirect_vreg.gather [hbm4b:s31+s23], $0x80, v2, vm0, $0xb8;
	[tilespmem:$0x1C100] =	vst v63  }
0x73c: {  	s26 =	simm.s32 $0xE100  }
0x73d: {  	[tilespmem:s26], [sflag:$0x4] =	stream.indirect_vreg.gather [hbm4b:s20+s23], $0x80, v2, vm0, $0xb8;
	[tilespmem:$0x1C100] =	vst v63  }
0x73e: {  	s24 =	simm.s32 $0xE900  }
0x73f: {  	[tilespmem:s24], [sflag:$0x4] =	stream.indirect_vreg.gather [hbm4b:s0+s23], $0x80, v2, vm0, $0xb8;
	[tilespmem:$0x1C100] =	vst v63  }
0x740: {  	s25 =	simm.s32 $0xF100  }
0x741: {  	[tilespmem:s25], [sflag:$0x4] =	stream.indirect_vreg.gather [hbm4b:s2+s23], $0x80, v2, vm0, $0xb8;
	[tilespmem:$0x1C100] =	vst v63  }
0x742: {  	s26 =	simm.s32 $0xF900  }
0x743: {  	[tilespmem:s26], [sflag:$0x4] =	stream.indirect_vreg.gather [hbm4b:s3+s23], $0x80, v2, vm0, $0xb8;
	[tilespmem:$0x1C100] =	vst v63  }
0x744: {  	_ =	swait.ge [sflag:s5], $0x4000  }
0x745: {  	[sflag:s5] =	ssyncset.done $0x0  }
0x746: {  	s24 =	simm.s32 $0x0;
	[sflag:s5] =	ssyncadd.s32 $0xFFFFC000  }
.LBB2_102:
0x747: {  	s25 =	sshra.s32 s23, $0x2  }
0x748: {  	v2 =	vld [tilespmem:s25+$0x14170]  }
0x749: {  	v3 =	vld [tilespmem:s25+$0x14100]  }
0x74a: {  	v4 =	vld [tilespmem:s25+$0x14110]  }
0x74b: {  	v5 =	vld [tilespmem:s25+$0x14120]  }
0x74c: {  	v6 =	vld [tilespmem:s25+$0x14130]  }
0x74d: {  	v7 =	vld [tilespmem:s25+$0x14140]  }
0x74e: {  	v8 =	vld [tilespmem:s25+$0x14150]  }
0x74f: {  	[tilespmem:s25+$0x170] =	vst.add.f32.msk $0xffff, v2  }
0x750: {  	v2 =	vld [tilespmem:s25+$0x14160]  }
0x751: {  	[tilespmem:s25+$0x100] =	vst.add.f32.msk $0xffff, v3  }
0x752: {  	[tilespmem:s25+$0x110] =	vst.add.f32.msk $0xffff, v4  }
0x753: {  	[tilespmem:s25+$0x120] =	vst.add.f32.msk $0xffff, v5  }
0x754: {  	[tilespmem:s25+$0x130] =	vst.add.f32.msk $0xffff, v6  }
0x755: {  	[tilespmem:s25+$0x140] =	vst.add.f32.msk $0xffff, v7  }
0x756: {  	s4 =	simm.s32 $0x0;
	s26 =	sadd.s32 $0x1000, s23;
	[tilespmem:s25+$0x150] =	vst.add.f32.msk $0xffff, v8  }
.LBB2_103:
0x757: {  	s4 =	sadd.s32 $0x80, s4;
	[tilespmem:s25+$0x160] =	vst.add.f32.msk $0xffff, v2;
	s25 =	sshra.s32 s26, $0x2  }
0x758: {  	v2 =	vld [tilespmem:s25+$0x14170];
	p0 =	slt.u32 s4, $0x780  }
0x759: {  	v3 =	vld [tilespmem:s25+$0x14100]  }
0x75a: {  	v4 =	vld [tilespmem:s25+$0x14110]  }
0x75b: {  	v5 =	vld [tilespmem:s25+$0x14120]  }
0x75c: {  	v6 =	vld [tilespmem:s25+$0x14130]  }
0x75d: {  	[tilespmem:s25+$0x170] =	vst.add.f32.msk $0xffff, v2  }
0x75e: {  	v7 =	vld [tilespmem:s25+$0x14140]  }
0x75f: {  	v8 =	vld [tilespmem:s25+$0x14150]  }
0x760: {  	v2 =	vld [tilespmem:s25+$0x14160]  }
0x761: {  	[tilespmem:s25+$0x100] =	vst.add.f32.msk $0xffff, v3  }
.Ltmp50:
0x762: {  	[tilespmem:s25+$0x110] =	vst.add.f32.msk $0xffff, v4;
	(pc) =	sbr.rel @p0 .LBB2_103-.Ltmp50, $4  }
0x763: {  	[tilespmem:s25+$0x120] =	vst.add.f32.msk $0xffff, v5  }
0x764: {  	[tilespmem:s25+$0x130] =	vst.add.f32.msk $0xffff, v6  }
0x765: {  	[tilespmem:s25+$0x140] =	vst.add.f32.msk $0xffff, v7  }
0x766: {  	s26 =	sadd.s32 $0x1000, s26;
	[tilespmem:s25+$0x150] =	vst.add.f32.msk $0xffff, v8  }
0x767: {  	s24 =	sadd.s32 $0x1, s24  }
0x768: {  	p0 =	sne.s32 s24, $0x8  }
.Ltmp51:
0x769: {  	_ = 	snop;
	(pc) =	sbr.rel @p0 .LBB2_102-.Ltmp51, $2  }
0x76a: {  	_ =	sdelay $0x2  }
0x76b: {  	[tilespmem:s25+$0x160] =	vst.add.f32.msk $0xffff, v2;
	s23 =	sadd.s32 $0x200, s23  }
0x76c: {  	s4 =	sld [smem:$0x7F8];
	_ =	sdelay $0x1  }
0x76d: {  	s23 =	simm.s32 $0x0  }
0x76e: {  	[hbm4b:s4+s23] =	stream.linear.scatter [tilespmem:s7], [sflag:$0x6], $0x4000, $0x38;
	[tilespmem:$0x1C100] =	vst v63  }
0x76f: {  	_ =	swait.ge [sflag:s19], $0x4000  }
0x770: {  	[sflag:s19] =	ssyncset.done $0x0  }
0x771: {  	[sflag:s19] =	ssyncadd.s32 $0xFFFFC000  }
0x772: {  	v2 =	vld.msk [tilespmem:$0x78], $0xff;
	_ =	sdelay $0x4  }
0x773: {  	v3 =	vshll.u32 v2, $0x4  }
0x774: {  	v2 =	vand.u32 $0x7, v2;
	v3 =	vand.u32 $0xFFFFFF80, v3  }
0x775: {  	v2 =	vor.u32 v2, v3  }
0x776: {  	v2 =	vperm.xlane v2, v0;
	_ =	sdelay $0x1  }
0x777: {  	v2 =	vadd.s32 v1, v2;
	_ =	sdelay $0x4  }
0x778: {  	[tilespmem:s28], [sflag:$0x5] =	stream.indirect_vreg.gather [hbm4b:s22+s23], $0x80, v2, vm0, $0xb8;
	[tilespmem:$0x1C100] =	vst v63  }
0x779: {  	s26 =	simm.s32 $0x10900  }
0x77a: {  	[tilespmem:s26], [sflag:$0x5] =	stream.indirect_vreg.gather [hbm4b:s29+s23], $0x80, v2, vm0, $0xb8;
	[tilespmem:$0x1C100] =	vst v63  }
0x77b: {  	s24 =	simm.s32 $0x11100  }
0x77c: {  	[tilespmem:s24], [sflag:$0x5] =	stream.indirect_vreg.gather [hbm4b:s30+s23], $0x80, v2, vm0, $0xb8;
	[tilespmem:$0x1C100] =	vst v63  }
0x77d: {  	s25 =	simm.s32 $0x11900  }
0x77e: {  	[tilespmem:s25], [sflag:$0x5] =	stream.indirect_vreg.gather [hbm4b:s31+s23], $0x80, v2, vm0, $0xb8;
	[tilespmem:$0x1C100] =	vst v63  }
0x77f: {  	s26 =	simm.s32 $0x12100  }
0x780: {  	[tilespmem:s26], [sflag:$0x5] =	stream.indirect_vreg.gather [hbm4b:s20+s23], $0x80, v2, vm0, $0xb8;
	[tilespmem:$0x1C100] =	vst v63  }
0x781: {  	s24 =	simm.s32 $0x12900  }
0x782: {  	[tilespmem:s24], [sflag:$0x5] =	stream.indirect_vreg.gather [hbm4b:s0+s23], $0x80, v2, vm0, $0xb8;
	[tilespmem:$0x1C100] =	vst v63  }
0x783: {  	s25 =	simm.s32 $0x13100  }
0x784: {  	[tilespmem:s25], [sflag:$0x5] =	stream.indirect_vreg.gather [hbm4b:s2+s23], $0x80, v2, vm0, $0xb8;
	[tilespmem:$0x1C100] =	vst v63  }
0x785: {  	s26 =	simm.s32 $0x13900  }
0x786: {  	[tilespmem:s26], [sflag:$0x5] =	stream.indirect_vreg.gather [hbm4b:s3+s23], $0x80, v2, vm0, $0xb8;
	[tilespmem:$0x1C100] =	vst v63  }
0x787: {  	_ =	swait.ge [sflag:s9], $0x4000  }
0x788: {  	[sflag:s9] =	ssyncset.done $0x0  }
0x789: {  	s24 =	simm.s32 $0x0;
	[sflag:s9] =	ssyncadd.s32 $0xFFFFC000  }
.LBB2_106:
0x78a: {  	s25 =	sshra.s32 s23, $0x2  }
0x78b: {  	v2 =	vld [tilespmem:s25+$0x14170]  }
0x78c: {  	v3 =	vld [tilespmem:s25+$0x14100]  }
0x78d: {  	v4 =	vld [tilespmem:s25+$0x14110]  }
0x78e: {  	v5 =	vld [tilespmem:s25+$0x14120]  }
0x78f: {  	v6 =	vld [tilespmem:s25+$0x14130]  }
0x790: {  	v7 =	vld [tilespmem:s25+$0x14140]  }
0x791: {  	v8 =	vld [tilespmem:s25+$0x14150]  }
0x792: {  	[tilespmem:s25+$0x4170] =	vst.add.f32.msk $0xffff, v2  }
0x793: {  	v2 =	vld [tilespmem:s25+$0x14160]  }
0x794: {  	[tilespmem:s25+$0x4100] =	vst.add.f32.msk $0xffff, v3  }
0x795: {  	[tilespmem:s25+$0x4110] =	vst.add.f32.msk $0xffff, v4  }
0x796: {  	[tilespmem:s25+$0x4120] =	vst.add.f32.msk $0xffff, v5  }
0x797: {  	[tilespmem:s25+$0x4130] =	vst.add.f32.msk $0xffff, v6  }
0x798: {  	[tilespmem:s25+$0x4140] =	vst.add.f32.msk $0xffff, v7  }
0x799: {  	s4 =	simm.s32 $0x0;
	s26 =	sadd.s32 $0x1000, s23;
	[tilespmem:s25+$0x4150] =	vst.add.f32.msk $0xffff, v8  }
.LBB2_107:
0x79a: {  	s4 =	sadd.s32 $0x80, s4;
	[tilespmem:s25+$0x4160] =	vst.add.f32.msk $0xffff, v2;
	s25 =	sshra.s32 s26, $0x2  }
0x79b: {  	v2 =	vld [tilespmem:s25+$0x14170];
	p0 =	slt.u32 s4, $0x780  }
0x79c: {  	v3 =	vld [tilespmem:s25+$0x14100]  }
0x79d: {  	v4 =	vld [tilespmem:s25+$0x14110]  }
0x79e: {  	v5 =	vld [tilespmem:s25+$0x14120]  }
0x79f: {  	v6 =	vld [tilespmem:s25+$0x14130]  }
0x7a0: {  	[tilespmem:s25+$0x4170] =	vst.add.f32.msk $0xffff, v2  }
0x7a1: {  	v7 =	vld [tilespmem:s25+$0x14140]  }
0x7a2: {  	v8 =	vld [tilespmem:s25+$0x14150]  }
0x7a3: {  	v2 =	vld [tilespmem:s25+$0x14160]  }
0x7a4: {  	[tilespmem:s25+$0x4100] =	vst.add.f32.msk $0xffff, v3  }
.Ltmp52:
0x7a5: {  	[tilespmem:s25+$0x4110] =	vst.add.f32.msk $0xffff, v4;
	(pc) =	sbr.rel @p0 .LBB2_107-.Ltmp52, $4  }
0x7a6: {  	[tilespmem:s25+$0x4120] =	vst.add.f32.msk $0xffff, v5  }
0x7a7: {  	[tilespmem:s25+$0x4130] =	vst.add.f32.msk $0xffff, v6  }
0x7a8: {  	[tilespmem:s25+$0x4140] =	vst.add.f32.msk $0xffff, v7  }
0x7a9: {  	s26 =	sadd.s32 $0x1000, s26;
	[tilespmem:s25+$0x4150] =	vst.add.f32.msk $0xffff, v8  }
0x7aa: {  	s24 =	sadd.s32 $0x1, s24  }
0x7ab: {  	p0 =	sne.s32 s24, $0x8  }
.Ltmp53:
0x7ac: {  	_ = 	snop;
	(pc) =	sbr.rel @p0 .LBB2_106-.Ltmp53, $2  }
0x7ad: {  	_ =	sdelay $0x2  }
0x7ae: {  	[tilespmem:s25+$0x4160] =	vst.add.f32.msk $0xffff, v2;
	s23 =	sadd.s32 $0x200, s23  }
0x7af: {  	s4 =	sld [smem:$0x7F9];
	_ =	sdelay $0x1  }
0x7b0: {  	s23 =	simm.s32 $0x0  }
0x7b1: {  	[hbm4b:s4+s23] =	stream.linear.scatter [tilespmem:s16], [sflag:$0x7], $0x4000, $0x38;
	[tilespmem:$0x1C100] =	vst v63  }
0x7b2: {  	_ =	swait.ge [sflag:s10], $0x4000  }
0x7b3: {  	[sflag:s10] =	ssyncset.done $0x0  }
0x7b4: {  	[sflag:s10] =	ssyncadd.s32 $0xFFFFC000  }
0x7b5: {  	v2 =	vld.msk [tilespmem:$0xB8], $0xff;
	_ =	sdelay $0x4  }
0x7b6: {  	v3 =	vshll.u32 v2, $0x4  }
0x7b7: {  	v2 =	vand.u32 $0x7, v2;
	v3 =	vand.u32 $0xFFFFFF80, v3  }
0x7b8: {  	v2 =	vor.u32 v2, v3  }
0x7b9: {  	v2 =	vperm.xlane v2, v0;
	_ =	sdelay $0x1  }
0x7ba: {  	v2 =	vadd.s32 v1, v2;
	_ =	sdelay $0x4  }
0x7bb: {  	[tilespmem:s7], [sflag:$0x1] =	stream.indirect_vreg.gather [hbm4b:s22+s23], $0x80, v2, vm0, $0xb8;
	[tilespmem:$0x1C100] =	vst v63  }
0x7bc: {  	s26 =	simm.s32 $0x900  }
0x7bd: {  	[tilespmem:s26], [sflag:$0x1] =	stream.indirect_vreg.gather [hbm4b:s29+s23], $0x80, v2, vm0, $0xb8;
	[tilespmem:$0x1C100] =	vst v63  }
0x7be: {  	s24 =	simm.s32 $0x1100  }
0x7bf: {  	[tilespmem:s24], [sflag:$0x1] =	stream.indirect_vreg.gather [hbm4b:s30+s23], $0x80, v2, vm0, $0xb8;
	[tilespmem:$0x1C100] =	vst v63  }
0x7c0: {  	s25 =	simm.s32 $0x1900  }
0x7c1: {  	[tilespmem:s25], [sflag:$0x1] =	stream.indirect_vreg.gather [hbm4b:s31+s23], $0x80, v2, vm0, $0xb8;
	[tilespmem:$0x1C100] =	vst v63  }
0x7c2: {  	s26 =	simm.s32 $0x2100  }
0x7c3: {  	[tilespmem:s26], [sflag:$0x1] =	stream.indirect_vreg.gather [hbm4b:s20+s23], $0x80, v2, vm0, $0xb8;
	[tilespmem:$0x1C100] =	vst v63  }
0x7c4: {  	s24 =	simm.s32 $0x2900  }
0x7c5: {  	[tilespmem:s24], [sflag:$0x1] =	stream.indirect_vreg.gather [hbm4b:s0+s23], $0x80, v2, vm0, $0xb8;
	[tilespmem:$0x1C100] =	vst v63  }
0x7c6: {  	s25 =	simm.s32 $0x3100  }
0x7c7: {  	[tilespmem:s25], [sflag:$0x1] =	stream.indirect_vreg.gather [hbm4b:s2+s23], $0x80, v2, vm0, $0xb8;
	[tilespmem:$0x1C100] =	vst v63  }
0x7c8: {  	s26 =	simm.s32 $0x3900  }
0x7c9: {  	[tilespmem:s26], [sflag:$0x1] =	stream.indirect_vreg.gather [hbm4b:s3+s23], $0x80, v2, vm0, $0xb8;
	[tilespmem:$0x1C100] =	vst v63  }
0x7ca: {  	_ =	swait.ge [sflag:s11], $0x4000  }
0x7cb: {  	[sflag:s11] =	ssyncset.done $0x0  }
0x7cc: {  	s24 =	simm.s32 $0x0;
	[sflag:s11] =	ssyncadd.s32 $0xFFFFC000  }
.LBB2_110:
0x7cd: {  	s25 =	sshra.s32 s23, $0x2  }
0x7ce: {  	v2 =	vld [tilespmem:s25+$0x14170]  }
0x7cf: {  	v3 =	vld [tilespmem:s25+$0x14100]  }
0x7d0: {  	v4 =	vld [tilespmem:s25+$0x14110]  }
0x7d1: {  	v5 =	vld [tilespmem:s25+$0x14120]  }
0x7d2: {  	v6 =	vld [tilespmem:s25+$0x14130]  }
0x7d3: {  	v7 =	vld [tilespmem:s25+$0x14140]  }
0x7d4: {  	v8 =	vld [tilespmem:s25+$0x14150]  }
0x7d5: {  	[tilespmem:s25+$0x8170] =	vst.add.f32.msk $0xffff, v2  }
0x7d6: {  	v2 =	vld [tilespmem:s25+$0x14160]  }
0x7d7: {  	[tilespmem:s25+$0x8100] =	vst.add.f32.msk $0xffff, v3  }
0x7d8: {  	[tilespmem:s25+$0x8110] =	vst.add.f32.msk $0xffff, v4  }
0x7d9: {  	[tilespmem:s25+$0x8120] =	vst.add.f32.msk $0xffff, v5  }
0x7da: {  	[tilespmem:s25+$0x8130] =	vst.add.f32.msk $0xffff, v6  }
0x7db: {  	[tilespmem:s25+$0x8140] =	vst.add.f32.msk $0xffff, v7  }
0x7dc: {  	s4 =	simm.s32 $0x0;
	s26 =	sadd.s32 $0x1000, s23;
	[tilespmem:s25+$0x8150] =	vst.add.f32.msk $0xffff, v8  }
.LBB2_111:
0x7dd: {  	s4 =	sadd.s32 $0x80, s4;
	[tilespmem:s25+$0x8160] =	vst.add.f32.msk $0xffff, v2;
	s25 =	sshra.s32 s26, $0x2  }
0x7de: {  	v2 =	vld [tilespmem:s25+$0x14170];
	p0 =	slt.u32 s4, $0x780  }
0x7df: {  	v3 =	vld [tilespmem:s25+$0x14100]  }
0x7e0: {  	v4 =	vld [tilespmem:s25+$0x14110]  }
0x7e1: {  	v5 =	vld [tilespmem:s25+$0x14120]  }
0x7e2: {  	v6 =	vld [tilespmem:s25+$0x14130]  }
0x7e3: {  	[tilespmem:s25+$0x8170] =	vst.add.f32.msk $0xffff, v2  }
0x7e4: {  	v7 =	vld [tilespmem:s25+$0x14140]  }
0x7e5: {  	v8 =	vld [tilespmem:s25+$0x14150]  }
0x7e6: {  	v2 =	vld [tilespmem:s25+$0x14160]  }
0x7e7: {  	[tilespmem:s25+$0x8100] =	vst.add.f32.msk $0xffff, v3  }
.Ltmp54:
0x7e8: {  	[tilespmem:s25+$0x8110] =	vst.add.f32.msk $0xffff, v4;
	(pc) =	sbr.rel @p0 .LBB2_111-.Ltmp54, $4  }
0x7e9: {  	[tilespmem:s25+$0x8120] =	vst.add.f32.msk $0xffff, v5  }
0x7ea: {  	[tilespmem:s25+$0x8130] =	vst.add.f32.msk $0xffff, v6  }
0x7eb: {  	[tilespmem:s25+$0x8140] =	vst.add.f32.msk $0xffff, v7  }
0x7ec: {  	s26 =	sadd.s32 $0x1000, s26;
	[tilespmem:s25+$0x8150] =	vst.add.f32.msk $0xffff, v8  }
0x7ed: {  	s24 =	sadd.s32 $0x1, s24  }
0x7ee: {  	p0 =	sne.s32 s24, $0x8  }
.Ltmp55:
0x7ef: {  	_ = 	snop;
	(pc) =	sbr.rel @p0 .LBB2_110-.Ltmp55, $2  }
0x7f0: {  	_ =	sdelay $0x2  }
0x7f1: {  	[tilespmem:s25+$0x8160] =	vst.add.f32.msk $0xffff, v2;
	s23 =	sadd.s32 $0x200, s23  }
0x7f2: {  	s4 =	sld [smem:$0x7FA];
	_ =	sdelay $0x1  }
0x7f3: {  	s23 =	simm.s32 $0x0;
	s24 =	simm.s32 $0x8100  }
0x7f4: {  	[hbm4b:s4+s23] =	stream.linear.scatter [tilespmem:s24], [sflag:$0x8], $0x4000, $0x38;
	[tilespmem:$0x1C100] =	vst v63  }
0x7f5: {  	_ =	swait.ge [sflag:s12], $0x4000  }
0x7f6: {  	[sflag:s12] =	ssyncset.done $0x0  }
0x7f7: {  	[sflag:s12] =	ssyncadd.s32 $0xFFFFC000  }
0x7f8: {  	v2 =	vld.msk [tilespmem:$0xF8], $0xff;
	_ =	sdelay $0x4  }
0x7f9: {  	v3 =	vshll.u32 v2, $0x4  }
0x7fa: {  	v2 =	vand.u32 $0x7, v2;
	v3 =	vand.u32 $0xFFFFFF80, v3  }
0x7fb: {  	v2 =	vor.u32 v2, v3  }
0x7fc: {  	v2 =	vperm.xlane v2, v0;
	_ =	sdelay $0x1  }
0x7fd: {  	v2 =	vadd.s32 v1, v2;
	_ =	sdelay $0x4  }
0x7fe: {  	[tilespmem:s16], [sflag:$0x2] =	stream.indirect_vreg.gather [hbm4b:s22+s23], $0x80, v2, vm0, $0xb8;
	[tilespmem:$0x1C100] =	vst v63  }
0x7ff: {  	s26 =	simm.s32 $0x4900  }
0x800: {  	[tilespmem:s26], [sflag:$0x2] =	stream.indirect_vreg.gather [hbm4b:s29+s23], $0x80, v2, vm0, $0xb8;
	[tilespmem:$0x1C100] =	vst v63  }
0x801: {  	s24 =	simm.s32 $0x5100  }
0x802: {  	[tilespmem:s24], [sflag:$0x2] =	stream.indirect_vreg.gather [hbm4b:s30+s23], $0x80, v2, vm0, $0xb8;
	[tilespmem:$0x1C100] =	vst v63  }
0x803: {  	s25 =	simm.s32 $0x5900  }
0x804: {  	[tilespmem:s25], [sflag:$0x2] =	stream.indirect_vreg.gather [hbm4b:s31+s23], $0x80, v2, vm0, $0xb8;
	[tilespmem:$0x1C100] =	vst v63  }
0x805: {  	s26 =	simm.s32 $0x6100  }
0x806: {  	[tilespmem:s26], [sflag:$0x2] =	stream.indirect_vreg.gather [hbm4b:s20+s23], $0x80, v2, vm0, $0xb8;
	[tilespmem:$0x1C100] =	vst v63  }
0x807: {  	s24 =	simm.s32 $0x6900  }
0x808: {  	[tilespmem:s24], [sflag:$0x2] =	stream.indirect_vreg.gather [hbm4b:s0+s23], $0x80, v2, vm0, $0xb8;
	[tilespmem:$0x1C100] =	vst v63  }
0x809: {  	s25 =	simm.s32 $0x7100  }
0x80a: {  	[tilespmem:s25], [sflag:$0x2] =	stream.indirect_vreg.gather [hbm4b:s2+s23], $0x80, v2, vm0, $0xb8;
	[tilespmem:$0x1C100] =	vst v63  }
0x80b: {  	s26 =	simm.s32 $0x7900  }
0x80c: {  	[tilespmem:s26], [sflag:$0x2] =	stream.indirect_vreg.gather [hbm4b:s3+s23], $0x80, v2, vm0, $0xb8;
	[tilespmem:$0x1C100] =	vst v63  }
0x80d: {  	_ =	swait.ge [sflag:s15], $0x4000  }
0x80e: {  	[sflag:s15] =	ssyncset.done $0x0  }
0x80f: {  	[sflag:s15] =	ssyncadd.s32 $0xFFFFC000  }
0x810: {  	_ =	swait.ge [sflag:s13], $0x4000  }
0x811: {  	[sflag:s13] =	ssyncset.done $0x0  }
0x812: {  	s24 =	simm.s32 $0x0;
	[sflag:s13] =	ssyncadd.s32 $0xFFFFC000  }
.LBB2_114:
0x813: {  	s25 =	sshra.s32 s23, $0x2  }
0x814: {  	v2 =	vld [tilespmem:s25+$0x18170]  }
0x815: {  	v3 =	vld [tilespmem:s25+$0x18100]  }
0x816: {  	v4 =	vld [tilespmem:s25+$0x18110]  }
0x817: {  	v5 =	vld [tilespmem:s25+$0x18120]  }
0x818: {  	v6 =	vld [tilespmem:s25+$0x18130]  }
0x819: {  	v7 =	vld [tilespmem:s25+$0x18140]  }
0x81a: {  	v8 =	vld [tilespmem:s25+$0x18150]  }
0x81b: {  	[tilespmem:s25+$0xC170] =	vst.add.f32.msk $0xffff, v2  }
0x81c: {  	v2 =	vld [tilespmem:s25+$0x18160]  }
0x81d: {  	[tilespmem:s25+$0xC100] =	vst.add.f32.msk $0xffff, v3  }
0x81e: {  	[tilespmem:s25+$0xC110] =	vst.add.f32.msk $0xffff, v4  }
0x81f: {  	[tilespmem:s25+$0xC120] =	vst.add.f32.msk $0xffff, v5  }
0x820: {  	[tilespmem:s25+$0xC130] =	vst.add.f32.msk $0xffff, v6  }
0x821: {  	[tilespmem:s25+$0xC140] =	vst.add.f32.msk $0xffff, v7  }
0x822: {  	s4 =	simm.s32 $0x0;
	s26 =	sadd.s32 $0x1000, s23;
	[tilespmem:s25+$0xC150] =	vst.add.f32.msk $0xffff, v8  }
.LBB2_115:
0x823: {  	s4 =	sadd.s32 $0x80, s4;
	[tilespmem:s25+$0xC160] =	vst.add.f32.msk $0xffff, v2;
	s25 =	sshra.s32 s26, $0x2  }
0x824: {  	v2 =	vld [tilespmem:s25+$0x18170];
	p0 =	slt.u32 s4, $0x780  }
0x825: {  	v3 =	vld [tilespmem:s25+$0x18100]  }
0x826: {  	v4 =	vld [tilespmem:s25+$0x18110]  }
0x827: {  	v5 =	vld [tilespmem:s25+$0x18120]  }
0x828: {  	v6 =	vld [tilespmem:s25+$0x18130]  }
0x829: {  	[tilespmem:s25+$0xC170] =	vst.add.f32.msk $0xffff, v2  }
0x82a: {  	v7 =	vld [tilespmem:s25+$0x18140]  }
0x82b: {  	v8 =	vld [tilespmem:s25+$0x18150]  }
0x82c: {  	v2 =	vld [tilespmem:s25+$0x18160]  }
0x82d: {  	[tilespmem:s25+$0xC100] =	vst.add.f32.msk $0xffff, v3  }
.Ltmp56:
0x82e: {  	[tilespmem:s25+$0xC110] =	vst.add.f32.msk $0xffff, v4;
	(pc) =	sbr.rel @p0 .LBB2_115-.Ltmp56, $4  }
0x82f: {  	[tilespmem:s25+$0xC120] =	vst.add.f32.msk $0xffff, v5  }
0x830: {  	[tilespmem:s25+$0xC130] =	vst.add.f32.msk $0xffff, v6  }
0x831: {  	[tilespmem:s25+$0xC140] =	vst.add.f32.msk $0xffff, v7  }
0x832: {  	s26 =	sadd.s32 $0x1000, s26;
	[tilespmem:s25+$0xC150] =	vst.add.f32.msk $0xffff, v8  }
0x833: {  	s24 =	sadd.s32 $0x1, s24  }
0x834: {  	p0 =	sne.s32 s24, $0x8  }
.Ltmp57:
0x835: {  	_ = 	snop;
	(pc) =	sbr.rel @p0 .LBB2_114-.Ltmp57, $2  }
0x836: {  	_ =	sdelay $0x2  }
0x837: {  	[tilespmem:s25+$0xC160] =	vst.add.f32.msk $0xffff, v2;
	s23 =	sadd.s32 $0x200, s23  }
0x838: {  	s23 =	simm.s32 $0x0;
	s4 =	rddreg [dreg:$0x1b]  }
0x839: {  	[hbm4b:s4+s23] =	stream.linear.scatter [tilespmem:s6], [sflag:$0x9], $0x4000, $0x38;
	[tilespmem:$0x1C100] =	vst v63  }
0x83a: {  	_ =	swait.ge [sflag:s17], $0x4000  }
0x83b: {  	[sflag:s17] =	ssyncset.done $0x0  }
0x83c: {  	s24 =	simm.s32 $0x0;
	[sflag:s17] =	ssyncadd.s32 $0xFFFFC000  }
.LBB2_118:
0x83d: {  	s25 =	sshra.s32 s23, $0x2  }
0x83e: {  	v2 =	vld [tilespmem:s25+$0x18170]  }
0x83f: {  	v3 =	vld [tilespmem:s25+$0x18100]  }
0x840: {  	v4 =	vld [tilespmem:s25+$0x18110]  }
0x841: {  	v5 =	vld [tilespmem:s25+$0x18120]  }
0x842: {  	v6 =	vld [tilespmem:s25+$0x18130]  }
0x843: {  	v7 =	vld [tilespmem:s25+$0x18140]  }
0x844: {  	v8 =	vld [tilespmem:s25+$0x18150]  }
0x845: {  	[tilespmem:s25+$0x10170] =	vst.add.f32.msk $0xffff, v2  }
0x846: {  	v2 =	vld [tilespmem:s25+$0x18160]  }
0x847: {  	[tilespmem:s25+$0x10100] =	vst.add.f32.msk $0xffff, v3  }
0x848: {  	[tilespmem:s25+$0x10110] =	vst.add.f32.msk $0xffff, v4  }
0x849: {  	[tilespmem:s25+$0x10120] =	vst.add.f32.msk $0xffff, v5  }
0x84a: {  	[tilespmem:s25+$0x10130] =	vst.add.f32.msk $0xffff, v6  }
0x84b: {  	[tilespmem:s25+$0x10140] =	vst.add.f32.msk $0xffff, v7  }
0x84c: {  	s4 =	simm.s32 $0x0;
	s26 =	sadd.s32 $0x1000, s23;
	[tilespmem:s25+$0x10150] =	vst.add.f32.msk $0xffff, v8  }
.LBB2_119:
0x84d: {  	s4 =	sadd.s32 $0x80, s4;
	[tilespmem:s25+$0x10160] =	vst.add.f32.msk $0xffff, v2;
	s25 =	sshra.s32 s26, $0x2  }
0x84e: {  	v2 =	vld [tilespmem:s25+$0x18170];
	p0 =	slt.u32 s4, $0x780  }
0x84f: {  	v3 =	vld [tilespmem:s25+$0x18100]  }
0x850: {  	v4 =	vld [tilespmem:s25+$0x18110]  }
0x851: {  	v5 =	vld [tilespmem:s25+$0x18120]  }
0x852: {  	v6 =	vld [tilespmem:s25+$0x18130]  }
0x853: {  	[tilespmem:s25+$0x10170] =	vst.add.f32.msk $0xffff, v2  }
0x854: {  	v7 =	vld [tilespmem:s25+$0x18140]  }
0x855: {  	v8 =	vld [tilespmem:s25+$0x18150]  }
0x856: {  	v2 =	vld [tilespmem:s25+$0x18160]  }
0x857: {  	[tilespmem:s25+$0x10100] =	vst.add.f32.msk $0xffff, v3  }
.Ltmp58:
0x858: {  	[tilespmem:s25+$0x10110] =	vst.add.f32.msk $0xffff, v4;
	(pc) =	sbr.rel @p0 .LBB2_119-.Ltmp58, $4  }
0x859: {  	[tilespmem:s25+$0x10120] =	vst.add.f32.msk $0xffff, v5  }
0x85a: {  	[tilespmem:s25+$0x10130] =	vst.add.f32.msk $0xffff, v6  }
0x85b: {  	[tilespmem:s25+$0x10140] =	vst.add.f32.msk $0xffff, v7  }
0x85c: {  	s26 =	sadd.s32 $0x1000, s26;
	[tilespmem:s25+$0x10150] =	vst.add.f32.msk $0xffff, v8  }
0x85d: {  	s24 =	sadd.s32 $0x1, s24  }
0x85e: {  	p0 =	sne.s32 s24, $0x8  }
.Ltmp59:
0x85f: {  	_ = 	snop;
	(pc) =	sbr.rel @p0 .LBB2_118-.Ltmp59, $2  }
0x860: {  	_ =	sdelay $0x2  }
0x861: {  	[tilespmem:s25+$0x10160] =	vst.add.f32.msk $0xffff, v2;
	s23 =	sadd.s32 $0x200, s23  }
0x862: {  	s4 =	sld [smem:$0x7FB];
	_ =	sdelay $0x1  }
0x863: {  	s23 =	simm.s32 $0x0  }
0x864: {  	[hbm4b:s4+s23] =	stream.linear.scatter [tilespmem:s28], [sflag:$0xA], $0x4000, $0x38;
	[tilespmem:$0x1C100] =	vst v63  }
0x865: {  	_ =	swait.ge [sflag:s5], $0x4000  }
0x866: {  	[sflag:s5] =	ssyncset.done $0x0  }
0x867: {  	s24 =	simm.s32 $0x0;
	[sflag:s5] =	ssyncadd.s32 $0xFFFFC000  }
.LBB2_122:
0x868: {  	s25 =	sshra.s32 s23, $0x2  }
0x869: {  	v2 =	vld [tilespmem:s25+$0x18170]  }
0x86a: {  	v3 =	vld [tilespmem:s25+$0x18100]  }
0x86b: {  	v4 =	vld [tilespmem:s25+$0x18110]  }
0x86c: {  	v5 =	vld [tilespmem:s25+$0x18120]  }
0x86d: {  	v6 =	vld [tilespmem:s25+$0x18130]  }
0x86e: {  	v7 =	vld [tilespmem:s25+$0x18140]  }
0x86f: {  	v8 =	vld [tilespmem:s25+$0x18150]  }
0x870: {  	[tilespmem:s25+$0x170] =	vst.add.f32.msk $0xffff, v2  }
0x871: {  	v2 =	vld [tilespmem:s25+$0x18160]  }
0x872: {  	[tilespmem:s25+$0x100] =	vst.add.f32.msk $0xffff, v3  }
0x873: {  	[tilespmem:s25+$0x110] =	vst.add.f32.msk $0xffff, v4  }
0x874: {  	[tilespmem:s25+$0x120] =	vst.add.f32.msk $0xffff, v5  }
0x875: {  	[tilespmem:s25+$0x130] =	vst.add.f32.msk $0xffff, v6  }
0x876: {  	[tilespmem:s25+$0x140] =	vst.add.f32.msk $0xffff, v7  }
0x877: {  	s4 =	simm.s32 $0x0;
	s26 =	sadd.s32 $0x1000, s23;
	[tilespmem:s25+$0x150] =	vst.add.f32.msk $0xffff, v8  }
.LBB2_123:
0x878: {  	s4 =	sadd.s32 $0x80, s4;
	[tilespmem:s25+$0x160] =	vst.add.f32.msk $0xffff, v2;
	s25 =	sshra.s32 s26, $0x2  }
0x879: {  	v2 =	vld [tilespmem:s25+$0x18170];
	p0 =	slt.u32 s4, $0x780  }
0x87a: {  	v3 =	vld [tilespmem:s25+$0x18100]  }
0x87b: {  	v4 =	vld [tilespmem:s25+$0x18110]  }
0x87c: {  	v5 =	vld [tilespmem:s25+$0x18120]  }
0x87d: {  	v6 =	vld [tilespmem:s25+$0x18130]  }
0x87e: {  	[tilespmem:s25+$0x170] =	vst.add.f32.msk $0xffff, v2  }
0x87f: {  	v7 =	vld [tilespmem:s25+$0x18140]  }
0x880: {  	v8 =	vld [tilespmem:s25+$0x18150]  }
0x881: {  	v2 =	vld [tilespmem:s25+$0x18160]  }
0x882: {  	[tilespmem:s25+$0x100] =	vst.add.f32.msk $0xffff, v3  }
.Ltmp60:
0x883: {  	[tilespmem:s25+$0x110] =	vst.add.f32.msk $0xffff, v4;
	(pc) =	sbr.rel @p0 .LBB2_123-.Ltmp60, $4  }
0x884: {  	[tilespmem:s25+$0x120] =	vst.add.f32.msk $0xffff, v5  }
0x885: {  	[tilespmem:s25+$0x130] =	vst.add.f32.msk $0xffff, v6  }
0x886: {  	[tilespmem:s25+$0x140] =	vst.add.f32.msk $0xffff, v7  }
0x887: {  	s26 =	sadd.s32 $0x1000, s26;
	[tilespmem:s25+$0x150] =	vst.add.f32.msk $0xffff, v8  }
0x888: {  	s24 =	sadd.s32 $0x1, s24  }
0x889: {  	p0 =	sne.s32 s24, $0x8  }
.Ltmp61:
0x88a: {  	_ = 	snop;
	(pc) =	sbr.rel @p0 .LBB2_122-.Ltmp61, $2  }
0x88b: {  	_ =	sdelay $0x2  }
0x88c: {  	[tilespmem:s25+$0x160] =	vst.add.f32.msk $0xffff, v2;
	s23 =	sadd.s32 $0x200, s23  }
0x88d: {  	s4 =	sld [smem:$0x7FC];
	_ =	sdelay $0x1  }
0x88e: {  	s23 =	simm.s32 $0x0  }
0x88f: {  	[hbm4b:s4+s23] =	stream.linear.scatter [tilespmem:s7], [sflag:$0x6], $0x4000, $0x38;
	[tilespmem:$0x1C100] =	vst v63  }
0x890: {  	_ =	swait.ge [sflag:s9], $0x4000  }
0x891: {  	[sflag:s9] =	ssyncset.done $0x0  }
0x892: {  	s24 =	simm.s32 $0x0;
	[sflag:s9] =	ssyncadd.s32 $0xFFFFC000  }
.LBB2_126:
0x893: {  	s25 =	sshra.s32 s23, $0x2  }
0x894: {  	v2 =	vld [tilespmem:s25+$0x18170]  }
0x895: {  	v3 =	vld [tilespmem:s25+$0x18100]  }
0x896: {  	v4 =	vld [tilespmem:s25+$0x18110]  }
0x897: {  	v5 =	vld [tilespmem:s25+$0x18120]  }
0x898: {  	v6 =	vld [tilespmem:s25+$0x18130]  }
0x899: {  	v7 =	vld [tilespmem:s25+$0x18140]  }
0x89a: {  	v8 =	vld [tilespmem:s25+$0x18150]  }
0x89b: {  	[tilespmem:s25+$0x4170] =	vst.add.f32.msk $0xffff, v2  }
0x89c: {  	v2 =	vld [tilespmem:s25+$0x18160]  }
0x89d: {  	[tilespmem:s25+$0x4100] =	vst.add.f32.msk $0xffff, v3  }
0x89e: {  	[tilespmem:s25+$0x4110] =	vst.add.f32.msk $0xffff, v4  }
0x89f: {  	[tilespmem:s25+$0x4120] =	vst.add.f32.msk $0xffff, v5  }
0x8a0: {  	[tilespmem:s25+$0x4130] =	vst.add.f32.msk $0xffff, v6  }
0x8a1: {  	[tilespmem:s25+$0x4140] =	vst.add.f32.msk $0xffff, v7  }
0x8a2: {  	s4 =	simm.s32 $0x0;
	s26 =	sadd.s32 $0x1000, s23;
	[tilespmem:s25+$0x4150] =	vst.add.f32.msk $0xffff, v8  }
.LBB2_127:
0x8a3: {  	s4 =	sadd.s32 $0x80, s4;
	[tilespmem:s25+$0x4160] =	vst.add.f32.msk $0xffff, v2;
	s25 =	sshra.s32 s26, $0x2  }
0x8a4: {  	v2 =	vld [tilespmem:s25+$0x18170];
	p0 =	slt.u32 s4, $0x780  }
0x8a5: {  	v3 =	vld [tilespmem:s25+$0x18100]  }
0x8a6: {  	v4 =	vld [tilespmem:s25+$0x18110]  }
0x8a7: {  	v5 =	vld [tilespmem:s25+$0x18120]  }
0x8a8: {  	v6 =	vld [tilespmem:s25+$0x18130]  }
0x8a9: {  	[tilespmem:s25+$0x4170] =	vst.add.f32.msk $0xffff, v2  }
0x8aa: {  	v7 =	vld [tilespmem:s25+$0x18140]  }
0x8ab: {  	v8 =	vld [tilespmem:s25+$0x18150]  }
0x8ac: {  	v2 =	vld [tilespmem:s25+$0x18160]  }
0x8ad: {  	[tilespmem:s25+$0x4100] =	vst.add.f32.msk $0xffff, v3  }
.Ltmp62:
0x8ae: {  	[tilespmem:s25+$0x4110] =	vst.add.f32.msk $0xffff, v4;
	(pc) =	sbr.rel @p0 .LBB2_127-.Ltmp62, $4  }
0x8af: {  	[tilespmem:s25+$0x4120] =	vst.add.f32.msk $0xffff, v5  }
0x8b0: {  	[tilespmem:s25+$0x4130] =	vst.add.f32.msk $0xffff, v6  }
0x8b1: {  	[tilespmem:s25+$0x4140] =	vst.add.f32.msk $0xffff, v7  }
0x8b2: {  	s26 =	sadd.s32 $0x1000, s26;
	[tilespmem:s25+$0x4150] =	vst.add.f32.msk $0xffff, v8  }
0x8b3: {  	s24 =	sadd.s32 $0x1, s24  }
0x8b4: {  	p0 =	sne.s32 s24, $0x8  }
.Ltmp63:
0x8b5: {  	_ = 	snop;
	(pc) =	sbr.rel @p0 .LBB2_126-.Ltmp63, $2  }
0x8b6: {  	_ =	sdelay $0x2  }
0x8b7: {  	[tilespmem:s25+$0x4160] =	vst.add.f32.msk $0xffff, v2;
	s23 =	sadd.s32 $0x200, s23  }
0x8b8: {  	s4 =	sld [smem:$0x7FD];
	_ =	sdelay $0x2  }
0x8b9: {  	[hbm4b:s4+s1] =	stream.linear.scatter [tilespmem:s16], [sflag:$0x7], $0x4000, $0x38;
	[tilespmem:$0x1C100] =	vst v63  }
0x8ba: {  	_ =	swait.ge [sflag:s10], $0x4000  }
0x8bb: {  	[sflag:s10] =	ssyncset.done $0x0  }
0x8bc: {  	[sflag:s10] =	ssyncadd.s32 $0xFFFFC000  }
0x8bd: {  	_ =	swait.ge [sflag:s12], $0x4000  }
0x8be: {  	[sflag:s12] =	ssyncset.done $0x0  }
0x8bf: {  	[sflag:s12] =	ssyncadd.s32 $0xFFFFC000  }
0x8c0: {  	_ =	swait.ge [sflag:s14], $0x4000  }
0x8c1: {  	[sflag:s14] =	ssyncset.done $0x0  }
0x8c2: {  	[sflag:s14] =	ssyncadd.s32 $0xFFFFC000  }
0x8c3: {  	_ =	swait.ge [sflag:s18], $0x4000  }
0x8c4: {  	[sflag:s18] =	ssyncset.done $0x0  }
0x8c5: {  	[sflag:s18] =	ssyncadd.s32 $0xFFFFC000  }
0x8c6: {  	_ =	swait.ge [sflag:s19], $0x4000  }
0x8c7: {  	s21 =	sadd.s32 $0x1, s21;
	s26 =	rddreg [dreg:$0x1c]  }
0x8c8: {  	p0 =	sne.s32 s21, s26  }
.Ltmp64:
0x8c9: {  	_ = 	snop;
	(pc) =	sbr.rel @p0 .LBB2_1-.Ltmp64, $3  }
0x8ca: {  	_ =	sdelay $0x1  }
0x8cb: {  	[sflag:s19] =	ssyncset.done $0x0  }
0x8cc: {  	[sflag:s19] =	ssyncadd.s32 $0xFFFFC000  }
0x8cd: {  	_ =	sfence.sel $0x180000  }
0x8ce: {  	[bflag:$0x0] =	sbarrier.arrive $0xFFFF  }
0x8cf: {  	_ =	strace $0x90000047  }
0x8d0: {  	s0 =	stileid.u32;
	[bflag:$0x2] =	sbarrier.arrive $0xFFFF  }
0x8d1: {  	p0 =	sne.s32 s0, $0x0;
	s0 =	rddreg [dreg:$0x4]  }
0x8d2: {  	s0 =	sadd.s32 @!p0 $0x100000, s0  }
0x8d3: {  	[sflag:s0] =	ssyncadd.tile.s32 @!p0 $0x1;
	_ =	shalt  }
.Lfunc_end2:
_tile_overlayer_lowered:
.L_overlay_start_2:
0x8d4: {  	(tag) =	ssettag $0x2  }
0x8d5: {  	s0 =	rddreg [dreg:$0x0];
	s2 =	stileid.u32  }
0x8d6: {  	s1 =	rddreg [dreg:$0x1];
	p0 =	sne.s32 s2, $0x0  }
0x8d7: {  	s3 =	rddreg [dreg:$0x2];
	[bflag:$0x3] =	sbarrier.arrive $0xFFFF;
	s2 =	simm.s32 @!p0 $0x1C0D  }
0x8d8: {  	[timem:s3], [sflag:s2] =	dma.local @!p0 [hbm:s0], s1  }
0x8d9: {  	s0 =	simm.s32 @!p0 $0xD  }
0x8da: {  	_ =	swait.ge @!p0 [sflag:s0], s1  }
0x8db: {  	s1 =	ssub.s32 @!p0 $0x0, s1;
	[sflag:s0] =	ssyncset.done @!p0 $0x0  }
0x8dc: {  	[sflag:s0] =	ssyncadd.s32 @!p0 s1  }
0x8dd: {  	[bflag:$0x3] =	sbarrier.arrive $0xFFFF  }
0x8de: {  	_ =	shalt  }

</sc_bundles>
